<compile_context>
chip_gen: v7x
topology: tpu7x:2x2x1
jax: 0.10.2.dev20260603
libtpu: 0.0.44.dev20260713+nightly
codegen_flags: <defaults>
</compile_context>

<pallas_src>
import dataclasses

import jax
import jax.numpy as jnp
from jax import lax
from jax.experimental import pallas as pl
from jax.experimental.pallas import tpu as pltpu
from jax.experimental.pallas import tpu_sc as plsc

N_NODES = 10000
N_EDGES = 320000
D = 128

NC = 2
NS = 16
NW = NC * NS
L = 16

E_PAD = 327680
EPT = E_PAD // NW
CH = 128
NCHUNK = EPT // CH
NPH = 5
PCH = NCHUNK // NPH
NSLOT = 2
NPAD = 10112
RPT = NPAD // NS

_MESH = plsc.VectorSubcoreMesh(core_axis_name="c", subcore_axis_name="s")


def _compiler_params():
    cp = pltpu.CompilerParams()
    if "needs_layout_passes" in pltpu.CompilerParams.__dataclass_fields__:
        cp = dataclasses.replace(cp, needs_layout_passes=False)
    return cp


def _sc_gather():
    out_type = jax.ShapeDtypeStruct((E_PAD, D), jnp.float32)
    scratch = (
        [pltpu.VMEM((PCH, CH), jnp.int32)]
        + [pltpu.VMEM((CH, D), jnp.float32)] * NSLOT
        + [pltpu.VMEM_SHARED((NPAD, D), jnp.float32)]
        + [pltpu.SemaphoreType.DMA] * (2 * NSLOT)
    )

    def body(xw_hbm, src_hbm, msgs_out, srcb, *rest):
        rows = rest[:NSLOT]
        xw_sh = rest[NSLOT]
        gsems = rest[NSLOT + 1:2 * NSLOT + 1]
        wsems = rest[2 * NSLOT + 1:]
        cid = lax.axis_index("c")
        sid = lax.axis_index("s")
        wid = cid * NS + sid
        r0 = sid * RPT

        pltpu.sync_copy(xw_hbm.at[pl.ds(r0, RPT)], xw_sh.at[pl.ds(r0, RPT)])
        plsc.subcore_barrier()

        e0 = wid * EPT

        @pl.loop(0, NPH)
        def _(ph):
            c0 = ph * PCH
            pltpu.sync_copy(src_hbm.at[wid, pl.ds(c0, PCH)], srcb)

            gcp = [None] * PCH
            wcp = [None] * PCH
            gcp[0] = pltpu.async_copy(xw_sh.at[srcb.at[0]], rows[0],
                                      gsems[0])
            gcp[1] = pltpu.async_copy(xw_sh.at[srcb.at[1]], rows[1],
                                      gsems[1])
            for k in range(PCH):
                j = k % NSLOT
                if k >= 1:
                    wcp[k - 1].wait()
                    if k + 1 < PCH:
                        j1 = (k + 1) % NSLOT
                        gcp[k + 1] = pltpu.async_copy(
                            xw_sh.at[srcb.at[k + 1]], rows[j1], gsems[j1])
                gcp[k].wait()
                base = e0 + (c0 + k) * CH
                wcp[k] = pltpu.async_copy(
                    rows[j], msgs_out.at[pl.ds(base, CH)], wsems[j])

            wcp[PCH - 1].wait()

    return pl.kernel(body, out_type=out_type, mesh=_MESH,
                     scratch_types=scratch,
                     compiler_params=_compiler_params())


def _sc_scatter():
    out_type = [
        jax.ShapeDtypeStruct((NC, NPAD, D), jnp.float32),
        jax.ShapeDtypeStruct((NW * NPAD,), jnp.float32),
    ]
    scratch = (
        [pltpu.VMEM((PCH, CH), jnp.int32)]
        + [pltpu.VMEM((CH, D), jnp.float32)] * NSLOT
        + [pltpu.VMEM((NPAD,), jnp.float32)]
        + [pltpu.VMEM_SHARED((NPAD, D), jnp.float32)]
        + [pltpu.SemaphoreType.DMA] * (2 * NSLOT)
    )

    def body(msgs_hbm, dst_hbm, zf_hbm, acc_out, deg_out, dstb, *rest):
        rows = rest[:NSLOT]
        degb = rest[NSLOT]
        acc_sh = rest[NSLOT + 1]
        rsems = rest[NSLOT + 2:2 * NSLOT + 2]
        ssems = rest[2 * NSLOT + 2:]
        cid = lax.axis_index("c")
        sid = lax.axis_index("s")
        wid = cid * NS + sid
        r0 = sid * RPT

        pltpu.sync_copy(zf_hbm.at[pl.ds(r0, RPT)], acc_sh.at[pl.ds(r0, RPT)])

        @pl.loop(0, NPAD // L)
        def _(k):
            degb[pl.ds(k * L, L)] = jnp.zeros((L,), jnp.float32)

        plsc.subcore_barrier()

        ones = jnp.ones((L,), jnp.float32)
        e0 = wid * EPT

        @pl.loop(0, NPH)
        def _(ph):
            c0 = ph * PCH
            pltpu.sync_copy(dst_hbm.at[wid, pl.ds(c0, PCH)], dstb)

            rcp = [None] * PCH
            scp = [None] * PCH
            rcp[0] = pltpu.async_copy(
                msgs_hbm.at[pl.ds(e0 + c0 * CH, CH)], rows[0], rsems[0])
            rcp[1] = pltpu.async_copy(
                msgs_hbm.at[pl.ds(e0 + (c0 + 1) * CH, CH)], rows[1],
                rsems[1])
            for k in range(PCH):
                j = k % NSLOT
                if k >= 1:
                    scp[k - 1].wait()
                    if k + 1 < PCH:
                        j1 = (k + 1) % NSLOT
                        base = e0 + (c0 + k + 1) * CH
                        rcp[k + 1] = pltpu.async_copy(
                            msgs_hbm.at[pl.ds(base, CH)], rows[j1],
                            rsems[j1])
                rcp[k].wait()
                scp[k] = pltpu.async_copy(rows[j], acc_sh.at[dstb.at[k]],
                                          ssems[j], add=True)

                @pl.loop(0, CH // L)
                def _(t, k=k):
                    dvec = dstb[k, pl.ds(t * L, L)]
                    plsc.addupdate_scatter(degb, [dvec], ones)

            scp[PCH - 1].wait()

        plsc.subcore_barrier()
        pltpu.sync_copy(acc_sh.at[pl.ds(r0, RPT)],
                        acc_out.at[cid, pl.ds(r0, RPT)])
        pltpu.sync_copy(degb, deg_out.at[pl.ds(wid * NPAD, NPAD)])

    return pl.kernel(body, out_type=out_type, mesh=_MESH,
                     scratch_types=scratch,
                     compiler_params=_compiler_params())


BR = 1000
NDEG = 10240
DB = 1024


def _mm_body(x_ref, w_ref, o1_ref, o2_ref):
    acc = lax.dot_general(
        x_ref[...], w_ref[...], (((1,), (0,)), ((), ())),
        precision=lax.Precision.HIGHEST, preferred_element_type=jnp.float32)
    o1_ref[...] = acc[:, :D]
    o2_ref[...] = acc[:, D:]


def _mm_call(x, wc):
    return pl.pallas_call(
        _mm_body,
        grid=(N_NODES // BR,),
        in_specs=[
            pl.BlockSpec((BR, D), lambda i: (i, 0)),
            pl.BlockSpec((D, 2 * D), lambda i: (0, 0)),
        ],
        out_specs=[
            pl.BlockSpec((BR, D), lambda i: (i, 0)),
            pl.BlockSpec((BR, D), lambda i: (i, 0)),
        ],
        out_shape=[
            jax.ShapeDtypeStruct((N_NODES, D), jnp.float32),
            jax.ShapeDtypeStruct((N_NODES, D), jnp.float32),
        ],
    )(x, wc)


def _deg_reduce_body(dp_ref, o_ref):
    o_ref[...] = jnp.sum(dp_ref[...], axis=0)[:, None]


def _deg_reduce_call(deg_parts):
    return pl.pallas_call(
        _deg_reduce_body,
        grid=(NDEG // DB,),
        in_specs=[pl.BlockSpec((NW, DB), lambda i: (0, i))],
        out_specs=pl.BlockSpec((DB, 1), lambda i: (i, 0)),
        out_shape=jax.ShapeDtypeStruct((NDEG, 1), jnp.float32),
    )(deg_parts)


def _mean_relu(xs, p0, p1, dg, b):
    rdeg = 1.0 / jnp.maximum(dg, 1.0)
    mean = (p0[0] + p1[0]) * rdeg
    return jnp.maximum(xs + mean + b, 0.0)


def _combine_mm_body(xs_ref, p0_ref, p1_ref, dg_ref, b_ref, w_ref,
                     o1_ref, o2_ref):
    h = _mean_relu(xs_ref[...], p0_ref[...], p1_ref[...], dg_ref[...],
                   b_ref[...])
    acc = lax.dot_general(
        h, w_ref[...], (((1,), (0,)), ((), ())),
        precision=lax.Precision.HIGHEST, preferred_element_type=jnp.float32)
    o1_ref[...] = acc[:, :D]
    o2_ref[...] = acc[:, D:]


def _combine_mm_call(xs, pacc, dg, b, wc):
    return pl.pallas_call(
        _combine_mm_body,
        grid=(N_NODES // BR,),
        in_specs=[
            pl.BlockSpec((BR, D), lambda i: (i, 0)),
            pl.BlockSpec((1, BR, D), lambda i: (0, i, 0)),
            pl.BlockSpec((1, BR, D), lambda i: (1, i, 0)),
            pl.BlockSpec((BR, 1), lambda i: (i, 0)),
            pl.BlockSpec((1, D), lambda i: (0, 0)),
            pl.BlockSpec((D, 2 * D), lambda i: (0, 0)),
        ],
        out_specs=[
            pl.BlockSpec((BR, D), lambda i: (i, 0)),
            pl.BlockSpec((BR, D), lambda i: (i, 0)),
        ],
        out_shape=[
            jax.ShapeDtypeStruct((N_NODES, D), jnp.float32),
            jax.ShapeDtypeStruct((N_NODES, D), jnp.float32),
        ],
    )(xs, pacc, pacc, dg, b, wc)


def _final_body(hs_ref, q0_ref, q1_ref, dg_ref, b_ref, o_ref):
    o_ref[...] = _mean_relu(hs_ref[...], q0_ref[...], q1_ref[...],
                            dg_ref[...], b_ref[...])


def _final_call(hs, qacc, dg, b):
    return pl.pallas_call(
        _final_body,
        grid=(N_NODES // BR,),
        in_specs=[
            pl.BlockSpec((BR, D), lambda i: (i, 0)),
            pl.BlockSpec((1, BR, D), lambda i: (0, i, 0)),
            pl.BlockSpec((1, BR, D), lambda i: (1, i, 0)),
            pl.BlockSpec((BR, 1), lambda i: (i, 0)),
            pl.BlockSpec((1, D), lambda i: (0, 0)),
        ],
        out_specs=pl.BlockSpec((BR, D), lambda i: (i, 0)),
        out_shape=jax.ShapeDtypeStruct((N_NODES, D), jnp.float32),
    )(hs, qacc, qacc, dg, b)


def kernel(x, g, W_self1, W_neigh1, b1, W_self2, W_neigh2, b2):
    g32 = g.astype(jnp.int32)
    src3 = jnp.pad(g32[0], (0, E_PAD - N_EDGES)).reshape(NW, NCHUNK, CH)
    dst3 = jnp.pad(g32[1], (0, E_PAD - N_EDGES),
                   constant_values=N_NODES).reshape(NW, NCHUNK, CH)
    zf = jnp.zeros((NPAD, D), jnp.float32)
    w1c = jnp.concatenate([W_neigh1, W_self1], axis=1)
    w2c = jnp.concatenate([W_neigh2, W_self2], axis=1)
    b1r = b1.reshape(1, D)
    b2r = b2.reshape(1, D)
    rpad = ((0, NPAD - N_NODES), (0, 0))

    k1 = _sc_gather()
    k2 = _sc_scatter()
    xwn1, xs1 = _mm_call(x, w1c)
    msgs1 = k1(jnp.pad(xwn1, rpad), src3)
    pacc1, degp = k2(msgs1, dst3, zf)
    dgp = jnp.pad(degp.reshape(NW, NPAD), ((0, 0), (0, NDEG - NPAD)))
    dg = _deg_reduce_call(dgp)
    hwn2, hs2 = _combine_mm_call(xs1, pacc1, dg, b1r, w2c)
    msgs2 = k1(jnp.pad(hwn2, rpad), src3)
    pacc2, _ = k2(msgs2, dst3, zf)
    return _final_call(hs2, pacc2, dg, b2r)

# --- scband reference (transcript-rebuilt; emitter-appended) ---
"""Pipeline reference for scband-graph-sage-68118181314619 (READ-ONLY COPY).

The authoritative reference and input builder live on the scoring server;
editing this copy changes nothing except your own understanding.
"""

import jax, jax.numpy as jnp
import numpy as np

N_NODES = 10000
N_EDGES = 320000
D_IN = 128
D_HID = 128

def _glorot(key, shape):
    fan_in, fan_out = shape[0], shape[1]
    lim = np.sqrt(6.0 / (fan_in + fan_out))
    return jax.random.uniform(key, shape, dtype=jnp.float32, minval=-lim, maxval=lim)

def setup_inputs(seed: int = 0) -> dict:
    key = jax.random.key(seed)
    ks = jax.random.split(key, 8)
    x = jax.random.normal(ks[0], (N_NODES, D_IN), dtype=jnp.float32)
    g = jax.random.randint(ks[1], (2, N_EDGES), 0, N_NODES, dtype=jnp.int64)
    W_self1 = _glorot(ks[2], (D_IN, D_HID))
    W_neigh1 = _glorot(ks[3], (D_IN, D_HID))
    b1 = jnp.zeros((D_HID,), dtype=jnp.float32)
    W_self2 = _glorot(ks[4], (D_HID, D_HID))
    W_neigh2 = _glorot(ks[5], (D_HID, D_HID))
    b2 = jnp.zeros((D_HID,), dtype=jnp.float32)
    return {"x": x, "g": g, "W_self1": W_self1, "W_neigh1": W_neigh1, "b1": b1,
            "W_self2": W_self2, "W_neigh2": W_neigh2, "b2": b2}

def _sage_conv(x, src, dst, W_self, W_neigh, b, n_nodes):
    # GraphSAGE mean aggregator: h_i = W_self x_i + W_neigh mean_{j in N(i)} x_j + b
    msgs = jnp.take(x, src, axis=0)                    # gather source node feats [E, d]
    agg = jax.ops.segment_sum(msgs, dst, num_segments=n_nodes)   # scatter-add by dst
    ones = jnp.ones((src.shape[0],), dtype=x.dtype)
    deg = jax.ops.segment_sum(ones, dst, num_segments=n_nodes)
    mean = agg / jnp.clip(deg, 1.0, None)[:, None]
    return x @ W_self + mean @ W_neigh + b

def reference(x, g, W_self1, W_neigh1, b1, W_self2, W_neigh2, b2):
    src = g[0]
    dst = g[1]
    n = x.shape[0]
    h = _sage_conv(x, src, dst, W_self1, W_neigh1, b1, n)
    h = jax.nn.relu(h)
    h = _sage_conv(h, src, dst, W_self2, W_neigh2, b2, n)
    h = jax.nn.relu(h)
    return h

if __name__ == "__main__":
    import jax
    _d = setup_inputs()
    print(jax.jit(kernel)(*tuple(_d.values())))

</pallas_src>

<mosaic_0001>
#map = affine_map<(d0, d1) -> (0, 0)>
#map1 = affine_map<(d0, d1) -> (0, 0, 0)>
#map2 = affine_map<(d0, d1) -> (0)>
module attributes {stable_mosaic.version = 14 : i64} {
  func.func @body(%arg0: i32, %arg1: i32, %arg2: memref<327680x128xf32, #tpu.memory_space<hbm>>, %arg3: memref<32x80x128xi32, #tpu.memory_space<hbm>>, %arg4: memref<10112x128xf32, #tpu.memory_space<hbm>>, %arg5: memref<2x10112x128xf32, #tpu.memory_space<hbm>>, %arg6: memref<323584xf32, #tpu.memory_space<hbm>>, %arg7: memref<16x128xi32, #tpu.memory_space<vmem>>, %arg8: memref<128x128xf32, #tpu.memory_space<vmem>>, %arg9: memref<128x128xf32, #tpu.memory_space<vmem>>, %arg10: memref<10112xf32, #tpu.memory_space<vmem>>, %arg11: memref<10112x128xf32, #tpu.memory_space<vmem_shared>>, %arg12: memref<!tpu.dma_semaphore, #tpu.memory_space<semaphore_mem>>, %arg13: memref<!tpu.dma_semaphore, #tpu.memory_space<semaphore_mem>>, %arg14: memref<!tpu.dma_semaphore, #tpu.memory_space<semaphore_mem>>, %arg15: memref<!tpu.dma_semaphore, #tpu.memory_space<semaphore_mem>>) attributes {dimension_semantics = [#tpu.dimension_semantics<core_parallel>, #tpu.dimension_semantics<subcore_parallel>], iteration_bounds = array<i64: 2, 16>, scalar_prefetch = 0 : i64, scratch_operands = 9 : i64, tpu.core_type = #tpu.core_type<sc_vector_subcore>, window_params = [{transform_indices = #map}, {transform_indices = #map1}, {transform_indices = #map}, {transform_indices = #map1}, {transform_indices = #map2}]} {
    %mul3A = arith.constant 16 : i32
    %mul3A_0 = arith.muli %arg0, %mul3A : i32
    %add3A = arith.addi %mul3A_0, %arg1 : i32
    %mul3A_1 = arith.constant 632 : i32
    %mul3A_2 = arith.muli %arg1, %mul3A_1 : i32
    "tpu.region"() ({
      %run_scoped3A = tpu.sem_alloc : memref<!tpu.dma_semaphore, #tpu.memory_space<semaphore_mem>>
      %dma_start3A = arith.constant 0 : i32
      %dma_start3A_18 = tpu.memref_slice %arg11[%mul3A_2, %dma_start3A] : memref<10112x128xf32, #tpu.memory_space<vmem_shared>> -> memref<632x128xf32, #tpu.memory_space<vmem_shared>>
      %dma_start3A_19 = arith.constant 0 : i32
      %dma_start3A_20 = tpu.memref_slice %arg4[%mul3A_2, %dma_start3A_19] : memref<10112x128xf32, #tpu.memory_space<hbm>> -> memref<632x128xf32, #tpu.memory_space<hbm>>
      tpu.enqueue_dma source(%dma_start3A_20 : memref<632x128xf32, #tpu.memory_space<hbm>>) target(%dma_start3A_18 : memref<632x128xf32, #tpu.memory_space<vmem_shared>>) target_semaphore(%run_scoped3A : memref<!tpu.dma_semaphore, #tpu.memory_space<semaphore_mem>>)
      %dma_wait3A = arith.constant 0 : i32
      %dma_wait3A_21 = tpu.memref_slice %arg11[%mul3A_2, %dma_wait3A] : memref<10112x128xf32, #tpu.memory_space<vmem_shared>> -> memref<632x128xf32, #tpu.memory_space<vmem_shared>>
      %dma_wait3A_22 = arith.constant 0 : i32
      %dma_wait3A_23 = tpu.memref_slice %arg4[%mul3A_2, %dma_wait3A_22] : memref<10112x128xf32, #tpu.memory_space<hbm>> -> memref<632x128xf32, #tpu.memory_space<hbm>>
      tpu.wait_dma2 semaphore(%run_scoped3A : memref<!tpu.dma_semaphore, #tpu.memory_space<semaphore_mem>>) src(%dma_wait3A_23 : memref<632x128xf32, #tpu.memory_space<hbm>>) dst(%dma_wait3A_21 : memref<632x128xf32, #tpu.memory_space<vmem_shared>>)
      tpu.yield
    }) : () -> ()
    %scan3A = arith.constant 0 : i32
    %scan3A_3 = arith.constant 632 : i32
    %scan3A_4 = arith.addi %scan3A, %scan3A_3 : i32
    %scan3A_5 = arith.constant 1 : i32
    scf.for %scan3A_18 = %scan3A to %scan3A_4 step %scan3A_5  : i32 {
      %mul3A_19 = arith.constant 1 : i32
      %mul3A_20 = arith.muli %scan3A_18, %mul3A_19 : i32
      %add3A_21 = arith.constant 0 : i32
      %add3A_22 = arith.addi %add3A_21, %mul3A_20 : i32
      %broadcast_in_dim3A_23 = arith.constant 0.000000e+00 : f32
      %broadcast_in_dim3A_24 = vector.broadcast %broadcast_in_dim3A_23 : f32 to vector<16xf32>
      %mul3A_25 = arith.constant 16 : i32
      %mul3A_26 = arith.muli %add3A_22, %mul3A_25 : i32
      %swap3A = arith.index_cast %mul3A_26 : i32 to index
      %swap3A_27 = tpu.vector_load %arg10[%swap3A] {strides = array<i32>} : memref<10112xf32, #tpu.memory_space<vmem>>, vector<16xf32>,
      tpu.vector_store %arg10[%swap3A], %broadcast_in_dim3A_24 {strides = array<i32>} : memref<10112xf32, #tpu.memory_space<vmem>>, vector<16xf32>,
    }
    %scan3A_6 = arith.constant 632 : i32
    %barrier3A = arith.constant 0 : index
    tpu.barrier barrier_id(%barrier3A)
    %broadcast_in_dim3A = arith.constant 1.000000e+00 : f32
    %broadcast_in_dim3A_7 = vector.broadcast %broadcast_in_dim3A : f32 to vector<16xf32>
    %mul3A_8 = arith.constant 10240 : i32
    %mul3A_9 = arith.muli %add3A, %mul3A_8 : i32
    %scan3A_10 = arith.constant 0 : i32
    %scan3A_11 = arith.constant 5 : i32
    %scan3A_12 = arith.addi %scan3A_10, %scan3A_11 : i32
    %scan3A_13 = arith.constant 1 : i32
    scf.for %scan3A_18 = %scan3A_10 to %scan3A_12 step %scan3A_13  : i32 {
      %mul3A_19 = arith.constant 1 : i32
      %mul3A_20 = arith.muli %scan3A_18, %mul3A_19 : i32
      %add3A_21 = arith.constant 0 : i32
      %add3A_22 = arith.addi %add3A_21, %mul3A_20 : i32
      %mul3A_23 = arith.constant 16 : i32
      %mul3A_24 = arith.muli %add3A_22, %mul3A_23 : i32
      "tpu.region"() ({
        %run_scoped3A = tpu.sem_alloc : memref<!tpu.dma_semaphore, #tpu.memory_space<semaphore_mem>>
        %dma_start3A_561 = arith.constant 0 : i32
        %dma_start3A_562 = tpu.memref_slice %arg3[%add3A, %mul3A_24, %dma_start3A_561] : memref<32x80x128xi32, #tpu.memory_space<hbm>> -> memref<1x16x128xi32, #tpu.memory_space<hbm>>
        %dma_start3A_563 = tpu.memref_squeeze %dma_start3A_562 : memref<1x16x128xi32, #tpu.memory_space<hbm>> -> memref<16x128xi32, #tpu.memory_space<hbm>>
        %dma_start3A_564 = arith.constant 0 : i32
        %dma_start3A_565 = tpu.memref_slice %arg3[%add3A, %mul3A_24, %dma_start3A_564] : memref<32x80x128xi32, #tpu.memory_space<hbm>> -> memref<1x16x128xi32, #tpu.memory_space<hbm>>
        %dma_start3A_566 = tpu.memref_squeeze %dma_start3A_565 : memref<1x16x128xi32, #tpu.memory_space<hbm>> -> memref<16x128xi32, #tpu.memory_space<hbm>>
        tpu.enqueue_dma source(%dma_start3A_566 : memref<16x128xi32, #tpu.memory_space<hbm>>) target(%arg7 : memref<16x128xi32, #tpu.memory_space<vmem>>) target_semaphore(%run_scoped3A : memref<!tpu.dma_semaphore, #tpu.memory_space<semaphore_mem>>)
        %dma_wait3A_567 = arith.constant 0 : i32
        %dma_wait3A_568 = tpu.memref_slice %arg3[%add3A, %mul3A_24, %dma_wait3A_567] : memref<32x80x128xi32, #tpu.memory_space<hbm>> -> memref<1x16x128xi32, #tpu.memory_space<hbm>>
        %dma_wait3A_569 = tpu.memref_squeeze %dma_wait3A_568 : memref<1x16x128xi32, #tpu.memory_space<hbm>> -> memref<16x128xi32, #tpu.memory_space<hbm>>
        %dma_wait3A_570 = arith.constant 0 : i32
        %dma_wait3A_571 = tpu.memref_slice %arg3[%add3A, %mul3A_24, %dma_wait3A_570] : memref<32x80x128xi32, #tpu.memory_space<hbm>> -> memref<1x16x128xi32, #tpu.memory_space<hbm>>
        %dma_wait3A_572 = tpu.memref_squeeze %dma_wait3A_571 : memref<1x16x128xi32, #tpu.memory_space<hbm>> -> memref<16x128xi32, #tpu.memory_space<hbm>>
        tpu.wait_dma2 semaphore(%run_scoped3A : memref<!tpu.dma_semaphore, #tpu.memory_space<semaphore_mem>>) src(%dma_wait3A_572 : memref<16x128xi32, #tpu.memory_space<hbm>>) dst(%arg7 : memref<16x128xi32, #tpu.memory_space<vmem>>)
        tpu.yield
      }) : () -> ()
      %mul3A_25 = arith.constant 128 : i32
      %mul3A_26 = arith.muli %mul3A_24, %mul3A_25 : i32
      %add3A_27 = arith.addi %mul3A_9, %mul3A_26 : i32
      %dma_start3A = arith.constant 0 : i32
      %dma_start3A_28 = tpu.memref_slice %arg2[%add3A_27, %dma_start3A] : memref<327680x128xf32, #tpu.memory_space<hbm>> -> memref<128x128xf32, #tpu.memory_space<hbm>>
      %dma_start3A_29 = arith.constant 0 : i32
      %dma_start3A_30 = tpu.memref_slice %arg2[%add3A_27, %dma_start3A_29] : memref<327680x128xf32, #tpu.memory_space<hbm>> -> memref<128x128xf32, #tpu.memory_space<hbm>>
      tpu.enqueue_dma source(%dma_start3A_30 : memref<128x128xf32, #tpu.memory_space<hbm>>) target(%arg8 : memref<128x128xf32, #tpu.memory_space<vmem>>) target_semaphore(%arg12 : memref<!tpu.dma_semaphore, #tpu.memory_space<semaphore_mem>>)
      %add3A_31 = arith.constant 1 : i32
      %add3A_32 = arith.addi %mul3A_24, %add3A_31 : i32
      %mul3A_33 = arith.constant 128 : i32
      %mul3A_34 = arith.muli %add3A_32, %mul3A_33 : i32
      %add3A_35 = arith.addi %mul3A_9, %mul3A_34 : i32
      %dma_start3A_36 = arith.constant 0 : i32
      %dma_start3A_37 = tpu.memref_slice %arg2[%add3A_35, %dma_start3A_36] : memref<327680x128xf32, #tpu.memory_space<hbm>> -> memref<128x128xf32, #tpu.memory_space<hbm>>
      %dma_start3A_38 = arith.constant 0 : i32
      %dma_start3A_39 = tpu.memref_slice %arg2[%add3A_35, %dma_start3A_38] : memref<327680x128xf32, #tpu.memory_space<hbm>> -> memref<128x128xf32, #tpu.memory_space<hbm>>
      tpu.enqueue_dma source(%dma_start3A_39 : memref<128x128xf32, #tpu.memory_space<hbm>>) target(%arg9 : memref<128x128xf32, #tpu.memory_space<vmem>>) target_semaphore(%arg13 : memref<!tpu.dma_semaphore, #tpu.memory_space<semaphore_mem>>)
      %dma_wait3A = arith.constant 0 : i32
      %dma_wait3A_40 = tpu.memref_slice %arg2[%add3A_27, %dma_wait3A] : memref<327680x128xf32, #tpu.memory_space<hbm>> -> memref<128x128xf32, #tpu.memory_space<hbm>>
      %dma_wait3A_41 = arith.constant 0 : i32
      %dma_wait3A_42 = tpu.memref_slice %arg2[%add3A_27, %dma_wait3A_41] : memref<327680x128xf32, #tpu.memory_space<hbm>> -> memref<128x128xf32, #tpu.memory_space<hbm>>
      tpu.wait_dma2 semaphore(%arg12 : memref<!tpu.dma_semaphore, #tpu.memory_space<semaphore_mem>>) src(%dma_wait3A_42 : memref<128x128xf32, #tpu.memory_space<hbm>>) dst(%arg8 : memref<128x128xf32, #tpu.memory_space<vmem>>)
      %dma_start3A_43 = arith.constant 0 : i32
      %dma_start3A_44 = arith.constant 0 : i32
      %dma_start3A_45 = tpu.memref_slice %arg7[%dma_start3A_43, %dma_start3A_44] : memref<16x128xi32, #tpu.memory_space<vmem>> -> memref<1x128xi32, #tpu.memory_space<vmem>>
      %dma_start3A_46 = tpu.memref_squeeze %dma_start3A_45 : memref<1x128xi32, #tpu.memory_space<vmem>> -> memref<128xi32, #tpu.memory_space<vmem>>
      %dma_start3A_47 = arith.constant 0 : i32
      %dma_start3A_48 = arith.constant 0 : i32
      %dma_start3A_49 = tpu.memref_slice %arg11[%dma_start3A_47, %dma_start3A_48] : memref<10112x128xf32, #tpu.memory_space<vmem_shared>> -> memref<10112x128xf32, #tpu.memory_space<vmem_shared>>
      tpu.enqueue_indirect_dma source(%arg8 : memref<128x128xf32, #tpu.memory_space<vmem>>) target(%dma_start3A_49 : memref<10112x128xf32, #tpu.memory_space<vmem_shared>>) offsets(%dma_start3A_46 : memref<128xi32, #tpu.memory_space<vmem>>) semaphore(%arg14 : memref<!tpu.dma_semaphore, #tpu.memory_space<semaphore_mem>>) {add = true}
      %scan3A_50 = arith.constant 0 : i32
      %scan3A_51 = arith.constant 8 : i32
      %scan3A_52 = arith.addi %scan3A_50, %scan3A_51 : i32
      %scan3A_53 = arith.constant 1 : i32
      scf.for %scan3A_561 = %scan3A_50 to %scan3A_52 step %scan3A_53  : i32 {
        %mul3A_562 = arith.constant 1 : i32
        %mul3A_563 = arith.muli %scan3A_561, %mul3A_562 : i32
        %add3A_564 = arith.constant 0 : i32
        %add3A_565 = arith.addi %add3A_564, %mul3A_563 : i32
        %mul3A_566 = arith.constant 16 : i32
        %mul3A_567 = arith.muli %add3A_565, %mul3A_566 : i32
        %get3A = arith.constant 0 : i32
        %get3A_568 = arith.index_cast %get3A : i32 to index
        %get3A_569 = arith.index_cast %mul3A_567 : i32 to index
        %get3A_570 = tpu.vector_load %arg7[%get3A_568, %get3A_569] {strides = array<i32>} : memref<16x128xi32, #tpu.memory_space<vmem>>, vector<16xi32>,
        tpu.vector_store_idx %arg10[%get3A_570], %broadcast_in_dim3A_7 {add = true} : memref<10112xf32, #tpu.memory_space<vmem>>[vector<16xi32>], vector<16xf32>,
      }
      %scan3A_54 = arith.constant 8 : i32
      %dma_wait3A_55 = arith.constant 0 : i32
      %dma_wait3A_56 = arith.constant 0 : i32
      %dma_wait3A_57 = tpu.memref_slice %arg7[%dma_wait3A_55, %dma_wait3A_56] : memref<16x128xi32, #tpu.memory_space<vmem>> -> memref<1x128xi32, #tpu.memory_space<vmem>>
      %dma_wait3A_58 = tpu.memref_squeeze %dma_wait3A_57 : memref<1x128xi32, #tpu.memory_space<vmem>> -> memref<128xi32, #tpu.memory_space<vmem>>
      %dma_wait3A_59 = arith.constant 0 : i32
      %dma_wait3A_60 = arith.constant 0 : i32
      %dma_wait3A_61 = tpu.memref_slice %arg11[%dma_wait3A_59, %dma_wait3A_60] : memref<10112x128xf32, #tpu.memory_space<vmem_shared>> -> memref<10112x128xf32, #tpu.memory_space<vmem_shared>>
      tpu.wait_indirect_dma semaphore(%arg14 : memref<!tpu.dma_semaphore, #tpu.memory_space<semaphore_mem>>) src(%arg8 : memref<128x128xf32, #tpu.memory_space<vmem>>) dst(%dma_wait3A_61 : memref<10112x128xf32, #tpu.memory_space<vmem_shared>>)
      %add3A_62 = arith.constant 1 : i32
      %add3A_63 = arith.addi %mul3A_24, %add3A_62 : i32
      %add3A_64 = arith.constant 1 : i32
      %add3A_65 = arith.addi %add3A_63, %add3A_64 : i32
      %mul3A_66 = arith.constant 128 : i32
      %mul3A_67 = arith.muli %add3A_65, %mul3A_66 : i32
      %add3A_68 = arith.addi %mul3A_9, %mul3A_67 : i32
      %dma_start3A_69 = arith.constant 0 : i32
      %dma_start3A_70 = tpu.memref_slice %arg2[%add3A_68, %dma_start3A_69] : memref<327680x128xf32, #tpu.memory_space<hbm>> -> memref<128x128xf32, #tpu.memory_space<hbm>>
      %dma_start3A_71 = arith.constant 0 : i32
      %dma_start3A_72 = tpu.memref_slice %arg2[%add3A_68, %dma_start3A_71] : memref<327680x128xf32, #tpu.memory_space<hbm>> -> memref<128x128xf32, #tpu.memory_space<hbm>>
      tpu.enqueue_dma source(%dma_start3A_72 : memref<128x128xf32, #tpu.memory_space<hbm>>) target(%arg8 : memref<128x128xf32, #tpu.memory_space<vmem>>) target_semaphore(%arg12 : memref<!tpu.dma_semaphore, #tpu.memory_space<semaphore_mem>>)
      %dma_wait3A_73 = arith.constant 0 : i32
      %dma_wait3A_74 = tpu.memref_slice %arg2[%add3A_35, %dma_wait3A_73] : memref<327680x128xf32, #tpu.memory_space<hbm>> -> memref<128x128xf32, #tpu.memory_space<hbm>>
      %dma_wait3A_75 = arith.constant 0 : i32
      %dma_wait3A_76 = tpu.memref_slice %arg2[%add3A_35, %dma_wait3A_75] : memref<327680x128xf32, #tpu.memory_space<hbm>> -> memref<128x128xf32, #tpu.memory_space<hbm>>
      tpu.wait_dma2 semaphore(%arg13 : memref<!tpu.dma_semaphore, #tpu.memory_space<semaphore_mem>>) src(%dma_wait3A_76 : memref<128x128xf32, #tpu.memory_space<hbm>>) dst(%arg9 : memref<128x128xf32, #tpu.memory_space<vmem>>)
      %dma_start3A_77 = arith.constant 1 : i32
      %dma_start3A_78 = arith.constant 0 : i32
      %dma_start3A_79 = tpu.memref_slice %arg7[%dma_start3A_77, %dma_start3A_78] : memref<16x128xi32, #tpu.memory_space<vmem>> -> memref<1x128xi32, #tpu.memory_space<vmem>>
      %dma_start3A_80 = tpu.memref_squeeze %dma_start3A_79 : memref<1x128xi32, #tpu.memory_space<vmem>> -> memref<128xi32, #tpu.memory_space<vmem>>
      %dma_start3A_81 = arith.constant 0 : i32
      %dma_start3A_82 = arith.constant 0 : i32
      %dma_start3A_83 = tpu.memref_slice %arg11[%dma_start3A_81, %dma_start3A_82] : memref<10112x128xf32, #tpu.memory_space<vmem_shared>> -> memref<10112x128xf32, #tpu.memory_space<vmem_shared>>
      tpu.enqueue_indirect_dma source(%arg9 : memref<128x128xf32, #tpu.memory_space<vmem>>) target(%dma_start3A_83 : memref<10112x128xf32, #tpu.memory_space<vmem_shared>>) offsets(%dma_start3A_80 : memref<128xi32, #tpu.memory_space<vmem>>) semaphore(%arg15 : memref<!tpu.dma_semaphore, #tpu.memory_space<semaphore_mem>>) {add = true}
      %scan3A_84 = arith.constant 0 : i32
      %scan3A_85 = arith.constant 8 : i32
      %scan3A_86 = arith.addi %scan3A_84, %scan3A_85 : i32
      %scan3A_87 = arith.constant 1 : i32
      scf.for %scan3A_561 = %scan3A_84 to %scan3A_86 step %scan3A_87  : i32 {
        %mul3A_562 = arith.constant 1 : i32
        %mul3A_563 = arith.muli %scan3A_561, %mul3A_562 : i32
        %add3A_564 = arith.constant 0 : i32
        %add3A_565 = arith.addi %add3A_564, %mul3A_563 : i32
        %mul3A_566 = arith.constant 16 : i32
        %mul3A_567 = arith.muli %add3A_565, %mul3A_566 : i32
        %get3A = arith.constant 1 : i32
        %get3A_568 = arith.index_cast %get3A : i32 to index
        %get3A_569 = arith.index_cast %mul3A_567 : i32 to index
        %get3A_570 = tpu.vector_load %arg7[%get3A_568, %get3A_569] {strides = array<i32>} : memref<16x128xi32, #tpu.memory_space<vmem>>, vector<16xi32>,
        tpu.vector_store_idx %arg10[%get3A_570], %broadcast_in_dim3A_7 {add = true} : memref<10112xf32, #tpu.memory_space<vmem>>[vector<16xi32>], vector<16xf32>,
      }
      %scan3A_88 = arith.constant 8 : i32
      %dma_wait3A_89 = arith.constant 1 : i32
      %dma_wait3A_90 = arith.constant 0 : i32
      %dma_wait3A_91 = tpu.memref_slice %arg7[%dma_wait3A_89, %dma_wait3A_90] : memref<16x128xi32, #tpu.memory_space<vmem>> -> memref<1x128xi32, #tpu.memory_space<vmem>>
      %dma_wait3A_92 = tpu.memref_squeeze %dma_wait3A_91 : memref<1x128xi32, #tpu.memory_space<vmem>> -> memref<128xi32, #tpu.memory_space<vmem>>
      %dma_wait3A_93 = arith.constant 0 : i32
      %dma_wait3A_94 = arith.constant 0 : i32
      %dma_wait3A_95 = tpu.memref_slice %arg11[%dma_wait3A_93, %dma_wait3A_94] : memref<10112x128xf32, #tpu.memory_space<vmem_shared>> -> memref<10112x128xf32, #tpu.memory_space<vmem_shared>>
      tpu.wait_indirect_dma semaphore(%arg15 : memref<!tpu.dma_semaphore, #tpu.memory_space<semaphore_mem>>) src(%arg9 : memref<128x128xf32, #tpu.memory_space<vmem>>) dst(%dma_wait3A_95 : memref<10112x128xf32, #tpu.memory_space<vmem_shared>>)
      %add3A_96 = arith.constant 2 : i32
      %add3A_97 = arith.addi %mul3A_24, %add3A_96 : i32
      %add3A_98 = arith.constant 1 : i32
      %add3A_99 = arith.addi %add3A_97, %add3A_98 : i32
      %mul3A_100 = arith.constant 128 : i32
      %mul3A_101 = arith.muli %add3A_99, %mul3A_100 : i32
      %add3A_102 = arith.addi %mul3A_9, %mul3A_101 : i32
      %dma_start3A_103 = arith.constant 0 : i32
      %dma_start3A_104 = tpu.memref_slice %arg2[%add3A_102, %dma_start3A_103] : memref<327680x128xf32, #tpu.memory_space<hbm>> -> memref<128x128xf32, #tpu.memory_space<hbm>>
      %dma_start3A_105 = arith.constant 0 : i32
      %dma_start3A_106 = tpu.memref_slice %arg2[%add3A_102, %dma_start3A_105] : memref<327680x128xf32, #tpu.memory_space<hbm>> -> memref<128x128xf32, #tpu.memory_space<hbm>>
      tpu.enqueue_dma source(%dma_start3A_106 : memref<128x128xf32, #tpu.memory_space<hbm>>) target(%arg9 : memref<128x128xf32, #tpu.memory_space<vmem>>) target_semaphore(%arg13 : memref<!tpu.dma_semaphore, #tpu.memory_space<semaphore_mem>>)
      %dma_wait3A_107 = arith.constant 0 : i32
      %dma_wait3A_108 = tpu.memref_slice %arg2[%add3A_68, %dma_wait3A_107] : memref<327680x128xf32, #tpu.memory_space<hbm>> -> memref<128x128xf32, #tpu.memory_space<hbm>>
      %dma_wait3A_109 = arith.constant 0 : i32
      %dma_wait3A_110 = tpu.memref_slice %arg2[%add3A_68, %dma_wait3A_109] : memref<327680x128xf32, #tpu.memory_space<hbm>> -> memref<128x128xf32, #tpu.memory_space<hbm>>
      tpu.wait_dma2 semaphore(%arg12 : memref<!tpu.dma_semaphore, #tpu.memory_space<semaphore_mem>>) src(%dma_wait3A_110 : memref<128x128xf32, #tpu.memory_space<hbm>>) dst(%arg8 : memref<128x128xf32, #tpu.memory_space<vmem>>)
      %dma_start3A_111 = arith.constant 2 : i32
      %dma_start3A_112 = arith.constant 0 : i32
      %dma_start3A_113 = tpu.memref_slice %arg7[%dma_start3A_111, %dma_start3A_112] : memref<16x128xi32, #tpu.memory_space<vmem>> -> memref<1x128xi32, #tpu.memory_space<vmem>>
      %dma_start3A_114 = tpu.memref_squeeze %dma_start3A_113 : memref<1x128xi32, #tpu.memory_space<vmem>> -> memref<128xi32, #tpu.memory_space<vmem>>
      %dma_start3A_115 = arith.constant 0 : i32
      %dma_start3A_116 = arith.constant 0 : i32
      %dma_start3A_117 = tpu.memref_slice %arg11[%dma_start3A_115, %dma_start3A_116] : memref<10112x128xf32, #tpu.memory_space<vmem_shared>> -> memref<10112x128xf32, #tpu.memory_space<vmem_shared>>
      tpu.enqueue_indirect_dma source(%arg8 : memref<128x128xf32, #tpu.memory_space<vmem>>) target(%dma_start3A_117 : memref<10112x128xf32, #tpu.memory_space<vmem_shared>>) offsets(%dma_start3A_114 : memref<128xi32, #tpu.memory_space<vmem>>) semaphore(%arg14 : memref<!tpu.dma_semaphore, #tpu.memory_space<semaphore_mem>>) {add = true}
      %scan3A_118 = arith.constant 0 : i32
      %scan3A_119 = arith.constant 8 : i32
      %scan3A_120 = arith.addi %scan3A_118, %scan3A_119 : i32
      %scan3A_121 = arith.constant 1 : i32
      scf.for %scan3A_561 = %scan3A_118 to %scan3A_120 step %scan3A_121  : i32 {
        %mul3A_562 = arith.constant 1 : i32
        %mul3A_563 = arith.muli %scan3A_561, %mul3A_562 : i32
        %add3A_564 = arith.constant 0 : i32
        %add3A_565 = arith.addi %add3A_564, %mul3A_563 : i32
        %mul3A_566 = arith.constant 16 : i32
        %mul3A_567 = arith.muli %add3A_565, %mul3A_566 : i32
        %get3A = arith.constant 2 : i32
        %get3A_568 = arith.index_cast %get3A : i32 to index
        %get3A_569 = arith.index_cast %mul3A_567 : i32 to index
        %get3A_570 = tpu.vector_load %arg7[%get3A_568, %get3A_569] {strides = array<i32>} : memref<16x128xi32, #tpu.memory_space<vmem>>, vector<16xi32>,
        tpu.vector_store_idx %arg10[%get3A_570], %broadcast_in_dim3A_7 {add = true} : memref<10112xf32, #tpu.memory_space<vmem>>[vector<16xi32>], vector<16xf32>,
      }
      %scan3A_122 = arith.constant 8 : i32
      %dma_wait3A_123 = arith.constant 2 : i32
      %dma_wait3A_124 = arith.constant 0 : i32
      %dma_wait3A_125 = tpu.memref_slice %arg7[%dma_wait3A_123, %dma_wait3A_124] : memref<16x128xi32, #tpu.memory_space<vmem>> -> memref<1x128xi32, #tpu.memory_space<vmem>>
      %dma_wait3A_126 = tpu.memref_squeeze %dma_wait3A_125 : memref<1x128xi32, #tpu.memory_space<vmem>> -> memref<128xi32, #tpu.memory_space<vmem>>
      %dma_wait3A_127 = arith.constant 0 : i32
      %dma_wait3A_128 = arith.constant 0 : i32
      %dma_wait3A_129 = tpu.memref_slice %arg11[%dma_wait3A_127, %dma_wait3A_128] : memref<10112x128xf32, #tpu.memory_space<vmem_shared>> -> memref<10112x128xf32, #tpu.memory_space<vmem_shared>>
      tpu.wait_indirect_dma semaphore(%arg14 : memref<!tpu.dma_semaphore, #tpu.memory_space<semaphore_mem>>) src(%arg8 : memref<128x128xf32, #tpu.memory_space<vmem>>) dst(%dma_wait3A_129 : memref<10112x128xf32, #tpu.memory_space<vmem_shared>>)
      %add3A_130 = arith.constant 3 : i32
      %add3A_131 = arith.addi %mul3A_24, %add3A_130 : i32
      %add3A_132 = arith.constant 1 : i32
      %add3A_133 = arith.addi %add3A_131, %add3A_132 : i32
      %mul3A_134 = arith.constant 128 : i32
      %mul3A_135 = arith.muli %add3A_133, %mul3A_134 : i32
      %add3A_136 = arith.addi %mul3A_9, %mul3A_135 : i32
      %dma_start3A_137 = arith.constant 0 : i32
      %dma_start3A_138 = tpu.memref_slice %arg2[%add3A_136, %dma_start3A_137] : memref<327680x128xf32, #tpu.memory_space<hbm>> -> memref<128x128xf32, #tpu.memory_space<hbm>>
      %dma_start3A_139 = arith.constant 0 : i32
      %dma_start3A_140 = tpu.memref_slice %arg2[%add3A_136, %dma_start3A_139] : memref<327680x128xf32, #tpu.memory_space<hbm>> -> memref<128x128xf32, #tpu.memory_space<hbm>>
      tpu.enqueue_dma source(%dma_start3A_140 : memref<128x128xf32, #tpu.memory_space<hbm>>) target(%arg8 : memref<128x128xf32, #tpu.memory_space<vmem>>) target_semaphore(%arg12 : memref<!tpu.dma_semaphore, #tpu.memory_space<semaphore_mem>>)
      %dma_wait3A_141 = arith.constant 0 : i32
      %dma_wait3A_142 = tpu.memref_slice %arg2[%add3A_102, %dma_wait3A_141] : memref<327680x128xf32, #tpu.memory_space<hbm>> -> memref<128x128xf32, #tpu.memory_space<hbm>>
      %dma_wait3A_143 = arith.constant 0 : i32
      %dma_wait3A_144 = tpu.memref_slice %arg2[%add3A_102, %dma_wait3A_143] : memref<327680x128xf32, #tpu.memory_space<hbm>> -> memref<128x128xf32, #tpu.memory_space<hbm>>
      tpu.wait_dma2 semaphore(%arg13 : memref<!tpu.dma_semaphore, #tpu.memory_space<semaphore_mem>>) src(%dma_wait3A_144 : memref<128x128xf32, #tpu.memory_space<hbm>>) dst(%arg9 : memref<128x128xf32, #tpu.memory_space<vmem>>)
      %dma_start3A_145 = arith.constant 3 : i32
      %dma_start3A_146 = arith.constant 0 : i32
      %dma_start3A_147 = tpu.memref_slice %arg7[%dma_start3A_145, %dma_start3A_146] : memref<16x128xi32, #tpu.memory_space<vmem>> -> memref<1x128xi32, #tpu.memory_space<vmem>>
      %dma_start3A_148 = tpu.memref_squeeze %dma_start3A_147 : memref<1x128xi32, #tpu.memory_space<vmem>> -> memref<128xi32, #tpu.memory_space<vmem>>
      %dma_start3A_149 = arith.constant 0 : i32
      %dma_start3A_150 = arith.constant 0 : i32
      %dma_start3A_151 = tpu.memref_slice %arg11[%dma_start3A_149, %dma_start3A_150] : memref<10112x128xf32, #tpu.memory_space<vmem_shared>> -> memref<10112x128xf32, #tpu.memory_space<vmem_shared>>
      tpu.enqueue_indirect_dma source(%arg9 : memref<128x128xf32, #tpu.memory_space<vmem>>) target(%dma_start3A_151 : memref<10112x128xf32, #tpu.memory_space<vmem_shared>>) offsets(%dma_start3A_148 : memref<128xi32, #tpu.memory_space<vmem>>) semaphore(%arg15 : memref<!tpu.dma_semaphore, #tpu.memory_space<semaphore_mem>>) {add = true}
      %scan3A_152 = arith.constant 0 : i32
      %scan3A_153 = arith.constant 8 : i32
      %scan3A_154 = arith.addi %scan3A_152, %scan3A_153 : i32
      %scan3A_155 = arith.constant 1 : i32
      scf.for %scan3A_561 = %scan3A_152 to %scan3A_154 step %scan3A_155  : i32 {
        %mul3A_562 = arith.constant 1 : i32
        %mul3A_563 = arith.muli %scan3A_561, %mul3A_562 : i32
        %add3A_564 = arith.constant 0 : i32
        %add3A_565 = arith.addi %add3A_564, %mul3A_563 : i32
        %mul3A_566 = arith.constant 16 : i32
        %mul3A_567 = arith.muli %add3A_565, %mul3A_566 : i32
        %get3A = arith.constant 3 : i32
        %get3A_568 = arith.index_cast %get3A : i32 to index
        %get3A_569 = arith.index_cast %mul3A_567 : i32 to index
        %get3A_570 = tpu.vector_load %arg7[%get3A_568, %get3A_569] {strides = array<i32>} : memref<16x128xi32, #tpu.memory_space<vmem>>, vector<16xi32>,
        tpu.vector_store_idx %arg10[%get3A_570], %broadcast_in_dim3A_7 {add = true} : memref<10112xf32, #tpu.memory_space<vmem>>[vector<16xi32>], vector<16xf32>,
      }
      %scan3A_156 = arith.constant 8 : i32
      %dma_wait3A_157 = arith.constant 3 : i32
      %dma_wait3A_158 = arith.constant 0 : i32
      %dma_wait3A_159 = tpu.memref_slice %arg7[%dma_wait3A_157, %dma_wait3A_158] : memref<16x128xi32, #tpu.memory_space<vmem>> -> memref<1x128xi32, #tpu.memory_space<vmem>>
      %dma_wait3A_160 = tpu.memref_squeeze %dma_wait3A_159 : memref<1x128xi32, #tpu.memory_space<vmem>> -> memref<128xi32, #tpu.memory_space<vmem>>
      %dma_wait3A_161 = arith.constant 0 : i32
      %dma_wait3A_162 = arith.constant 0 : i32
      %dma_wait3A_163 = tpu.memref_slice %arg11[%dma_wait3A_161, %dma_wait3A_162] : memref<10112x128xf32, #tpu.memory_space<vmem_shared>> -> memref<10112x128xf32, #tpu.memory_space<vmem_shared>>
      tpu.wait_indirect_dma semaphore(%arg15 : memref<!tpu.dma_semaphore, #tpu.memory_space<semaphore_mem>>) src(%arg9 : memref<128x128xf32, #tpu.memory_space<vmem>>) dst(%dma_wait3A_163 : memref<10112x128xf32, #tpu.memory_space<vmem_shared>>)
      %add3A_164 = arith.constant 4 : i32
      %add3A_165 = arith.addi %mul3A_24, %add3A_164 : i32
      %add3A_166 = arith.constant 1 : i32
      %add3A_167 = arith.addi %add3A_165, %add3A_166 : i32
      %mul3A_168 = arith.constant 128 : i32
      %mul3A_169 = arith.muli %add3A_167, %mul3A_168 : i32
      %add3A_170 = arith.addi %mul3A_9, %mul3A_169 : i32
      %dma_start3A_171 = arith.constant 0 : i32
      %dma_start3A_172 = tpu.memref_slice %arg2[%add3A_170, %dma_start3A_171] : memref<327680x128xf32, #tpu.memory_space<hbm>> -> memref<128x128xf32, #tpu.memory_space<hbm>>
      %dma_start3A_173 = arith.constant 0 : i32
      %dma_start3A_174 = tpu.memref_slice %arg2[%add3A_170, %dma_start3A_173] : memref<327680x128xf32, #tpu.memory_space<hbm>> -> memref<128x128xf32, #tpu.memory_space<hbm>>
      tpu.enqueue_dma source(%dma_start3A_174 : memref<128x128xf32, #tpu.memory_space<hbm>>) target(%arg9 : memref<128x128xf32, #tpu.memory_space<vmem>>) target_semaphore(%arg13 : memref<!tpu.dma_semaphore, #tpu.memory_space<semaphore_mem>>)
      %dma_wait3A_175 = arith.constant 0 : i32
      %dma_wait3A_176 = tpu.memref_slice %arg2[%add3A_136, %dma_wait3A_175] : memref<327680x128xf32, #tpu.memory_space<hbm>> -> memref<128x128xf32, #tpu.memory_space<hbm>>
      %dma_wait3A_177 = arith.constant 0 : i32
      %dma_wait3A_178 = tpu.memref_slice %arg2[%add3A_136, %dma_wait3A_177] : memref<327680x128xf32, #tpu.memory_space<hbm>> -> memref<128x128xf32, #tpu.memory_space<hbm>>
      tpu.wait_dma2 semaphore(%arg12 : memref<!tpu.dma_semaphore, #tpu.memory_space<semaphore_mem>>) src(%dma_wait3A_178 : memref<128x128xf32, #tpu.memory_space<hbm>>) dst(%arg8 : memref<128x128xf32, #tpu.memory_space<vmem>>)
      %dma_start3A_179 = arith.constant 4 : i32
      %dma_start3A_180 = arith.constant 0 : i32
      %dma_start3A_181 = tpu.memref_slice %arg7[%dma_start3A_179, %dma_start3A_180] : memref<16x128xi32, #tpu.memory_space<vmem>> -> memref<1x128xi32, #tpu.memory_space<vmem>>
      %dma_start3A_182 = tpu.memref_squeeze %dma_start3A_181 : memref<1x128xi32, #tpu.memory_space<vmem>> -> memref<128xi32, #tpu.memory_space<vmem>>
      %dma_start3A_183 = arith.constant 0 : i32
      %dma_start3A_184 = arith.constant 0 : i32
      %dma_start3A_185 = tpu.memref_slice %arg11[%dma_start3A_183, %dma_start3A_184] : memref<10112x128xf32, #tpu.memory_space<vmem_shared>> -> memref<10112x128xf32, #tpu.memory_space<vmem_shared>>
      tpu.enqueue_indirect_dma source(%arg8 : memref<128x128xf32, #tpu.memory_space<vmem>>) target(%dma_start3A_185 : memref<10112x128xf32, #tpu.memory_space<vmem_shared>>) offsets(%dma_start3A_182 : memref<128xi32, #tpu.memory_space<vmem>>) semaphore(%arg14 : memref<!tpu.dma_semaphore, #tpu.memory_space<semaphore_mem>>) {add = true}
      %scan3A_186 = arith.constant 0 : i32
      %scan3A_187 = arith.constant 8 : i32
      %scan3A_188 = arith.addi %scan3A_186, %scan3A_187 : i32
      %scan3A_189 = arith.constant 1 : i32
      scf.for %scan3A_561 = %scan3A_186 to %scan3A_188 step %scan3A_189  : i32 {
        %mul3A_562 = arith.constant 1 : i32
        %mul3A_563 = arith.muli %scan3A_561, %mul3A_562 : i32
        %add3A_564 = arith.constant 0 : i32
        %add3A_565 = arith.addi %add3A_564, %mul3A_563 : i32
        %mul3A_566 = arith.constant 16 : i32
        %mul3A_567 = arith.muli %add3A_565, %mul3A_566 : i32
        %get3A = arith.constant 4 : i32
        %get3A_568 = arith.index_cast %get3A : i32 to index
        %get3A_569 = arith.index_cast %mul3A_567 : i32 to index
        %get3A_570 = tpu.vector_load %arg7[%get3A_568, %get3A_569] {strides = array<i32>} : memref<16x128xi32, #tpu.memory_space<vmem>>, vector<16xi32>,
        tpu.vector_store_idx %arg10[%get3A_570], %broadcast_in_dim3A_7 {add = true} : memref<10112xf32, #tpu.memory_space<vmem>>[vector<16xi32>], vector<16xf32>,
      }
      %scan3A_190 = arith.constant 8 : i32
      %dma_wait3A_191 = arith.constant 4 : i32
      %dma_wait3A_192 = arith.constant 0 : i32
      %dma_wait3A_193 = tpu.memref_slice %arg7[%dma_wait3A_191, %dma_wait3A_192] : memref<16x128xi32, #tpu.memory_space<vmem>> -> memref<1x128xi32, #tpu.memory_space<vmem>>
      %dma_wait3A_194 = tpu.memref_squeeze %dma_wait3A_193 : memref<1x128xi32, #tpu.memory_space<vmem>> -> memref<128xi32, #tpu.memory_space<vmem>>
      %dma_wait3A_195 = arith.constant 0 : i32
      %dma_wait3A_196 = arith.constant 0 : i32
      %dma_wait3A_197 = tpu.memref_slice %arg11[%dma_wait3A_195, %dma_wait3A_196] : memref<10112x128xf32, #tpu.memory_space<vmem_shared>> -> memref<10112x128xf32, #tpu.memory_space<vmem_shared>>
      tpu.wait_indirect_dma semaphore(%arg14 : memref<!tpu.dma_semaphore, #tpu.memory_space<semaphore_mem>>) src(%arg8 : memref<128x128xf32, #tpu.memory_space<vmem>>) dst(%dma_wait3A_197 : memref<10112x128xf32, #tpu.memory_space<vmem_shared>>)
      %add3A_198 = arith.constant 5 : i32
      %add3A_199 = arith.addi %mul3A_24, %add3A_198 : i32
      %add3A_200 = arith.constant 1 : i32
      %add3A_201 = arith.addi %add3A_199, %add3A_200 : i32
      %mul3A_202 = arith.constant 128 : i32
      %mul3A_203 = arith.muli %add3A_201, %mul3A_202 : i32
      %add3A_204 = arith.addi %mul3A_9, %mul3A_203 : i32
      %dma_start3A_205 = arith.constant 0 : i32
      %dma_start3A_206 = tpu.memref_slice %arg2[%add3A_204, %dma_start3A_205] : memref<327680x128xf32, #tpu.memory_space<hbm>> -> memref<128x128xf32, #tpu.memory_space<hbm>>
      %dma_start3A_207 = arith.constant 0 : i32
      %dma_start3A_208 = tpu.memref_slice %arg2[%add3A_204, %dma_start3A_207] : memref<327680x128xf32, #tpu.memory_space<hbm>> -> memref<128x128xf32, #tpu.memory_space<hbm>>
      tpu.enqueue_dma source(%dma_start3A_208 : memref<128x128xf32, #tpu.memory_space<hbm>>) target(%arg8 : memref<128x128xf32, #tpu.memory_space<vmem>>) target_semaphore(%arg12 : memref<!tpu.dma_semaphore, #tpu.memory_space<semaphore_mem>>)
      %dma_wait3A_209 = arith.constant 0 : i32
      %dma_wait3A_210 = tpu.memref_slice %arg2[%add3A_170, %dma_wait3A_209] : memref<327680x128xf32, #tpu.memory_space<hbm>> -> memref<128x128xf32, #tpu.memory_space<hbm>>
      %dma_wait3A_211 = arith.constant 0 : i32
      %dma_wait3A_212 = tpu.memref_slice %arg2[%add3A_170, %dma_wait3A_211] : memref<327680x128xf32, #tpu.memory_space<hbm>> -> memref<128x128xf32, #tpu.memory_space<hbm>>
      tpu.wait_dma2 semaphore(%arg13 : memref<!tpu.dma_semaphore, #tpu.memory_space<semaphore_mem>>) src(%dma_wait3A_212 : memref<128x128xf32, #tpu.memory_space<hbm>>) dst(%arg9 : memref<128x128xf32, #tpu.memory_space<vmem>>)
      %dma_start3A_213 = arith.constant 5 : i32
      %dma_start3A_214 = arith.constant 0 : i32
      %dma_start3A_215 = tpu.memref_slice %arg7[%dma_start3A_213, %dma_start3A_214] : memref<16x128xi32, #tpu.memory_space<vmem>> -> memref<1x128xi32, #tpu.memory_space<vmem>>
      %dma_start3A_216 = tpu.memref_squeeze %dma_start3A_215 : memref<1x128xi32, #tpu.memory_space<vmem>> -> memref<128xi32, #tpu.memory_space<vmem>>
      %dma_start3A_217 = arith.constant 0 : i32
      %dma_start3A_218 = arith.constant 0 : i32
      %dma_start3A_219 = tpu.memref_slice %arg11[%dma_start3A_217, %dma_start3A_218] : memref<10112x128xf32, #tpu.memory_space<vmem_shared>> -> memref<10112x128xf32, #tpu.memory_space<vmem_shared>>
      tpu.enqueue_indirect_dma source(%arg9 : memref<128x128xf32, #tpu.memory_space<vmem>>) target(%dma_start3A_219 : memref<10112x128xf32, #tpu.memory_space<vmem_shared>>) offsets(%dma_start3A_216 : memref<128xi32, #tpu.memory_space<vmem>>) semaphore(%arg15 : memref<!tpu.dma_semaphore, #tpu.memory_space<semaphore_mem>>) {add = true}
      %scan3A_220 = arith.constant 0 : i32
      %scan3A_221 = arith.constant 8 : i32
      %scan3A_222 = arith.addi %scan3A_220, %scan3A_221 : i32
      %scan3A_223 = arith.constant 1 : i32
      scf.for %scan3A_561 = %scan3A_220 to %scan3A_222 step %scan3A_223  : i32 {
        %mul3A_562 = arith.constant 1 : i32
        %mul3A_563 = arith.muli %scan3A_561, %mul3A_562 : i32
        %add3A_564 = arith.constant 0 : i32
        %add3A_565 = arith.addi %add3A_564, %mul3A_563 : i32
        %mul3A_566 = arith.constant 16 : i32
        %mul3A_567 = arith.muli %add3A_565, %mul3A_566 : i32
        %get3A = arith.constant 5 : i32
        %get3A_568 = arith.index_cast %get3A : i32 to index
        %get3A_569 = arith.index_cast %mul3A_567 : i32 to index
        %get3A_570 = tpu.vector_load %arg7[%get3A_568, %get3A_569] {strides = array<i32>} : memref<16x128xi32, #tpu.memory_space<vmem>>, vector<16xi32>,
        tpu.vector_store_idx %arg10[%get3A_570], %broadcast_in_dim3A_7 {add = true} : memref<10112xf32, #tpu.memory_space<vmem>>[vector<16xi32>], vector<16xf32>,
      }
      %scan3A_224 = arith.constant 8 : i32
      %dma_wait3A_225 = arith.constant 5 : i32
      %dma_wait3A_226 = arith.constant 0 : i32
      %dma_wait3A_227 = tpu.memref_slice %arg7[%dma_wait3A_225, %dma_wait3A_226] : memref<16x128xi32, #tpu.memory_space<vmem>> -> memref<1x128xi32, #tpu.memory_space<vmem>>
      %dma_wait3A_228 = tpu.memref_squeeze %dma_wait3A_227 : memref<1x128xi32, #tpu.memory_space<vmem>> -> memref<128xi32, #tpu.memory_space<vmem>>
      %dma_wait3A_229 = arith.constant 0 : i32
      %dma_wait3A_230 = arith.constant 0 : i32
      %dma_wait3A_231 = tpu.memref_slice %arg11[%dma_wait3A_229, %dma_wait3A_230] : memref<10112x128xf32, #tpu.memory_space<vmem_shared>> -> memref<10112x128xf32, #tpu.memory_space<vmem_shared>>
      tpu.wait_indirect_dma semaphore(%arg15 : memref<!tpu.dma_semaphore, #tpu.memory_space<semaphore_mem>>) src(%arg9 : memref<128x128xf32, #tpu.memory_space<vmem>>) dst(%dma_wait3A_231 : memref<10112x128xf32, #tpu.memory_space<vmem_shared>>)
      %add3A_232 = arith.constant 6 : i32
      %add3A_233 = arith.addi %mul3A_24, %add3A_232 : i32
      %add3A_234 = arith.constant 1 : i32
      %add3A_235 = arith.addi %add3A_233, %add3A_234 : i32
      %mul3A_236 = arith.constant 128 : i32
      %mul3A_237 = arith.muli %add3A_235, %mul3A_236 : i32
      %add3A_238 = arith.addi %mul3A_9, %mul3A_237 : i32
      %dma_start3A_239 = arith.constant 0 : i32
      %dma_start3A_240 = tpu.memref_slice %arg2[%add3A_238, %dma_start3A_239] : memref<327680x128xf32, #tpu.memory_space<hbm>> -> memref<128x128xf32, #tpu.memory_space<hbm>>
      %dma_start3A_241 = arith.constant 0 : i32
      %dma_start3A_242 = tpu.memref_slice %arg2[%add3A_238, %dma_start3A_241] : memref<327680x128xf32, #tpu.memory_space<hbm>> -> memref<128x128xf32, #tpu.memory_space<hbm>>
      tpu.enqueue_dma source(%dma_start3A_242 : memref<128x128xf32, #tpu.memory_space<hbm>>) target(%arg9 : memref<128x128xf32, #tpu.memory_space<vmem>>) target_semaphore(%arg13 : memref<!tpu.dma_semaphore, #tpu.memory_space<semaphore_mem>>)
      %dma_wait3A_243 = arith.constant 0 : i32
      %dma_wait3A_244 = tpu.memref_slice %arg2[%add3A_204, %dma_wait3A_243] : memref<327680x128xf32, #tpu.memory_space<hbm>> -> memref<128x128xf32, #tpu.memory_space<hbm>>
      %dma_wait3A_245 = arith.constant 0 : i32
      %dma_wait3A_246 = tpu.memref_slice %arg2[%add3A_204, %dma_wait3A_245] : memref<327680x128xf32, #tpu.memory_space<hbm>> -> memref<128x128xf32, #tpu.memory_space<hbm>>
      tpu.wait_dma2 semaphore(%arg12 : memref<!tpu.dma_semaphore, #tpu.memory_space<semaphore_mem>>) src(%dma_wait3A_246 : memref<128x128xf32, #tpu.memory_space<hbm>>) dst(%arg8 : memref<128x128xf32, #tpu.memory_space<vmem>>)
      %dma_start3A_247 = arith.constant 6 : i32
      %dma_start3A_248 = arith.constant 0 : i32
      %dma_start3A_249 = tpu.memref_slice %arg7[%dma_start3A_247, %dma_start3A_248] : memref<16x128xi32, #tpu.memory_space<vmem>> -> memref<1x128xi32, #tpu.memory_space<vmem>>
      %dma_start3A_250 = tpu.memref_squeeze %dma_start3A_249 : memref<1x128xi32, #tpu.memory_space<vmem>> -> memref<128xi32, #tpu.memory_space<vmem>>
      %dma_start3A_251 = arith.constant 0 : i32
      %dma_start3A_252 = arith.constant 0 : i32
      %dma_start3A_253 = tpu.memref_slice %arg11[%dma_start3A_251, %dma_start3A_252] : memref<10112x128xf32, #tpu.memory_space<vmem_shared>> -> memref<10112x128xf32, #tpu.memory_space<vmem_shared>>
      tpu.enqueue_indirect_dma source(%arg8 : memref<128x128xf32, #tpu.memory_space<vmem>>) target(%dma_start3A_253 : memref<10112x128xf32, #tpu.memory_space<vmem_shared>>) offsets(%dma_start3A_250 : memref<128xi32, #tpu.memory_space<vmem>>) semaphore(%arg14 : memref<!tpu.dma_semaphore, #tpu.memory_space<semaphore_mem>>) {add = true}
      %scan3A_254 = arith.constant 0 : i32
      %scan3A_255 = arith.constant 8 : i32
      %scan3A_256 = arith.addi %scan3A_254, %scan3A_255 : i32
      %scan3A_257 = arith.constant 1 : i32
      scf.for %scan3A_561 = %scan3A_254 to %scan3A_256 step %scan3A_257  : i32 {
        %mul3A_562 = arith.constant 1 : i32
        %mul3A_563 = arith.muli %scan3A_561, %mul3A_562 : i32
        %add3A_564 = arith.constant 0 : i32
        %add3A_565 = arith.addi %add3A_564, %mul3A_563 : i32
        %mul3A_566 = arith.constant 16 : i32
        %mul3A_567 = arith.muli %add3A_565, %mul3A_566 : i32
        %get3A = arith.constant 6 : i32
        %get3A_568 = arith.index_cast %get3A : i32 to index
        %get3A_569 = arith.index_cast %mul3A_567 : i32 to index
        %get3A_570 = tpu.vector_load %arg7[%get3A_568, %get3A_569] {strides = array<i32>} : memref<16x128xi32, #tpu.memory_space<vmem>>, vector<16xi32>,
        tpu.vector_store_idx %arg10[%get3A_570], %broadcast_in_dim3A_7 {add = true} : memref<10112xf32, #tpu.memory_space<vmem>>[vector<16xi32>], vector<16xf32>,
      }
      %scan3A_258 = arith.constant 8 : i32
      %dma_wait3A_259 = arith.constant 6 : i32
      %dma_wait3A_260 = arith.constant 0 : i32
      %dma_wait3A_261 = tpu.memref_slice %arg7[%dma_wait3A_259, %dma_wait3A_260] : memref<16x128xi32, #tpu.memory_space<vmem>> -> memref<1x128xi32, #tpu.memory_space<vmem>>
      %dma_wait3A_262 = tpu.memref_squeeze %dma_wait3A_261 : memref<1x128xi32, #tpu.memory_space<vmem>> -> memref<128xi32, #tpu.memory_space<vmem>>
      %dma_wait3A_263 = arith.constant 0 : i32
      %dma_wait3A_264 = arith.constant 0 : i32
      %dma_wait3A_265 = tpu.memref_slice %arg11[%dma_wait3A_263, %dma_wait3A_264] : memref<10112x128xf32, #tpu.memory_space<vmem_shared>> -> memref<10112x128xf32, #tpu.memory_space<vmem_shared>>
      tpu.wait_indirect_dma semaphore(%arg14 : memref<!tpu.dma_semaphore, #tpu.memory_space<semaphore_mem>>) src(%arg8 : memref<128x128xf32, #tpu.memory_space<vmem>>) dst(%dma_wait3A_265 : memref<10112x128xf32, #tpu.memory_space<vmem_shared>>)
      %add3A_266 = arith.constant 7 : i32
      %add3A_267 = arith.addi %mul3A_24, %add3A_266 : i32
      %add3A_268 = arith.constant 1 : i32
      %add3A_269 = arith.addi %add3A_267, %add3A_268 : i32
      %mul3A_270 = arith.constant 128 : i32
      %mul3A_271 = arith.muli %add3A_269, %mul3A_270 : i32
      %add3A_272 = arith.addi %mul3A_9, %mul3A_271 : i32
      %dma_start3A_273 = arith.constant 0 : i32
      %dma_start3A_274 = tpu.memref_slice %arg2[%add3A_272, %dma_start3A_273] : memref<327680x128xf32, #tpu.memory_space<hbm>> -> memref<128x128xf32, #tpu.memory_space<hbm>>
      %dma_start3A_275 = arith.constant 0 : i32
      %dma_start3A_276 = tpu.memref_slice %arg2[%add3A_272, %dma_start3A_275] : memref<327680x128xf32, #tpu.memory_space<hbm>> -> memref<128x128xf32, #tpu.memory_space<hbm>>
      tpu.enqueue_dma source(%dma_start3A_276 : memref<128x128xf32, #tpu.memory_space<hbm>>) target(%arg8 : memref<128x128xf32, #tpu.memory_space<vmem>>) target_semaphore(%arg12 : memref<!tpu.dma_semaphore, #tpu.memory_space<semaphore_mem>>)
      %dma_wait3A_277 = arith.constant 0 : i32
      %dma_wait3A_278 = tpu.memref_slice %arg2[%add3A_238, %dma_wait3A_277] : memref<327680x128xf32, #tpu.memory_space<hbm>> -> memref<128x128xf32, #tpu.memory_space<hbm>>
      %dma_wait3A_279 = arith.constant 0 : i32
      %dma_wait3A_280 = tpu.memref_slice %arg2[%add3A_238, %dma_wait3A_279] : memref<327680x128xf32, #tpu.memory_space<hbm>> -> memref<128x128xf32, #tpu.memory_space<hbm>>
      tpu.wait_dma2 semaphore(%arg13 : memref<!tpu.dma_semaphore, #tpu.memory_space<semaphore_mem>>) src(%dma_wait3A_280 : memref<128x128xf32, #tpu.memory_space<hbm>>) dst(%arg9 : memref<128x128xf32, #tpu.memory_space<vmem>>)
      %dma_start3A_281 = arith.constant 7 : i32
      %dma_start3A_282 = arith.constant 0 : i32
      %dma_start3A_283 = tpu.memref_slice %arg7[%dma_start3A_281, %dma_start3A_282] : memref<16x128xi32, #tpu.memory_space<vmem>> -> memref<1x128xi32, #tpu.memory_space<vmem>>
      %dma_start3A_284 = tpu.memref_squeeze %dma_start3A_283 : memref<1x128xi32, #tpu.memory_space<vmem>> -> memref<128xi32, #tpu.memory_space<vmem>>
      %dma_start3A_285 = arith.constant 0 : i32
      %dma_start3A_286 = arith.constant 0 : i32
      %dma_start3A_287 = tpu.memref_slice %arg11[%dma_start3A_285, %dma_start3A_286] : memref<10112x128xf32, #tpu.memory_space<vmem_shared>> -> memref<10112x128xf32, #tpu.memory_space<vmem_shared>>
      tpu.enqueue_indirect_dma source(%arg9 : memref<128x128xf32, #tpu.memory_space<vmem>>) target(%dma_start3A_287 : memref<10112x128xf32, #tpu.memory_space<vmem_shared>>) offsets(%dma_start3A_284 : memref<128xi32, #tpu.memory_space<vmem>>) semaphore(%arg15 : memref<!tpu.dma_semaphore, #tpu.memory_space<semaphore_mem>>) {add = true}
      %scan3A_288 = arith.constant 0 : i32
      %scan3A_289 = arith.constant 8 : i32
      %scan3A_290 = arith.addi %scan3A_288, %scan3A_289 : i32
      %scan3A_291 = arith.constant 1 : i32
      scf.for %scan3A_561 = %scan3A_288 to %scan3A_290 step %scan3A_291  : i32 {
        %mul3A_562 = arith.constant 1 : i32
        %mul3A_563 = arith.muli %scan3A_561, %mul3A_562 : i32
        %add3A_564 = arith.constant 0 : i32
        %add3A_565 = arith.addi %add3A_564, %mul3A_563 : i32
        %mul3A_566 = arith.constant 16 : i32
        %mul3A_567 = arith.muli %add3A_565, %mul3A_566 : i32
        %get3A = arith.constant 7 : i32
        %get3A_568 = arith.index_cast %get3A : i32 to index
        %get3A_569 = arith.index_cast %mul3A_567 : i32 to index
        %get3A_570 = tpu.vector_load %arg7[%get3A_568, %get3A_569] {strides = array<i32>} : memref<16x128xi32, #tpu.memory_space<vmem>>, vector<16xi32>,
        tpu.vector_store_idx %arg10[%get3A_570], %broadcast_in_dim3A_7 {add = true} : memref<10112xf32, #tpu.memory_space<vmem>>[vector<16xi32>], vector<16xf32>,
      }
      %scan3A_292 = arith.constant 8 : i32
      %dma_wait3A_293 = arith.constant 7 : i32
      %dma_wait3A_294 = arith.constant 0 : i32
      %dma_wait3A_295 = tpu.memref_slice %arg7[%dma_wait3A_293, %dma_wait3A_294] : memref<16x128xi32, #tpu.memory_space<vmem>> -> memref<1x128xi32, #tpu.memory_space<vmem>>
      %dma_wait3A_296 = tpu.memref_squeeze %dma_wait3A_295 : memref<1x128xi32, #tpu.memory_space<vmem>> -> memref<128xi32, #tpu.memory_space<vmem>>
      %dma_wait3A_297 = arith.constant 0 : i32
      %dma_wait3A_298 = arith.constant 0 : i32
      %dma_wait3A_299 = tpu.memref_slice %arg11[%dma_wait3A_297, %dma_wait3A_298] : memref<10112x128xf32, #tpu.memory_space<vmem_shared>> -> memref<10112x128xf32, #tpu.memory_space<vmem_shared>>
      tpu.wait_indirect_dma semaphore(%arg15 : memref<!tpu.dma_semaphore, #tpu.memory_space<semaphore_mem>>) src(%arg9 : memref<128x128xf32, #tpu.memory_space<vmem>>) dst(%dma_wait3A_299 : memref<10112x128xf32, #tpu.memory_space<vmem_shared>>)
      %add3A_300 = arith.constant 8 : i32
      %add3A_301 = arith.addi %mul3A_24, %add3A_300 : i32
      %add3A_302 = arith.constant 1 : i32
      %add3A_303 = arith.addi %add3A_301, %add3A_302 : i32
      %mul3A_304 = arith.constant 128 : i32
      %mul3A_305 = arith.muli %add3A_303, %mul3A_304 : i32
      %add3A_306 = arith.addi %mul3A_9, %mul3A_305 : i32
      %dma_start3A_307 = arith.constant 0 : i32
      %dma_start3A_308 = tpu.memref_slice %arg2[%add3A_306, %dma_start3A_307] : memref<327680x128xf32, #tpu.memory_space<hbm>> -> memref<128x128xf32, #tpu.memory_space<hbm>>
      %dma_start3A_309 = arith.constant 0 : i32
      %dma_start3A_310 = tpu.memref_slice %arg2[%add3A_306, %dma_start3A_309] : memref<327680x128xf32, #tpu.memory_space<hbm>> -> memref<128x128xf32, #tpu.memory_space<hbm>>
      tpu.enqueue_dma source(%dma_start3A_310 : memref<128x128xf32, #tpu.memory_space<hbm>>) target(%arg9 : memref<128x128xf32, #tpu.memory_space<vmem>>) target_semaphore(%arg13 : memref<!tpu.dma_semaphore, #tpu.memory_space<semaphore_mem>>)
      %dma_wait3A_311 = arith.constant 0 : i32
      %dma_wait3A_312 = tpu.memref_slice %arg2[%add3A_272, %dma_wait3A_311] : memref<327680x128xf32, #tpu.memory_space<hbm>> -> memref<128x128xf32, #tpu.memory_space<hbm>>
      %dma_wait3A_313 = arith.constant 0 : i32
      %dma_wait3A_314 = tpu.memref_slice %arg2[%add3A_272, %dma_wait3A_313] : memref<327680x128xf32, #tpu.memory_space<hbm>> -> memref<128x128xf32, #tpu.memory_space<hbm>>
      tpu.wait_dma2 semaphore(%arg12 : memref<!tpu.dma_semaphore, #tpu.memory_space<semaphore_mem>>) src(%dma_wait3A_314 : memref<128x128xf32, #tpu.memory_space<hbm>>) dst(%arg8 : memref<128x128xf32, #tpu.memory_space<vmem>>)
      %dma_start3A_315 = arith.constant 8 : i32
      %dma_start3A_316 = arith.constant 0 : i32
      %dma_start3A_317 = tpu.memref_slice %arg7[%dma_start3A_315, %dma_start3A_316] : memref<16x128xi32, #tpu.memory_space<vmem>> -> memref<1x128xi32, #tpu.memory_space<vmem>>
      %dma_start3A_318 = tpu.memref_squeeze %dma_start3A_317 : memref<1x128xi32, #tpu.memory_space<vmem>> -> memref<128xi32, #tpu.memory_space<vmem>>
      %dma_start3A_319 = arith.constant 0 : i32
      %dma_start3A_320 = arith.constant 0 : i32
      %dma_start3A_321 = tpu.memref_slice %arg11[%dma_start3A_319, %dma_start3A_320] : memref<10112x128xf32, #tpu.memory_space<vmem_shared>> -> memref<10112x128xf32, #tpu.memory_space<vmem_shared>>
      tpu.enqueue_indirect_dma source(%arg8 : memref<128x128xf32, #tpu.memory_space<vmem>>) target(%dma_start3A_321 : memref<10112x128xf32, #tpu.memory_space<vmem_shared>>) offsets(%dma_start3A_318 : memref<128xi32, #tpu.memory_space<vmem>>) semaphore(%arg14 : memref<!tpu.dma_semaphore, #tpu.memory_space<semaphore_mem>>) {add = true}
      %scan3A_322 = arith.constant 0 : i32
      %scan3A_323 = arith.constant 8 : i32
      %scan3A_324 = arith.addi %scan3A_322, %scan3A_323 : i32
      %scan3A_325 = arith.constant 1 : i32
      scf.for %scan3A_561 = %scan3A_322 to %scan3A_324 step %scan3A_325  : i32 {
        %mul3A_562 = arith.constant 1 : i32
        %mul3A_563 = arith.muli %scan3A_561, %mul3A_562 : i32
        %add3A_564 = arith.constant 0 : i32
        %add3A_565 = arith.addi %add3A_564, %mul3A_563 : i32
        %mul3A_566 = arith.constant 16 : i32
        %mul3A_567 = arith.muli %add3A_565, %mul3A_566 : i32
        %get3A = arith.constant 8 : i32
        %get3A_568 = arith.index_cast %get3A : i32 to index
        %get3A_569 = arith.index_cast %mul3A_567 : i32 to index
        %get3A_570 = tpu.vector_load %arg7[%get3A_568, %get3A_569] {strides = array<i32>} : memref<16x128xi32, #tpu.memory_space<vmem>>, vector<16xi32>,
        tpu.vector_store_idx %arg10[%get3A_570], %broadcast_in_dim3A_7 {add = true} : memref<10112xf32, #tpu.memory_space<vmem>>[vector<16xi32>], vector<16xf32>,
      }
      %scan3A_326 = arith.constant 8 : i32
      %dma_wait3A_327 = arith.constant 8 : i32
      %dma_wait3A_328 = arith.constant 0 : i32
      %dma_wait3A_329 = tpu.memref_slice %arg7[%dma_wait3A_327, %dma_wait3A_328] : memref<16x128xi32, #tpu.memory_space<vmem>> -> memref<1x128xi32, #tpu.memory_space<vmem>>
      %dma_wait3A_330 = tpu.memref_squeeze %dma_wait3A_329 : memref<1x128xi32, #tpu.memory_space<vmem>> -> memref<128xi32, #tpu.memory_space<vmem>>
      %dma_wait3A_331 = arith.constant 0 : i32
      %dma_wait3A_332 = arith.constant 0 : i32
      %dma_wait3A_333 = tpu.memref_slice %arg11[%dma_wait3A_331, %dma_wait3A_332] : memref<10112x128xf32, #tpu.memory_space<vmem_shared>> -> memref<10112x128xf32, #tpu.memory_space<vmem_shared>>
      tpu.wait_indirect_dma semaphore(%arg14 : memref<!tpu.dma_semaphore, #tpu.memory_space<semaphore_mem>>) src(%arg8 : memref<128x128xf32, #tpu.memory_space<vmem>>) dst(%dma_wait3A_333 : memref<10112x128xf32, #tpu.memory_space<vmem_shared>>)
      %add3A_334 = arith.constant 9 : i32
      %add3A_335 = arith.addi %mul3A_24, %add3A_334 : i32
      %add3A_336 = arith.constant 1 : i32
      %add3A_337 = arith.addi %add3A_335, %add3A_336 : i32
      %mul3A_338 = arith.constant 128 : i32
      %mul3A_339 = arith.muli %add3A_337, %mul3A_338 : i32
      %add3A_340 = arith.addi %mul3A_9, %mul3A_339 : i32
      %dma_start3A_341 = arith.constant 0 : i32
      %dma_start3A_342 = tpu.memref_slice %arg2[%add3A_340, %dma_start3A_341] : memref<327680x128xf32, #tpu.memory_space<hbm>> -> memref<128x128xf32, #tpu.memory_space<hbm>>
      %dma_start3A_343 = arith.constant 0 : i32
      %dma_start3A_344 = tpu.memref_slice %arg2[%add3A_340, %dma_start3A_343] : memref<327680x128xf32, #tpu.memory_space<hbm>> -> memref<128x128xf32, #tpu.memory_space<hbm>>
      tpu.enqueue_dma source(%dma_start3A_344 : memref<128x128xf32, #tpu.memory_space<hbm>>) target(%arg8 : memref<128x128xf32, #tpu.memory_space<vmem>>) target_semaphore(%arg12 : memref<!tpu.dma_semaphore, #tpu.memory_space<semaphore_mem>>)
      %dma_wait3A_345 = arith.constant 0 : i32
      %dma_wait3A_346 = tpu.memref_slice %arg2[%add3A_306, %dma_wait3A_345] : memref<327680x128xf32, #tpu.memory_space<hbm>> -> memref<128x128xf32, #tpu.memory_space<hbm>>
      %dma_wait3A_347 = arith.constant 0 : i32
      %dma_wait3A_348 = tpu.memref_slice %arg2[%add3A_306, %dma_wait3A_347] : memref<327680x128xf32, #tpu.memory_space<hbm>> -> memref<128x128xf32, #tpu.memory_space<hbm>>
      tpu.wait_dma2 semaphore(%arg13 : memref<!tpu.dma_semaphore, #tpu.memory_space<semaphore_mem>>) src(%dma_wait3A_348 : memref<128x128xf32, #tpu.memory_space<hbm>>) dst(%arg9 : memref<128x128xf32, #tpu.memory_space<vmem>>)
      %dma_start3A_349 = arith.constant 9 : i32
      %dma_start3A_350 = arith.constant 0 : i32
      %dma_start3A_351 = tpu.memref_slice %arg7[%dma_start3A_349, %dma_start3A_350] : memref<16x128xi32, #tpu.memory_space<vmem>> -> memref<1x128xi32, #tpu.memory_space<vmem>>
      %dma_start3A_352 = tpu.memref_squeeze %dma_start3A_351 : memref<1x128xi32, #tpu.memory_space<vmem>> -> memref<128xi32, #tpu.memory_space<vmem>>
      %dma_start3A_353 = arith.constant 0 : i32
      %dma_start3A_354 = arith.constant 0 : i32
      %dma_start3A_355 = tpu.memref_slice %arg11[%dma_start3A_353, %dma_start3A_354] : memref<10112x128xf32, #tpu.memory_space<vmem_shared>> -> memref<10112x128xf32, #tpu.memory_space<vmem_shared>>
      tpu.enqueue_indirect_dma source(%arg9 : memref<128x128xf32, #tpu.memory_space<vmem>>) target(%dma_start3A_355 : memref<10112x128xf32, #tpu.memory_space<vmem_shared>>) offsets(%dma_start3A_352 : memref<128xi32, #tpu.memory_space<vmem>>) semaphore(%arg15 : memref<!tpu.dma_semaphore, #tpu.memory_space<semaphore_mem>>) {add = true}
      %scan3A_356 = arith.constant 0 : i32
      %scan3A_357 = arith.constant 8 : i32
      %scan3A_358 = arith.addi %scan3A_356, %scan3A_357 : i32
      %scan3A_359 = arith.constant 1 : i32
      scf.for %scan3A_561 = %scan3A_356 to %scan3A_358 step %scan3A_359  : i32 {
        %mul3A_562 = arith.constant 1 : i32
        %mul3A_563 = arith.muli %scan3A_561, %mul3A_562 : i32
        %add3A_564 = arith.constant 0 : i32
        %add3A_565 = arith.addi %add3A_564, %mul3A_563 : i32
        %mul3A_566 = arith.constant 16 : i32
        %mul3A_567 = arith.muli %add3A_565, %mul3A_566 : i32
        %get3A = arith.constant 9 : i32
        %get3A_568 = arith.index_cast %get3A : i32 to index
        %get3A_569 = arith.index_cast %mul3A_567 : i32 to index
        %get3A_570 = tpu.vector_load %arg7[%get3A_568, %get3A_569] {strides = array<i32>} : memref<16x128xi32, #tpu.memory_space<vmem>>, vector<16xi32>,
        tpu.vector_store_idx %arg10[%get3A_570], %broadcast_in_dim3A_7 {add = true} : memref<10112xf32, #tpu.memory_space<vmem>>[vector<16xi32>], vector<16xf32>,
      }
      %scan3A_360 = arith.constant 8 : i32
      %dma_wait3A_361 = arith.constant 9 : i32
      %dma_wait3A_362 = arith.constant 0 : i32
      %dma_wait3A_363 = tpu.memref_slice %arg7[%dma_wait3A_361, %dma_wait3A_362] : memref<16x128xi32, #tpu.memory_space<vmem>> -> memref<1x128xi32, #tpu.memory_space<vmem>>
      %dma_wait3A_364 = tpu.memref_squeeze %dma_wait3A_363 : memref<1x128xi32, #tpu.memory_space<vmem>> -> memref<128xi32, #tpu.memory_space<vmem>>
      %dma_wait3A_365 = arith.constant 0 : i32
      %dma_wait3A_366 = arith.constant 0 : i32
      %dma_wait3A_367 = tpu.memref_slice %arg11[%dma_wait3A_365, %dma_wait3A_366] : memref<10112x128xf32, #tpu.memory_space<vmem_shared>> -> memref<10112x128xf32, #tpu.memory_space<vmem_shared>>
      tpu.wait_indirect_dma semaphore(%arg15 : memref<!tpu.dma_semaphore, #tpu.memory_space<semaphore_mem>>) src(%arg9 : memref<128x128xf32, #tpu.memory_space<vmem>>) dst(%dma_wait3A_367 : memref<10112x128xf32, #tpu.memory_space<vmem_shared>>)
      %add3A_368 = arith.constant 10 : i32
      %add3A_369 = arith.addi %mul3A_24, %add3A_368 : i32
      %add3A_370 = arith.constant 1 : i32
      %add3A_371 = arith.addi %add3A_369, %add3A_370 : i32
      %mul3A_372 = arith.constant 128 : i32
      %mul3A_373 = arith.muli %add3A_371, %mul3A_372 : i32
      %add3A_374 = arith.addi %mul3A_9, %mul3A_373 : i32
      %dma_start3A_375 = arith.constant 0 : i32
      %dma_start3A_376 = tpu.memref_slice %arg2[%add3A_374, %dma_start3A_375] : memref<327680x128xf32, #tpu.memory_space<hbm>> -> memref<128x128xf32, #tpu.memory_space<hbm>>
      %dma_start3A_377 = arith.constant 0 : i32
      %dma_start3A_378 = tpu.memref_slice %arg2[%add3A_374, %dma_start3A_377] : memref<327680x128xf32, #tpu.memory_space<hbm>> -> memref<128x128xf32, #tpu.memory_space<hbm>>
      tpu.enqueue_dma source(%dma_start3A_378 : memref<128x128xf32, #tpu.memory_space<hbm>>) target(%arg9 : memref<128x128xf32, #tpu.memory_space<vmem>>) target_semaphore(%arg13 : memref<!tpu.dma_semaphore, #tpu.memory_space<semaphore_mem>>)
      %dma_wait3A_379 = arith.constant 0 : i32
      %dma_wait3A_380 = tpu.memref_slice %arg2[%add3A_340, %dma_wait3A_379] : memref<327680x128xf32, #tpu.memory_space<hbm>> -> memref<128x128xf32, #tpu.memory_space<hbm>>
      %dma_wait3A_381 = arith.constant 0 : i32
      %dma_wait3A_382 = tpu.memref_slice %arg2[%add3A_340, %dma_wait3A_381] : memref<327680x128xf32, #tpu.memory_space<hbm>> -> memref<128x128xf32, #tpu.memory_space<hbm>>
      tpu.wait_dma2 semaphore(%arg12 : memref<!tpu.dma_semaphore, #tpu.memory_space<semaphore_mem>>) src(%dma_wait3A_382 : memref<128x128xf32, #tpu.memory_space<hbm>>) dst(%arg8 : memref<128x128xf32, #tpu.memory_space<vmem>>)
      %dma_start3A_383 = arith.constant 10 : i32
      %dma_start3A_384 = arith.constant 0 : i32
      %dma_start3A_385 = tpu.memref_slice %arg7[%dma_start3A_383, %dma_start3A_384] : memref<16x128xi32, #tpu.memory_space<vmem>> -> memref<1x128xi32, #tpu.memory_space<vmem>>
      %dma_start3A_386 = tpu.memref_squeeze %dma_start3A_385 : memref<1x128xi32, #tpu.memory_space<vmem>> -> memref<128xi32, #tpu.memory_space<vmem>>
      %dma_start3A_387 = arith.constant 0 : i32
      %dma_start3A_388 = arith.constant 0 : i32
      %dma_start3A_389 = tpu.memref_slice %arg11[%dma_start3A_387, %dma_start3A_388] : memref<10112x128xf32, #tpu.memory_space<vmem_shared>> -> memref<10112x128xf32, #tpu.memory_space<vmem_shared>>
      tpu.enqueue_indirect_dma source(%arg8 : memref<128x128xf32, #tpu.memory_space<vmem>>) target(%dma_start3A_389 : memref<10112x128xf32, #tpu.memory_space<vmem_shared>>) offsets(%dma_start3A_386 : memref<128xi32, #tpu.memory_space<vmem>>) semaphore(%arg14 : memref<!tpu.dma_semaphore, #tpu.memory_space<semaphore_mem>>) {add = true}
      %scan3A_390 = arith.constant 0 : i32
      %scan3A_391 = arith.constant 8 : i32
      %scan3A_392 = arith.addi %scan3A_390, %scan3A_391 : i32
      %scan3A_393 = arith.constant 1 : i32
      scf.for %scan3A_561 = %scan3A_390 to %scan3A_392 step %scan3A_393  : i32 {
        %mul3A_562 = arith.constant 1 : i32
        %mul3A_563 = arith.muli %scan3A_561, %mul3A_562 : i32
        %add3A_564 = arith.constant 0 : i32
        %add3A_565 = arith.addi %add3A_564, %mul3A_563 : i32
        %mul3A_566 = arith.constant 16 : i32
        %mul3A_567 = arith.muli %add3A_565, %mul3A_566 : i32
        %get3A = arith.constant 10 : i32
        %get3A_568 = arith.index_cast %get3A : i32 to index
        %get3A_569 = arith.index_cast %mul3A_567 : i32 to index
        %get3A_570 = tpu.vector_load %arg7[%get3A_568, %get3A_569] {strides = array<i32>} : memref<16x128xi32, #tpu.memory_space<vmem>>, vector<16xi32>,
        tpu.vector_store_idx %arg10[%get3A_570], %broadcast_in_dim3A_7 {add = true} : memref<10112xf32, #tpu.memory_space<vmem>>[vector<16xi32>], vector<16xf32>,
      }
      %scan3A_394 = arith.constant 8 : i32
      %dma_wait3A_395 = arith.constant 10 : i32
      %dma_wait3A_396 = arith.constant 0 : i32
      %dma_wait3A_397 = tpu.memref_slice %arg7[%dma_wait3A_395, %dma_wait3A_396] : memref<16x128xi32, #tpu.memory_space<vmem>> -> memref<1x128xi32, #tpu.memory_space<vmem>>
      %dma_wait3A_398 = tpu.memref_squeeze %dma_wait3A_397 : memref<1x128xi32, #tpu.memory_space<vmem>> -> memref<128xi32, #tpu.memory_space<vmem>>
      %dma_wait3A_399 = arith.constant 0 : i32
      %dma_wait3A_400 = arith.constant 0 : i32
      %dma_wait3A_401 = tpu.memref_slice %arg11[%dma_wait3A_399, %dma_wait3A_400] : memref<10112x128xf32, #tpu.memory_space<vmem_shared>> -> memref<10112x128xf32, #tpu.memory_space<vmem_shared>>
      tpu.wait_indirect_dma semaphore(%arg14 : memref<!tpu.dma_semaphore, #tpu.memory_space<semaphore_mem>>) src(%arg8 : memref<128x128xf32, #tpu.memory_space<vmem>>) dst(%dma_wait3A_401 : memref<10112x128xf32, #tpu.memory_space<vmem_shared>>)
      %add3A_402 = arith.constant 11 : i32
      %add3A_403 = arith.addi %mul3A_24, %add3A_402 : i32
      %add3A_404 = arith.constant 1 : i32
      %add3A_405 = arith.addi %add3A_403, %add3A_404 : i32
      %mul3A_406 = arith.constant 128 : i32
      %mul3A_407 = arith.muli %add3A_405, %mul3A_406 : i32
      %add3A_408 = arith.addi %mul3A_9, %mul3A_407 : i32
      %dma_start3A_409 = arith.constant 0 : i32
      %dma_start3A_410 = tpu.memref_slice %arg2[%add3A_408, %dma_start3A_409] : memref<327680x128xf32, #tpu.memory_space<hbm>> -> memref<128x128xf32, #tpu.memory_space<hbm>>
      %dma_start3A_411 = arith.constant 0 : i32
      %dma_start3A_412 = tpu.memref_slice %arg2[%add3A_408, %dma_start3A_411] : memref<327680x128xf32, #tpu.memory_space<hbm>> -> memref<128x128xf32, #tpu.memory_space<hbm>>
      tpu.enqueue_dma source(%dma_start3A_412 : memref<128x128xf32, #tpu.memory_space<hbm>>) target(%arg8 : memref<128x128xf32, #tpu.memory_space<vmem>>) target_semaphore(%arg12 : memref<!tpu.dma_semaphore, #tpu.memory_space<semaphore_mem>>)
      %dma_wait3A_413 = arith.constant 0 : i32
      %dma_wait3A_414 = tpu.memref_slice %arg2[%add3A_374, %dma_wait3A_413] : memref<327680x128xf32, #tpu.memory_space<hbm>> -> memref<128x128xf32, #tpu.memory_space<hbm>>
      %dma_wait3A_415 = arith.constant 0 : i32
      %dma_wait3A_416 = tpu.memref_slice %arg2[%add3A_374, %dma_wait3A_415] : memref<327680x128xf32, #tpu.memory_space<hbm>> -> memref<128x128xf32, #tpu.memory_space<hbm>>
      tpu.wait_dma2 semaphore(%arg13 : memref<!tpu.dma_semaphore, #tpu.memory_space<semaphore_mem>>) src(%dma_wait3A_416 : memref<128x128xf32, #tpu.memory_space<hbm>>) dst(%arg9 : memref<128x128xf32, #tpu.memory_space<vmem>>)
      %dma_start3A_417 = arith.constant 11 : i32
      %dma_start3A_418 = arith.constant 0 : i32
      %dma_start3A_419 = tpu.memref_slice %arg7[%dma_start3A_417, %dma_start3A_418] : memref<16x128xi32, #tpu.memory_space<vmem>> -> memref<1x128xi32, #tpu.memory_space<vmem>>
      %dma_start3A_420 = tpu.memref_squeeze %dma_start3A_419 : memref<1x128xi32, #tpu.memory_space<vmem>> -> memref<128xi32, #tpu.memory_space<vmem>>
      %dma_start3A_421 = arith.constant 0 : i32
      %dma_start3A_422 = arith.constant 0 : i32
      %dma_start3A_423 = tpu.memref_slice %arg11[%dma_start3A_421, %dma_start3A_422] : memref<10112x128xf32, #tpu.memory_space<vmem_shared>> -> memref<10112x128xf32, #tpu.memory_space<vmem_shared>>
      tpu.enqueue_indirect_dma source(%arg9 : memref<128x128xf32, #tpu.memory_space<vmem>>) target(%dma_start3A_423 : memref<10112x128xf32, #tpu.memory_space<vmem_shared>>) offsets(%dma_start3A_420 : memref<128xi32, #tpu.memory_space<vmem>>) semaphore(%arg15 : memref<!tpu.dma_semaphore, #tpu.memory_space<semaphore_mem>>) {add = true}
      %scan3A_424 = arith.constant 0 : i32
      %scan3A_425 = arith.constant 8 : i32
      %scan3A_426 = arith.addi %scan3A_424, %scan3A_425 : i32
      %scan3A_427 = arith.constant 1 : i32
      scf.for %scan3A_561 = %scan3A_424 to %scan3A_426 step %scan3A_427  : i32 {
        %mul3A_562 = arith.constant 1 : i32
        %mul3A_563 = arith.muli %scan3A_561, %mul3A_562 : i32
        %add3A_564 = arith.constant 0 : i32
        %add3A_565 = arith.addi %add3A_564, %mul3A_563 : i32
        %mul3A_566 = arith.constant 16 : i32
        %mul3A_567 = arith.muli %add3A_565, %mul3A_566 : i32
        %get3A = arith.constant 11 : i32
        %get3A_568 = arith.index_cast %get3A : i32 to index
        %get3A_569 = arith.index_cast %mul3A_567 : i32 to index
        %get3A_570 = tpu.vector_load %arg7[%get3A_568, %get3A_569] {strides = array<i32>} : memref<16x128xi32, #tpu.memory_space<vmem>>, vector<16xi32>,
        tpu.vector_store_idx %arg10[%get3A_570], %broadcast_in_dim3A_7 {add = true} : memref<10112xf32, #tpu.memory_space<vmem>>[vector<16xi32>], vector<16xf32>,
      }
      %scan3A_428 = arith.constant 8 : i32
      %dma_wait3A_429 = arith.constant 11 : i32
      %dma_wait3A_430 = arith.constant 0 : i32
      %dma_wait3A_431 = tpu.memref_slice %arg7[%dma_wait3A_429, %dma_wait3A_430] : memref<16x128xi32, #tpu.memory_space<vmem>> -> memref<1x128xi32, #tpu.memory_space<vmem>>
      %dma_wait3A_432 = tpu.memref_squeeze %dma_wait3A_431 : memref<1x128xi32, #tpu.memory_space<vmem>> -> memref<128xi32, #tpu.memory_space<vmem>>
      %dma_wait3A_433 = arith.constant 0 : i32
      %dma_wait3A_434 = arith.constant 0 : i32
      %dma_wait3A_435 = tpu.memref_slice %arg11[%dma_wait3A_433, %dma_wait3A_434] : memref<10112x128xf32, #tpu.memory_space<vmem_shared>> -> memref<10112x128xf32, #tpu.memory_space<vmem_shared>>
      tpu.wait_indirect_dma semaphore(%arg15 : memref<!tpu.dma_semaphore, #tpu.memory_space<semaphore_mem>>) src(%arg9 : memref<128x128xf32, #tpu.memory_space<vmem>>) dst(%dma_wait3A_435 : memref<10112x128xf32, #tpu.memory_space<vmem_shared>>)
      %add3A_436 = arith.constant 12 : i32
      %add3A_437 = arith.addi %mul3A_24, %add3A_436 : i32
      %add3A_438 = arith.constant 1 : i32
      %add3A_439 = arith.addi %add3A_437, %add3A_438 : i32
      %mul3A_440 = arith.constant 128 : i32
      %mul3A_441 = arith.muli %add3A_439, %mul3A_440 : i32
      %add3A_442 = arith.addi %mul3A_9, %mul3A_441 : i32
      %dma_start3A_443 = arith.constant 0 : i32
      %dma_start3A_444 = tpu.memref_slice %arg2[%add3A_442, %dma_start3A_443] : memref<327680x128xf32, #tpu.memory_space<hbm>> -> memref<128x128xf32, #tpu.memory_space<hbm>>
      %dma_start3A_445 = arith.constant 0 : i32
      %dma_start3A_446 = tpu.memref_slice %arg2[%add3A_442, %dma_start3A_445] : memref<327680x128xf32, #tpu.memory_space<hbm>> -> memref<128x128xf32, #tpu.memory_space<hbm>>
      tpu.enqueue_dma source(%dma_start3A_446 : memref<128x128xf32, #tpu.memory_space<hbm>>) target(%arg9 : memref<128x128xf32, #tpu.memory_space<vmem>>) target_semaphore(%arg13 : memref<!tpu.dma_semaphore, #tpu.memory_space<semaphore_mem>>)
      %dma_wait3A_447 = arith.constant 0 : i32
      %dma_wait3A_448 = tpu.memref_slice %arg2[%add3A_408, %dma_wait3A_447] : memref<327680x128xf32, #tpu.memory_space<hbm>> -> memref<128x128xf32, #tpu.memory_space<hbm>>
      %dma_wait3A_449 = arith.constant 0 : i32
      %dma_wait3A_450 = tpu.memref_slice %arg2[%add3A_408, %dma_wait3A_449] : memref<327680x128xf32, #tpu.memory_space<hbm>> -> memref<128x128xf32, #tpu.memory_space<hbm>>
      tpu.wait_dma2 semaphore(%arg12 : memref<!tpu.dma_semaphore, #tpu.memory_space<semaphore_mem>>) src(%dma_wait3A_450 : memref<128x128xf32, #tpu.memory_space<hbm>>) dst(%arg8 : memref<128x128xf32, #tpu.memory_space<vmem>>)
      %dma_start3A_451 = arith.constant 12 : i32
      %dma_start3A_452 = arith.constant 0 : i32
      %dma_start3A_453 = tpu.memref_slice %arg7[%dma_start3A_451, %dma_start3A_452] : memref<16x128xi32, #tpu.memory_space<vmem>> -> memref<1x128xi32, #tpu.memory_space<vmem>>
      %dma_start3A_454 = tpu.memref_squeeze %dma_start3A_453 : memref<1x128xi32, #tpu.memory_space<vmem>> -> memref<128xi32, #tpu.memory_space<vmem>>
      %dma_start3A_455 = arith.constant 0 : i32
      %dma_start3A_456 = arith.constant 0 : i32
      %dma_start3A_457 = tpu.memref_slice %arg11[%dma_start3A_455, %dma_start3A_456] : memref<10112x128xf32, #tpu.memory_space<vmem_shared>> -> memref<10112x128xf32, #tpu.memory_space<vmem_shared>>
      tpu.enqueue_indirect_dma source(%arg8 : memref<128x128xf32, #tpu.memory_space<vmem>>) target(%dma_start3A_457 : memref<10112x128xf32, #tpu.memory_space<vmem_shared>>) offsets(%dma_start3A_454 : memref<128xi32, #tpu.memory_space<vmem>>) semaphore(%arg14 : memref<!tpu.dma_semaphore, #tpu.memory_space<semaphore_mem>>) {add = true}
      %scan3A_458 = arith.constant 0 : i32
      %scan3A_459 = arith.constant 8 : i32
      %scan3A_460 = arith.addi %scan3A_458, %scan3A_459 : i32
      %scan3A_461 = arith.constant 1 : i32
      scf.for %scan3A_561 = %scan3A_458 to %scan3A_460 step %scan3A_461  : i32 {
        %mul3A_562 = arith.constant 1 : i32
        %mul3A_563 = arith.muli %scan3A_561, %mul3A_562 : i32
        %add3A_564 = arith.constant 0 : i32
        %add3A_565 = arith.addi %add3A_564, %mul3A_563 : i32
        %mul3A_566 = arith.constant 16 : i32
        %mul3A_567 = arith.muli %add3A_565, %mul3A_566 : i32
        %get3A = arith.constant 12 : i32
        %get3A_568 = arith.index_cast %get3A : i32 to index
        %get3A_569 = arith.index_cast %mul3A_567 : i32 to index
        %get3A_570 = tpu.vector_load %arg7[%get3A_568, %get3A_569] {strides = array<i32>} : memref<16x128xi32, #tpu.memory_space<vmem>>, vector<16xi32>,
        tpu.vector_store_idx %arg10[%get3A_570], %broadcast_in_dim3A_7 {add = true} : memref<10112xf32, #tpu.memory_space<vmem>>[vector<16xi32>], vector<16xf32>,
      }
      %scan3A_462 = arith.constant 8 : i32
      %dma_wait3A_463 = arith.constant 12 : i32
      %dma_wait3A_464 = arith.constant 0 : i32
      %dma_wait3A_465 = tpu.memref_slice %arg7[%dma_wait3A_463, %dma_wait3A_464] : memref<16x128xi32, #tpu.memory_space<vmem>> -> memref<1x128xi32, #tpu.memory_space<vmem>>
      %dma_wait3A_466 = tpu.memref_squeeze %dma_wait3A_465 : memref<1x128xi32, #tpu.memory_space<vmem>> -> memref<128xi32, #tpu.memory_space<vmem>>
      %dma_wait3A_467 = arith.constant 0 : i32
      %dma_wait3A_468 = arith.constant 0 : i32
      %dma_wait3A_469 = tpu.memref_slice %arg11[%dma_wait3A_467, %dma_wait3A_468] : memref<10112x128xf32, #tpu.memory_space<vmem_shared>> -> memref<10112x128xf32, #tpu.memory_space<vmem_shared>>
      tpu.wait_indirect_dma semaphore(%arg14 : memref<!tpu.dma_semaphore, #tpu.memory_space<semaphore_mem>>) src(%arg8 : memref<128x128xf32, #tpu.memory_space<vmem>>) dst(%dma_wait3A_469 : memref<10112x128xf32, #tpu.memory_space<vmem_shared>>)
      %add3A_470 = arith.constant 13 : i32
      %add3A_471 = arith.addi %mul3A_24, %add3A_470 : i32
      %add3A_472 = arith.constant 1 : i32
      %add3A_473 = arith.addi %add3A_471, %add3A_472 : i32
      %mul3A_474 = arith.constant 128 : i32
      %mul3A_475 = arith.muli %add3A_473, %mul3A_474 : i32
      %add3A_476 = arith.addi %mul3A_9, %mul3A_475 : i32
      %dma_start3A_477 = arith.constant 0 : i32
      %dma_start3A_478 = tpu.memref_slice %arg2[%add3A_476, %dma_start3A_477] : memref<327680x128xf32, #tpu.memory_space<hbm>> -> memref<128x128xf32, #tpu.memory_space<hbm>>
      %dma_start3A_479 = arith.constant 0 : i32
      %dma_start3A_480 = tpu.memref_slice %arg2[%add3A_476, %dma_start3A_479] : memref<327680x128xf32, #tpu.memory_space<hbm>> -> memref<128x128xf32, #tpu.memory_space<hbm>>
      tpu.enqueue_dma source(%dma_start3A_480 : memref<128x128xf32, #tpu.memory_space<hbm>>) target(%arg8 : memref<128x128xf32, #tpu.memory_space<vmem>>) target_semaphore(%arg12 : memref<!tpu.dma_semaphore, #tpu.memory_space<semaphore_mem>>)
      %dma_wait3A_481 = arith.constant 0 : i32
      %dma_wait3A_482 = tpu.memref_slice %arg2[%add3A_442, %dma_wait3A_481] : memref<327680x128xf32, #tpu.memory_space<hbm>> -> memref<128x128xf32, #tpu.memory_space<hbm>>
      %dma_wait3A_483 = arith.constant 0 : i32
      %dma_wait3A_484 = tpu.memref_slice %arg2[%add3A_442, %dma_wait3A_483] : memref<327680x128xf32, #tpu.memory_space<hbm>> -> memref<128x128xf32, #tpu.memory_space<hbm>>
      tpu.wait_dma2 semaphore(%arg13 : memref<!tpu.dma_semaphore, #tpu.memory_space<semaphore_mem>>) src(%dma_wait3A_484 : memref<128x128xf32, #tpu.memory_space<hbm>>) dst(%arg9 : memref<128x128xf32, #tpu.memory_space<vmem>>)
      %dma_start3A_485 = arith.constant 13 : i32
      %dma_start3A_486 = arith.constant 0 : i32
      %dma_start3A_487 = tpu.memref_slice %arg7[%dma_start3A_485, %dma_start3A_486] : memref<16x128xi32, #tpu.memory_space<vmem>> -> memref<1x128xi32, #tpu.memory_space<vmem>>
      %dma_start3A_488 = tpu.memref_squeeze %dma_start3A_487 : memref<1x128xi32, #tpu.memory_space<vmem>> -> memref<128xi32, #tpu.memory_space<vmem>>
      %dma_start3A_489 = arith.constant 0 : i32
      %dma_start3A_490 = arith.constant 0 : i32
      %dma_start3A_491 = tpu.memref_slice %arg11[%dma_start3A_489, %dma_start3A_490] : memref<10112x128xf32, #tpu.memory_space<vmem_shared>> -> memref<10112x128xf32, #tpu.memory_space<vmem_shared>>
      tpu.enqueue_indirect_dma source(%arg9 : memref<128x128xf32, #tpu.memory_space<vmem>>) target(%dma_start3A_491 : memref<10112x128xf32, #tpu.memory_space<vmem_shared>>) offsets(%dma_start3A_488 : memref<128xi32, #tpu.memory_space<vmem>>) semaphore(%arg15 : memref<!tpu.dma_semaphore, #tpu.memory_space<semaphore_mem>>) {add = true}
      %scan3A_492 = arith.constant 0 : i32
      %scan3A_493 = arith.constant 8 : i32
      %scan3A_494 = arith.addi %scan3A_492, %scan3A_493 : i32
      %scan3A_495 = arith.constant 1 : i32
      scf.for %scan3A_561 = %scan3A_492 to %scan3A_494 step %scan3A_495  : i32 {
        %mul3A_562 = arith.constant 1 : i32
        %mul3A_563 = arith.muli %scan3A_561, %mul3A_562 : i32
        %add3A_564 = arith.constant 0 : i32
        %add3A_565 = arith.addi %add3A_564, %mul3A_563 : i32
        %mul3A_566 = arith.constant 16 : i32
        %mul3A_567 = arith.muli %add3A_565, %mul3A_566 : i32
        %get3A = arith.constant 13 : i32
        %get3A_568 = arith.index_cast %get3A : i32 to index
        %get3A_569 = arith.index_cast %mul3A_567 : i32 to index
        %get3A_570 = tpu.vector_load %arg7[%get3A_568, %get3A_569] {strides = array<i32>} : memref<16x128xi32, #tpu.memory_space<vmem>>, vector<16xi32>,
        tpu.vector_store_idx %arg10[%get3A_570], %broadcast_in_dim3A_7 {add = true} : memref<10112xf32, #tpu.memory_space<vmem>>[vector<16xi32>], vector<16xf32>,
      }
      %scan3A_496 = arith.constant 8 : i32
      %dma_wait3A_497 = arith.constant 13 : i32
      %dma_wait3A_498 = arith.constant 0 : i32
      %dma_wait3A_499 = tpu.memref_slice %arg7[%dma_wait3A_497, %dma_wait3A_498] : memref<16x128xi32, #tpu.memory_space<vmem>> -> memref<1x128xi32, #tpu.memory_space<vmem>>
      %dma_wait3A_500 = tpu.memref_squeeze %dma_wait3A_499 : memref<1x128xi32, #tpu.memory_space<vmem>> -> memref<128xi32, #tpu.memory_space<vmem>>
      %dma_wait3A_501 = arith.constant 0 : i32
      %dma_wait3A_502 = arith.constant 0 : i32
      %dma_wait3A_503 = tpu.memref_slice %arg11[%dma_wait3A_501, %dma_wait3A_502] : memref<10112x128xf32, #tpu.memory_space<vmem_shared>> -> memref<10112x128xf32, #tpu.memory_space<vmem_shared>>
      tpu.wait_indirect_dma semaphore(%arg15 : memref<!tpu.dma_semaphore, #tpu.memory_space<semaphore_mem>>) src(%arg9 : memref<128x128xf32, #tpu.memory_space<vmem>>) dst(%dma_wait3A_503 : memref<10112x128xf32, #tpu.memory_space<vmem_shared>>)
      %add3A_504 = arith.constant 14 : i32
      %add3A_505 = arith.addi %mul3A_24, %add3A_504 : i32
      %add3A_506 = arith.constant 1 : i32
      %add3A_507 = arith.addi %add3A_505, %add3A_506 : i32
      %mul3A_508 = arith.constant 128 : i32
      %mul3A_509 = arith.muli %add3A_507, %mul3A_508 : i32
      %add3A_510 = arith.addi %mul3A_9, %mul3A_509 : i32
      %dma_start3A_511 = arith.constant 0 : i32
      %dma_start3A_512 = tpu.memref_slice %arg2[%add3A_510, %dma_start3A_511] : memref<327680x128xf32, #tpu.memory_space<hbm>> -> memref<128x128xf32, #tpu.memory_space<hbm>>
      %dma_start3A_513 = arith.constant 0 : i32
      %dma_start3A_514 = tpu.memref_slice %arg2[%add3A_510, %dma_start3A_513] : memref<327680x128xf32, #tpu.memory_space<hbm>> -> memref<128x128xf32, #tpu.memory_space<hbm>>
      tpu.enqueue_dma source(%dma_start3A_514 : memref<128x128xf32, #tpu.memory_space<hbm>>) target(%arg9 : memref<128x128xf32, #tpu.memory_space<vmem>>) target_semaphore(%arg13 : memref<!tpu.dma_semaphore, #tpu.memory_space<semaphore_mem>>)
      %dma_wait3A_515 = arith.constant 0 : i32
      %dma_wait3A_516 = tpu.memref_slice %arg2[%add3A_476, %dma_wait3A_515] : memref<327680x128xf32, #tpu.memory_space<hbm>> -> memref<128x128xf32, #tpu.memory_space<hbm>>
      %dma_wait3A_517 = arith.constant 0 : i32
      %dma_wait3A_518 = tpu.memref_slice %arg2[%add3A_476, %dma_wait3A_517] : memref<327680x128xf32, #tpu.memory_space<hbm>> -> memref<128x128xf32, #tpu.memory_space<hbm>>
      tpu.wait_dma2 semaphore(%arg12 : memref<!tpu.dma_semaphore, #tpu.memory_space<semaphore_mem>>) src(%dma_wait3A_518 : memref<128x128xf32, #tpu.memory_space<hbm>>) dst(%arg8 : memref<128x128xf32, #tpu.memory_space<vmem>>)
      %dma_start3A_519 = arith.constant 14 : i32
      %dma_start3A_520 = arith.constant 0 : i32
      %dma_start3A_521 = tpu.memref_slice %arg7[%dma_start3A_519, %dma_start3A_520] : memref<16x128xi32, #tpu.memory_space<vmem>> -> memref<1x128xi32, #tpu.memory_space<vmem>>
      %dma_start3A_522 = tpu.memref_squeeze %dma_start3A_521 : memref<1x128xi32, #tpu.memory_space<vmem>> -> memref<128xi32, #tpu.memory_space<vmem>>
      %dma_start3A_523 = arith.constant 0 : i32
      %dma_start3A_524 = arith.constant 0 : i32
      %dma_start3A_525 = tpu.memref_slice %arg11[%dma_start3A_523, %dma_start3A_524] : memref<10112x128xf32, #tpu.memory_space<vmem_shared>> -> memref<10112x128xf32, #tpu.memory_space<vmem_shared>>
      tpu.enqueue_indirect_dma source(%arg8 : memref<128x128xf32, #tpu.memory_space<vmem>>) target(%dma_start3A_525 : memref<10112x128xf32, #tpu.memory_space<vmem_shared>>) offsets(%dma_start3A_522 : memref<128xi32, #tpu.memory_space<vmem>>) semaphore(%arg14 : memref<!tpu.dma_semaphore, #tpu.memory_space<semaphore_mem>>) {add = true}
      %scan3A_526 = arith.constant 0 : i32
      %scan3A_527 = arith.constant 8 : i32
      %scan3A_528 = arith.addi %scan3A_526, %scan3A_527 : i32
      %scan3A_529 = arith.constant 1 : i32
      scf.for %scan3A_561 = %scan3A_526 to %scan3A_528 step %scan3A_529  : i32 {
        %mul3A_562 = arith.constant 1 : i32
        %mul3A_563 = arith.muli %scan3A_561, %mul3A_562 : i32
        %add3A_564 = arith.constant 0 : i32
        %add3A_565 = arith.addi %add3A_564, %mul3A_563 : i32
        %mul3A_566 = arith.constant 16 : i32
        %mul3A_567 = arith.muli %add3A_565, %mul3A_566 : i32
        %get3A = arith.constant 14 : i32
        %get3A_568 = arith.index_cast %get3A : i32 to index
        %get3A_569 = arith.index_cast %mul3A_567 : i32 to index
        %get3A_570 = tpu.vector_load %arg7[%get3A_568, %get3A_569] {strides = array<i32>} : memref<16x128xi32, #tpu.memory_space<vmem>>, vector<16xi32>,
        tpu.vector_store_idx %arg10[%get3A_570], %broadcast_in_dim3A_7 {add = true} : memref<10112xf32, #tpu.memory_space<vmem>>[vector<16xi32>], vector<16xf32>,
      }
      %scan3A_530 = arith.constant 8 : i32
      %dma_wait3A_531 = arith.constant 14 : i32
      %dma_wait3A_532 = arith.constant 0 : i32
      %dma_wait3A_533 = tpu.memref_slice %arg7[%dma_wait3A_531, %dma_wait3A_532] : memref<16x128xi32, #tpu.memory_space<vmem>> -> memref<1x128xi32, #tpu.memory_space<vmem>>
      %dma_wait3A_534 = tpu.memref_squeeze %dma_wait3A_533 : memref<1x128xi32, #tpu.memory_space<vmem>> -> memref<128xi32, #tpu.memory_space<vmem>>
      %dma_wait3A_535 = arith.constant 0 : i32
      %dma_wait3A_536 = arith.constant 0 : i32
      %dma_wait3A_537 = tpu.memref_slice %arg11[%dma_wait3A_535, %dma_wait3A_536] : memref<10112x128xf32, #tpu.memory_space<vmem_shared>> -> memref<10112x128xf32, #tpu.memory_space<vmem_shared>>
      tpu.wait_indirect_dma semaphore(%arg14 : memref<!tpu.dma_semaphore, #tpu.memory_space<semaphore_mem>>) src(%arg8 : memref<128x128xf32, #tpu.memory_space<vmem>>) dst(%dma_wait3A_537 : memref<10112x128xf32, #tpu.memory_space<vmem_shared>>)
      %dma_wait3A_538 = arith.constant 0 : i32
      %dma_wait3A_539 = tpu.memref_slice %arg2[%add3A_510, %dma_wait3A_538] : memref<327680x128xf32, #tpu.memory_space<hbm>> -> memref<128x128xf32, #tpu.memory_space<hbm>>
      %dma_wait3A_540 = arith.constant 0 : i32
      %dma_wait3A_541 = tpu.memref_slice %arg2[%add3A_510, %dma_wait3A_540] : memref<327680x128xf32, #tpu.memory_space<hbm>> -> memref<128x128xf32, #tpu.memory_space<hbm>>
      tpu.wait_dma2 semaphore(%arg13 : memref<!tpu.dma_semaphore, #tpu.memory_space<semaphore_mem>>) src(%dma_wait3A_541 : memref<128x128xf32, #tpu.memory_space<hbm>>) dst(%arg9 : memref<128x128xf32, #tpu.memory_space<vmem>>)
      %dma_start3A_542 = arith.constant 15 : i32
      %dma_start3A_543 = arith.constant 0 : i32
      %dma_start3A_544 = tpu.memref_slice %arg7[%dma_start3A_542, %dma_start3A_543] : memref<16x128xi32, #tpu.memory_space<vmem>> -> memref<1x128xi32, #tpu.memory_space<vmem>>
      %dma_start3A_545 = tpu.memref_squeeze %dma_start3A_544 : memref<1x128xi32, #tpu.memory_space<vmem>> -> memref<128xi32, #tpu.memory_space<vmem>>
      %dma_start3A_546 = arith.constant 0 : i32
      %dma_start3A_547 = arith.constant 0 : i32
      %dma_start3A_548 = tpu.memref_slice %arg11[%dma_start3A_546, %dma_start3A_547] : memref<10112x128xf32, #tpu.memory_space<vmem_shared>> -> memref<10112x128xf32, #tpu.memory_space<vmem_shared>>
      tpu.enqueue_indirect_dma source(%arg9 : memref<128x128xf32, #tpu.memory_space<vmem>>) target(%dma_start3A_548 : memref<10112x128xf32, #tpu.memory_space<vmem_shared>>) offsets(%dma_start3A_545 : memref<128xi32, #tpu.memory_space<vmem>>) semaphore(%arg15 : memref<!tpu.dma_semaphore, #tpu.memory_space<semaphore_mem>>) {add = true}
      %scan3A_549 = arith.constant 0 : i32
      %scan3A_550 = arith.constant 8 : i32
      %scan3A_551 = arith.addi %scan3A_549, %scan3A_550 : i32
      %scan3A_552 = arith.constant 1 : i32
      scf.for %scan3A_561 = %scan3A_549 to %scan3A_551 step %scan3A_552  : i32 {
        %mul3A_562 = arith.constant 1 : i32
        %mul3A_563 = arith.muli %scan3A_561, %mul3A_562 : i32
        %add3A_564 = arith.constant 0 : i32
        %add3A_565 = arith.addi %add3A_564, %mul3A_563 : i32
        %mul3A_566 = arith.constant 16 : i32
        %mul3A_567 = arith.muli %add3A_565, %mul3A_566 : i32
        %get3A = arith.constant 15 : i32
        %get3A_568 = arith.index_cast %get3A : i32 to index
        %get3A_569 = arith.index_cast %mul3A_567 : i32 to index
        %get3A_570 = tpu.vector_load %arg7[%get3A_568, %get3A_569] {strides = array<i32>} : memref<16x128xi32, #tpu.memory_space<vmem>>, vector<16xi32>,
        tpu.vector_store_idx %arg10[%get3A_570], %broadcast_in_dim3A_7 {add = true} : memref<10112xf32, #tpu.memory_space<vmem>>[vector<16xi32>], vector<16xf32>,
      }
      %scan3A_553 = arith.constant 8 : i32
      %dma_wait3A_554 = arith.constant 15 : i32
      %dma_wait3A_555 = arith.constant 0 : i32
      %dma_wait3A_556 = tpu.memref_slice %arg7[%dma_wait3A_554, %dma_wait3A_555] : memref<16x128xi32, #tpu.memory_space<vmem>> -> memref<1x128xi32, #tpu.memory_space<vmem>>
      %dma_wait3A_557 = tpu.memref_squeeze %dma_wait3A_556 : memref<1x128xi32, #tpu.memory_space<vmem>> -> memref<128xi32, #tpu.memory_space<vmem>>
      %dma_wait3A_558 = arith.constant 0 : i32
      %dma_wait3A_559 = arith.constant 0 : i32
      %dma_wait3A_560 = tpu.memref_slice %arg11[%dma_wait3A_558, %dma_wait3A_559] : memref<10112x128xf32, #tpu.memory_space<vmem_shared>> -> memref<10112x128xf32, #tpu.memory_space<vmem_shared>>
      tpu.wait_indirect_dma semaphore(%arg15 : memref<!tpu.dma_semaphore, #tpu.memory_space<semaphore_mem>>) src(%arg9 : memref<128x128xf32, #tpu.memory_space<vmem>>) dst(%dma_wait3A_560 : memref<10112x128xf32, #tpu.memory_space<vmem_shared>>)
    }
    %scan3A_14 = arith.constant 5 : i32
    %barrier3A_15 = arith.constant 0 : index
    tpu.barrier barrier_id(%barrier3A_15)
    "tpu.region"() ({
      %run_scoped3A = tpu.sem_alloc : memref<!tpu.dma_semaphore, #tpu.memory_space<semaphore_mem>>
      %dma_start3A = arith.constant 0 : i32
      %dma_start3A_18 = tpu.memref_slice %arg5[%arg0, %mul3A_2, %dma_start3A] : memref<2x10112x128xf32, #tpu.memory_space<hbm>> -> memref<1x632x128xf32, #tpu.memory_space<hbm>>
      %dma_start3A_19 = tpu.memref_squeeze %dma_start3A_18 : memref<1x632x128xf32, #tpu.memory_space<hbm>> -> memref<632x128xf32, #tpu.memory_space<hbm>>
      %dma_start3A_20 = arith.constant 0 : i32
      %dma_start3A_21 = tpu.memref_slice %arg11[%mul3A_2, %dma_start3A_20] : memref<10112x128xf32, #tpu.memory_space<vmem_shared>> -> memref<632x128xf32, #tpu.memory_space<vmem_shared>>
      tpu.enqueue_dma source(%dma_start3A_21 : memref<632x128xf32, #tpu.memory_space<vmem_shared>>) target(%dma_start3A_19 : memref<632x128xf32, #tpu.memory_space<hbm>>) target_semaphore(%run_scoped3A : memref<!tpu.dma_semaphore, #tpu.memory_space<semaphore_mem>>)
      %dma_wait3A = arith.constant 0 : i32
      %dma_wait3A_22 = tpu.memref_slice %arg5[%arg0, %mul3A_2, %dma_wait3A] : memref<2x10112x128xf32, #tpu.memory_space<hbm>> -> memref<1x632x128xf32, #tpu.memory_space<hbm>>
      %dma_wait3A_23 = tpu.memref_squeeze %dma_wait3A_22 : memref<1x632x128xf32, #tpu.memory_space<hbm>> -> memref<632x128xf32, #tpu.memory_space<hbm>>
      %dma_wait3A_24 = arith.constant 0 : i32
      %dma_wait3A_25 = tpu.memref_slice %arg11[%mul3A_2, %dma_wait3A_24] : memref<10112x128xf32, #tpu.memory_space<vmem_shared>> -> memref<632x128xf32, #tpu.memory_space<vmem_shared>>
      tpu.wait_dma2 semaphore(%run_scoped3A : memref<!tpu.dma_semaphore, #tpu.memory_space<semaphore_mem>>) src(%dma_wait3A_25 : memref<632x128xf32, #tpu.memory_space<vmem_shared>>) dst(%dma_wait3A_23 : memref<632x128xf32, #tpu.memory_space<hbm>>)
      tpu.yield
    }) : () -> ()
    %mul3A_16 = arith.constant 10112 : i32
    %mul3A_17 = arith.muli %add3A, %mul3A_16 : i32
    "tpu.region"() ({
      %run_scoped3A = tpu.sem_alloc : memref<!tpu.dma_semaphore, #tpu.memory_space<semaphore_mem>>
      %dma_start3A = tpu.memref_slice %arg6[%mul3A_17] : memref<323584xf32, #tpu.memory_space<hbm>> -> memref<10112xf32, #tpu.memory_space<hbm>>
      %dma_start3A_18 = tpu.memref_slice %arg6[%mul3A_17] : memref<323584xf32, #tpu.memory_space<hbm>> -> memref<10112xf32, #tpu.memory_space<hbm>>
      tpu.enqueue_dma source(%arg10 : memref<10112xf32, #tpu.memory_space<vmem>>) target(%dma_start3A_18 : memref<10112xf32, #tpu.memory_space<hbm>>) target_semaphore(%run_scoped3A : memref<!tpu.dma_semaphore, #tpu.memory_space<semaphore_mem>>)
      %dma_wait3A = tpu.memref_slice %arg6[%mul3A_17] : memref<323584xf32, #tpu.memory_space<hbm>> -> memref<10112xf32, #tpu.memory_space<hbm>>
      %dma_wait3A_19 = tpu.memref_slice %arg6[%mul3A_17] : memref<323584xf32, #tpu.memory_space<hbm>> -> memref<10112xf32, #tpu.memory_space<hbm>>
      tpu.wait_dma2 semaphore(%run_scoped3A : memref<!tpu.dma_semaphore, #tpu.memory_space<semaphore_mem>>) src(%arg10 : memref<10112xf32, #tpu.memory_space<vmem>>) dst(%dma_wait3A_19 : memref<10112xf32, #tpu.memory_space<hbm>>)
      tpu.yield
    }) : () -> ()
    return
  }
}

#map = affine_map<(d0, d1) -> (0, 0)>
#map1 = affine_map<(d0, d1) -> (0, 0, 0)>
module attributes {stable_mosaic.version = 14 : i64} {
  func.func @body(%arg0: i32, %arg1: i32, %arg2: memref<10112x128xf32, #tpu.memory_space<hbm>>, %arg3: memref<32x80x128xi32, #tpu.memory_space<hbm>>, %arg4: memref<327680x128xf32, #tpu.memory_space<hbm>>, %arg5: memref<16x128xi32, #tpu.memory_space<vmem>>, %arg6: memref<128x128xf32, #tpu.memory_space<vmem>>, %arg7: memref<128x128xf32, #tpu.memory_space<vmem>>, %arg8: memref<10112x128xf32, #tpu.memory_space<vmem_shared>>, %arg9: memref<!tpu.dma_semaphore, #tpu.memory_space<semaphore_mem>>, %arg10: memref<!tpu.dma_semaphore, #tpu.memory_space<semaphore_mem>>, %arg11: memref<!tpu.dma_semaphore, #tpu.memory_space<semaphore_mem>>, %arg12: memref<!tpu.dma_semaphore, #tpu.memory_space<semaphore_mem>>) attributes {dimension_semantics = [#tpu.dimension_semantics<core_parallel>, #tpu.dimension_semantics<subcore_parallel>], iteration_bounds = array<i64: 2, 16>, scalar_prefetch = 0 : i64, scratch_operands = 8 : i64, tpu.core_type = #tpu.core_type<sc_vector_subcore>, window_params = [{transform_indices = #map}, {transform_indices = #map1}, {transform_indices = #map}]} {
    %mul3A = arith.constant 16 : i32
    %mul3A_0 = arith.muli %arg0, %mul3A : i32
    %add3A = arith.addi %mul3A_0, %arg1 : i32
    %mul3A_1 = arith.constant 632 : i32
    %mul3A_2 = arith.muli %arg1, %mul3A_1 : i32
    "tpu.region"() ({
      %run_scoped3A = tpu.sem_alloc : memref<!tpu.dma_semaphore, #tpu.memory_space<semaphore_mem>>
      %dma_start3A = arith.constant 0 : i32
      %dma_start3A_9 = tpu.memref_slice %arg8[%mul3A_2, %dma_start3A] : memref<10112x128xf32, #tpu.memory_space<vmem_shared>> -> memref<632x128xf32, #tpu.memory_space<vmem_shared>>
      %dma_start3A_10 = arith.constant 0 : i32
      %dma_start3A_11 = tpu.memref_slice %arg2[%mul3A_2, %dma_start3A_10] : memref<10112x128xf32, #tpu.memory_space<hbm>> -> memref<632x128xf32, #tpu.memory_space<hbm>>
      tpu.enqueue_dma source(%dma_start3A_11 : memref<632x128xf32, #tpu.memory_space<hbm>>) target(%dma_start3A_9 : memref<632x128xf32, #tpu.memory_space<vmem_shared>>) target_semaphore(%run_scoped3A : memref<!tpu.dma_semaphore, #tpu.memory_space<semaphore_mem>>)
      %dma_wait3A = arith.constant 0 : i32
      %dma_wait3A_12 = tpu.memref_slice %arg8[%mul3A_2, %dma_wait3A] : memref<10112x128xf32, #tpu.memory_space<vmem_shared>> -> memref<632x128xf32, #tpu.memory_space<vmem_shared>>
      %dma_wait3A_13 = arith.constant 0 : i32
      %dma_wait3A_14 = tpu.memref_slice %arg2[%mul3A_2, %dma_wait3A_13] : memref<10112x128xf32, #tpu.memory_space<hbm>> -> memref<632x128xf32, #tpu.memory_space<hbm>>
      tpu.wait_dma2 semaphore(%run_scoped3A : memref<!tpu.dma_semaphore, #tpu.memory_space<semaphore_mem>>) src(%dma_wait3A_14 : memref<632x128xf32, #tpu.memory_space<hbm>>) dst(%dma_wait3A_12 : memref<632x128xf32, #tpu.memory_space<vmem_shared>>)
      tpu.yield
    }) : () -> ()
    %barrier3A = arith.constant 0 : index
    tpu.barrier barrier_id(%barrier3A)
    %mul3A_3 = arith.constant 10240 : i32
    %mul3A_4 = arith.muli %add3A, %mul3A_3 : i32
    %scan3A = arith.constant 0 : i32
    %scan3A_5 = arith.constant 5 : i32
    %scan3A_6 = arith.addi %scan3A, %scan3A_5 : i32
    %scan3A_7 = arith.constant 1 : i32
    scf.for %scan3A_9 = %scan3A to %scan3A_6 step %scan3A_7  : i32 {
      %mul3A_10 = arith.constant 1 : i32
      %mul3A_11 = arith.muli %scan3A_9, %mul3A_10 : i32
      %add3A_12 = arith.constant 0 : i32
      %add3A_13 = arith.addi %add3A_12, %mul3A_11 : i32
      %mul3A_14 = arith.constant 16 : i32
      %mul3A_15 = arith.muli %add3A_13, %mul3A_14 : i32
      "tpu.region"() ({
        %run_scoped3A = tpu.sem_alloc : memref<!tpu.dma_semaphore, #tpu.memory_space<semaphore_mem>>
        %dma_start3A_446 = arith.constant 0 : i32
        %dma_start3A_447 = tpu.memref_slice %arg3[%add3A, %mul3A_15, %dma_start3A_446] : memref<32x80x128xi32, #tpu.memory_space<hbm>> -> memref<1x16x128xi32, #tpu.memory_space<hbm>>
        %dma_start3A_448 = tpu.memref_squeeze %dma_start3A_447 : memref<1x16x128xi32, #tpu.memory_space<hbm>> -> memref<16x128xi32, #tpu.memory_space<hbm>>
        %dma_start3A_449 = arith.constant 0 : i32
        %dma_start3A_450 = tpu.memref_slice %arg3[%add3A, %mul3A_15, %dma_start3A_449] : memref<32x80x128xi32, #tpu.memory_space<hbm>> -> memref<1x16x128xi32, #tpu.memory_space<hbm>>
        %dma_start3A_451 = tpu.memref_squeeze %dma_start3A_450 : memref<1x16x128xi32, #tpu.memory_space<hbm>> -> memref<16x128xi32, #tpu.memory_space<hbm>>
        tpu.enqueue_dma source(%dma_start3A_451 : memref<16x128xi32, #tpu.memory_space<hbm>>) target(%arg5 : memref<16x128xi32, #tpu.memory_space<vmem>>) target_semaphore(%run_scoped3A : memref<!tpu.dma_semaphore, #tpu.memory_space<semaphore_mem>>)
        %dma_wait3A_452 = arith.constant 0 : i32
        %dma_wait3A_453 = tpu.memref_slice %arg3[%add3A, %mul3A_15, %dma_wait3A_452] : memref<32x80x128xi32, #tpu.memory_space<hbm>> -> memref<1x16x128xi32, #tpu.memory_space<hbm>>
        %dma_wait3A_454 = tpu.memref_squeeze %dma_wait3A_453 : memref<1x16x128xi32, #tpu.memory_space<hbm>> -> memref<16x128xi32, #tpu.memory_space<hbm>>
        %dma_wait3A_455 = arith.constant 0 : i32
        %dma_wait3A_456 = tpu.memref_slice %arg3[%add3A, %mul3A_15, %dma_wait3A_455] : memref<32x80x128xi32, #tpu.memory_space<hbm>> -> memref<1x16x128xi32, #tpu.memory_space<hbm>>
        %dma_wait3A_457 = tpu.memref_squeeze %dma_wait3A_456 : memref<1x16x128xi32, #tpu.memory_space<hbm>> -> memref<16x128xi32, #tpu.memory_space<hbm>>
        tpu.wait_dma2 semaphore(%run_scoped3A : memref<!tpu.dma_semaphore, #tpu.memory_space<semaphore_mem>>) src(%dma_wait3A_457 : memref<16x128xi32, #tpu.memory_space<hbm>>) dst(%arg5 : memref<16x128xi32, #tpu.memory_space<vmem>>)
        tpu.yield
      }) : () -> ()
      %dma_start3A = arith.constant 0 : i32
      %dma_start3A_16 = arith.constant 0 : i32
      %dma_start3A_17 = tpu.memref_slice %arg5[%dma_start3A, %dma_start3A_16] : memref<16x128xi32, #tpu.memory_space<vmem>> -> memref<1x128xi32, #tpu.memory_space<vmem>>
      %dma_start3A_18 = tpu.memref_squeeze %dma_start3A_17 : memref<1x128xi32, #tpu.memory_space<vmem>> -> memref<128xi32, #tpu.memory_space<vmem>>
      %dma_start3A_19 = arith.constant 0 : i32
      %dma_start3A_20 = arith.constant 0 : i32
      %dma_start3A_21 = tpu.memref_slice %arg8[%dma_start3A_19, %dma_start3A_20] : memref<10112x128xf32, #tpu.memory_space<vmem_shared>> -> memref<10112x128xf32, #tpu.memory_space<vmem_shared>>
      tpu.enqueue_indirect_dma source(%dma_start3A_21 : memref<10112x128xf32, #tpu.memory_space<vmem_shared>>) target(%arg6 : memref<128x128xf32, #tpu.memory_space<vmem>>) offsets(%dma_start3A_18 : memref<128xi32, #tpu.memory_space<vmem>>) semaphore(%arg9 : memref<!tpu.dma_semaphore, #tpu.memory_space<semaphore_mem>>)
      %dma_start3A_22 = arith.constant 1 : i32
      %dma_start3A_23 = arith.constant 0 : i32
      %dma_start3A_24 = tpu.memref_slice %arg5[%dma_start3A_22, %dma_start3A_23] : memref<16x128xi32, #tpu.memory_space<vmem>> -> memref<1x128xi32, #tpu.memory_space<vmem>>
      %dma_start3A_25 = tpu.memref_squeeze %dma_start3A_24 : memref<1x128xi32, #tpu.memory_space<vmem>> -> memref<128xi32, #tpu.memory_space<vmem>>
      %dma_start3A_26 = arith.constant 0 : i32
      %dma_start3A_27 = arith.constant 0 : i32
      %dma_start3A_28 = tpu.memref_slice %arg8[%dma_start3A_26, %dma_start3A_27] : memref<10112x128xf32, #tpu.memory_space<vmem_shared>> -> memref<10112x128xf32, #tpu.memory_space<vmem_shared>>
      tpu.enqueue_indirect_dma source(%dma_start3A_28 : memref<10112x128xf32, #tpu.memory_space<vmem_shared>>) target(%arg7 : memref<128x128xf32, #tpu.memory_space<vmem>>) offsets(%dma_start3A_25 : memref<128xi32, #tpu.memory_space<vmem>>) semaphore(%arg10 : memref<!tpu.dma_semaphore, #tpu.memory_space<semaphore_mem>>)
      %dma_wait3A = arith.constant 0 : i32
      %dma_wait3A_29 = arith.constant 0 : i32
      %dma_wait3A_30 = tpu.memref_slice %arg5[%dma_wait3A, %dma_wait3A_29] : memref<16x128xi32, #tpu.memory_space<vmem>> -> memref<1x128xi32, #tpu.memory_space<vmem>>
      %dma_wait3A_31 = tpu.memref_squeeze %dma_wait3A_30 : memref<1x128xi32, #tpu.memory_space<vmem>> -> memref<128xi32, #tpu.memory_space<vmem>>
      %dma_wait3A_32 = arith.constant 0 : i32
      %dma_wait3A_33 = arith.constant 0 : i32
      %dma_wait3A_34 = tpu.memref_slice %arg8[%dma_wait3A_32, %dma_wait3A_33] : memref<10112x128xf32, #tpu.memory_space<vmem_shared>> -> memref<10112x128xf32, #tpu.memory_space<vmem_shared>>
      tpu.wait_indirect_dma semaphore(%arg9 : memref<!tpu.dma_semaphore, #tpu.memory_space<semaphore_mem>>) src(%dma_wait3A_34 : memref<10112x128xf32, #tpu.memory_space<vmem_shared>>) dst(%arg6 : memref<128x128xf32, #tpu.memory_space<vmem>>)
      %add3A_35 = arith.constant 0 : i32
      %add3A_36 = arith.addi %mul3A_15, %add3A_35 : i32
      %mul3A_37 = arith.constant 128 : i32
      %mul3A_38 = arith.muli %add3A_36, %mul3A_37 : i32
      %add3A_39 = arith.addi %mul3A_4, %mul3A_38 : i32
      %dma_start3A_40 = arith.constant 0 : i32
      %dma_start3A_41 = tpu.memref_slice %arg4[%add3A_39, %dma_start3A_40] : memref<327680x128xf32, #tpu.memory_space<hbm>> -> memref<128x128xf32, #tpu.memory_space<hbm>>
      %dma_start3A_42 = arith.constant 0 : i32
      %dma_start3A_43 = tpu.memref_slice %arg4[%add3A_39, %dma_start3A_42] : memref<327680x128xf32, #tpu.memory_space<hbm>> -> memref<128x128xf32, #tpu.memory_space<hbm>>
      tpu.enqueue_dma source(%arg6 : memref<128x128xf32, #tpu.memory_space<vmem>>) target(%dma_start3A_43 : memref<128x128xf32, #tpu.memory_space<hbm>>) target_semaphore(%arg11 : memref<!tpu.dma_semaphore, #tpu.memory_space<semaphore_mem>>)
      %dma_wait3A_44 = arith.constant 0 : i32
      %dma_wait3A_45 = tpu.memref_slice %arg4[%add3A_39, %dma_wait3A_44] : memref<327680x128xf32, #tpu.memory_space<hbm>> -> memref<128x128xf32, #tpu.memory_space<hbm>>
      %dma_wait3A_46 = arith.constant 0 : i32
      %dma_wait3A_47 = tpu.memref_slice %arg4[%add3A_39, %dma_wait3A_46] : memref<327680x128xf32, #tpu.memory_space<hbm>> -> memref<128x128xf32, #tpu.memory_space<hbm>>
      tpu.wait_dma2 semaphore(%arg11 : memref<!tpu.dma_semaphore, #tpu.memory_space<semaphore_mem>>) src(%arg6 : memref<128x128xf32, #tpu.memory_space<vmem>>) dst(%dma_wait3A_47 : memref<128x128xf32, #tpu.memory_space<hbm>>)
      %dma_start3A_48 = arith.constant 2 : i32
      %dma_start3A_49 = arith.constant 0 : i32
      %dma_start3A_50 = tpu.memref_slice %arg5[%dma_start3A_48, %dma_start3A_49] : memref<16x128xi32, #tpu.memory_space<vmem>> -> memref<1x128xi32, #tpu.memory_space<vmem>>
      %dma_start3A_51 = tpu.memref_squeeze %dma_start3A_50 : memref<1x128xi32, #tpu.memory_space<vmem>> -> memref<128xi32, #tpu.memory_space<vmem>>
      %dma_start3A_52 = arith.constant 0 : i32
      %dma_start3A_53 = arith.constant 0 : i32
      %dma_start3A_54 = tpu.memref_slice %arg8[%dma_start3A_52, %dma_start3A_53] : memref<10112x128xf32, #tpu.memory_space<vmem_shared>> -> memref<10112x128xf32, #tpu.memory_space<vmem_shared>>
      tpu.enqueue_indirect_dma source(%dma_start3A_54 : memref<10112x128xf32, #tpu.memory_space<vmem_shared>>) target(%arg6 : memref<128x128xf32, #tpu.memory_space<vmem>>) offsets(%dma_start3A_51 : memref<128xi32, #tpu.memory_space<vmem>>) semaphore(%arg9 : memref<!tpu.dma_semaphore, #tpu.memory_space<semaphore_mem>>)
      %dma_wait3A_55 = arith.constant 1 : i32
      %dma_wait3A_56 = arith.constant 0 : i32
      %dma_wait3A_57 = tpu.memref_slice %arg5[%dma_wait3A_55, %dma_wait3A_56] : memref<16x128xi32, #tpu.memory_space<vmem>> -> memref<1x128xi32, #tpu.memory_space<vmem>>
      %dma_wait3A_58 = tpu.memref_squeeze %dma_wait3A_57 : memref<1x128xi32, #tpu.memory_space<vmem>> -> memref<128xi32, #tpu.memory_space<vmem>>
      %dma_wait3A_59 = arith.constant 0 : i32
      %dma_wait3A_60 = arith.constant 0 : i32
      %dma_wait3A_61 = tpu.memref_slice %arg8[%dma_wait3A_59, %dma_wait3A_60] : memref<10112x128xf32, #tpu.memory_space<vmem_shared>> -> memref<10112x128xf32, #tpu.memory_space<vmem_shared>>
      tpu.wait_indirect_dma semaphore(%arg10 : memref<!tpu.dma_semaphore, #tpu.memory_space<semaphore_mem>>) src(%dma_wait3A_61 : memref<10112x128xf32, #tpu.memory_space<vmem_shared>>) dst(%arg7 : memref<128x128xf32, #tpu.memory_space<vmem>>)
      %add3A_62 = arith.constant 1 : i32
      %add3A_63 = arith.addi %mul3A_15, %add3A_62 : i32
      %mul3A_64 = arith.constant 128 : i32
      %mul3A_65 = arith.muli %add3A_63, %mul3A_64 : i32
      %add3A_66 = arith.addi %mul3A_4, %mul3A_65 : i32
      %dma_start3A_67 = arith.constant 0 : i32
      %dma_start3A_68 = tpu.memref_slice %arg4[%add3A_66, %dma_start3A_67] : memref<327680x128xf32, #tpu.memory_space<hbm>> -> memref<128x128xf32, #tpu.memory_space<hbm>>
      %dma_start3A_69 = arith.constant 0 : i32
      %dma_start3A_70 = tpu.memref_slice %arg4[%add3A_66, %dma_start3A_69] : memref<327680x128xf32, #tpu.memory_space<hbm>> -> memref<128x128xf32, #tpu.memory_space<hbm>>
      tpu.enqueue_dma source(%arg7 : memref<128x128xf32, #tpu.memory_space<vmem>>) target(%dma_start3A_70 : memref<128x128xf32, #tpu.memory_space<hbm>>) target_semaphore(%arg12 : memref<!tpu.dma_semaphore, #tpu.memory_space<semaphore_mem>>)
      %dma_wait3A_71 = arith.constant 0 : i32
      %dma_wait3A_72 = tpu.memref_slice %arg4[%add3A_66, %dma_wait3A_71] : memref<327680x128xf32, #tpu.memory_space<hbm>> -> memref<128x128xf32, #tpu.memory_space<hbm>>
      %dma_wait3A_73 = arith.constant 0 : i32
      %dma_wait3A_74 = tpu.memref_slice %arg4[%add3A_66, %dma_wait3A_73] : memref<327680x128xf32, #tpu.memory_space<hbm>> -> memref<128x128xf32, #tpu.memory_space<hbm>>
      tpu.wait_dma2 semaphore(%arg12 : memref<!tpu.dma_semaphore, #tpu.memory_space<semaphore_mem>>) src(%arg7 : memref<128x128xf32, #tpu.memory_space<vmem>>) dst(%dma_wait3A_74 : memref<128x128xf32, #tpu.memory_space<hbm>>)
      %dma_start3A_75 = arith.constant 3 : i32
      %dma_start3A_76 = arith.constant 0 : i32
      %dma_start3A_77 = tpu.memref_slice %arg5[%dma_start3A_75, %dma_start3A_76] : memref<16x128xi32, #tpu.memory_space<vmem>> -> memref<1x128xi32, #tpu.memory_space<vmem>>
      %dma_start3A_78 = tpu.memref_squeeze %dma_start3A_77 : memref<1x128xi32, #tpu.memory_space<vmem>> -> memref<128xi32, #tpu.memory_space<vmem>>
      %dma_start3A_79 = arith.constant 0 : i32
      %dma_start3A_80 = arith.constant 0 : i32
      %dma_start3A_81 = tpu.memref_slice %arg8[%dma_start3A_79, %dma_start3A_80] : memref<10112x128xf32, #tpu.memory_space<vmem_shared>> -> memref<10112x128xf32, #tpu.memory_space<vmem_shared>>
      tpu.enqueue_indirect_dma source(%dma_start3A_81 : memref<10112x128xf32, #tpu.memory_space<vmem_shared>>) target(%arg7 : memref<128x128xf32, #tpu.memory_space<vmem>>) offsets(%dma_start3A_78 : memref<128xi32, #tpu.memory_space<vmem>>) semaphore(%arg10 : memref<!tpu.dma_semaphore, #tpu.memory_space<semaphore_mem>>)
      %dma_wait3A_82 = arith.constant 2 : i32
      %dma_wait3A_83 = arith.constant 0 : i32
      %dma_wait3A_84 = tpu.memref_slice %arg5[%dma_wait3A_82, %dma_wait3A_83] : memref<16x128xi32, #tpu.memory_space<vmem>> -> memref<1x128xi32, #tpu.memory_space<vmem>>
      %dma_wait3A_85 = tpu.memref_squeeze %dma_wait3A_84 : memref<1x128xi32, #tpu.memory_space<vmem>> -> memref<128xi32, #tpu.memory_space<vmem>>
      %dma_wait3A_86 = arith.constant 0 : i32
      %dma_wait3A_87 = arith.constant 0 : i32
      %dma_wait3A_88 = tpu.memref_slice %arg8[%dma_wait3A_86, %dma_wait3A_87] : memref<10112x128xf32, #tpu.memory_space<vmem_shared>> -> memref<10112x128xf32, #tpu.memory_space<vmem_shared>>
      tpu.wait_indirect_dma semaphore(%arg9 : memref<!tpu.dma_semaphore, #tpu.memory_space<semaphore_mem>>) src(%dma_wait3A_88 : memref<10112x128xf32, #tpu.memory_space<vmem_shared>>) dst(%arg6 : memref<128x128xf32, #tpu.memory_space<vmem>>)
      %add3A_89 = arith.constant 2 : i32
      %add3A_90 = arith.addi %mul3A_15, %add3A_89 : i32
      %mul3A_91 = arith.constant 128 : i32
      %mul3A_92 = arith.muli %add3A_90, %mul3A_91 : i32
      %add3A_93 = arith.addi %mul3A_4, %mul3A_92 : i32
      %dma_start3A_94 = arith.constant 0 : i32
      %dma_start3A_95 = tpu.memref_slice %arg4[%add3A_93, %dma_start3A_94] : memref<327680x128xf32, #tpu.memory_space<hbm>> -> memref<128x128xf32, #tpu.memory_space<hbm>>
      %dma_start3A_96 = arith.constant 0 : i32
      %dma_start3A_97 = tpu.memref_slice %arg4[%add3A_93, %dma_start3A_96] : memref<327680x128xf32, #tpu.memory_space<hbm>> -> memref<128x128xf32, #tpu.memory_space<hbm>>
      tpu.enqueue_dma source(%arg6 : memref<128x128xf32, #tpu.memory_space<vmem>>) target(%dma_start3A_97 : memref<128x128xf32, #tpu.memory_space<hbm>>) target_semaphore(%arg11 : memref<!tpu.dma_semaphore, #tpu.memory_space<semaphore_mem>>)
      %dma_wait3A_98 = arith.constant 0 : i32
      %dma_wait3A_99 = tpu.memref_slice %arg4[%add3A_93, %dma_wait3A_98] : memref<327680x128xf32, #tpu.memory_space<hbm>> -> memref<128x128xf32, #tpu.memory_space<hbm>>
      %dma_wait3A_100 = arith.constant 0 : i32
      %dma_wait3A_101 = tpu.memref_slice %arg4[%add3A_93, %dma_wait3A_100] : memref<327680x128xf32, #tpu.memory_space<hbm>> -> memref<128x128xf32, #tpu.memory_space<hbm>>
      tpu.wait_dma2 semaphore(%arg11 : memref<!tpu.dma_semaphore, #tpu.memory_space<semaphore_mem>>) src(%arg6 : memref<128x128xf32, #tpu.memory_space<vmem>>) dst(%dma_wait3A_101 : memref<128x128xf32, #tpu.memory_space<hbm>>)
      %dma_start3A_102 = arith.constant 4 : i32
      %dma_start3A_103 = arith.constant 0 : i32
      %dma_start3A_104 = tpu.memref_slice %arg5[%dma_start3A_102, %dma_start3A_103] : memref<16x128xi32, #tpu.memory_space<vmem>> -> memref<1x128xi32, #tpu.memory_space<vmem>>
      %dma_start3A_105 = tpu.memref_squeeze %dma_start3A_104 : memref<1x128xi32, #tpu.memory_space<vmem>> -> memref<128xi32, #tpu.memory_space<vmem>>
      %dma_start3A_106 = arith.constant 0 : i32
      %dma_start3A_107 = arith.constant 0 : i32
      %dma_start3A_108 = tpu.memref_slice %arg8[%dma_start3A_106, %dma_start3A_107] : memref<10112x128xf32, #tpu.memory_space<vmem_shared>> -> memref<10112x128xf32, #tpu.memory_space<vmem_shared>>
      tpu.enqueue_indirect_dma source(%dma_start3A_108 : memref<10112x128xf32, #tpu.memory_space<vmem_shared>>) target(%arg6 : memref<128x128xf32, #tpu.memory_space<vmem>>) offsets(%dma_start3A_105 : memref<128xi32, #tpu.memory_space<vmem>>) semaphore(%arg9 : memref<!tpu.dma_semaphore, #tpu.memory_space<semaphore_mem>>)
      %dma_wait3A_109 = arith.constant 3 : i32
      %dma_wait3A_110 = arith.constant 0 : i32
      %dma_wait3A_111 = tpu.memref_slice %arg5[%dma_wait3A_109, %dma_wait3A_110] : memref<16x128xi32, #tpu.memory_space<vmem>> -> memref<1x128xi32, #tpu.memory_space<vmem>>
      %dma_wait3A_112 = tpu.memref_squeeze %dma_wait3A_111 : memref<1x128xi32, #tpu.memory_space<vmem>> -> memref<128xi32, #tpu.memory_space<vmem>>
      %dma_wait3A_113 = arith.constant 0 : i32
      %dma_wait3A_114 = arith.constant 0 : i32
      %dma_wait3A_115 = tpu.memref_slice %arg8[%dma_wait3A_113, %dma_wait3A_114] : memref<10112x128xf32, #tpu.memory_space<vmem_shared>> -> memref<10112x128xf32, #tpu.memory_space<vmem_shared>>
      tpu.wait_indirect_dma semaphore(%arg10 : memref<!tpu.dma_semaphore, #tpu.memory_space<semaphore_mem>>) src(%dma_wait3A_115 : memref<10112x128xf32, #tpu.memory_space<vmem_shared>>) dst(%arg7 : memref<128x128xf32, #tpu.memory_space<vmem>>)
      %add3A_116 = arith.constant 3 : i32
      %add3A_117 = arith.addi %mul3A_15, %add3A_116 : i32
      %mul3A_118 = arith.constant 128 : i32
      %mul3A_119 = arith.muli %add3A_117, %mul3A_118 : i32
      %add3A_120 = arith.addi %mul3A_4, %mul3A_119 : i32
      %dma_start3A_121 = arith.constant 0 : i32
      %dma_start3A_122 = tpu.memref_slice %arg4[%add3A_120, %dma_start3A_121] : memref<327680x128xf32, #tpu.memory_space<hbm>> -> memref<128x128xf32, #tpu.memory_space<hbm>>
      %dma_start3A_123 = arith.constant 0 : i32
      %dma_start3A_124 = tpu.memref_slice %arg4[%add3A_120, %dma_start3A_123] : memref<327680x128xf32, #tpu.memory_space<hbm>> -> memref<128x128xf32, #tpu.memory_space<hbm>>
      tpu.enqueue_dma source(%arg7 : memref<128x128xf32, #tpu.memory_space<vmem>>) target(%dma_start3A_124 : memref<128x128xf32, #tpu.memory_space<hbm>>) target_semaphore(%arg12 : memref<!tpu.dma_semaphore, #tpu.memory_space<semaphore_mem>>)
      %dma_wait3A_125 = arith.constant 0 : i32
      %dma_wait3A_126 = tpu.memref_slice %arg4[%add3A_120, %dma_wait3A_125] : memref<327680x128xf32, #tpu.memory_space<hbm>> -> memref<128x128xf32, #tpu.memory_space<hbm>>
      %dma_wait3A_127 = arith.constant 0 : i32
      %dma_wait3A_128 = tpu.memref_slice %arg4[%add3A_120, %dma_wait3A_127] : memref<327680x128xf32, #tpu.memory_space<hbm>> -> memref<128x128xf32, #tpu.memory_space<hbm>>
      tpu.wait_dma2 semaphore(%arg12 : memref<!tpu.dma_semaphore, #tpu.memory_space<semaphore_mem>>) src(%arg7 : memref<128x128xf32, #tpu.memory_space<vmem>>) dst(%dma_wait3A_128 : memref<128x128xf32, #tpu.memory_space<hbm>>)
      %dma_start3A_129 = arith.constant 5 : i32
      %dma_start3A_130 = arith.constant 0 : i32
      %dma_start3A_131 = tpu.memref_slice %arg5[%dma_start3A_129, %dma_start3A_130] : memref<16x128xi32, #tpu.memory_space<vmem>> -> memref<1x128xi32, #tpu.memory_space<vmem>>
      %dma_start3A_132 = tpu.memref_squeeze %dma_start3A_131 : memref<1x128xi32, #tpu.memory_space<vmem>> -> memref<128xi32, #tpu.memory_space<vmem>>
      %dma_start3A_133 = arith.constant 0 : i32
      %dma_start3A_134 = arith.constant 0 : i32
      %dma_start3A_135 = tpu.memref_slice %arg8[%dma_start3A_133, %dma_start3A_134] : memref<10112x128xf32, #tpu.memory_space<vmem_shared>> -> memref<10112x128xf32, #tpu.memory_space<vmem_shared>>
      tpu.enqueue_indirect_dma source(%dma_start3A_135 : memref<10112x128xf32, #tpu.memory_space<vmem_shared>>) target(%arg7 : memref<128x128xf32, #tpu.memory_space<vmem>>) offsets(%dma_start3A_132 : memref<128xi32, #tpu.memory_space<vmem>>) semaphore(%arg10 : memref<!tpu.dma_semaphore, #tpu.memory_space<semaphore_mem>>)
      %dma_wait3A_136 = arith.constant 4 : i32
      %dma_wait3A_137 = arith.constant 0 : i32
      %dma_wait3A_138 = tpu.memref_slice %arg5[%dma_wait3A_136, %dma_wait3A_137] : memref<16x128xi32, #tpu.memory_space<vmem>> -> memref<1x128xi32, #tpu.memory_space<vmem>>
      %dma_wait3A_139 = tpu.memref_squeeze %dma_wait3A_138 : memref<1x128xi32, #tpu.memory_space<vmem>> -> memref<128xi32, #tpu.memory_space<vmem>>
      %dma_wait3A_140 = arith.constant 0 : i32
      %dma_wait3A_141 = arith.constant 0 : i32
      %dma_wait3A_142 = tpu.memref_slice %arg8[%dma_wait3A_140, %dma_wait3A_141] : memref<10112x128xf32, #tpu.memory_space<vmem_shared>> -> memref<10112x128xf32, #tpu.memory_space<vmem_shared>>
      tpu.wait_indirect_dma semaphore(%arg9 : memref<!tpu.dma_semaphore, #tpu.memory_space<semaphore_mem>>) src(%dma_wait3A_142 : memref<10112x128xf32, #tpu.memory_space<vmem_shared>>) dst(%arg6 : memref<128x128xf32, #tpu.memory_space<vmem>>)
      %add3A_143 = arith.constant 4 : i32
      %add3A_144 = arith.addi %mul3A_15, %add3A_143 : i32
      %mul3A_145 = arith.constant 128 : i32
      %mul3A_146 = arith.muli %add3A_144, %mul3A_145 : i32
      %add3A_147 = arith.addi %mul3A_4, %mul3A_146 : i32
      %dma_start3A_148 = arith.constant 0 : i32
      %dma_start3A_149 = tpu.memref_slice %arg4[%add3A_147, %dma_start3A_148] : memref<327680x128xf32, #tpu.memory_space<hbm>> -> memref<128x128xf32, #tpu.memory_space<hbm>>
      %dma_start3A_150 = arith.constant 0 : i32
      %dma_start3A_151 = tpu.memref_slice %arg4[%add3A_147, %dma_start3A_150] : memref<327680x128xf32, #tpu.memory_space<hbm>> -> memref<128x128xf32, #tpu.memory_space<hbm>>
      tpu.enqueue_dma source(%arg6 : memref<128x128xf32, #tpu.memory_space<vmem>>) target(%dma_start3A_151 : memref<128x128xf32, #tpu.memory_space<hbm>>) target_semaphore(%arg11 : memref<!tpu.dma_semaphore, #tpu.memory_space<semaphore_mem>>)
      %dma_wait3A_152 = arith.constant 0 : i32
      %dma_wait3A_153 = tpu.memref_slice %arg4[%add3A_147, %dma_wait3A_152] : memref<327680x128xf32, #tpu.memory_space<hbm>> -> memref<128x128xf32, #tpu.memory_space<hbm>>
      %dma_wait3A_154 = arith.constant 0 : i32
      %dma_wait3A_155 = tpu.memref_slice %arg4[%add3A_147, %dma_wait3A_154] : memref<327680x128xf32, #tpu.memory_space<hbm>> -> memref<128x128xf32, #tpu.memory_space<hbm>>
      tpu.wait_dma2 semaphore(%arg11 : memref<!tpu.dma_semaphore, #tpu.memory_space<semaphore_mem>>) src(%arg6 : memref<128x128xf32, #tpu.memory_space<vmem>>) dst(%dma_wait3A_155 : memref<128x128xf32, #tpu.memory_space<hbm>>)
      %dma_start3A_156 = arith.constant 6 : i32
      %dma_start3A_157 = arith.constant 0 : i32
      %dma_start3A_158 = tpu.memref_slice %arg5[%dma_start3A_156, %dma_start3A_157] : memref<16x128xi32, #tpu.memory_space<vmem>> -> memref<1x128xi32, #tpu.memory_space<vmem>>
      %dma_start3A_159 = tpu.memref_squeeze %dma_start3A_158 : memref<1x128xi32, #tpu.memory_space<vmem>> -> memref<128xi32, #tpu.memory_space<vmem>>
      %dma_start3A_160 = arith.constant 0 : i32
      %dma_start3A_161 = arith.constant 0 : i32
      %dma_start3A_162 = tpu.memref_slice %arg8[%dma_start3A_160, %dma_start3A_161] : memref<10112x128xf32, #tpu.memory_space<vmem_shared>> -> memref<10112x128xf32, #tpu.memory_space<vmem_shared>>
      tpu.enqueue_indirect_dma source(%dma_start3A_162 : memref<10112x128xf32, #tpu.memory_space<vmem_shared>>) target(%arg6 : memref<128x128xf32, #tpu.memory_space<vmem>>) offsets(%dma_start3A_159 : memref<128xi32, #tpu.memory_space<vmem>>) semaphore(%arg9 : memref<!tpu.dma_semaphore, #tpu.memory_space<semaphore_mem>>)
      %dma_wait3A_163 = arith.constant 5 : i32
      %dma_wait3A_164 = arith.constant 0 : i32
      %dma_wait3A_165 = tpu.memref_slice %arg5[%dma_wait3A_163, %dma_wait3A_164] : memref<16x128xi32, #tpu.memory_space<vmem>> -> memref<1x128xi32, #tpu.memory_space<vmem>>
      %dma_wait3A_166 = tpu.memref_squeeze %dma_wait3A_165 : memref<1x128xi32, #tpu.memory_space<vmem>> -> memref<128xi32, #tpu.memory_space<vmem>>
      %dma_wait3A_167 = arith.constant 0 : i32
      %dma_wait3A_168 = arith.constant 0 : i32
      %dma_wait3A_169 = tpu.memref_slice %arg8[%dma_wait3A_167, %dma_wait3A_168] : memref<10112x128xf32, #tpu.memory_space<vmem_shared>> -> memref<10112x128xf32, #tpu.memory_space<vmem_shared>>
      tpu.wait_indirect_dma semaphore(%arg10 : memref<!tpu.dma_semaphore, #tpu.memory_space<semaphore_mem>>) src(%dma_wait3A_169 : memref<10112x128xf32, #tpu.memory_space<vmem_shared>>) dst(%arg7 : memref<128x128xf32, #tpu.memory_space<vmem>>)
      %add3A_170 = arith.constant 5 : i32
      %add3A_171 = arith.addi %mul3A_15, %add3A_170 : i32
      %mul3A_172 = arith.constant 128 : i32
      %mul3A_173 = arith.muli %add3A_171, %mul3A_172 : i32
      %add3A_174 = arith.addi %mul3A_4, %mul3A_173 : i32
      %dma_start3A_175 = arith.constant 0 : i32
      %dma_start3A_176 = tpu.memref_slice %arg4[%add3A_174, %dma_start3A_175] : memref<327680x128xf32, #tpu.memory_space<hbm>> -> memref<128x128xf32, #tpu.memory_space<hbm>>
      %dma_start3A_177 = arith.constant 0 : i32
      %dma_start3A_178 = tpu.memref_slice %arg4[%add3A_174, %dma_start3A_177] : memref<327680x128xf32, #tpu.memory_space<hbm>> -> memref<128x128xf32, #tpu.memory_space<hbm>>
      tpu.enqueue_dma source(%arg7 : memref<128x128xf32, #tpu.memory_space<vmem>>) target(%dma_start3A_178 : memref<128x128xf32, #tpu.memory_space<hbm>>) target_semaphore(%arg12 : memref<!tpu.dma_semaphore, #tpu.memory_space<semaphore_mem>>)
      %dma_wait3A_179 = arith.constant 0 : i32
      %dma_wait3A_180 = tpu.memref_slice %arg4[%add3A_174, %dma_wait3A_179] : memref<327680x128xf32, #tpu.memory_space<hbm>> -> memref<128x128xf32, #tpu.memory_space<hbm>>
      %dma_wait3A_181 = arith.constant 0 : i32
      %dma_wait3A_182 = tpu.memref_slice %arg4[%add3A_174, %dma_wait3A_181] : memref<327680x128xf32, #tpu.memory_space<hbm>> -> memref<128x128xf32, #tpu.memory_space<hbm>>
      tpu.wait_dma2 semaphore(%arg12 : memref<!tpu.dma_semaphore, #tpu.memory_space<semaphore_mem>>) src(%arg7 : memref<128x128xf32, #tpu.memory_space<vmem>>) dst(%dma_wait3A_182 : memref<128x128xf32, #tpu.memory_space<hbm>>)
      %dma_start3A_183 = arith.constant 7 : i32
      %dma_start3A_184 = arith.constant 0 : i32
      %dma_start3A_185 = tpu.memref_slice %arg5[%dma_start3A_183, %dma_start3A_184] : memref<16x128xi32, #tpu.memory_space<vmem>> -> memref<1x128xi32, #tpu.memory_space<vmem>>
      %dma_start3A_186 = tpu.memref_squeeze %dma_start3A_185 : memref<1x128xi32, #tpu.memory_space<vmem>> -> memref<128xi32, #tpu.memory_space<vmem>>
      %dma_start3A_187 = arith.constant 0 : i32
      %dma_start3A_188 = arith.constant 0 : i32
      %dma_start3A_189 = tpu.memref_slice %arg8[%dma_start3A_187, %dma_start3A_188] : memref<10112x128xf32, #tpu.memory_space<vmem_shared>> -> memref<10112x128xf32, #tpu.memory_space<vmem_shared>>
      tpu.enqueue_indirect_dma source(%dma_start3A_189 : memref<10112x128xf32, #tpu.memory_space<vmem_shared>>) target(%arg7 : memref<128x128xf32, #tpu.memory_space<vmem>>) offsets(%dma_start3A_186 : memref<128xi32, #tpu.memory_space<vmem>>) semaphore(%arg10 : memref<!tpu.dma_semaphore, #tpu.memory_space<semaphore_mem>>)
      %dma_wait3A_190 = arith.constant 6 : i32
      %dma_wait3A_191 = arith.constant 0 : i32
      %dma_wait3A_192 = tpu.memref_slice %arg5[%dma_wait3A_190, %dma_wait3A_191] : memref<16x128xi32, #tpu.memory_space<vmem>> -> memref<1x128xi32, #tpu.memory_space<vmem>>
      %dma_wait3A_193 = tpu.memref_squeeze %dma_wait3A_192 : memref<1x128xi32, #tpu.memory_space<vmem>> -> memref<128xi32, #tpu.memory_space<vmem>>
      %dma_wait3A_194 = arith.constant 0 : i32
      %dma_wait3A_195 = arith.constant 0 : i32
      %dma_wait3A_196 = tpu.memref_slice %arg8[%dma_wait3A_194, %dma_wait3A_195] : memref<10112x128xf32, #tpu.memory_space<vmem_shared>> -> memref<10112x128xf32, #tpu.memory_space<vmem_shared>>
      tpu.wait_indirect_dma semaphore(%arg9 : memref<!tpu.dma_semaphore, #tpu.memory_space<semaphore_mem>>) src(%dma_wait3A_196 : memref<10112x128xf32, #tpu.memory_space<vmem_shared>>) dst(%arg6 : memref<128x128xf32, #tpu.memory_space<vmem>>)
      %add3A_197 = arith.constant 6 : i32
      %add3A_198 = arith.addi %mul3A_15, %add3A_197 : i32
      %mul3A_199 = arith.constant 128 : i32
      %mul3A_200 = arith.muli %add3A_198, %mul3A_199 : i32
      %add3A_201 = arith.addi %mul3A_4, %mul3A_200 : i32
      %dma_start3A_202 = arith.constant 0 : i32
      %dma_start3A_203 = tpu.memref_slice %arg4[%add3A_201, %dma_start3A_202] : memref<327680x128xf32, #tpu.memory_space<hbm>> -> memref<128x128xf32, #tpu.memory_space<hbm>>
      %dma_start3A_204 = arith.constant 0 : i32
      %dma_start3A_205 = tpu.memref_slice %arg4[%add3A_201, %dma_start3A_204] : memref<327680x128xf32, #tpu.memory_space<hbm>> -> memref<128x128xf32, #tpu.memory_space<hbm>>
      tpu.enqueue_dma source(%arg6 : memref<128x128xf32, #tpu.memory_space<vmem>>) target(%dma_start3A_205 : memref<128x128xf32, #tpu.memory_space<hbm>>) target_semaphore(%arg11 : memref<!tpu.dma_semaphore, #tpu.memory_space<semaphore_mem>>)
      %dma_wait3A_206 = arith.constant 0 : i32
      %dma_wait3A_207 = tpu.memref_slice %arg4[%add3A_201, %dma_wait3A_206] : memref<327680x128xf32, #tpu.memory_space<hbm>> -> memref<128x128xf32, #tpu.memory_space<hbm>>
      %dma_wait3A_208 = arith.constant 0 : i32
      %dma_wait3A_209 = tpu.memref_slice %arg4[%add3A_201, %dma_wait3A_208] : memref<327680x128xf32, #tpu.memory_space<hbm>> -> memref<128x128xf32, #tpu.memory_space<hbm>>
      tpu.wait_dma2 semaphore(%arg11 : memref<!tpu.dma_semaphore, #tpu.memory_space<semaphore_mem>>) src(%arg6 : memref<128x128xf32, #tpu.memory_space<vmem>>) dst(%dma_wait3A_209 : memref<128x128xf32, #tpu.memory_space<hbm>>)
      %dma_start3A_210 = arith.constant 8 : i32
      %dma_start3A_211 = arith.constant 0 : i32
      %dma_start3A_212 = tpu.memref_slice %arg5[%dma_start3A_210, %dma_start3A_211] : memref<16x128xi32, #tpu.memory_space<vmem>> -> memref<1x128xi32, #tpu.memory_space<vmem>>
      %dma_start3A_213 = tpu.memref_squeeze %dma_start3A_212 : memref<1x128xi32, #tpu.memory_space<vmem>> -> memref<128xi32, #tpu.memory_space<vmem>>
      %dma_start3A_214 = arith.constant 0 : i32
      %dma_start3A_215 = arith.constant 0 : i32
      %dma_start3A_216 = tpu.memref_slice %arg8[%dma_start3A_214, %dma_start3A_215] : memref<10112x128xf32, #tpu.memory_space<vmem_shared>> -> memref<10112x128xf32, #tpu.memory_space<vmem_shared>>
      tpu.enqueue_indirect_dma source(%dma_start3A_216 : memref<10112x128xf32, #tpu.memory_space<vmem_shared>>) target(%arg6 : memref<128x128xf32, #tpu.memory_space<vmem>>) offsets(%dma_start3A_213 : memref<128xi32, #tpu.memory_space<vmem>>) semaphore(%arg9 : memref<!tpu.dma_semaphore, #tpu.memory_space<semaphore_mem>>)
      %dma_wait3A_217 = arith.constant 7 : i32
      %dma_wait3A_218 = arith.constant 0 : i32
      %dma_wait3A_219 = tpu.memref_slice %arg5[%dma_wait3A_217, %dma_wait3A_218] : memref<16x128xi32, #tpu.memory_space<vmem>> -> memref<1x128xi32, #tpu.memory_space<vmem>>
      %dma_wait3A_220 = tpu.memref_squeeze %dma_wait3A_219 : memref<1x128xi32, #tpu.memory_space<vmem>> -> memref<128xi32, #tpu.memory_space<vmem>>
      %dma_wait3A_221 = arith.constant 0 : i32
      %dma_wait3A_222 = arith.constant 0 : i32
      %dma_wait3A_223 = tpu.memref_slice %arg8[%dma_wait3A_221, %dma_wait3A_222] : memref<10112x128xf32, #tpu.memory_space<vmem_shared>> -> memref<10112x128xf32, #tpu.memory_space<vmem_shared>>
      tpu.wait_indirect_dma semaphore(%arg10 : memref<!tpu.dma_semaphore, #tpu.memory_space<semaphore_mem>>) src(%dma_wait3A_223 : memref<10112x128xf32, #tpu.memory_space<vmem_shared>>) dst(%arg7 : memref<128x128xf32, #tpu.memory_space<vmem>>)
      %add3A_224 = arith.constant 7 : i32
      %add3A_225 = arith.addi %mul3A_15, %add3A_224 : i32
      %mul3A_226 = arith.constant 128 : i32
      %mul3A_227 = arith.muli %add3A_225, %mul3A_226 : i32
      %add3A_228 = arith.addi %mul3A_4, %mul3A_227 : i32
      %dma_start3A_229 = arith.constant 0 : i32
      %dma_start3A_230 = tpu.memref_slice %arg4[%add3A_228, %dma_start3A_229] : memref<327680x128xf32, #tpu.memory_space<hbm>> -> memref<128x128xf32, #tpu.memory_space<hbm>>
      %dma_start3A_231 = arith.constant 0 : i32
      %dma_start3A_232 = tpu.memref_slice %arg4[%add3A_228, %dma_start3A_231] : memref<327680x128xf32, #tpu.memory_space<hbm>> -> memref<128x128xf32, #tpu.memory_space<hbm>>
      tpu.enqueue_dma source(%arg7 : memref<128x128xf32, #tpu.memory_space<vmem>>) target(%dma_start3A_232 : memref<128x128xf32, #tpu.memory_space<hbm>>) target_semaphore(%arg12 : memref<!tpu.dma_semaphore, #tpu.memory_space<semaphore_mem>>)
      %dma_wait3A_233 = arith.constant 0 : i32
      %dma_wait3A_234 = tpu.memref_slice %arg4[%add3A_228, %dma_wait3A_233] : memref<327680x128xf32, #tpu.memory_space<hbm>> -> memref<128x128xf32, #tpu.memory_space<hbm>>
      %dma_wait3A_235 = arith.constant 0 : i32
      %dma_wait3A_236 = tpu.memref_slice %arg4[%add3A_228, %dma_wait3A_235] : memref<327680x128xf32, #tpu.memory_space<hbm>> -> memref<128x128xf32, #tpu.memory_space<hbm>>
      tpu.wait_dma2 semaphore(%arg12 : memref<!tpu.dma_semaphore, #tpu.memory_space<semaphore_mem>>) src(%arg7 : memref<128x128xf32, #tpu.memory_space<vmem>>) dst(%dma_wait3A_236 : memref<128x128xf32, #tpu.memory_space<hbm>>)
      %dma_start3A_237 = arith.constant 9 : i32
      %dma_start3A_238 = arith.constant 0 : i32
      %dma_start3A_239 = tpu.memref_slice %arg5[%dma_start3A_237, %dma_start3A_238] : memref<16x128xi32, #tpu.memory_space<vmem>> -> memref<1x128xi32, #tpu.memory_space<vmem>>
      %dma_start3A_240 = tpu.memref_squeeze %dma_start3A_239 : memref<1x128xi32, #tpu.memory_space<vmem>> -> memref<128xi32, #tpu.memory_space<vmem>>
      %dma_start3A_241 = arith.constant 0 : i32
      %dma_start3A_242 = arith.constant 0 : i32
      %dma_start3A_243 = tpu.memref_slice %arg8[%dma_start3A_241, %dma_start3A_242] : memref<10112x128xf32, #tpu.memory_space<vmem_shared>> -> memref<10112x128xf32, #tpu.memory_space<vmem_shared>>
      tpu.enqueue_indirect_dma source(%dma_start3A_243 : memref<10112x128xf32, #tpu.memory_space<vmem_shared>>) target(%arg7 : memref<128x128xf32, #tpu.memory_space<vmem>>) offsets(%dma_start3A_240 : memref<128xi32, #tpu.memory_space<vmem>>) semaphore(%arg10 : memref<!tpu.dma_semaphore, #tpu.memory_space<semaphore_mem>>)
      %dma_wait3A_244 = arith.constant 8 : i32
      %dma_wait3A_245 = arith.constant 0 : i32
      %dma_wait3A_246 = tpu.memref_slice %arg5[%dma_wait3A_244, %dma_wait3A_245] : memref<16x128xi32, #tpu.memory_space<vmem>> -> memref<1x128xi32, #tpu.memory_space<vmem>>
      %dma_wait3A_247 = tpu.memref_squeeze %dma_wait3A_246 : memref<1x128xi32, #tpu.memory_space<vmem>> -> memref<128xi32, #tpu.memory_space<vmem>>
      %dma_wait3A_248 = arith.constant 0 : i32
      %dma_wait3A_249 = arith.constant 0 : i32
      %dma_wait3A_250 = tpu.memref_slice %arg8[%dma_wait3A_248, %dma_wait3A_249] : memref<10112x128xf32, #tpu.memory_space<vmem_shared>> -> memref<10112x128xf32, #tpu.memory_space<vmem_shared>>
      tpu.wait_indirect_dma semaphore(%arg9 : memref<!tpu.dma_semaphore, #tpu.memory_space<semaphore_mem>>) src(%dma_wait3A_250 : memref<10112x128xf32, #tpu.memory_space<vmem_shared>>) dst(%arg6 : memref<128x128xf32, #tpu.memory_space<vmem>>)
      %add3A_251 = arith.constant 8 : i32
      %add3A_252 = arith.addi %mul3A_15, %add3A_251 : i32
      %mul3A_253 = arith.constant 128 : i32
      %mul3A_254 = arith.muli %add3A_252, %mul3A_253 : i32
      %add3A_255 = arith.addi %mul3A_4, %mul3A_254 : i32
      %dma_start3A_256 = arith.constant 0 : i32
      %dma_start3A_257 = tpu.memref_slice %arg4[%add3A_255, %dma_start3A_256] : memref<327680x128xf32, #tpu.memory_space<hbm>> -> memref<128x128xf32, #tpu.memory_space<hbm>>
      %dma_start3A_258 = arith.constant 0 : i32
      %dma_start3A_259 = tpu.memref_slice %arg4[%add3A_255, %dma_start3A_258] : memref<327680x128xf32, #tpu.memory_space<hbm>> -> memref<128x128xf32, #tpu.memory_space<hbm>>
      tpu.enqueue_dma source(%arg6 : memref<128x128xf32, #tpu.memory_space<vmem>>) target(%dma_start3A_259 : memref<128x128xf32, #tpu.memory_space<hbm>>) target_semaphore(%arg11 : memref<!tpu.dma_semaphore, #tpu.memory_space<semaphore_mem>>)
      %dma_wait3A_260 = arith.constant 0 : i32
      %dma_wait3A_261 = tpu.memref_slice %arg4[%add3A_255, %dma_wait3A_260] : memref<327680x128xf32, #tpu.memory_space<hbm>> -> memref<128x128xf32, #tpu.memory_space<hbm>>
      %dma_wait3A_262 = arith.constant 0 : i32
      %dma_wait3A_263 = tpu.memref_slice %arg4[%add3A_255, %dma_wait3A_262] : memref<327680x128xf32, #tpu.memory_space<hbm>> -> memref<128x128xf32, #tpu.memory_space<hbm>>
      tpu.wait_dma2 semaphore(%arg11 : memref<!tpu.dma_semaphore, #tpu.memory_space<semaphore_mem>>) src(%arg6 : memref<128x128xf32, #tpu.memory_space<vmem>>) dst(%dma_wait3A_263 : memref<128x128xf32, #tpu.memory_space<hbm>>)
      %dma_start3A_264 = arith.constant 10 : i32
      %dma_start3A_265 = arith.constant 0 : i32
      %dma_start3A_266 = tpu.memref_slice %arg5[%dma_start3A_264, %dma_start3A_265] : memref<16x128xi32, #tpu.memory_space<vmem>> -> memref<1x128xi32, #tpu.memory_space<vmem>>
      %dma_start3A_267 = tpu.memref_squeeze %dma_start3A_266 : memref<1x128xi32, #tpu.memory_space<vmem>> -> memref<128xi32, #tpu.memory_space<vmem>>
      %dma_start3A_268 = arith.constant 0 : i32
      %dma_start3A_269 = arith.constant 0 : i32
      %dma_start3A_270 = tpu.memref_slice %arg8[%dma_start3A_268, %dma_start3A_269] : memref<10112x128xf32, #tpu.memory_space<vmem_shared>> -> memref<10112x128xf32, #tpu.memory_space<vmem_shared>>
      tpu.enqueue_indirect_dma source(%dma_start3A_270 : memref<10112x128xf32, #tpu.memory_space<vmem_shared>>) target(%arg6 : memref<128x128xf32, #tpu.memory_space<vmem>>) offsets(%dma_start3A_267 : memref<128xi32, #tpu.memory_space<vmem>>) semaphore(%arg9 : memref<!tpu.dma_semaphore, #tpu.memory_space<semaphore_mem>>)
      %dma_wait3A_271 = arith.constant 9 : i32
      %dma_wait3A_272 = arith.constant 0 : i32
      %dma_wait3A_273 = tpu.memref_slice %arg5[%dma_wait3A_271, %dma_wait3A_272] : memref<16x128xi32, #tpu.memory_space<vmem>> -> memref<1x128xi32, #tpu.memory_space<vmem>>
      %dma_wait3A_274 = tpu.memref_squeeze %dma_wait3A_273 : memref<1x128xi32, #tpu.memory_space<vmem>> -> memref<128xi32, #tpu.memory_space<vmem>>
      %dma_wait3A_275 = arith.constant 0 : i32
      %dma_wait3A_276 = arith.constant 0 : i32
      %dma_wait3A_277 = tpu.memref_slice %arg8[%dma_wait3A_275, %dma_wait3A_276] : memref<10112x128xf32, #tpu.memory_space<vmem_shared>> -> memref<10112x128xf32, #tpu.memory_space<vmem_shared>>
      tpu.wait_indirect_dma semaphore(%arg10 : memref<!tpu.dma_semaphore, #tpu.memory_space<semaphore_mem>>) src(%dma_wait3A_277 : memref<10112x128xf32, #tpu.memory_space<vmem_shared>>) dst(%arg7 : memref<128x128xf32, #tpu.memory_space<vmem>>)
      %add3A_278 = arith.constant 9 : i32
      %add3A_279 = arith.addi %mul3A_15, %add3A_278 : i32
      %mul3A_280 = arith.constant 128 : i32
      %mul3A_281 = arith.muli %add3A_279, %mul3A_280 : i32
      %add3A_282 = arith.addi %mul3A_4, %mul3A_281 : i32
      %dma_start3A_283 = arith.constant 0 : i32
      %dma_start3A_284 = tpu.memref_slice %arg4[%add3A_282, %dma_start3A_283] : memref<327680x128xf32, #tpu.memory_space<hbm>> -> memref<128x128xf32, #tpu.memory_space<hbm>>
      %dma_start3A_285 = arith.constant 0 : i32
      %dma_start3A_286 = tpu.memref_slice %arg4[%add3A_282, %dma_start3A_285] : memref<327680x128xf32, #tpu.memory_space<hbm>> -> memref<128x128xf32, #tpu.memory_space<hbm>>
      tpu.enqueue_dma source(%arg7 : memref<128x128xf32, #tpu.memory_space<vmem>>) target(%dma_start3A_286 : memref<128x128xf32, #tpu.memory_space<hbm>>) target_semaphore(%arg12 : memref<!tpu.dma_semaphore, #tpu.memory_space<semaphore_mem>>)
      %dma_wait3A_287 = arith.constant 0 : i32
      %dma_wait3A_288 = tpu.memref_slice %arg4[%add3A_282, %dma_wait3A_287] : memref<327680x128xf32, #tpu.memory_space<hbm>> -> memref<128x128xf32, #tpu.memory_space<hbm>>
      %dma_wait3A_289 = arith.constant 0 : i32
      %dma_wait3A_290 = tpu.memref_slice %arg4[%add3A_282, %dma_wait3A_289] : memref<327680x128xf32, #tpu.memory_space<hbm>> -> memref<128x128xf32, #tpu.memory_space<hbm>>
      tpu.wait_dma2 semaphore(%arg12 : memref<!tpu.dma_semaphore, #tpu.memory_space<semaphore_mem>>) src(%arg7 : memref<128x128xf32, #tpu.memory_space<vmem>>) dst(%dma_wait3A_290 : memref<128x128xf32, #tpu.memory_space<hbm>>)
      %dma_start3A_291 = arith.constant 11 : i32
      %dma_start3A_292 = arith.constant 0 : i32
      %dma_start3A_293 = tpu.memref_slice %arg5[%dma_start3A_291, %dma_start3A_292] : memref<16x128xi32, #tpu.memory_space<vmem>> -> memref<1x128xi32, #tpu.memory_space<vmem>>
      %dma_start3A_294 = tpu.memref_squeeze %dma_start3A_293 : memref<1x128xi32, #tpu.memory_space<vmem>> -> memref<128xi32, #tpu.memory_space<vmem>>
      %dma_start3A_295 = arith.constant 0 : i32
      %dma_start3A_296 = arith.constant 0 : i32
      %dma_start3A_297 = tpu.memref_slice %arg8[%dma_start3A_295, %dma_start3A_296] : memref<10112x128xf32, #tpu.memory_space<vmem_shared>> -> memref<10112x128xf32, #tpu.memory_space<vmem_shared>>
      tpu.enqueue_indirect_dma source(%dma_start3A_297 : memref<10112x128xf32, #tpu.memory_space<vmem_shared>>) target(%arg7 : memref<128x128xf32, #tpu.memory_space<vmem>>) offsets(%dma_start3A_294 : memref<128xi32, #tpu.memory_space<vmem>>) semaphore(%arg10 : memref<!tpu.dma_semaphore, #tpu.memory_space<semaphore_mem>>)
      %dma_wait3A_298 = arith.constant 10 : i32
      %dma_wait3A_299 = arith.constant 0 : i32
      %dma_wait3A_300 = tpu.memref_slice %arg5[%dma_wait3A_298, %dma_wait3A_299] : memref<16x128xi32, #tpu.memory_space<vmem>> -> memref<1x128xi32, #tpu.memory_space<vmem>>
      %dma_wait3A_301 = tpu.memref_squeeze %dma_wait3A_300 : memref<1x128xi32, #tpu.memory_space<vmem>> -> memref<128xi32, #tpu.memory_space<vmem>>
      %dma_wait3A_302 = arith.constant 0 : i32
      %dma_wait3A_303 = arith.constant 0 : i32
      %dma_wait3A_304 = tpu.memref_slice %arg8[%dma_wait3A_302, %dma_wait3A_303] : memref<10112x128xf32, #tpu.memory_space<vmem_shared>> -> memref<10112x128xf32, #tpu.memory_space<vmem_shared>>
      tpu.wait_indirect_dma semaphore(%arg9 : memref<!tpu.dma_semaphore, #tpu.memory_space<semaphore_mem>>) src(%dma_wait3A_304 : memref<10112x128xf32, #tpu.memory_space<vmem_shared>>) dst(%arg6 : memref<128x128xf32, #tpu.memory_space<vmem>>)
      %add3A_305 = arith.constant 10 : i32
      %add3A_306 = arith.addi %mul3A_15, %add3A_305 : i32
      %mul3A_307 = arith.constant 128 : i32
      %mul3A_308 = arith.muli %add3A_306, %mul3A_307 : i32
      %add3A_309 = arith.addi %mul3A_4, %mul3A_308 : i32
      %dma_start3A_310 = arith.constant 0 : i32
      %dma_start3A_311 = tpu.memref_slice %arg4[%add3A_309, %dma_start3A_310] : memref<327680x128xf32, #tpu.memory_space<hbm>> -> memref<128x128xf32, #tpu.memory_space<hbm>>
      %dma_start3A_312 = arith.constant 0 : i32
      %dma_start3A_313 = tpu.memref_slice %arg4[%add3A_309, %dma_start3A_312] : memref<327680x128xf32, #tpu.memory_space<hbm>> -> memref<128x128xf32, #tpu.memory_space<hbm>>
      tpu.enqueue_dma source(%arg6 : memref<128x128xf32, #tpu.memory_space<vmem>>) target(%dma_start3A_313 : memref<128x128xf32, #tpu.memory_space<hbm>>) target_semaphore(%arg11 : memref<!tpu.dma_semaphore, #tpu.memory_space<semaphore_mem>>)
      %dma_wait3A_314 = arith.constant 0 : i32
      %dma_wait3A_315 = tpu.memref_slice %arg4[%add3A_309, %dma_wait3A_314] : memref<327680x128xf32, #tpu.memory_space<hbm>> -> memref<128x128xf32, #tpu.memory_space<hbm>>
      %dma_wait3A_316 = arith.constant 0 : i32
      %dma_wait3A_317 = tpu.memref_slice %arg4[%add3A_309, %dma_wait3A_316] : memref<327680x128xf32, #tpu.memory_space<hbm>> -> memref<128x128xf32, #tpu.memory_space<hbm>>
      tpu.wait_dma2 semaphore(%arg11 : memref<!tpu.dma_semaphore, #tpu.memory_space<semaphore_mem>>) src(%arg6 : memref<128x128xf32, #tpu.memory_space<vmem>>) dst(%dma_wait3A_317 : memref<128x128xf32, #tpu.memory_space<hbm>>)
      %dma_start3A_318 = arith.constant 12 : i32
      %dma_start3A_319 = arith.constant 0 : i32
      %dma_start3A_320 = tpu.memref_slice %arg5[%dma_start3A_318, %dma_start3A_319] : memref<16x128xi32, #tpu.memory_space<vmem>> -> memref<1x128xi32, #tpu.memory_space<vmem>>
      %dma_start3A_321 = tpu.memref_squeeze %dma_start3A_320 : memref<1x128xi32, #tpu.memory_space<vmem>> -> memref<128xi32, #tpu.memory_space<vmem>>
      %dma_start3A_322 = arith.constant 0 : i32
      %dma_start3A_323 = arith.constant 0 : i32
      %dma_start3A_324 = tpu.memref_slice %arg8[%dma_start3A_322, %dma_start3A_323] : memref<10112x128xf32, #tpu.memory_space<vmem_shared>> -> memref<10112x128xf32, #tpu.memory_space<vmem_shared>>
      tpu.enqueue_indirect_dma source(%dma_start3A_324 : memref<10112x128xf32, #tpu.memory_space<vmem_shared>>) target(%arg6 : memref<128x128xf32, #tpu.memory_space<vmem>>) offsets(%dma_start3A_321 : memref<128xi32, #tpu.memory_space<vmem>>) semaphore(%arg9 : memref<!tpu.dma_semaphore, #tpu.memory_space<semaphore_mem>>)
      %dma_wait3A_325 = arith.constant 11 : i32
      %dma_wait3A_326 = arith.constant 0 : i32
      %dma_wait3A_327 = tpu.memref_slice %arg5[%dma_wait3A_325, %dma_wait3A_326] : memref<16x128xi32, #tpu.memory_space<vmem>> -> memref<1x128xi32, #tpu.memory_space<vmem>>
      %dma_wait3A_328 = tpu.memref_squeeze %dma_wait3A_327 : memref<1x128xi32, #tpu.memory_space<vmem>> -> memref<128xi32, #tpu.memory_space<vmem>>
      %dma_wait3A_329 = arith.constant 0 : i32
      %dma_wait3A_330 = arith.constant 0 : i32
      %dma_wait3A_331 = tpu.memref_slice %arg8[%dma_wait3A_329, %dma_wait3A_330] : memref<10112x128xf32, #tpu.memory_space<vmem_shared>> -> memref<10112x128xf32, #tpu.memory_space<vmem_shared>>
      tpu.wait_indirect_dma semaphore(%arg10 : memref<!tpu.dma_semaphore, #tpu.memory_space<semaphore_mem>>) src(%dma_wait3A_331 : memref<10112x128xf32, #tpu.memory_space<vmem_shared>>) dst(%arg7 : memref<128x128xf32, #tpu.memory_space<vmem>>)
      %add3A_332 = arith.constant 11 : i32
      %add3A_333 = arith.addi %mul3A_15, %add3A_332 : i32
      %mul3A_334 = arith.constant 128 : i32
      %mul3A_335 = arith.muli %add3A_333, %mul3A_334 : i32
      %add3A_336 = arith.addi %mul3A_4, %mul3A_335 : i32
      %dma_start3A_337 = arith.constant 0 : i32
      %dma_start3A_338 = tpu.memref_slice %arg4[%add3A_336, %dma_start3A_337] : memref<327680x128xf32, #tpu.memory_space<hbm>> -> memref<128x128xf32, #tpu.memory_space<hbm>>
      %dma_start3A_339 = arith.constant 0 : i32
      %dma_start3A_340 = tpu.memref_slice %arg4[%add3A_336, %dma_start3A_339] : memref<327680x128xf32, #tpu.memory_space<hbm>> -> memref<128x128xf32, #tpu.memory_space<hbm>>
      tpu.enqueue_dma source(%arg7 : memref<128x128xf32, #tpu.memory_space<vmem>>) target(%dma_start3A_340 : memref<128x128xf32, #tpu.memory_space<hbm>>) target_semaphore(%arg12 : memref<!tpu.dma_semaphore, #tpu.memory_space<semaphore_mem>>)
      %dma_wait3A_341 = arith.constant 0 : i32
      %dma_wait3A_342 = tpu.memref_slice %arg4[%add3A_336, %dma_wait3A_341] : memref<327680x128xf32, #tpu.memory_space<hbm>> -> memref<128x128xf32, #tpu.memory_space<hbm>>
      %dma_wait3A_343 = arith.constant 0 : i32
      %dma_wait3A_344 = tpu.memref_slice %arg4[%add3A_336, %dma_wait3A_343] : memref<327680x128xf32, #tpu.memory_space<hbm>> -> memref<128x128xf32, #tpu.memory_space<hbm>>
      tpu.wait_dma2 semaphore(%arg12 : memref<!tpu.dma_semaphore, #tpu.memory_space<semaphore_mem>>) src(%arg7 : memref<128x128xf32, #tpu.memory_space<vmem>>) dst(%dma_wait3A_344 : memref<128x128xf32, #tpu.memory_space<hbm>>)
      %dma_start3A_345 = arith.constant 13 : i32
      %dma_start3A_346 = arith.constant 0 : i32
      %dma_start3A_347 = tpu.memref_slice %arg5[%dma_start3A_345, %dma_start3A_346] : memref<16x128xi32, #tpu.memory_space<vmem>> -> memref<1x128xi32, #tpu.memory_space<vmem>>
      %dma_start3A_348 = tpu.memref_squeeze %dma_start3A_347 : memref<1x128xi32, #tpu.memory_space<vmem>> -> memref<128xi32, #tpu.memory_space<vmem>>
      %dma_start3A_349 = arith.constant 0 : i32
      %dma_start3A_350 = arith.constant 0 : i32
      %dma_start3A_351 = tpu.memref_slice %arg8[%dma_start3A_349, %dma_start3A_350] : memref<10112x128xf32, #tpu.memory_space<vmem_shared>> -> memref<10112x128xf32, #tpu.memory_space<vmem_shared>>
      tpu.enqueue_indirect_dma source(%dma_start3A_351 : memref<10112x128xf32, #tpu.memory_space<vmem_shared>>) target(%arg7 : memref<128x128xf32, #tpu.memory_space<vmem>>) offsets(%dma_start3A_348 : memref<128xi32, #tpu.memory_space<vmem>>) semaphore(%arg10 : memref<!tpu.dma_semaphore, #tpu.memory_space<semaphore_mem>>)
      %dma_wait3A_352 = arith.constant 12 : i32
      %dma_wait3A_353 = arith.constant 0 : i32
      %dma_wait3A_354 = tpu.memref_slice %arg5[%dma_wait3A_352, %dma_wait3A_353] : memref<16x128xi32, #tpu.memory_space<vmem>> -> memref<1x128xi32, #tpu.memory_space<vmem>>
      %dma_wait3A_355 = tpu.memref_squeeze %dma_wait3A_354 : memref<1x128xi32, #tpu.memory_space<vmem>> -> memref<128xi32, #tpu.memory_space<vmem>>
      %dma_wait3A_356 = arith.constant 0 : i32
      %dma_wait3A_357 = arith.constant 0 : i32
      %dma_wait3A_358 = tpu.memref_slice %arg8[%dma_wait3A_356, %dma_wait3A_357] : memref<10112x128xf32, #tpu.memory_space<vmem_shared>> -> memref<10112x128xf32, #tpu.memory_space<vmem_shared>>
      tpu.wait_indirect_dma semaphore(%arg9 : memref<!tpu.dma_semaphore, #tpu.memory_space<semaphore_mem>>) src(%dma_wait3A_358 : memref<10112x128xf32, #tpu.memory_space<vmem_shared>>) dst(%arg6 : memref<128x128xf32, #tpu.memory_space<vmem>>)
      %add3A_359 = arith.constant 12 : i32
      %add3A_360 = arith.addi %mul3A_15, %add3A_359 : i32
      %mul3A_361 = arith.constant 128 : i32
      %mul3A_362 = arith.muli %add3A_360, %mul3A_361 : i32
      %add3A_363 = arith.addi %mul3A_4, %mul3A_362 : i32
      %dma_start3A_364 = arith.constant 0 : i32
      %dma_start3A_365 = tpu.memref_slice %arg4[%add3A_363, %dma_start3A_364] : memref<327680x128xf32, #tpu.memory_space<hbm>> -> memref<128x128xf32, #tpu.memory_space<hbm>>
      %dma_start3A_366 = arith.constant 0 : i32
      %dma_start3A_367 = tpu.memref_slice %arg4[%add3A_363, %dma_start3A_366] : memref<327680x128xf32, #tpu.memory_space<hbm>> -> memref<128x128xf32, #tpu.memory_space<hbm>>
      tpu.enqueue_dma source(%arg6 : memref<128x128xf32, #tpu.memory_space<vmem>>) target(%dma_start3A_367 : memref<128x128xf32, #tpu.memory_space<hbm>>) target_semaphore(%arg11 : memref<!tpu.dma_semaphore, #tpu.memory_space<semaphore_mem>>)
      %dma_wait3A_368 = arith.constant 0 : i32
      %dma_wait3A_369 = tpu.memref_slice %arg4[%add3A_363, %dma_wait3A_368] : memref<327680x128xf32, #tpu.memory_space<hbm>> -> memref<128x128xf32, #tpu.memory_space<hbm>>
      %dma_wait3A_370 = arith.constant 0 : i32
      %dma_wait3A_371 = tpu.memref_slice %arg4[%add3A_363, %dma_wait3A_370] : memref<327680x128xf32, #tpu.memory_space<hbm>> -> memref<128x128xf32, #tpu.memory_space<hbm>>
      tpu.wait_dma2 semaphore(%arg11 : memref<!tpu.dma_semaphore, #tpu.memory_space<semaphore_mem>>) src(%arg6 : memref<128x128xf32, #tpu.memory_space<vmem>>) dst(%dma_wait3A_371 : memref<128x128xf32, #tpu.memory_space<hbm>>)
      %dma_start3A_372 = arith.constant 14 : i32
      %dma_start3A_373 = arith.constant 0 : i32
      %dma_start3A_374 = tpu.memref_slice %arg5[%dma_start3A_372, %dma_start3A_373] : memref<16x128xi32, #tpu.memory_space<vmem>> -> memref<1x128xi32, #tpu.memory_space<vmem>>
      %dma_start3A_375 = tpu.memref_squeeze %dma_start3A_374 : memref<1x128xi32, #tpu.memory_space<vmem>> -> memref<128xi32, #tpu.memory_space<vmem>>
      %dma_start3A_376 = arith.constant 0 : i32
      %dma_start3A_377 = arith.constant 0 : i32
      %dma_start3A_378 = tpu.memref_slice %arg8[%dma_start3A_376, %dma_start3A_377] : memref<10112x128xf32, #tpu.memory_space<vmem_shared>> -> memref<10112x128xf32, #tpu.memory_space<vmem_shared>>
      tpu.enqueue_indirect_dma source(%dma_start3A_378 : memref<10112x128xf32, #tpu.memory_space<vmem_shared>>) target(%arg6 : memref<128x128xf32, #tpu.memory_space<vmem>>) offsets(%dma_start3A_375 : memref<128xi32, #tpu.memory_space<vmem>>) semaphore(%arg9 : memref<!tpu.dma_semaphore, #tpu.memory_space<semaphore_mem>>)
      %dma_wait3A_379 = arith.constant 13 : i32
      %dma_wait3A_380 = arith.constant 0 : i32
      %dma_wait3A_381 = tpu.memref_slice %arg5[%dma_wait3A_379, %dma_wait3A_380] : memref<16x128xi32, #tpu.memory_space<vmem>> -> memref<1x128xi32, #tpu.memory_space<vmem>>
      %dma_wait3A_382 = tpu.memref_squeeze %dma_wait3A_381 : memref<1x128xi32, #tpu.memory_space<vmem>> -> memref<128xi32, #tpu.memory_space<vmem>>
      %dma_wait3A_383 = arith.constant 0 : i32
      %dma_wait3A_384 = arith.constant 0 : i32
      %dma_wait3A_385 = tpu.memref_slice %arg8[%dma_wait3A_383, %dma_wait3A_384] : memref<10112x128xf32, #tpu.memory_space<vmem_shared>> -> memref<10112x128xf32, #tpu.memory_space<vmem_shared>>
      tpu.wait_indirect_dma semaphore(%arg10 : memref<!tpu.dma_semaphore, #tpu.memory_space<semaphore_mem>>) src(%dma_wait3A_385 : memref<10112x128xf32, #tpu.memory_space<vmem_shared>>) dst(%arg7 : memref<128x128xf32, #tpu.memory_space<vmem>>)
      %add3A_386 = arith.constant 13 : i32
      %add3A_387 = arith.addi %mul3A_15, %add3A_386 : i32
      %mul3A_388 = arith.constant 128 : i32
      %mul3A_389 = arith.muli %add3A_387, %mul3A_388 : i32
      %add3A_390 = arith.addi %mul3A_4, %mul3A_389 : i32
      %dma_start3A_391 = arith.constant 0 : i32
      %dma_start3A_392 = tpu.memref_slice %arg4[%add3A_390, %dma_start3A_391] : memref<327680x128xf32, #tpu.memory_space<hbm>> -> memref<128x128xf32, #tpu.memory_space<hbm>>
      %dma_start3A_393 = arith.constant 0 : i32
      %dma_start3A_394 = tpu.memref_slice %arg4[%add3A_390, %dma_start3A_393] : memref<327680x128xf32, #tpu.memory_space<hbm>> -> memref<128x128xf32, #tpu.memory_space<hbm>>
      tpu.enqueue_dma source(%arg7 : memref<128x128xf32, #tpu.memory_space<vmem>>) target(%dma_start3A_394 : memref<128x128xf32, #tpu.memory_space<hbm>>) target_semaphore(%arg12 : memref<!tpu.dma_semaphore, #tpu.memory_space<semaphore_mem>>)
      %dma_wait3A_395 = arith.constant 0 : i32
      %dma_wait3A_396 = tpu.memref_slice %arg4[%add3A_390, %dma_wait3A_395] : memref<327680x128xf32, #tpu.memory_space<hbm>> -> memref<128x128xf32, #tpu.memory_space<hbm>>
      %dma_wait3A_397 = arith.constant 0 : i32
      %dma_wait3A_398 = tpu.memref_slice %arg4[%add3A_390, %dma_wait3A_397] : memref<327680x128xf32, #tpu.memory_space<hbm>> -> memref<128x128xf32, #tpu.memory_space<hbm>>
      tpu.wait_dma2 semaphore(%arg12 : memref<!tpu.dma_semaphore, #tpu.memory_space<semaphore_mem>>) src(%arg7 : memref<128x128xf32, #tpu.memory_space<vmem>>) dst(%dma_wait3A_398 : memref<128x128xf32, #tpu.memory_space<hbm>>)
      %dma_start3A_399 = arith.constant 15 : i32
      %dma_start3A_400 = arith.constant 0 : i32
      %dma_start3A_401 = tpu.memref_slice %arg5[%dma_start3A_399, %dma_start3A_400] : memref<16x128xi32, #tpu.memory_space<vmem>> -> memref<1x128xi32, #tpu.memory_space<vmem>>
      %dma_start3A_402 = tpu.memref_squeeze %dma_start3A_401 : memref<1x128xi32, #tpu.memory_space<vmem>> -> memref<128xi32, #tpu.memory_space<vmem>>
      %dma_start3A_403 = arith.constant 0 : i32
      %dma_start3A_404 = arith.constant 0 : i32
      %dma_start3A_405 = tpu.memref_slice %arg8[%dma_start3A_403, %dma_start3A_404] : memref<10112x128xf32, #tpu.memory_space<vmem_shared>> -> memref<10112x128xf32, #tpu.memory_space<vmem_shared>>
      tpu.enqueue_indirect_dma source(%dma_start3A_405 : memref<10112x128xf32, #tpu.memory_space<vmem_shared>>) target(%arg7 : memref<128x128xf32, #tpu.memory_space<vmem>>) offsets(%dma_start3A_402 : memref<128xi32, #tpu.memory_space<vmem>>) semaphore(%arg10 : memref<!tpu.dma_semaphore, #tpu.memory_space<semaphore_mem>>)
      %dma_wait3A_406 = arith.constant 14 : i32
      %dma_wait3A_407 = arith.constant 0 : i32
      %dma_wait3A_408 = tpu.memref_slice %arg5[%dma_wait3A_406, %dma_wait3A_407] : memref<16x128xi32, #tpu.memory_space<vmem>> -> memref<1x128xi32, #tpu.memory_space<vmem>>
      %dma_wait3A_409 = tpu.memref_squeeze %dma_wait3A_408 : memref<1x128xi32, #tpu.memory_space<vmem>> -> memref<128xi32, #tpu.memory_space<vmem>>
      %dma_wait3A_410 = arith.constant 0 : i32
      %dma_wait3A_411 = arith.constant 0 : i32
      %dma_wait3A_412 = tpu.memref_slice %arg8[%dma_wait3A_410, %dma_wait3A_411] : memref<10112x128xf32, #tpu.memory_space<vmem_shared>> -> memref<10112x128xf32, #tpu.memory_space<vmem_shared>>
      tpu.wait_indirect_dma semaphore(%arg9 : memref<!tpu.dma_semaphore, #tpu.memory_space<semaphore_mem>>) src(%dma_wait3A_412 : memref<10112x128xf32, #tpu.memory_space<vmem_shared>>) dst(%arg6 : memref<128x128xf32, #tpu.memory_space<vmem>>)
      %add3A_413 = arith.constant 14 : i32
      %add3A_414 = arith.addi %mul3A_15, %add3A_413 : i32
      %mul3A_415 = arith.constant 128 : i32
      %mul3A_416 = arith.muli %add3A_414, %mul3A_415 : i32
      %add3A_417 = arith.addi %mul3A_4, %mul3A_416 : i32
      %dma_start3A_418 = arith.constant 0 : i32
      %dma_start3A_419 = tpu.memref_slice %arg4[%add3A_417, %dma_start3A_418] : memref<327680x128xf32, #tpu.memory_space<hbm>> -> memref<128x128xf32, #tpu.memory_space<hbm>>
      %dma_start3A_420 = arith.constant 0 : i32
      %dma_start3A_421 = tpu.memref_slice %arg4[%add3A_417, %dma_start3A_420] : memref<327680x128xf32, #tpu.memory_space<hbm>> -> memref<128x128xf32, #tpu.memory_space<hbm>>
      tpu.enqueue_dma source(%arg6 : memref<128x128xf32, #tpu.memory_space<vmem>>) target(%dma_start3A_421 : memref<128x128xf32, #tpu.memory_space<hbm>>) target_semaphore(%arg11 : memref<!tpu.dma_semaphore, #tpu.memory_space<semaphore_mem>>)
      %dma_wait3A_422 = arith.constant 0 : i32
      %dma_wait3A_423 = tpu.memref_slice %arg4[%add3A_417, %dma_wait3A_422] : memref<327680x128xf32, #tpu.memory_space<hbm>> -> memref<128x128xf32, #tpu.memory_space<hbm>>
      %dma_wait3A_424 = arith.constant 0 : i32
      %dma_wait3A_425 = tpu.memref_slice %arg4[%add3A_417, %dma_wait3A_424] : memref<327680x128xf32, #tpu.memory_space<hbm>> -> memref<128x128xf32, #tpu.memory_space<hbm>>
      tpu.wait_dma2 semaphore(%arg11 : memref<!tpu.dma_semaphore, #tpu.memory_space<semaphore_mem>>) src(%arg6 : memref<128x128xf32, #tpu.memory_space<vmem>>) dst(%dma_wait3A_425 : memref<128x128xf32, #tpu.memory_space<hbm>>)
      %dma_wait3A_426 = arith.constant 15 : i32
      %dma_wait3A_427 = arith.constant 0 : i32
      %dma_wait3A_428 = tpu.memref_slice %arg5[%dma_wait3A_426, %dma_wait3A_427] : memref<16x128xi32, #tpu.memory_space<vmem>> -> memref<1x128xi32, #tpu.memory_space<vmem>>
      %dma_wait3A_429 = tpu.memref_squeeze %dma_wait3A_428 : memref<1x128xi32, #tpu.memory_space<vmem>> -> memref<128xi32, #tpu.memory_space<vmem>>
      %dma_wait3A_430 = arith.constant 0 : i32
      %dma_wait3A_431 = arith.constant 0 : i32
      %dma_wait3A_432 = tpu.memref_slice %arg8[%dma_wait3A_430, %dma_wait3A_431] : memref<10112x128xf32, #tpu.memory_space<vmem_shared>> -> memref<10112x128xf32, #tpu.memory_space<vmem_shared>>
      tpu.wait_indirect_dma semaphore(%arg10 : memref<!tpu.dma_semaphore, #tpu.memory_space<semaphore_mem>>) src(%dma_wait3A_432 : memref<10112x128xf32, #tpu.memory_space<vmem_shared>>) dst(%arg7 : memref<128x128xf32, #tpu.memory_space<vmem>>)
      %add3A_433 = arith.constant 15 : i32
      %add3A_434 = arith.addi %mul3A_15, %add3A_433 : i32
      %mul3A_435 = arith.constant 128 : i32
      %mul3A_436 = arith.muli %add3A_434, %mul3A_435 : i32
      %add3A_437 = arith.addi %mul3A_4, %mul3A_436 : i32
      %dma_start3A_438 = arith.constant 0 : i32
      %dma_start3A_439 = tpu.memref_slice %arg4[%add3A_437, %dma_start3A_438] : memref<327680x128xf32, #tpu.memory_space<hbm>> -> memref<128x128xf32, #tpu.memory_space<hbm>>
      %dma_start3A_440 = arith.constant 0 : i32
      %dma_start3A_441 = tpu.memref_slice %arg4[%add3A_437, %dma_start3A_440] : memref<327680x128xf32, #tpu.memory_space<hbm>> -> memref<128x128xf32, #tpu.memory_space<hbm>>
      tpu.enqueue_dma source(%arg7 : memref<128x128xf32, #tpu.memory_space<vmem>>) target(%dma_start3A_441 : memref<128x128xf32, #tpu.memory_space<hbm>>) target_semaphore(%arg12 : memref<!tpu.dma_semaphore, #tpu.memory_space<semaphore_mem>>)
      %dma_wait3A_442 = arith.constant 0 : i32
      %dma_wait3A_443 = tpu.memref_slice %arg4[%add3A_437, %dma_wait3A_442] : memref<327680x128xf32, #tpu.memory_space<hbm>> -> memref<128x128xf32, #tpu.memory_space<hbm>>
      %dma_wait3A_444 = arith.constant 0 : i32
      %dma_wait3A_445 = tpu.memref_slice %arg4[%add3A_437, %dma_wait3A_444] : memref<327680x128xf32, #tpu.memory_space<hbm>> -> memref<128x128xf32, #tpu.memory_space<hbm>>
      tpu.wait_dma2 semaphore(%arg12 : memref<!tpu.dma_semaphore, #tpu.memory_space<semaphore_mem>>) src(%arg7 : memref<128x128xf32, #tpu.memory_space<vmem>>) dst(%dma_wait3A_445 : memref<128x128xf32, #tpu.memory_space<hbm>>)
    }
    %scan3A_8 = arith.constant 5 : i32
    return
  }
}

#map = affine_map<(d0, d1) -> (0, 0)>
#map1 = affine_map<(d0, d1) -> (0, 0, 0)>
#map2 = affine_map<(d0, d1) -> (0)>
module attributes {stable_mosaic.version = 14 : i64} {
  func.func @body(%arg0: i32, %arg1: i32, %arg2: memref<327680x128xf32, #tpu.memory_space<hbm>>, %arg3: memref<32x80x128xi32, #tpu.memory_space<hbm>>, %arg4: memref<10112x128xf32, #tpu.memory_space<hbm>>, %arg5: memref<2x10112x128xf32, #tpu.memory_space<hbm>>, %arg6: memref<323584xf32, #tpu.memory_space<hbm>>, %arg7: memref<16x128xi32, #tpu.memory_space<vmem>>, %arg8: memref<128x128xf32, #tpu.memory_space<vmem>>, %arg9: memref<128x128xf32, #tpu.memory_space<vmem>>, %arg10: memref<10112xf32, #tpu.memory_space<vmem>>, %arg11: memref<10112x128xf32, #tpu.memory_space<vmem_shared>>, %arg12: memref<!tpu.dma_semaphore, #tpu.memory_space<semaphore_mem>>, %arg13: memref<!tpu.dma_semaphore, #tpu.memory_space<semaphore_mem>>, %arg14: memref<!tpu.dma_semaphore, #tpu.memory_space<semaphore_mem>>, %arg15: memref<!tpu.dma_semaphore, #tpu.memory_space<semaphore_mem>>) attributes {dimension_semantics = [#tpu.dimension_semantics<core_parallel>, #tpu.dimension_semantics<subcore_parallel>], iteration_bounds = array<i64: 2, 16>, scalar_prefetch = 0 : i64, scratch_operands = 9 : i64, tpu.core_type = #tpu.core_type<sc_vector_subcore>, window_params = [{transform_indices = #map}, {transform_indices = #map1}, {transform_indices = #map}, {transform_indices = #map1}, {transform_indices = #map2}]} {
    %mul3A = arith.constant 16 : i32
    %mul3A_0 = arith.muli %arg0, %mul3A : i32
    %add3A = arith.addi %mul3A_0, %arg1 : i32
    %mul3A_1 = arith.constant 632 : i32
    %mul3A_2 = arith.muli %arg1, %mul3A_1 : i32
    "tpu.region"() ({
      %run_scoped3A = tpu.sem_alloc : memref<!tpu.dma_semaphore, #tpu.memory_space<semaphore_mem>>
      %dma_start3A = arith.constant 0 : i32
      %dma_start3A_18 = tpu.memref_slice %arg11[%mul3A_2, %dma_start3A] : memref<10112x128xf32, #tpu.memory_space<vmem_shared>> -> memref<632x128xf32, #tpu.memory_space<vmem_shared>>
      %dma_start3A_19 = arith.constant 0 : i32
      %dma_start3A_20 = tpu.memref_slice %arg4[%mul3A_2, %dma_start3A_19] : memref<10112x128xf32, #tpu.memory_space<hbm>> -> memref<632x128xf32, #tpu.memory_space<hbm>>
      tpu.enqueue_dma source(%dma_start3A_20 : memref<632x128xf32, #tpu.memory_space<hbm>>) target(%dma_start3A_18 : memref<632x128xf32, #tpu.memory_space<vmem_shared>>) target_semaphore(%run_scoped3A : memref<!tpu.dma_semaphore, #tpu.memory_space<semaphore_mem>>)
      %dma_wait3A = arith.constant 0 : i32
      %dma_wait3A_21 = tpu.memref_slice %arg11[%mul3A_2, %dma_wait3A] : memref<10112x128xf32, #tpu.memory_space<vmem_shared>> -> memref<632x128xf32, #tpu.memory_space<vmem_shared>>
      %dma_wait3A_22 = arith.constant 0 : i32
      %dma_wait3A_23 = tpu.memref_slice %arg4[%mul3A_2, %dma_wait3A_22] : memref<10112x128xf32, #tpu.memory_space<hbm>> -> memref<632x128xf32, #tpu.memory_space<hbm>>
      tpu.wait_dma2 semaphore(%run_scoped3A : memref<!tpu.dma_semaphore, #tpu.memory_space<semaphore_mem>>) src(%dma_wait3A_23 : memref<632x128xf32, #tpu.memory_space<hbm>>) dst(%dma_wait3A_21 : memref<632x128xf32, #tpu.memory_space<vmem_shared>>)
      tpu.yield
    }) : () -> ()
    %scan3A = arith.constant 0 : i32
    %scan3A_3 = arith.constant 632 : i32
    %scan3A_4 = arith.addi %scan3A, %scan3A_3 : i32
    %scan3A_5 = arith.constant 1 : i32
    scf.for %scan3A_18 = %scan3A to %scan3A_4 step %scan3A_5  : i32 {
      %mul3A_19 = arith.constant 1 : i32
      %mul3A_20 = arith.muli %scan3A_18, %mul3A_19 : i32
      %add3A_21 = arith.constant 0 : i32
      %add3A_22 = arith.addi %add3A_21, %mul3A_20 : i32
      %broadcast_in_dim3A_23 = arith.constant 0.000000e+00 : f32
      %broadcast_in_dim3A_24 = vector.broadcast %broadcast_in_dim3A_23 : f32 to vector<16xf32>
      %mul3A_25 = arith.constant 16 : i32
      %mul3A_26 = arith.muli %add3A_22, %mul3A_25 : i32
      %swap3A = arith.index_cast %mul3A_26 : i32 to index
      %swap3A_27 = tpu.vector_load %arg10[%swap3A] {strides = array<i32>} : memref<10112xf32, #tpu.memory_space<vmem>>, vector<16xf32>,
      tpu.vector_store %arg10[%swap3A], %broadcast_in_dim3A_24 {strides = array<i32>} : memref<10112xf32, #tpu.memory_space<vmem>>, vector<16xf32>,
    }
    %scan3A_6 = arith.constant 632 : i32
    %barrier3A = arith.constant 0 : index
    tpu.barrier barrier_id(%barrier3A)
    %broadcast_in_dim3A = arith.constant 1.000000e+00 : f32
    %broadcast_in_dim3A_7 = vector.broadcast %broadcast_in_dim3A : f32 to vector<16xf32>
    %mul3A_8 = arith.constant 10240 : i32
    %mul3A_9 = arith.muli %add3A, %mul3A_8 : i32
    %scan3A_10 = arith.constant 0 : i32
    %scan3A_11 = arith.constant 5 : i32
    %scan3A_12 = arith.addi %scan3A_10, %scan3A_11 : i32
    %scan3A_13 = arith.constant 1 : i32
    scf.for %scan3A_18 = %scan3A_10 to %scan3A_12 step %scan3A_13  : i32 {
      %mul3A_19 = arith.constant 1 : i32
      %mul3A_20 = arith.muli %scan3A_18, %mul3A_19 : i32
      %add3A_21 = arith.constant 0 : i32
      %add3A_22 = arith.addi %add3A_21, %mul3A_20 : i32
      %mul3A_23 = arith.constant 16 : i32
      %mul3A_24 = arith.muli %add3A_22, %mul3A_23 : i32
      "tpu.region"() ({
        %run_scoped3A = tpu.sem_alloc : memref<!tpu.dma_semaphore, #tpu.memory_space<semaphore_mem>>
        %dma_start3A_561 = arith.constant 0 : i32
        %dma_start3A_562 = tpu.memref_slice %arg3[%add3A, %mul3A_24, %dma_start3A_561] : memref<32x80x128xi32, #tpu.memory_space<hbm>> -> memref<1x16x128xi32, #tpu.memory_space<hbm>>
        %dma_start3A_563 = tpu.memref_squeeze %dma_start3A_562 : memref<1x16x128xi32, #tpu.memory_space<hbm>> -> memref<16x128xi32, #tpu.memory_space<hbm>>
        %dma_start3A_564 = arith.constant 0 : i32
        %dma_start3A_565 = tpu.memref_slice %arg3[%add3A, %mul3A_24, %dma_start3A_564] : memref<32x80x128xi32, #tpu.memory_space<hbm>> -> memref<1x16x128xi32, #tpu.memory_space<hbm>>
        %dma_start3A_566 = tpu.memref_squeeze %dma_start3A_565 : memref<1x16x128xi32, #tpu.memory_space<hbm>> -> memref<16x128xi32, #tpu.memory_space<hbm>>
        tpu.enqueue_dma source(%dma_start3A_566 : memref<16x128xi32, #tpu.memory_space<hbm>>) target(%arg7 : memref<16x128xi32, #tpu.memory_space<vmem>>) target_semaphore(%run_scoped3A : memref<!tpu.dma_semaphore, #tpu.memory_space<semaphore_mem>>)
        %dma_wait3A_567 = arith.constant 0 : i32
        %dma_wait3A_568 = tpu.memref_slice %arg3[%add3A, %mul3A_24, %dma_wait3A_567] : memref<32x80x128xi32, #tpu.memory_space<hbm>> -> memref<1x16x128xi32, #tpu.memory_space<hbm>>
        %dma_wait3A_569 = tpu.memref_squeeze %dma_wait3A_568 : memref<1x16x128xi32, #tpu.memory_space<hbm>> -> memref<16x128xi32, #tpu.memory_space<hbm>>
        %dma_wait3A_570 = arith.constant 0 : i32
        %dma_wait3A_571 = tpu.memref_slice %arg3[%add3A, %mul3A_24, %dma_wait3A_570] : memref<32x80x128xi32, #tpu.memory_space<hbm>> -> memref<1x16x128xi32, #tpu.memory_space<hbm>>
        %dma_wait3A_572 = tpu.memref_squeeze %dma_wait3A_571 : memref<1x16x128xi32, #tpu.memory_space<hbm>> -> memref<16x128xi32, #tpu.memory_space<hbm>>
        tpu.wait_dma2 semaphore(%run_scoped3A : memref<!tpu.dma_semaphore, #tpu.memory_space<semaphore_mem>>) src(%dma_wait3A_572 : memref<16x128xi32, #tpu.memory_space<hbm>>) dst(%arg7 : memref<16x128xi32, #tpu.memory_space<vmem>>)
        tpu.yield
      }) : () -> ()
      %mul3A_25 = arith.constant 128 : i32
      %mul3A_26 = arith.muli %mul3A_24, %mul3A_25 : i32
      %add3A_27 = arith.addi %mul3A_9, %mul3A_26 : i32
      %dma_start3A = arith.constant 0 : i32
      %dma_start3A_28 = tpu.memref_slice %arg2[%add3A_27, %dma_start3A] : memref<327680x128xf32, #tpu.memory_space<hbm>> -> memref<128x128xf32, #tpu.memory_space<hbm>>
      %dma_start3A_29 = arith.constant 0 : i32
      %dma_start3A_30 = tpu.memref_slice %arg2[%add3A_27, %dma_start3A_29] : memref<327680x128xf32, #tpu.memory_space<hbm>> -> memref<128x128xf32, #tpu.memory_space<hbm>>
      tpu.enqueue_dma source(%dma_start3A_30 : memref<128x128xf32, #tpu.memory_space<hbm>>) target(%arg8 : memref<128x128xf32, #tpu.memory_space<vmem>>) target_semaphore(%arg12 : memref<!tpu.dma_semaphore, #tpu.memory_space<semaphore_mem>>)
      %add3A_31 = arith.constant 1 : i32
      %add3A_32 = arith.addi %mul3A_24, %add3A_31 : i32
      %mul3A_33 = arith.constant 128 : i32
      %mul3A_34 = arith.muli %add3A_32, %mul3A_33 : i32
      %add3A_35 = arith.addi %mul3A_9, %mul3A_34 : i32
      %dma_start3A_36 = arith.constant 0 : i32
      %dma_start3A_37 = tpu.memref_slice %arg2[%add3A_35, %dma_start3A_36] : memref<327680x128xf32, #tpu.memory_space<hbm>> -> memref<128x128xf32, #tpu.memory_space<hbm>>
      %dma_start3A_38 = arith.constant 0 : i32
      %dma_start3A_39 = tpu.memref_slice %arg2[%add3A_35, %dma_start3A_38] : memref<327680x128xf32, #tpu.memory_space<hbm>> -> memref<128x128xf32, #tpu.memory_space<hbm>>
      tpu.enqueue_dma source(%dma_start3A_39 : memref<128x128xf32, #tpu.memory_space<hbm>>) target(%arg9 : memref<128x128xf32, #tpu.memory_space<vmem>>) target_semaphore(%arg13 : memref<!tpu.dma_semaphore, #tpu.memory_space<semaphore_mem>>)
      %dma_wait3A = arith.constant 0 : i32
      %dma_wait3A_40 = tpu.memref_slice %arg2[%add3A_27, %dma_wait3A] : memref<327680x128xf32, #tpu.memory_space<hbm>> -> memref<128x128xf32, #tpu.memory_space<hbm>>
      %dma_wait3A_41 = arith.constant 0 : i32
      %dma_wait3A_42 = tpu.memref_slice %arg2[%add3A_27, %dma_wait3A_41] : memref<327680x128xf32, #tpu.memory_space<hbm>> -> memref<128x128xf32, #tpu.memory_space<hbm>>
      tpu.wait_dma2 semaphore(%arg12 : memref<!tpu.dma_semaphore, #tpu.memory_space<semaphore_mem>>) src(%dma_wait3A_42 : memref<128x128xf32, #tpu.memory_space<hbm>>) dst(%arg8 : memref<128x128xf32, #tpu.memory_space<vmem>>)
      %dma_start3A_43 = arith.constant 0 : i32
      %dma_start3A_44 = arith.constant 0 : i32
      %dma_start3A_45 = tpu.memref_slice %arg7[%dma_start3A_43, %dma_start3A_44] : memref<16x128xi32, #tpu.memory_space<vmem>> -> memref<1x128xi32, #tpu.memory_space<vmem>>
      %dma_start3A_46 = tpu.memref_squeeze %dma_start3A_45 : memref<1x128xi32, #tpu.memory_space<vmem>> -> memref<128xi32, #tpu.memory_space<vmem>>
      %dma_start3A_47 = arith.constant 0 : i32
      %dma_start3A_48 = arith.constant 0 : i32
      %dma_start3A_49 = tpu.memref_slice %arg11[%dma_start3A_47, %dma_start3A_48] : memref<10112x128xf32, #tpu.memory_space<vmem_shared>> -> memref<10112x128xf32, #tpu.memory_space<vmem_shared>>
      tpu.enqueue_indirect_dma source(%arg8 : memref<128x128xf32, #tpu.memory_space<vmem>>) target(%dma_start3A_49 : memref<10112x128xf32, #tpu.memory_space<vmem_shared>>) offsets(%dma_start3A_46 : memref<128xi32, #tpu.memory_space<vmem>>) semaphore(%arg14 : memref<!tpu.dma_semaphore, #tpu.memory_space<semaphore_mem>>) {add = true}
      %scan3A_50 = arith.constant 0 : i32
      %scan3A_51 = arith.constant 8 : i32
      %scan3A_52 = arith.addi %scan3A_50, %scan3A_51 : i32
      %scan3A_53 = arith.constant 1 : i32
      scf.for %scan3A_561 = %scan3A_50 to %scan3A_52 step %scan3A_53  : i32 {
        %mul3A_562 = arith.constant 1 : i32
        %mul3A_563 = arith.muli %scan3A_561, %mul3A_562 : i32
        %add3A_564 = arith.constant 0 : i32
        %add3A_565 = arith.addi %add3A_564, %mul3A_563 : i32
        %mul3A_566 = arith.constant 16 : i32
        %mul3A_567 = arith.muli %add3A_565, %mul3A_566 : i32
        %get3A = arith.constant 0 : i32
        %get3A_568 = arith.index_cast %get3A : i32 to index
        %get3A_569 = arith.index_cast %mul3A_567 : i32 to index
        %get3A_570 = tpu.vector_load %arg7[%get3A_568, %get3A_569] {strides = array<i32>} : memref<16x128xi32, #tpu.memory_space<vmem>>, vector<16xi32>,
        tpu.vector_store_idx %arg10[%get3A_570], %broadcast_in_dim3A_7 {add = true} : memref<10112xf32, #tpu.memory_space<vmem>>[vector<16xi32>], vector<16xf32>,
      }
      %scan3A_54 = arith.constant 8 : i32
      %dma_wait3A_55 = arith.constant 0 : i32
      %dma_wait3A_56 = arith.constant 0 : i32
      %dma_wait3A_57 = tpu.memref_slice %arg7[%dma_wait3A_55, %dma_wait3A_56] : memref<16x128xi32, #tpu.memory_space<vmem>> -> memref<1x128xi32, #tpu.memory_space<vmem>>
      %dma_wait3A_58 = tpu.memref_squeeze %dma_wait3A_57 : memref<1x128xi32, #tpu.memory_space<vmem>> -> memref<128xi32, #tpu.memory_space<vmem>>
      %dma_wait3A_59 = arith.constant 0 : i32
      %dma_wait3A_60 = arith.constant 0 : i32
      %dma_wait3A_61 = tpu.memref_slice %arg11[%dma_wait3A_59, %dma_wait3A_60] : memref<10112x128xf32, #tpu.memory_space<vmem_shared>> -> memref<10112x128xf32, #tpu.memory_space<vmem_shared>>
      tpu.wait_indirect_dma semaphore(%arg14 : memref<!tpu.dma_semaphore, #tpu.memory_space<semaphore_mem>>) src(%arg8 : memref<128x128xf32, #tpu.memory_space<vmem>>) dst(%dma_wait3A_61 : memref<10112x128xf32, #tpu.memory_space<vmem_shared>>)
      %add3A_62 = arith.constant 1 : i32
      %add3A_63 = arith.addi %mul3A_24, %add3A_62 : i32
      %add3A_64 = arith.constant 1 : i32
      %add3A_65 = arith.addi %add3A_63, %add3A_64 : i32
      %mul3A_66 = arith.constant 128 : i32
      %mul3A_67 = arith.muli %add3A_65, %mul3A_66 : i32
      %add3A_68 = arith.addi %mul3A_9, %mul3A_67 : i32
      %dma_start3A_69 = arith.constant 0 : i32
      %dma_start3A_70 = tpu.memref_slice %arg2[%add3A_68, %dma_start3A_69] : memref<327680x128xf32, #tpu.memory_space<hbm>> -> memref<128x128xf32, #tpu.memory_space<hbm>>
      %dma_start3A_71 = arith.constant 0 : i32
      %dma_start3A_72 = tpu.memref_slice %arg2[%add3A_68, %dma_start3A_71] : memref<327680x128xf32, #tpu.memory_space<hbm>> -> memref<128x128xf32, #tpu.memory_space<hbm>>
      tpu.enqueue_dma source(%dma_start3A_72 : memref<128x128xf32, #tpu.memory_space<hbm>>) target(%arg8 : memref<128x128xf32, #tpu.memory_space<vmem>>) target_semaphore(%arg12 : memref<!tpu.dma_semaphore, #tpu.memory_space<semaphore_mem>>)
      %dma_wait3A_73 = arith.constant 0 : i32
      %dma_wait3A_74 = tpu.memref_slice %arg2[%add3A_35, %dma_wait3A_73] : memref<327680x128xf32, #tpu.memory_space<hbm>> -> memref<128x128xf32, #tpu.memory_space<hbm>>
      %dma_wait3A_75 = arith.constant 0 : i32
      %dma_wait3A_76 = tpu.memref_slice %arg2[%add3A_35, %dma_wait3A_75] : memref<327680x128xf32, #tpu.memory_space<hbm>> -> memref<128x128xf32, #tpu.memory_space<hbm>>
      tpu.wait_dma2 semaphore(%arg13 : memref<!tpu.dma_semaphore, #tpu.memory_space<semaphore_mem>>) src(%dma_wait3A_76 : memref<128x128xf32, #tpu.memory_space<hbm>>) dst(%arg9 : memref<128x128xf32, #tpu.memory_space<vmem>>)
      %dma_start3A_77 = arith.constant 1 : i32
      %dma_start3A_78 = arith.constant 0 : i32
      %dma_start3A_79 = tpu.memref_slice %arg7[%dma_start3A_77, %dma_start3A_78] : memref<16x128xi32, #tpu.memory_space<vmem>> -> memref<1x128xi32, #tpu.memory_space<vmem>>
      %dma_start3A_80 = tpu.memref_squeeze %dma_start3A_79 : memref<1x128xi32, #tpu.memory_space<vmem>> -> memref<128xi32, #tpu.memory_space<vmem>>
      %dma_start3A_81 = arith.constant 0 : i32
      %dma_start3A_82 = arith.constant 0 : i32
      %dma_start3A_83 = tpu.memref_slice %arg11[%dma_start3A_81, %dma_start3A_82] : memref<10112x128xf32, #tpu.memory_space<vmem_shared>> -> memref<10112x128xf32, #tpu.memory_space<vmem_shared>>
      tpu.enqueue_indirect_dma source(%arg9 : memref<128x128xf32, #tpu.memory_space<vmem>>) target(%dma_start3A_83 : memref<10112x128xf32, #tpu.memory_space<vmem_shared>>) offsets(%dma_start3A_80 : memref<128xi32, #tpu.memory_space<vmem>>) semaphore(%arg15 : memref<!tpu.dma_semaphore, #tpu.memory_space<semaphore_mem>>) {add = true}
      %scan3A_84 = arith.constant 0 : i32
      %scan3A_85 = arith.constant 8 : i32
      %scan3A_86 = arith.addi %scan3A_84, %scan3A_85 : i32
      %scan3A_87 = arith.constant 1 : i32
      scf.for %scan3A_561 = %scan3A_84 to %scan3A_86 step %scan3A_87  : i32 {
        %mul3A_562 = arith.constant 1 : i32
        %mul3A_563 = arith.muli %scan3A_561, %mul3A_562 : i32
        %add3A_564 = arith.constant 0 : i32
        %add3A_565 = arith.addi %add3A_564, %mul3A_563 : i32
        %mul3A_566 = arith.constant 16 : i32
        %mul3A_567 = arith.muli %add3A_565, %mul3A_566 : i32
        %get3A = arith.constant 1 : i32
        %get3A_568 = arith.index_cast %get3A : i32 to index
        %get3A_569 = arith.index_cast %mul3A_567 : i32 to index
        %get3A_570 = tpu.vector_load %arg7[%get3A_568, %get3A_569] {strides = array<i32>} : memref<16x128xi32, #tpu.memory_space<vmem>>, vector<16xi32>,
        tpu.vector_store_idx %arg10[%get3A_570], %broadcast_in_dim3A_7 {add = true} : memref<10112xf32, #tpu.memory_space<vmem>>[vector<16xi32>], vector<16xf32>,
      }
      %scan3A_88 = arith.constant 8 : i32
      %dma_wait3A_89 = arith.constant 1 : i32
      %dma_wait3A_90 = arith.constant 0 : i32
      %dma_wait3A_91 = tpu.memref_slice %arg7[%dma_wait3A_89, %dma_wait3A_90] : memref<16x128xi32, #tpu.memory_space<vmem>> -> memref<1x128xi32, #tpu.memory_space<vmem>>
      %dma_wait3A_92 = tpu.memref_squeeze %dma_wait3A_91 : memref<1x128xi32, #tpu.memory_space<vmem>> -> memref<128xi32, #tpu.memory_space<vmem>>
      %dma_wait3A_93 = arith.constant 0 : i32
      %dma_wait3A_94 = arith.constant 0 : i32
      %dma_wait3A_95 = tpu.memref_slice %arg11[%dma_wait3A_93, %dma_wait3A_94] : memref<10112x128xf32, #tpu.memory_space<vmem_shared>> -> memref<10112x128xf32, #tpu.memory_space<vmem_shared>>
      tpu.wait_indirect_dma semaphore(%arg15 : memref<!tpu.dma_semaphore, #tpu.memory_space<semaphore_mem>>) src(%arg9 : memref<128x128xf32, #tpu.memory_space<vmem>>) dst(%dma_wait3A_95 : memref<10112x128xf32, #tpu.memory_space<vmem_shared>>)
      %add3A_96 = arith.constant 2 : i32
      %add3A_97 = arith.addi %mul3A_24, %add3A_96 : i32
      %add3A_98 = arith.constant 1 : i32
      %add3A_99 = arith.addi %add3A_97, %add3A_98 : i32
      %mul3A_100 = arith.constant 128 : i32
      %mul3A_101 = arith.muli %add3A_99, %mul3A_100 : i32
      %add3A_102 = arith.addi %mul3A_9, %mul3A_101 : i32
      %dma_start3A_103 = arith.constant 0 : i32
      %dma_start3A_104 = tpu.memref_slice %arg2[%add3A_102, %dma_start3A_103] : memref<327680x128xf32, #tpu.memory_space<hbm>> -> memref<128x128xf32, #tpu.memory_space<hbm>>
      %dma_start3A_105 = arith.constant 0 : i32
      %dma_start3A_106 = tpu.memref_slice %arg2[%add3A_102, %dma_start3A_105] : memref<327680x128xf32, #tpu.memory_space<hbm>> -> memref<128x128xf32, #tpu.memory_space<hbm>>
      tpu.enqueue_dma source(%dma_start3A_106 : memref<128x128xf32, #tpu.memory_space<hbm>>) target(%arg9 : memref<128x128xf32, #tpu.memory_space<vmem>>) target_semaphore(%arg13 : memref<!tpu.dma_semaphore, #tpu.memory_space<semaphore_mem>>)
      %dma_wait3A_107 = arith.constant 0 : i32
      %dma_wait3A_108 = tpu.memref_slice %arg2[%add3A_68, %dma_wait3A_107] : memref<327680x128xf32, #tpu.memory_space<hbm>> -> memref<128x128xf32, #tpu.memory_space<hbm>>
      %dma_wait3A_109 = arith.constant 0 : i32
      %dma_wait3A_110 = tpu.memref_slice %arg2[%add3A_68, %dma_wait3A_109] : memref<327680x128xf32, #tpu.memory_space<hbm>> -> memref<128x128xf32, #tpu.memory_space<hbm>>
      tpu.wait_dma2 semaphore(%arg12 : memref<!tpu.dma_semaphore, #tpu.memory_space<semaphore_mem>>) src(%dma_wait3A_110 : memref<128x128xf32, #tpu.memory_space<hbm>>) dst(%arg8 : memref<128x128xf32, #tpu.memory_space<vmem>>)
      %dma_start3A_111 = arith.constant 2 : i32
      %dma_start3A_112 = arith.constant 0 : i32
      %dma_start3A_113 = tpu.memref_slice %arg7[%dma_start3A_111, %dma_start3A_112] : memref<16x128xi32, #tpu.memory_space<vmem>> -> memref<1x128xi32, #tpu.memory_space<vmem>>
      %dma_start3A_114 = tpu.memref_squeeze %dma_start3A_113 : memref<1x128xi32, #tpu.memory_space<vmem>> -> memref<128xi32, #tpu.memory_space<vmem>>
      %dma_start3A_115 = arith.constant 0 : i32
      %dma_start3A_116 = arith.constant 0 : i32
      %dma_start3A_117 = tpu.memref_slice %arg11[%dma_start3A_115, %dma_start3A_116] : memref<10112x128xf32, #tpu.memory_space<vmem_shared>> -> memref<10112x128xf32, #tpu.memory_space<vmem_shared>>
      tpu.enqueue_indirect_dma source(%arg8 : memref<128x128xf32, #tpu.memory_space<vmem>>) target(%dma_start3A_117 : memref<10112x128xf32, #tpu.memory_space<vmem_shared>>) offsets(%dma_start3A_114 : memref<128xi32, #tpu.memory_space<vmem>>) semaphore(%arg14 : memref<!tpu.dma_semaphore, #tpu.memory_space<semaphore_mem>>) {add = true}
      %scan3A_118 = arith.constant 0 : i32
      %scan3A_119 = arith.constant 8 : i32
      %scan3A_120 = arith.addi %scan3A_118, %scan3A_119 : i32
      %scan3A_121 = arith.constant 1 : i32
      scf.for %scan3A_561 = %scan3A_118 to %scan3A_120 step %scan3A_121  : i32 {
        %mul3A_562 = arith.constant 1 : i32
        %mul3A_563 = arith.muli %scan3A_561, %mul3A_562 : i32
        %add3A_564 = arith.constant 0 : i32
        %add3A_565 = arith.addi %add3A_564, %mul3A_563 : i32
        %mul3A_566 = arith.constant 16 : i32
        %mul3A_567 = arith.muli %add3A_565, %mul3A_566 : i32
        %get3A = arith.constant 2 : i32
        %get3A_568 = arith.index_cast %get3A : i32 to index
        %get3A_569 = arith.index_cast %mul3A_567 : i32 to index
        %get3A_570 = tpu.vector_load %arg7[%get3A_568, %get3A_569] {strides = array<i32>} : memref<16x128xi32, #tpu.memory_space<vmem>>, vector<16xi32>,
        tpu.vector_store_idx %arg10[%get3A_570], %broadcast_in_dim3A_7 {add = true} : memref<10112xf32, #tpu.memory_space<vmem>>[vector<16xi32>], vector<16xf32>,
      }
      %scan3A_122 = arith.constant 8 : i32
      %dma_wait3A_123 = arith.constant 2 : i32
      %dma_wait3A_124 = arith.constant 0 : i32
      %dma_wait3A_125 = tpu.memref_slice %arg7[%dma_wait3A_123, %dma_wait3A_124] : memref<16x128xi32, #tpu.memory_space<vmem>> -> memref<1x128xi32, #tpu.memory_space<vmem>>
      %dma_wait3A_126 = tpu.memref_squeeze %dma_wait3A_125 : memref<1x128xi32, #tpu.memory_space<vmem>> -> memref<128xi32, #tpu.memory_space<vmem>>
      %dma_wait3A_127 = arith.constant 0 : i32
      %dma_wait3A_128 = arith.constant 0 : i32
      %dma_wait3A_129 = tpu.memref_slice %arg11[%dma_wait3A_127, %dma_wait3A_128] : memref<10112x128xf32, #tpu.memory_space<vmem_shared>> -> memref<10112x128xf32, #tpu.memory_space<vmem_shared>>
      tpu.wait_indirect_dma semaphore(%arg14 : memref<!tpu.dma_semaphore, #tpu.memory_space<semaphore_mem>>) src(%arg8 : memref<128x128xf32, #tpu.memory_space<vmem>>) dst(%dma_wait3A_129 : memref<10112x128xf32, #tpu.memory_space<vmem_shared>>)
      %add3A_130 = arith.constant 3 : i32
      %add3A_131 = arith.addi %mul3A_24, %add3A_130 : i32
      %add3A_132 = arith.constant 1 : i32
      %add3A_133 = arith.addi %add3A_131, %add3A_132 : i32
      %mul3A_134 = arith.constant 128 : i32
      %mul3A_135 = arith.muli %add3A_133, %mul3A_134 : i32
      %add3A_136 = arith.addi %mul3A_9, %mul3A_135 : i32
      %dma_start3A_137 = arith.constant 0 : i32
      %dma_start3A_138 = tpu.memref_slice %arg2[%add3A_136, %dma_start3A_137] : memref<327680x128xf32, #tpu.memory_space<hbm>> -> memref<128x128xf32, #tpu.memory_space<hbm>>
      %dma_start3A_139 = arith.constant 0 : i32
      %dma_start3A_140 = tpu.memref_slice %arg2[%add3A_136, %dma_start3A_139] : memref<327680x128xf32, #tpu.memory_space<hbm>> -> memref<128x128xf32, #tpu.memory_space<hbm>>
      tpu.enqueue_dma source(%dma_start3A_140 : memref<128x128xf32, #tpu.memory_space<hbm>>) target(%arg8 : memref<128x128xf32, #tpu.memory_space<vmem>>) target_semaphore(%arg12 : memref<!tpu.dma_semaphore, #tpu.memory_space<semaphore_mem>>)
      %dma_wait3A_141 = arith.constant 0 : i32
      %dma_wait3A_142 = tpu.memref_slice %arg2[%add3A_102, %dma_wait3A_141] : memref<327680x128xf32, #tpu.memory_space<hbm>> -> memref<128x128xf32, #tpu.memory_space<hbm>>
      %dma_wait3A_143 = arith.constant 0 : i32
      %dma_wait3A_144 = tpu.memref_slice %arg2[%add3A_102, %dma_wait3A_143] : memref<327680x128xf32, #tpu.memory_space<hbm>> -> memref<128x128xf32, #tpu.memory_space<hbm>>
      tpu.wait_dma2 semaphore(%arg13 : memref<!tpu.dma_semaphore, #tpu.memory_space<semaphore_mem>>) src(%dma_wait3A_144 : memref<128x128xf32, #tpu.memory_space<hbm>>) dst(%arg9 : memref<128x128xf32, #tpu.memory_space<vmem>>)
      %dma_start3A_145 = arith.constant 3 : i32
      %dma_start3A_146 = arith.constant 0 : i32
      %dma_start3A_147 = tpu.memref_slice %arg7[%dma_start3A_145, %dma_start3A_146] : memref<16x128xi32, #tpu.memory_space<vmem>> -> memref<1x128xi32, #tpu.memory_space<vmem>>
      %dma_start3A_148 = tpu.memref_squeeze %dma_start3A_147 : memref<1x128xi32, #tpu.memory_space<vmem>> -> memref<128xi32, #tpu.memory_space<vmem>>
      %dma_start3A_149 = arith.constant 0 : i32
      %dma_start3A_150 = arith.constant 0 : i32
      %dma_start3A_151 = tpu.memref_slice %arg11[%dma_start3A_149, %dma_start3A_150] : memref<10112x128xf32, #tpu.memory_space<vmem_shared>> -> memref<10112x128xf32, #tpu.memory_space<vmem_shared>>
      tpu.enqueue_indirect_dma source(%arg9 : memref<128x128xf32, #tpu.memory_space<vmem>>) target(%dma_start3A_151 : memref<10112x128xf32, #tpu.memory_space<vmem_shared>>) offsets(%dma_start3A_148 : memref<128xi32, #tpu.memory_space<vmem>>) semaphore(%arg15 : memref<!tpu.dma_semaphore, #tpu.memory_space<semaphore_mem>>) {add = true}
      %scan3A_152 = arith.constant 0 : i32
      %scan3A_153 = arith.constant 8 : i32
      %scan3A_154 = arith.addi %scan3A_152, %scan3A_153 : i32
      %scan3A_155 = arith.constant 1 : i32
      scf.for %scan3A_561 = %scan3A_152 to %scan3A_154 step %scan3A_155  : i32 {
        %mul3A_562 = arith.constant 1 : i32
        %mul3A_563 = arith.muli %scan3A_561, %mul3A_562 : i32
        %add3A_564 = arith.constant 0 : i32
        %add3A_565 = arith.addi %add3A_564, %mul3A_563 : i32
        %mul3A_566 = arith.constant 16 : i32
        %mul3A_567 = arith.muli %add3A_565, %mul3A_566 : i32
        %get3A = arith.constant 3 : i32
        %get3A_568 = arith.index_cast %get3A : i32 to index
        %get3A_569 = arith.index_cast %mul3A_567 : i32 to index
        %get3A_570 = tpu.vector_load %arg7[%get3A_568, %get3A_569] {strides = array<i32>} : memref<16x128xi32, #tpu.memory_space<vmem>>, vector<16xi32>,
        tpu.vector_store_idx %arg10[%get3A_570], %broadcast_in_dim3A_7 {add = true} : memref<10112xf32, #tpu.memory_space<vmem>>[vector<16xi32>], vector<16xf32>,
      }
      %scan3A_156 = arith.constant 8 : i32
      %dma_wait3A_157 = arith.constant 3 : i32
      %dma_wait3A_158 = arith.constant 0 : i32
      %dma_wait3A_159 = tpu.memref_slice %arg7[%dma_wait3A_157, %dma_wait3A_158] : memref<16x128xi32, #tpu.memory_space<vmem>> -> memref<1x128xi32, #tpu.memory_space<vmem>>
      %dma_wait3A_160 = tpu.memref_squeeze %dma_wait3A_159 : memref<1x128xi32, #tpu.memory_space<vmem>> -> memref<128xi32, #tpu.memory_space<vmem>>
      %dma_wait3A_161 = arith.constant 0 : i32
      %dma_wait3A_162 = arith.constant 0 : i32
      %dma_wait3A_163 = tpu.memref_slice %arg11[%dma_wait3A_161, %dma_wait3A_162] : memref<10112x128xf32, #tpu.memory_space<vmem_shared>> -> memref<10112x128xf32, #tpu.memory_space<vmem_shared>>
      tpu.wait_indirect_dma semaphore(%arg15 : memref<!tpu.dma_semaphore, #tpu.memory_space<semaphore_mem>>) src(%arg9 : memref<128x128xf32, #tpu.memory_space<vmem>>) dst(%dma_wait3A_163 : memref<10112x128xf32, #tpu.memory_space<vmem_shared>>)
      %add3A_164 = arith.constant 4 : i32
      %add3A_165 = arith.addi %mul3A_24, %add3A_164 : i32
      %add3A_166 = arith.constant 1 : i32
      %add3A_167 = arith.addi %add3A_165, %add3A_166 : i32
      %mul3A_168 = arith.constant 128 : i32
      %mul3A_169 = arith.muli %add3A_167, %mul3A_168 : i32
      %add3A_170 = arith.addi %mul3A_9, %mul3A_169 : i32
      %dma_start3A_171 = arith.constant 0 : i32
      %dma_start3A_172 = tpu.memref_slice %arg2[%add3A_170, %dma_start3A_171] : memref<327680x128xf32, #tpu.memory_space<hbm>> -> memref<128x128xf32, #tpu.memory_space<hbm>>
      %dma_start3A_173 = arith.constant 0 : i32
      %dma_start3A_174 = tpu.memref_slice %arg2[%add3A_170, %dma_start3A_173] : memref<327680x128xf32, #tpu.memory_space<hbm>> -> memref<128x128xf32, #tpu.memory_space<hbm>>
      tpu.enqueue_dma source(%dma_start3A_174 : memref<128x128xf32, #tpu.memory_space<hbm>>) target(%arg9 : memref<128x128xf32, #tpu.memory_space<vmem>>) target_semaphore(%arg13 : memref<!tpu.dma_semaphore, #tpu.memory_space<semaphore_mem>>)
      %dma_wait3A_175 = arith.constant 0 : i32
      %dma_wait3A_176 = tpu.memref_slice %arg2[%add3A_136, %dma_wait3A_175] : memref<327680x128xf32, #tpu.memory_space<hbm>> -> memref<128x128xf32, #tpu.memory_space<hbm>>
      %dma_wait3A_177 = arith.constant 0 : i32
      %dma_wait3A_178 = tpu.memref_slice %arg2[%add3A_136, %dma_wait3A_177] : memref<327680x128xf32, #tpu.memory_space<hbm>> -> memref<128x128xf32, #tpu.memory_space<hbm>>
      tpu.wait_dma2 semaphore(%arg12 : memref<!tpu.dma_semaphore, #tpu.memory_space<semaphore_mem>>) src(%dma_wait3A_178 : memref<128x128xf32, #tpu.memory_space<hbm>>) dst(%arg8 : memref<128x128xf32, #tpu.memory_space<vmem>>)
      %dma_start3A_179 = arith.constant 4 : i32
      %dma_start3A_180 = arith.constant 0 : i32
      %dma_start3A_181 = tpu.memref_slice %arg7[%dma_start3A_179, %dma_start3A_180] : memref<16x128xi32, #tpu.memory_space<vmem>> -> memref<1x128xi32, #tpu.memory_space<vmem>>
      %dma_start3A_182 = tpu.memref_squeeze %dma_start3A_181 : memref<1x128xi32, #tpu.memory_space<vmem>> -> memref<128xi32, #tpu.memory_space<vmem>>
      %dma_start3A_183 = arith.constant 0 : i32
      %dma_start3A_184 = arith.constant 0 : i32
      %dma_start3A_185 = tpu.memref_slice %arg11[%dma_start3A_183, %dma_start3A_184] : memref<10112x128xf32, #tpu.memory_space<vmem_shared>> -> memref<10112x128xf32, #tpu.memory_space<vmem_shared>>
      tpu.enqueue_indirect_dma source(%arg8 : memref<128x128xf32, #tpu.memory_space<vmem>>) target(%dma_start3A_185 : memref<10112x128xf32, #tpu.memory_space<vmem_shared>>) offsets(%dma_start3A_182 : memref<128xi32, #tpu.memory_space<vmem>>) semaphore(%arg14 : memref<!tpu.dma_semaphore, #tpu.memory_space<semaphore_mem>>) {add = true}
      %scan3A_186 = arith.constant 0 : i32
      %scan3A_187 = arith.constant 8 : i32
      %scan3A_188 = arith.addi %scan3A_186, %scan3A_187 : i32
      %scan3A_189 = arith.constant 1 : i32
      scf.for %scan3A_561 = %scan3A_186 to %scan3A_188 step %scan3A_189  : i32 {
        %mul3A_562 = arith.constant 1 : i32
        %mul3A_563 = arith.muli %scan3A_561, %mul3A_562 : i32
        %add3A_564 = arith.constant 0 : i32
        %add3A_565 = arith.addi %add3A_564, %mul3A_563 : i32
        %mul3A_566 = arith.constant 16 : i32
        %mul3A_567 = arith.muli %add3A_565, %mul3A_566 : i32
        %get3A = arith.constant 4 : i32
        %get3A_568 = arith.index_cast %get3A : i32 to index
        %get3A_569 = arith.index_cast %mul3A_567 : i32 to index
        %get3A_570 = tpu.vector_load %arg7[%get3A_568, %get3A_569] {strides = array<i32>} : memref<16x128xi32, #tpu.memory_space<vmem>>, vector<16xi32>,
        tpu.vector_store_idx %arg10[%get3A_570], %broadcast_in_dim3A_7 {add = true} : memref<10112xf32, #tpu.memory_space<vmem>>[vector<16xi32>], vector<16xf32>,
      }
      %scan3A_190 = arith.constant 8 : i32
      %dma_wait3A_191 = arith.constant 4 : i32
      %dma_wait3A_192 = arith.constant 0 : i32
      %dma_wait3A_193 = tpu.memref_slice %arg7[%dma_wait3A_191, %dma_wait3A_192] : memref<16x128xi32, #tpu.memory_space<vmem>> -> memref<1x128xi32, #tpu.memory_space<vmem>>
      %dma_wait3A_194 = tpu.memref_squeeze %dma_wait3A_193 : memref<1x128xi32, #tpu.memory_space<vmem>> -> memref<128xi32, #tpu.memory_space<vmem>>
      %dma_wait3A_195 = arith.constant 0 : i32
      %dma_wait3A_196 = arith.constant 0 : i32
      %dma_wait3A_197 = tpu.memref_slice %arg11[%dma_wait3A_195, %dma_wait3A_196] : memref<10112x128xf32, #tpu.memory_space<vmem_shared>> -> memref<10112x128xf32, #tpu.memory_space<vmem_shared>>
      tpu.wait_indirect_dma semaphore(%arg14 : memref<!tpu.dma_semaphore, #tpu.memory_space<semaphore_mem>>) src(%arg8 : memref<128x128xf32, #tpu.memory_space<vmem>>) dst(%dma_wait3A_197 : memref<10112x128xf32, #tpu.memory_space<vmem_shared>>)
      %add3A_198 = arith.constant 5 : i32
      %add3A_199 = arith.addi %mul3A_24, %add3A_198 : i32
      %add3A_200 = arith.constant 1 : i32
      %add3A_201 = arith.addi %add3A_199, %add3A_200 : i32
      %mul3A_202 = arith.constant 128 : i32
      %mul3A_203 = arith.muli %add3A_201, %mul3A_202 : i32
      %add3A_204 = arith.addi %mul3A_9, %mul3A_203 : i32
      %dma_start3A_205 = arith.constant 0 : i32
      %dma_start3A_206 = tpu.memref_slice %arg2[%add3A_204, %dma_start3A_205] : memref<327680x128xf32, #tpu.memory_space<hbm>> -> memref<128x128xf32, #tpu.memory_space<hbm>>
      %dma_start3A_207 = arith.constant 0 : i32
      %dma_start3A_208 = tpu.memref_slice %arg2[%add3A_204, %dma_start3A_207] : memref<327680x128xf32, #tpu.memory_space<hbm>> -> memref<128x128xf32, #tpu.memory_space<hbm>>
      tpu.enqueue_dma source(%dma_start3A_208 : memref<128x128xf32, #tpu.memory_space<hbm>>) target(%arg8 : memref<128x128xf32, #tpu.memory_space<vmem>>) target_semaphore(%arg12 : memref<!tpu.dma_semaphore, #tpu.memory_space<semaphore_mem>>)
      %dma_wait3A_209 = arith.constant 0 : i32
      %dma_wait3A_210 = tpu.memref_slice %arg2[%add3A_170, %dma_wait3A_209] : memref<327680x128xf32, #tpu.memory_space<hbm>> -> memref<128x128xf32, #tpu.memory_space<hbm>>
      %dma_wait3A_211 = arith.constant 0 : i32
      %dma_wait3A_212 = tpu.memref_slice %arg2[%add3A_170, %dma_wait3A_211] : memref<327680x128xf32, #tpu.memory_space<hbm>> -> memref<128x128xf32, #tpu.memory_space<hbm>>
      tpu.wait_dma2 semaphore(%arg13 : memref<!tpu.dma_semaphore, #tpu.memory_space<semaphore_mem>>) src(%dma_wait3A_212 : memref<128x128xf32, #tpu.memory_space<hbm>>) dst(%arg9 : memref<128x128xf32, #tpu.memory_space<vmem>>)
      %dma_start3A_213 = arith.constant 5 : i32
      %dma_start3A_214 = arith.constant 0 : i32
      %dma_start3A_215 = tpu.memref_slice %arg7[%dma_start3A_213, %dma_start3A_214] : memref<16x128xi32, #tpu.memory_space<vmem>> -> memref<1x128xi32, #tpu.memory_space<vmem>>
      %dma_start3A_216 = tpu.memref_squeeze %dma_start3A_215 : memref<1x128xi32, #tpu.memory_space<vmem>> -> memref<128xi32, #tpu.memory_space<vmem>>
      %dma_start3A_217 = arith.constant 0 : i32
      %dma_start3A_218 = arith.constant 0 : i32
      %dma_start3A_219 = tpu.memref_slice %arg11[%dma_start3A_217, %dma_start3A_218] : memref<10112x128xf32, #tpu.memory_space<vmem_shared>> -> memref<10112x128xf32, #tpu.memory_space<vmem_shared>>
      tpu.enqueue_indirect_dma source(%arg9 : memref<128x128xf32, #tpu.memory_space<vmem>>) target(%dma_start3A_219 : memref<10112x128xf32, #tpu.memory_space<vmem_shared>>) offsets(%dma_start3A_216 : memref<128xi32, #tpu.memory_space<vmem>>) semaphore(%arg15 : memref<!tpu.dma_semaphore, #tpu.memory_space<semaphore_mem>>) {add = true}
      %scan3A_220 = arith.constant 0 : i32
      %scan3A_221 = arith.constant 8 : i32
      %scan3A_222 = arith.addi %scan3A_220, %scan3A_221 : i32
      %scan3A_223 = arith.constant 1 : i32
      scf.for %scan3A_561 = %scan3A_220 to %scan3A_222 step %scan3A_223  : i32 {
        %mul3A_562 = arith.constant 1 : i32
        %mul3A_563 = arith.muli %scan3A_561, %mul3A_562 : i32
        %add3A_564 = arith.constant 0 : i32
        %add3A_565 = arith.addi %add3A_564, %mul3A_563 : i32
        %mul3A_566 = arith.constant 16 : i32
        %mul3A_567 = arith.muli %add3A_565, %mul3A_566 : i32
        %get3A = arith.constant 5 : i32
        %get3A_568 = arith.index_cast %get3A : i32 to index
        %get3A_569 = arith.index_cast %mul3A_567 : i32 to index
        %get3A_570 = tpu.vector_load %arg7[%get3A_568, %get3A_569] {strides = array<i32>} : memref<16x128xi32, #tpu.memory_space<vmem>>, vector<16xi32>,
        tpu.vector_store_idx %arg10[%get3A_570], %broadcast_in_dim3A_7 {add = true} : memref<10112xf32, #tpu.memory_space<vmem>>[vector<16xi32>], vector<16xf32>,
      }
      %scan3A_224 = arith.constant 8 : i32
      %dma_wait3A_225 = arith.constant 5 : i32
      %dma_wait3A_226 = arith.constant 0 : i32
      %dma_wait3A_227 = tpu.memref_slice %arg7[%dma_wait3A_225, %dma_wait3A_226] : memref<16x128xi32, #tpu.memory_space<vmem>> -> memref<1x128xi32, #tpu.memory_space<vmem>>
      %dma_wait3A_228 = tpu.memref_squeeze %dma_wait3A_227 : memref<1x128xi32, #tpu.memory_space<vmem>> -> memref<128xi32, #tpu.memory_space<vmem>>
      %dma_wait3A_229 = arith.constant 0 : i32
      %dma_wait3A_230 = arith.constant 0 : i32
      %dma_wait3A_231 = tpu.memref_slice %arg11[%dma_wait3A_229, %dma_wait3A_230] : memref<10112x128xf32, #tpu.memory_space<vmem_shared>> -> memref<10112x128xf32, #tpu.memory_space<vmem_shared>>
      tpu.wait_indirect_dma semaphore(%arg15 : memref<!tpu.dma_semaphore, #tpu.memory_space<semaphore_mem>>) src(%arg9 : memref<128x128xf32, #tpu.memory_space<vmem>>) dst(%dma_wait3A_231 : memref<10112x128xf32, #tpu.memory_space<vmem_shared>>)
      %add3A_232 = arith.constant 6 : i32
      %add3A_233 = arith.addi %mul3A_24, %add3A_232 : i32
      %add3A_234 = arith.constant 1 : i32
      %add3A_235 = arith.addi %add3A_233, %add3A_234 : i32
      %mul3A_236 = arith.constant 128 : i32
      %mul3A_237 = arith.muli %add3A_235, %mul3A_236 : i32
      %add3A_238 = arith.addi %mul3A_9, %mul3A_237 : i32
      %dma_start3A_239 = arith.constant 0 : i32
      %dma_start3A_240 = tpu.memref_slice %arg2[%add3A_238, %dma_start3A_239] : memref<327680x128xf32, #tpu.memory_space<hbm>> -> memref<128x128xf32, #tpu.memory_space<hbm>>
      %dma_start3A_241 = arith.constant 0 : i32
      %dma_start3A_242 = tpu.memref_slice %arg2[%add3A_238, %dma_start3A_241] : memref<327680x128xf32, #tpu.memory_space<hbm>> -> memref<128x128xf32, #tpu.memory_space<hbm>>
      tpu.enqueue_dma source(%dma_start3A_242 : memref<128x128xf32, #tpu.memory_space<hbm>>) target(%arg9 : memref<128x128xf32, #tpu.memory_space<vmem>>) target_semaphore(%arg13 : memref<!tpu.dma_semaphore, #tpu.memory_space<semaphore_mem>>)
      %dma_wait3A_243 = arith.constant 0 : i32
      %dma_wait3A_244 = tpu.memref_slice %arg2[%add3A_204, %dma_wait3A_243] : memref<327680x128xf32, #tpu.memory_space<hbm>> -> memref<128x128xf32, #tpu.memory_space<hbm>>
      %dma_wait3A_245 = arith.constant 0 : i32
      %dma_wait3A_246 = tpu.memref_slice %arg2[%add3A_204, %dma_wait3A_245] : memref<327680x128xf32, #tpu.memory_space<hbm>> -> memref<128x128xf32, #tpu.memory_space<hbm>>
      tpu.wait_dma2 semaphore(%arg12 : memref<!tpu.dma_semaphore, #tpu.memory_space<semaphore_mem>>) src(%dma_wait3A_246 : memref<128x128xf32, #tpu.memory_space<hbm>>) dst(%arg8 : memref<128x128xf32, #tpu.memory_space<vmem>>)
      %dma_start3A_247 = arith.constant 6 : i32
      %dma_start3A_248 = arith.constant 0 : i32
      %dma_start3A_249 = tpu.memref_slice %arg7[%dma_start3A_247, %dma_start3A_248] : memref<16x128xi32, #tpu.memory_space<vmem>> -> memref<1x128xi32, #tpu.memory_space<vmem>>
      %dma_start3A_250 = tpu.memref_squeeze %dma_start3A_249 : memref<1x128xi32, #tpu.memory_space<vmem>> -> memref<128xi32, #tpu.memory_space<vmem>>
      %dma_start3A_251 = arith.constant 0 : i32
      %dma_start3A_252 = arith.constant 0 : i32
      %dma_start3A_253 = tpu.memref_slice %arg11[%dma_start3A_251, %dma_start3A_252] : memref<10112x128xf32, #tpu.memory_space<vmem_shared>> -> memref<10112x128xf32, #tpu.memory_space<vmem_shared>>
      tpu.enqueue_indirect_dma source(%arg8 : memref<128x128xf32, #tpu.memory_space<vmem>>) target(%dma_start3A_253 : memref<10112x128xf32, #tpu.memory_space<vmem_shared>>) offsets(%dma_start3A_250 : memref<128xi32, #tpu.memory_space<vmem>>) semaphore(%arg14 : memref<!tpu.dma_semaphore, #tpu.memory_space<semaphore_mem>>) {add = true}
      %scan3A_254 = arith.constant 0 : i32
      %scan3A_255 = arith.constant 8 : i32
      %scan3A_256 = arith.addi %scan3A_254, %scan3A_255 : i32
      %scan3A_257 = arith.constant 1 : i32
      scf.for %scan3A_561 = %scan3A_254 to %scan3A_256 step %scan3A_257  : i32 {
        %mul3A_562 = arith.constant 1 : i32
        %mul3A_563 = arith.muli %scan3A_561, %mul3A_562 : i32
        %add3A_564 = arith.constant 0 : i32
        %add3A_565 = arith.addi %add3A_564, %mul3A_563 : i32
        %mul3A_566 = arith.constant 16 : i32
        %mul3A_567 = arith.muli %add3A_565, %mul3A_566 : i32
        %get3A = arith.constant 6 : i32
        %get3A_568 = arith.index_cast %get3A : i32 to index
        %get3A_569 = arith.index_cast %mul3A_567 : i32 to index
        %get3A_570 = tpu.vector_load %arg7[%get3A_568, %get3A_569] {strides = array<i32>} : memref<16x128xi32, #tpu.memory_space<vmem>>, vector<16xi32>,
        tpu.vector_store_idx %arg10[%get3A_570], %broadcast_in_dim3A_7 {add = true} : memref<10112xf32, #tpu.memory_space<vmem>>[vector<16xi32>], vector<16xf32>,
      }
      %scan3A_258 = arith.constant 8 : i32
      %dma_wait3A_259 = arith.constant 6 : i32
      %dma_wait3A_260 = arith.constant 0 : i32
      %dma_wait3A_261 = tpu.memref_slice %arg7[%dma_wait3A_259, %dma_wait3A_260] : memref<16x128xi32, #tpu.memory_space<vmem>> -> memref<1x128xi32, #tpu.memory_space<vmem>>
      %dma_wait3A_262 = tpu.memref_squeeze %dma_wait3A_261 : memref<1x128xi32, #tpu.memory_space<vmem>> -> memref<128xi32, #tpu.memory_space<vmem>>
      %dma_wait3A_263 = arith.constant 0 : i32
      %dma_wait3A_264 = arith.constant 0 : i32
      %dma_wait3A_265 = tpu.memref_slice %arg11[%dma_wait3A_263, %dma_wait3A_264] : memref<10112x128xf32, #tpu.memory_space<vmem_shared>> -> memref<10112x128xf32, #tpu.memory_space<vmem_shared>>
      tpu.wait_indirect_dma semaphore(%arg14 : memref<!tpu.dma_semaphore, #tpu.memory_space<semaphore_mem>>) src(%arg8 : memref<128x128xf32, #tpu.memory_space<vmem>>) dst(%dma_wait3A_265 : memref<10112x128xf32, #tpu.memory_space<vmem_shared>>)
      %add3A_266 = arith.constant 7 : i32
      %add3A_267 = arith.addi %mul3A_24, %add3A_266 : i32
      %add3A_268 = arith.constant 1 : i32
      %add3A_269 = arith.addi %add3A_267, %add3A_268 : i32
      %mul3A_270 = arith.constant 128 : i32
      %mul3A_271 = arith.muli %add3A_269, %mul3A_270 : i32
      %add3A_272 = arith.addi %mul3A_9, %mul3A_271 : i32
      %dma_start3A_273 = arith.constant 0 : i32
      %dma_start3A_274 = tpu.memref_slice %arg2[%add3A_272, %dma_start3A_273] : memref<327680x128xf32, #tpu.memory_space<hbm>> -> memref<128x128xf32, #tpu.memory_space<hbm>>
      %dma_start3A_275 = arith.constant 0 : i32
      %dma_start3A_276 = tpu.memref_slice %arg2[%add3A_272, %dma_start3A_275] : memref<327680x128xf32, #tpu.memory_space<hbm>> -> memref<128x128xf32, #tpu.memory_space<hbm>>
      tpu.enqueue_dma source(%dma_start3A_276 : memref<128x128xf32, #tpu.memory_space<hbm>>) target(%arg8 : memref<128x128xf32, #tpu.memory_space<vmem>>) target_semaphore(%arg12 : memref<!tpu.dma_semaphore, #tpu.memory_space<semaphore_mem>>)
      %dma_wait3A_277 = arith.constant 0 : i32
      %dma_wait3A_278 = tpu.memref_slice %arg2[%add3A_238, %dma_wait3A_277] : memref<327680x128xf32, #tpu.memory_space<hbm>> -> memref<128x128xf32, #tpu.memory_space<hbm>>
      %dma_wait3A_279 = arith.constant 0 : i32
      %dma_wait3A_280 = tpu.memref_slice %arg2[%add3A_238, %dma_wait3A_279] : memref<327680x128xf32, #tpu.memory_space<hbm>> -> memref<128x128xf32, #tpu.memory_space<hbm>>
      tpu.wait_dma2 semaphore(%arg13 : memref<!tpu.dma_semaphore, #tpu.memory_space<semaphore_mem>>) src(%dma_wait3A_280 : memref<128x128xf32, #tpu.memory_space<hbm>>) dst(%arg9 : memref<128x128xf32, #tpu.memory_space<vmem>>)
      %dma_start3A_281 = arith.constant 7 : i32
      %dma_start3A_282 = arith.constant 0 : i32
      %dma_start3A_283 = tpu.memref_slice %arg7[%dma_start3A_281, %dma_start3A_282] : memref<16x128xi32, #tpu.memory_space<vmem>> -> memref<1x128xi32, #tpu.memory_space<vmem>>
      %dma_start3A_284 = tpu.memref_squeeze %dma_start3A_283 : memref<1x128xi32, #tpu.memory_space<vmem>> -> memref<128xi32, #tpu.memory_space<vmem>>
      %dma_start3A_285 = arith.constant 0 : i32
      %dma_start3A_286 = arith.constant 0 : i32
      %dma_start3A_287 = tpu.memref_slice %arg11[%dma_start3A_285, %dma_start3A_286] : memref<10112x128xf32, #tpu.memory_space<vmem_shared>> -> memref<10112x128xf32, #tpu.memory_space<vmem_shared>>
      tpu.enqueue_indirect_dma source(%arg9 : memref<128x128xf32, #tpu.memory_space<vmem>>) target(%dma_start3A_287 : memref<10112x128xf32, #tpu.memory_space<vmem_shared>>) offsets(%dma_start3A_284 : memref<128xi32, #tpu.memory_space<vmem>>) semaphore(%arg15 : memref<!tpu.dma_semaphore, #tpu.memory_space<semaphore_mem>>) {add = true}
      %scan3A_288 = arith.constant 0 : i32
      %scan3A_289 = arith.constant 8 : i32
      %scan3A_290 = arith.addi %scan3A_288, %scan3A_289 : i32
      %scan3A_291 = arith.constant 1 : i32
      scf.for %scan3A_561 = %scan3A_288 to %scan3A_290 step %scan3A_291  : i32 {
        %mul3A_562 = arith.constant 1 : i32
        %mul3A_563 = arith.muli %scan3A_561, %mul3A_562 : i32
        %add3A_564 = arith.constant 0 : i32
        %add3A_565 = arith.addi %add3A_564, %mul3A_563 : i32
        %mul3A_566 = arith.constant 16 : i32
        %mul3A_567 = arith.muli %add3A_565, %mul3A_566 : i32
        %get3A = arith.constant 7 : i32
        %get3A_568 = arith.index_cast %get3A : i32 to index
        %get3A_569 = arith.index_cast %mul3A_567 : i32 to index
        %get3A_570 = tpu.vector_load %arg7[%get3A_568, %get3A_569] {strides = array<i32>} : memref<16x128xi32, #tpu.memory_space<vmem>>, vector<16xi32>,
        tpu.vector_store_idx %arg10[%get3A_570], %broadcast_in_dim3A_7 {add = true} : memref<10112xf32, #tpu.memory_space<vmem>>[vector<16xi32>], vector<16xf32>,
      }
      %scan3A_292 = arith.constant 8 : i32
      %dma_wait3A_293 = arith.constant 7 : i32
      %dma_wait3A_294 = arith.constant 0 : i32
      %dma_wait3A_295 = tpu.memref_slice %arg7[%dma_wait3A_293, %dma_wait3A_294] : memref<16x128xi32, #tpu.memory_space<vmem>> -> memref<1x128xi32, #tpu.memory_space<vmem>>
      %dma_wait3A_296 = tpu.memref_squeeze %dma_wait3A_295 : memref<1x128xi32, #tpu.memory_space<vmem>> -> memref<128xi32, #tpu.memory_space<vmem>>
      %dma_wait3A_297 = arith.constant 0 : i32
      %dma_wait3A_298 = arith.constant 0 : i32
      %dma_wait3A_299 = tpu.memref_slice %arg11[%dma_wait3A_297, %dma_wait3A_298] : memref<10112x128xf32, #tpu.memory_space<vmem_shared>> -> memref<10112x128xf32, #tpu.memory_space<vmem_shared>>
      tpu.wait_indirect_dma semaphore(%arg15 : memref<!tpu.dma_semaphore, #tpu.memory_space<semaphore_mem>>) src(%arg9 : memref<128x128xf32, #tpu.memory_space<vmem>>) dst(%dma_wait3A_299 : memref<10112x128xf32, #tpu.memory_space<vmem_shared>>)
      %add3A_300 = arith.constant 8 : i32
      %add3A_301 = arith.addi %mul3A_24, %add3A_300 : i32
      %add3A_302 = arith.constant 1 : i32
      %add3A_303 = arith.addi %add3A_301, %add3A_302 : i32
      %mul3A_304 = arith.constant 128 : i32
      %mul3A_305 = arith.muli %add3A_303, %mul3A_304 : i32
      %add3A_306 = arith.addi %mul3A_9, %mul3A_305 : i32
      %dma_start3A_307 = arith.constant 0 : i32
      %dma_start3A_308 = tpu.memref_slice %arg2[%add3A_306, %dma_start3A_307] : memref<327680x128xf32, #tpu.memory_space<hbm>> -> memref<128x128xf32, #tpu.memory_space<hbm>>
      %dma_start3A_309 = arith.constant 0 : i32
      %dma_start3A_310 = tpu.memref_slice %arg2[%add3A_306, %dma_start3A_309] : memref<327680x128xf32, #tpu.memory_space<hbm>> -> memref<128x128xf32, #tpu.memory_space<hbm>>
      tpu.enqueue_dma source(%dma_start3A_310 : memref<128x128xf32, #tpu.memory_space<hbm>>) target(%arg9 : memref<128x128xf32, #tpu.memory_space<vmem>>) target_semaphore(%arg13 : memref<!tpu.dma_semaphore, #tpu.memory_space<semaphore_mem>>)
      %dma_wait3A_311 = arith.constant 0 : i32
      %dma_wait3A_312 = tpu.memref_slice %arg2[%add3A_272, %dma_wait3A_311] : memref<327680x128xf32, #tpu.memory_space<hbm>> -> memref<128x128xf32, #tpu.memory_space<hbm>>
      %dma_wait3A_313 = arith.constant 0 : i32
      %dma_wait3A_314 = tpu.memref_slice %arg2[%add3A_272, %dma_wait3A_313] : memref<327680x128xf32, #tpu.memory_space<hbm>> -> memref<128x128xf32, #tpu.memory_space<hbm>>
      tpu.wait_dma2 semaphore(%arg12 : memref<!tpu.dma_semaphore, #tpu.memory_space<semaphore_mem>>) src(%dma_wait3A_314 : memref<128x128xf32, #tpu.memory_space<hbm>>) dst(%arg8 : memref<128x128xf32, #tpu.memory_space<vmem>>)
      %dma_start3A_315 = arith.constant 8 : i32
      %dma_start3A_316 = arith.constant 0 : i32
      %dma_start3A_317 = tpu.memref_slice %arg7[%dma_start3A_315, %dma_start3A_316] : memref<16x128xi32, #tpu.memory_space<vmem>> -> memref<1x128xi32, #tpu.memory_space<vmem>>
      %dma_start3A_318 = tpu.memref_squeeze %dma_start3A_317 : memref<1x128xi32, #tpu.memory_space<vmem>> -> memref<128xi32, #tpu.memory_space<vmem>>
      %dma_start3A_319 = arith.constant 0 : i32
      %dma_start3A_320 = arith.constant 0 : i32
      %dma_start3A_321 = tpu.memref_slice %arg11[%dma_start3A_319, %dma_start3A_320] : memref<10112x128xf32, #tpu.memory_space<vmem_shared>> -> memref<10112x128xf32, #tpu.memory_space<vmem_shared>>
      tpu.enqueue_indirect_dma source(%arg8 : memref<128x128xf32, #tpu.memory_space<vmem>>) target(%dma_start3A_321 : memref<10112x128xf32, #tpu.memory_space<vmem_shared>>) offsets(%dma_start3A_318 : memref<128xi32, #tpu.memory_space<vmem>>) semaphore(%arg14 : memref<!tpu.dma_semaphore, #tpu.memory_space<semaphore_mem>>) {add = true}
      %scan3A_322 = arith.constant 0 : i32
      %scan3A_323 = arith.constant 8 : i32
      %scan3A_324 = arith.addi %scan3A_322, %scan3A_323 : i32
      %scan3A_325 = arith.constant 1 : i32
      scf.for %scan3A_561 = %scan3A_322 to %scan3A_324 step %scan3A_325  : i32 {
        %mul3A_562 = arith.constant 1 : i32
        %mul3A_563 = arith.muli %scan3A_561, %mul3A_562 : i32
        %add3A_564 = arith.constant 0 : i32
        %add3A_565 = arith.addi %add3A_564, %mul3A_563 : i32
        %mul3A_566 = arith.constant 16 : i32
        %mul3A_567 = arith.muli %add3A_565, %mul3A_566 : i32
        %get3A = arith.constant 8 : i32
        %get3A_568 = arith.index_cast %get3A : i32 to index
        %get3A_569 = arith.index_cast %mul3A_567 : i32 to index
        %get3A_570 = tpu.vector_load %arg7[%get3A_568, %get3A_569] {strides = array<i32>} : memref<16x128xi32, #tpu.memory_space<vmem>>, vector<16xi32>,
        tpu.vector_store_idx %arg10[%get3A_570], %broadcast_in_dim3A_7 {add = true} : memref<10112xf32, #tpu.memory_space<vmem>>[vector<16xi32>], vector<16xf32>,
      }
      %scan3A_326 = arith.constant 8 : i32
      %dma_wait3A_327 = arith.constant 8 : i32
      %dma_wait3A_328 = arith.constant 0 : i32
      %dma_wait3A_329 = tpu.memref_slice %arg7[%dma_wait3A_327, %dma_wait3A_328] : memref<16x128xi32, #tpu.memory_space<vmem>> -> memref<1x128xi32, #tpu.memory_space<vmem>>
      %dma_wait3A_330 = tpu.memref_squeeze %dma_wait3A_329 : memref<1x128xi32, #tpu.memory_space<vmem>> -> memref<128xi32, #tpu.memory_space<vmem>>
      %dma_wait3A_331 = arith.constant 0 : i32
      %dma_wait3A_332 = arith.constant 0 : i32
      %dma_wait3A_333 = tpu.memref_slice %arg11[%dma_wait3A_331, %dma_wait3A_332] : memref<10112x128xf32, #tpu.memory_space<vmem_shared>> -> memref<10112x128xf32, #tpu.memory_space<vmem_shared>>
      tpu.wait_indirect_dma semaphore(%arg14 : memref<!tpu.dma_semaphore, #tpu.memory_space<semaphore_mem>>) src(%arg8 : memref<128x128xf32, #tpu.memory_space<vmem>>) dst(%dma_wait3A_333 : memref<10112x128xf32, #tpu.memory_space<vmem_shared>>)
      %add3A_334 = arith.constant 9 : i32
      %add3A_335 = arith.addi %mul3A_24, %add3A_334 : i32
      %add3A_336 = arith.constant 1 : i32
      %add3A_337 = arith.addi %add3A_335, %add3A_336 : i32
      %mul3A_338 = arith.constant 128 : i32
      %mul3A_339 = arith.muli %add3A_337, %mul3A_338 : i32
      %add3A_340 = arith.addi %mul3A_9, %mul3A_339 : i32
      %dma_start3A_341 = arith.constant 0 : i32
      %dma_start3A_342 = tpu.memref_slice %arg2[%add3A_340, %dma_start3A_341] : memref<327680x128xf32, #tpu.memory_space<hbm>> -> memref<128x128xf32, #tpu.memory_space<hbm>>
      %dma_start3A_343 = arith.constant 0 : i32
      %dma_start3A_344 = tpu.memref_slice %arg2[%add3A_340, %dma_start3A_343] : memref<327680x128xf32, #tpu.memory_space<hbm>> -> memref<128x128xf32, #tpu.memory_space<hbm>>
      tpu.enqueue_dma source(%dma_start3A_344 : memref<128x128xf32, #tpu.memory_space<hbm>>) target(%arg8 : memref<128x128xf32, #tpu.memory_space<vmem>>) target_semaphore(%arg12 : memref<!tpu.dma_semaphore, #tpu.memory_space<semaphore_mem>>)
      %dma_wait3A_345 = arith.constant 0 : i32
      %dma_wait3A_346 = tpu.memref_slice %arg2[%add3A_306, %dma_wait3A_345] : memref<327680x128xf32, #tpu.memory_space<hbm>> -> memref<128x128xf32, #tpu.memory_space<hbm>>
      %dma_wait3A_347 = arith.constant 0 : i32
      %dma_wait3A_348 = tpu.memref_slice %arg2[%add3A_306, %dma_wait3A_347] : memref<327680x128xf32, #tpu.memory_space<hbm>> -> memref<128x128xf32, #tpu.memory_space<hbm>>
      tpu.wait_dma2 semaphore(%arg13 : memref<!tpu.dma_semaphore, #tpu.memory_space<semaphore_mem>>) src(%dma_wait3A_348 : memref<128x128xf32, #tpu.memory_space<hbm>>) dst(%arg9 : memref<128x128xf32, #tpu.memory_space<vmem>>)
      %dma_start3A_349 = arith.constant 9 : i32
      %dma_start3A_350 = arith.constant 0 : i32
      %dma_start3A_351 = tpu.memref_slice %arg7[%dma_start3A_349, %dma_start3A_350] : memref<16x128xi32, #tpu.memory_space<vmem>> -> memref<1x128xi32, #tpu.memory_space<vmem>>
      %dma_start3A_352 = tpu.memref_squeeze %dma_start3A_351 : memref<1x128xi32, #tpu.memory_space<vmem>> -> memref<128xi32, #tpu.memory_space<vmem>>
      %dma_start3A_353 = arith.constant 0 : i32
      %dma_start3A_354 = arith.constant 0 : i32
      %dma_start3A_355 = tpu.memref_slice %arg11[%dma_start3A_353, %dma_start3A_354] : memref<10112x128xf32, #tpu.memory_space<vmem_shared>> -> memref<10112x128xf32, #tpu.memory_space<vmem_shared>>
      tpu.enqueue_indirect_dma source(%arg9 : memref<128x128xf32, #tpu.memory_space<vmem>>) target(%dma_start3A_355 : memref<10112x128xf32, #tpu.memory_space<vmem_shared>>) offsets(%dma_start3A_352 : memref<128xi32, #tpu.memory_space<vmem>>) semaphore(%arg15 : memref<!tpu.dma_semaphore, #tpu.memory_space<semaphore_mem>>) {add = true}
      %scan3A_356 = arith.constant 0 : i32
      %scan3A_357 = arith.constant 8 : i32
      %scan3A_358 = arith.addi %scan3A_356, %scan3A_357 : i32
      %scan3A_359 = arith.constant 1 : i32
      scf.for %scan3A_561 = %scan3A_356 to %scan3A_358 step %scan3A_359  : i32 {
        %mul3A_562 = arith.constant 1 : i32
        %mul3A_563 = arith.muli %scan3A_561, %mul3A_562 : i32
        %add3A_564 = arith.constant 0 : i32
        %add3A_565 = arith.addi %add3A_564, %mul3A_563 : i32
        %mul3A_566 = arith.constant 16 : i32
        %mul3A_567 = arith.muli %add3A_565, %mul3A_566 : i32
        %get3A = arith.constant 9 : i32
        %get3A_568 = arith.index_cast %get3A : i32 to index
        %get3A_569 = arith.index_cast %mul3A_567 : i32 to index
        %get3A_570 = tpu.vector_load %arg7[%get3A_568, %get3A_569] {strides = array<i32>} : memref<16x128xi32, #tpu.memory_space<vmem>>, vector<16xi32>,
        tpu.vector_store_idx %arg10[%get3A_570], %broadcast_in_dim3A_7 {add = true} : memref<10112xf32, #tpu.memory_space<vmem>>[vector<16xi32>], vector<16xf32>,
      }
      %scan3A_360 = arith.constant 8 : i32
      %dma_wait3A_361 = arith.constant 9 : i32
      %dma_wait3A_362 = arith.constant 0 : i32
      %dma_wait3A_363 = tpu.memref_slice %arg7[%dma_wait3A_361, %dma_wait3A_362] : memref<16x128xi32, #tpu.memory_space<vmem>> -> memref<1x128xi32, #tpu.memory_space<vmem>>
      %dma_wait3A_364 = tpu.memref_squeeze %dma_wait3A_363 : memref<1x128xi32, #tpu.memory_space<vmem>> -> memref<128xi32, #tpu.memory_space<vmem>>
      %dma_wait3A_365 = arith.constant 0 : i32
      %dma_wait3A_366 = arith.constant 0 : i32
      %dma_wait3A_367 = tpu.memref_slice %arg11[%dma_wait3A_365, %dma_wait3A_366] : memref<10112x128xf32, #tpu.memory_space<vmem_shared>> -> memref<10112x128xf32, #tpu.memory_space<vmem_shared>>
      tpu.wait_indirect_dma semaphore(%arg15 : memref<!tpu.dma_semaphore, #tpu.memory_space<semaphore_mem>>) src(%arg9 : memref<128x128xf32, #tpu.memory_space<vmem>>) dst(%dma_wait3A_367 : memref<10112x128xf32, #tpu.memory_space<vmem_shared>>)
      %add3A_368 = arith.constant 10 : i32
      %add3A_369 = arith.addi %mul3A_24, %add3A_368 : i32
      %add3A_370 = arith.constant 1 : i32
      %add3A_371 = arith.addi %add3A_369, %add3A_370 : i32
      %mul3A_372 = arith.constant 128 : i32
      %mul3A_373 = arith.muli %add3A_371, %mul3A_372 : i32
      %add3A_374 = arith.addi %mul3A_9, %mul3A_373 : i32
      %dma_start3A_375 = arith.constant 0 : i32
      %dma_start3A_376 = tpu.memref_slice %arg2[%add3A_374, %dma_start3A_375] : memref<327680x128xf32, #tpu.memory_space<hbm>> -> memref<128x128xf32, #tpu.memory_space<hbm>>
      %dma_start3A_377 = arith.constant 0 : i32
      %dma_start3A_378 = tpu.memref_slice %arg2[%add3A_374, %dma_start3A_377] : memref<327680x128xf32, #tpu.memory_space<hbm>> -> memref<128x128xf32, #tpu.memory_space<hbm>>
      tpu.enqueue_dma source(%dma_start3A_378 : memref<128x128xf32, #tpu.memory_space<hbm>>) target(%arg9 : memref<128x128xf32, #tpu.memory_space<vmem>>) target_semaphore(%arg13 : memref<!tpu.dma_semaphore, #tpu.memory_space<semaphore_mem>>)
      %dma_wait3A_379 = arith.constant 0 : i32
      %dma_wait3A_380 = tpu.memref_slice %arg2[%add3A_340, %dma_wait3A_379] : memref<327680x128xf32, #tpu.memory_space<hbm>> -> memref<128x128xf32, #tpu.memory_space<hbm>>
      %dma_wait3A_381 = arith.constant 0 : i32
      %dma_wait3A_382 = tpu.memref_slice %arg2[%add3A_340, %dma_wait3A_381] : memref<327680x128xf32, #tpu.memory_space<hbm>> -> memref<128x128xf32, #tpu.memory_space<hbm>>
      tpu.wait_dma2 semaphore(%arg12 : memref<!tpu.dma_semaphore, #tpu.memory_space<semaphore_mem>>) src(%dma_wait3A_382 : memref<128x128xf32, #tpu.memory_space<hbm>>) dst(%arg8 : memref<128x128xf32, #tpu.memory_space<vmem>>)
      %dma_start3A_383 = arith.constant 10 : i32
      %dma_start3A_384 = arith.constant 0 : i32
      %dma_start3A_385 = tpu.memref_slice %arg7[%dma_start3A_383, %dma_start3A_384] : memref<16x128xi32, #tpu.memory_space<vmem>> -> memref<1x128xi32, #tpu.memory_space<vmem>>
      %dma_start3A_386 = tpu.memref_squeeze %dma_start3A_385 : memref<1x128xi32, #tpu.memory_space<vmem>> -> memref<128xi32, #tpu.memory_space<vmem>>
      %dma_start3A_387 = arith.constant 0 : i32
      %dma_start3A_388 = arith.constant 0 : i32
      %dma_start3A_389 = tpu.memref_slice %arg11[%dma_start3A_387, %dma_start3A_388] : memref<10112x128xf32, #tpu.memory_space<vmem_shared>> -> memref<10112x128xf32, #tpu.memory_space<vmem_shared>>
      tpu.enqueue_indirect_dma source(%arg8 : memref<128x128xf32, #tpu.memory_space<vmem>>) target(%dma_start3A_389 : memref<10112x128xf32, #tpu.memory_space<vmem_shared>>) offsets(%dma_start3A_386 : memref<128xi32, #tpu.memory_space<vmem>>) semaphore(%arg14 : memref<!tpu.dma_semaphore, #tpu.memory_space<semaphore_mem>>) {add = true}
      %scan3A_390 = arith.constant 0 : i32
      %scan3A_391 = arith.constant 8 : i32
      %scan3A_392 = arith.addi %scan3A_390, %scan3A_391 : i32
      %scan3A_393 = arith.constant 1 : i32
      scf.for %scan3A_561 = %scan3A_390 to %scan3A_392 step %scan3A_393  : i32 {
        %mul3A_562 = arith.constant 1 : i32
        %mul3A_563 = arith.muli %scan3A_561, %mul3A_562 : i32
        %add3A_564 = arith.constant 0 : i32
        %add3A_565 = arith.addi %add3A_564, %mul3A_563 : i32
        %mul3A_566 = arith.constant 16 : i32
        %mul3A_567 = arith.muli %add3A_565, %mul3A_566 : i32
        %get3A = arith.constant 10 : i32
        %get3A_568 = arith.index_cast %get3A : i32 to index
        %get3A_569 = arith.index_cast %mul3A_567 : i32 to index
        %get3A_570 = tpu.vector_load %arg7[%get3A_568, %get3A_569] {strides = array<i32>} : memref<16x128xi32, #tpu.memory_space<vmem>>, vector<16xi32>,
        tpu.vector_store_idx %arg10[%get3A_570], %broadcast_in_dim3A_7 {add = true} : memref<10112xf32, #tpu.memory_space<vmem>>[vector<16xi32>], vector<16xf32>,
      }
      %scan3A_394 = arith.constant 8 : i32
      %dma_wait3A_395 = arith.constant 10 : i32
      %dma_wait3A_396 = arith.constant 0 : i32
      %dma_wait3A_397 = tpu.memref_slice %arg7[%dma_wait3A_395, %dma_wait3A_396] : memref<16x128xi32, #tpu.memory_space<vmem>> -> memref<1x128xi32, #tpu.memory_space<vmem>>
      %dma_wait3A_398 = tpu.memref_squeeze %dma_wait3A_397 : memref<1x128xi32, #tpu.memory_space<vmem>> -> memref<128xi32, #tpu.memory_space<vmem>>
      %dma_wait3A_399 = arith.constant 0 : i32
      %dma_wait3A_400 = arith.constant 0 : i32
      %dma_wait3A_401 = tpu.memref_slice %arg11[%dma_wait3A_399, %dma_wait3A_400] : memref<10112x128xf32, #tpu.memory_space<vmem_shared>> -> memref<10112x128xf32, #tpu.memory_space<vmem_shared>>
      tpu.wait_indirect_dma semaphore(%arg14 : memref<!tpu.dma_semaphore, #tpu.memory_space<semaphore_mem>>) src(%arg8 : memref<128x128xf32, #tpu.memory_space<vmem>>) dst(%dma_wait3A_401 : memref<10112x128xf32, #tpu.memory_space<vmem_shared>>)
      %add3A_402 = arith.constant 11 : i32
      %add3A_403 = arith.addi %mul3A_24, %add3A_402 : i32
      %add3A_404 = arith.constant 1 : i32
      %add3A_405 = arith.addi %add3A_403, %add3A_404 : i32
      %mul3A_406 = arith.constant 128 : i32
      %mul3A_407 = arith.muli %add3A_405, %mul3A_406 : i32
      %add3A_408 = arith.addi %mul3A_9, %mul3A_407 : i32
      %dma_start3A_409 = arith.constant 0 : i32
      %dma_start3A_410 = tpu.memref_slice %arg2[%add3A_408, %dma_start3A_409] : memref<327680x128xf32, #tpu.memory_space<hbm>> -> memref<128x128xf32, #tpu.memory_space<hbm>>
      %dma_start3A_411 = arith.constant 0 : i32
      %dma_start3A_412 = tpu.memref_slice %arg2[%add3A_408, %dma_start3A_411] : memref<327680x128xf32, #tpu.memory_space<hbm>> -> memref<128x128xf32, #tpu.memory_space<hbm>>
      tpu.enqueue_dma source(%dma_start3A_412 : memref<128x128xf32, #tpu.memory_space<hbm>>) target(%arg8 : memref<128x128xf32, #tpu.memory_space<vmem>>) target_semaphore(%arg12 : memref<!tpu.dma_semaphore, #tpu.memory_space<semaphore_mem>>)
      %dma_wait3A_413 = arith.constant 0 : i32
      %dma_wait3A_414 = tpu.memref_slice %arg2[%add3A_374, %dma_wait3A_413] : memref<327680x128xf32, #tpu.memory_space<hbm>> -> memref<128x128xf32, #tpu.memory_space<hbm>>
      %dma_wait3A_415 = arith.constant 0 : i32
      %dma_wait3A_416 = tpu.memref_slice %arg2[%add3A_374, %dma_wait3A_415] : memref<327680x128xf32, #tpu.memory_space<hbm>> -> memref<128x128xf32, #tpu.memory_space<hbm>>
      tpu.wait_dma2 semaphore(%arg13 : memref<!tpu.dma_semaphore, #tpu.memory_space<semaphore_mem>>) src(%dma_wait3A_416 : memref<128x128xf32, #tpu.memory_space<hbm>>) dst(%arg9 : memref<128x128xf32, #tpu.memory_space<vmem>>)
      %dma_start3A_417 = arith.constant 11 : i32
      %dma_start3A_418 = arith.constant 0 : i32
      %dma_start3A_419 = tpu.memref_slice %arg7[%dma_start3A_417, %dma_start3A_418] : memref<16x128xi32, #tpu.memory_space<vmem>> -> memref<1x128xi32, #tpu.memory_space<vmem>>
      %dma_start3A_420 = tpu.memref_squeeze %dma_start3A_419 : memref<1x128xi32, #tpu.memory_space<vmem>> -> memref<128xi32, #tpu.memory_space<vmem>>
      %dma_start3A_421 = arith.constant 0 : i32
      %dma_start3A_422 = arith.constant 0 : i32
      %dma_start3A_423 = tpu.memref_slice %arg11[%dma_start3A_421, %dma_start3A_422] : memref<10112x128xf32, #tpu.memory_space<vmem_shared>> -> memref<10112x128xf32, #tpu.memory_space<vmem_shared>>
      tpu.enqueue_indirect_dma source(%arg9 : memref<128x128xf32, #tpu.memory_space<vmem>>) target(%dma_start3A_423 : memref<10112x128xf32, #tpu.memory_space<vmem_shared>>) offsets(%dma_start3A_420 : memref<128xi32, #tpu.memory_space<vmem>>) semaphore(%arg15 : memref<!tpu.dma_semaphore, #tpu.memory_space<semaphore_mem>>) {add = true}
      %scan3A_424 = arith.constant 0 : i32
      %scan3A_425 = arith.constant 8 : i32
      %scan3A_426 = arith.addi %scan3A_424, %scan3A_425 : i32
      %scan3A_427 = arith.constant 1 : i32
      scf.for %scan3A_561 = %scan3A_424 to %scan3A_426 step %scan3A_427  : i32 {
        %mul3A_562 = arith.constant 1 : i32
        %mul3A_563 = arith.muli %scan3A_561, %mul3A_562 : i32
        %add3A_564 = arith.constant 0 : i32
        %add3A_565 = arith.addi %add3A_564, %mul3A_563 : i32
        %mul3A_566 = arith.constant 16 : i32
        %mul3A_567 = arith.muli %add3A_565, %mul3A_566 : i32
        %get3A = arith.constant 11 : i32
        %get3A_568 = arith.index_cast %get3A : i32 to index
        %get3A_569 = arith.index_cast %mul3A_567 : i32 to index
        %get3A_570 = tpu.vector_load %arg7[%get3A_568, %get3A_569] {strides = array<i32>} : memref<16x128xi32, #tpu.memory_space<vmem>>, vector<16xi32>,
        tpu.vector_store_idx %arg10[%get3A_570], %broadcast_in_dim3A_7 {add = true} : memref<10112xf32, #tpu.memory_space<vmem>>[vector<16xi32>], vector<16xf32>,
      }
      %scan3A_428 = arith.constant 8 : i32
      %dma_wait3A_429 = arith.constant 11 : i32
      %dma_wait3A_430 = arith.constant 0 : i32
      %dma_wait3A_431 = tpu.memref_slice %arg7[%dma_wait3A_429, %dma_wait3A_430] : memref<16x128xi32, #tpu.memory_space<vmem>> -> memref<1x128xi32, #tpu.memory_space<vmem>>
      %dma_wait3A_432 = tpu.memref_squeeze %dma_wait3A_431 : memref<1x128xi32, #tpu.memory_space<vmem>> -> memref<128xi32, #tpu.memory_space<vmem>>
      %dma_wait3A_433 = arith.constant 0 : i32
      %dma_wait3A_434 = arith.constant 0 : i32
      %dma_wait3A_435 = tpu.memref_slice %arg11[%dma_wait3A_433, %dma_wait3A_434] : memref<10112x128xf32, #tpu.memory_space<vmem_shared>> -> memref<10112x128xf32, #tpu.memory_space<vmem_shared>>
      tpu.wait_indirect_dma semaphore(%arg15 : memref<!tpu.dma_semaphore, #tpu.memory_space<semaphore_mem>>) src(%arg9 : memref<128x128xf32, #tpu.memory_space<vmem>>) dst(%dma_wait3A_435 : memref<10112x128xf32, #tpu.memory_space<vmem_shared>>)
      %add3A_436 = arith.constant 12 : i32
      %add3A_437 = arith.addi %mul3A_24, %add3A_436 : i32
      %add3A_438 = arith.constant 1 : i32
      %add3A_439 = arith.addi %add3A_437, %add3A_438 : i32
      %mul3A_440 = arith.constant 128 : i32
      %mul3A_441 = arith.muli %add3A_439, %mul3A_440 : i32
      %add3A_442 = arith.addi %mul3A_9, %mul3A_441 : i32
      %dma_start3A_443 = arith.constant 0 : i32
      %dma_start3A_444 = tpu.memref_slice %arg2[%add3A_442, %dma_start3A_443] : memref<327680x128xf32, #tpu.memory_space<hbm>> -> memref<128x128xf32, #tpu.memory_space<hbm>>
      %dma_start3A_445 = arith.constant 0 : i32
      %dma_start3A_446 = tpu.memref_slice %arg2[%add3A_442, %dma_start3A_445] : memref<327680x128xf32, #tpu.memory_space<hbm>> -> memref<128x128xf32, #tpu.memory_space<hbm>>
      tpu.enqueue_dma source(%dma_start3A_446 : memref<128x128xf32, #tpu.memory_space<hbm>>) target(%arg9 : memref<128x128xf32, #tpu.memory_space<vmem>>) target_semaphore(%arg13 : memref<!tpu.dma_semaphore, #tpu.memory_space<semaphore_mem>>)
      %dma_wait3A_447 = arith.constant 0 : i32
      %dma_wait3A_448 = tpu.memref_slice %arg2[%add3A_408, %dma_wait3A_447] : memref<327680x128xf32, #tpu.memory_space<hbm>> -> memref<128x128xf32, #tpu.memory_space<hbm>>
      %dma_wait3A_449 = arith.constant 0 : i32
      %dma_wait3A_450 = tpu.memref_slice %arg2[%add3A_408, %dma_wait3A_449] : memref<327680x128xf32, #tpu.memory_space<hbm>> -> memref<128x128xf32, #tpu.memory_space<hbm>>
      tpu.wait_dma2 semaphore(%arg12 : memref<!tpu.dma_semaphore, #tpu.memory_space<semaphore_mem>>) src(%dma_wait3A_450 : memref<128x128xf32, #tpu.memory_space<hbm>>) dst(%arg8 : memref<128x128xf32, #tpu.memory_space<vmem>>)
      %dma_start3A_451 = arith.constant 12 : i32
      %dma_start3A_452 = arith.constant 0 : i32
      %dma_start3A_453 = tpu.memref_slice %arg7[%dma_start3A_451, %dma_start3A_452] : memref<16x128xi32, #tpu.memory_space<vmem>> -> memref<1x128xi32, #tpu.memory_space<vmem>>
      %dma_start3A_454 = tpu.memref_squeeze %dma_start3A_453 : memref<1x128xi32, #tpu.memory_space<vmem>> -> memref<128xi32, #tpu.memory_space<vmem>>
      %dma_start3A_455 = arith.constant 0 : i32
      %dma_start3A_456 = arith.constant 0 : i32
      %dma_start3A_457 = tpu.memref_slice %arg11[%dma_start3A_455, %dma_start3A_456] : memref<10112x128xf32, #tpu.memory_space<vmem_shared>> -> memref<10112x128xf32, #tpu.memory_space<vmem_shared>>
      tpu.enqueue_indirect_dma source(%arg8 : memref<128x128xf32, #tpu.memory_space<vmem>>) target(%dma_start3A_457 : memref<10112x128xf32, #tpu.memory_space<vmem_shared>>) offsets(%dma_start3A_454 : memref<128xi32, #tpu.memory_space<vmem>>) semaphore(%arg14 : memref<!tpu.dma_semaphore, #tpu.memory_space<semaphore_mem>>) {add = true}
      %scan3A_458 = arith.constant 0 : i32
      %scan3A_459 = arith.constant 8 : i32
      %scan3A_460 = arith.addi %scan3A_458, %scan3A_459 : i32
      %scan3A_461 = arith.constant 1 : i32
      scf.for %scan3A_561 = %scan3A_458 to %scan3A_460 step %scan3A_461  : i32 {
        %mul3A_562 = arith.constant 1 : i32
        %mul3A_563 = arith.muli %scan3A_561, %mul3A_562 : i32
        %add3A_564 = arith.constant 0 : i32
        %add3A_565 = arith.addi %add3A_564, %mul3A_563 : i32
        %mul3A_566 = arith.constant 16 : i32
        %mul3A_567 = arith.muli %add3A_565, %mul3A_566 : i32
        %get3A = arith.constant 12 : i32
        %get3A_568 = arith.index_cast %get3A : i32 to index
        %get3A_569 = arith.index_cast %mul3A_567 : i32 to index
        %get3A_570 = tpu.vector_load %arg7[%get3A_568, %get3A_569] {strides = array<i32>} : memref<16x128xi32, #tpu.memory_space<vmem>>, vector<16xi32>,
        tpu.vector_store_idx %arg10[%get3A_570], %broadcast_in_dim3A_7 {add = true} : memref<10112xf32, #tpu.memory_space<vmem>>[vector<16xi32>], vector<16xf32>,
      }
      %scan3A_462 = arith.constant 8 : i32
      %dma_wait3A_463 = arith.constant 12 : i32
      %dma_wait3A_464 = arith.constant 0 : i32
      %dma_wait3A_465 = tpu.memref_slice %arg7[%dma_wait3A_463, %dma_wait3A_464] : memref<16x128xi32, #tpu.memory_space<vmem>> -> memref<1x128xi32, #tpu.memory_space<vmem>>
      %dma_wait3A_466 = tpu.memref_squeeze %dma_wait3A_465 : memref<1x128xi32, #tpu.memory_space<vmem>> -> memref<128xi32, #tpu.memory_space<vmem>>
      %dma_wait3A_467 = arith.constant 0 : i32
      %dma_wait3A_468 = arith.constant 0 : i32
      %dma_wait3A_469 = tpu.memref_slice %arg11[%dma_wait3A_467, %dma_wait3A_468] : memref<10112x128xf32, #tpu.memory_space<vmem_shared>> -> memref<10112x128xf32, #tpu.memory_space<vmem_shared>>
      tpu.wait_indirect_dma semaphore(%arg14 : memref<!tpu.dma_semaphore, #tpu.memory_space<semaphore_mem>>) src(%arg8 : memref<128x128xf32, #tpu.memory_space<vmem>>) dst(%dma_wait3A_469 : memref<10112x128xf32, #tpu.memory_space<vmem_shared>>)
      %add3A_470 = arith.constant 13 : i32
      %add3A_471 = arith.addi %mul3A_24, %add3A_470 : i32
      %add3A_472 = arith.constant 1 : i32
      %add3A_473 = arith.addi %add3A_471, %add3A_472 : i32
      %mul3A_474 = arith.constant 128 : i32
      %mul3A_475 = arith.muli %add3A_473, %mul3A_474 : i32
      %add3A_476 = arith.addi %mul3A_9, %mul3A_475 : i32
      %dma_start3A_477 = arith.constant 0 : i32
      %dma_start3A_478 = tpu.memref_slice %arg2[%add3A_476, %dma_start3A_477] : memref<327680x128xf32, #tpu.memory_space<hbm>> -> memref<128x128xf32, #tpu.memory_space<hbm>>
      %dma_start3A_479 = arith.constant 0 : i32
      %dma_start3A_480 = tpu.memref_slice %arg2[%add3A_476, %dma_start3A_479] : memref<327680x128xf32, #tpu.memory_space<hbm>> -> memref<128x128xf32, #tpu.memory_space<hbm>>
      tpu.enqueue_dma source(%dma_start3A_480 : memref<128x128xf32, #tpu.memory_space<hbm>>) target(%arg8 : memref<128x128xf32, #tpu.memory_space<vmem>>) target_semaphore(%arg12 : memref<!tpu.dma_semaphore, #tpu.memory_space<semaphore_mem>>)
      %dma_wait3A_481 = arith.constant 0 : i32
      %dma_wait3A_482 = tpu.memref_slice %arg2[%add3A_442, %dma_wait3A_481] : memref<327680x128xf32, #tpu.memory_space<hbm>> -> memref<128x128xf32, #tpu.memory_space<hbm>>
      %dma_wait3A_483 = arith.constant 0 : i32
      %dma_wait3A_484 = tpu.memref_slice %arg2[%add3A_442, %dma_wait3A_483] : memref<327680x128xf32, #tpu.memory_space<hbm>> -> memref<128x128xf32, #tpu.memory_space<hbm>>
      tpu.wait_dma2 semaphore(%arg13 : memref<!tpu.dma_semaphore, #tpu.memory_space<semaphore_mem>>) src(%dma_wait3A_484 : memref<128x128xf32, #tpu.memory_space<hbm>>) dst(%arg9 : memref<128x128xf32, #tpu.memory_space<vmem>>)
      %dma_start3A_485 = arith.constant 13 : i32
      %dma_start3A_486 = arith.constant 0 : i32
      %dma_start3A_487 = tpu.memref_slice %arg7[%dma_start3A_485, %dma_start3A_486] : memref<16x128xi32, #tpu.memory_space<vmem>> -> memref<1x128xi32, #tpu.memory_space<vmem>>
      %dma_start3A_488 = tpu.memref_squeeze %dma_start3A_487 : memref<1x128xi32, #tpu.memory_space<vmem>> -> memref<128xi32, #tpu.memory_space<vmem>>
      %dma_start3A_489 = arith.constant 0 : i32
      %dma_start3A_490 = arith.constant 0 : i32
      %dma_start3A_491 = tpu.memref_slice %arg11[%dma_start3A_489, %dma_start3A_490] : memref<10112x128xf32, #tpu.memory_space<vmem_shared>> -> memref<10112x128xf32, #tpu.memory_space<vmem_shared>>
      tpu.enqueue_indirect_dma source(%arg9 : memref<128x128xf32, #tpu.memory_space<vmem>>) target(%dma_start3A_491 : memref<10112x128xf32, #tpu.memory_space<vmem_shared>>) offsets(%dma_start3A_488 : memref<128xi32, #tpu.memory_space<vmem>>) semaphore(%arg15 : memref<!tpu.dma_semaphore, #tpu.memory_space<semaphore_mem>>) {add = true}
      %scan3A_492 = arith.constant 0 : i32
      %scan3A_493 = arith.constant 8 : i32
      %scan3A_494 = arith.addi %scan3A_492, %scan3A_493 : i32
      %scan3A_495 = arith.constant 1 : i32
      scf.for %scan3A_561 = %scan3A_492 to %scan3A_494 step %scan3A_495  : i32 {
        %mul3A_562 = arith.constant 1 : i32
        %mul3A_563 = arith.muli %scan3A_561, %mul3A_562 : i32
        %add3A_564 = arith.constant 0 : i32
        %add3A_565 = arith.addi %add3A_564, %mul3A_563 : i32
        %mul3A_566 = arith.constant 16 : i32
        %mul3A_567 = arith.muli %add3A_565, %mul3A_566 : i32
        %get3A = arith.constant 13 : i32
        %get3A_568 = arith.index_cast %get3A : i32 to index
        %get3A_569 = arith.index_cast %mul3A_567 : i32 to index
        %get3A_570 = tpu.vector_load %arg7[%get3A_568, %get3A_569] {strides = array<i32>} : memref<16x128xi32, #tpu.memory_space<vmem>>, vector<16xi32>,
        tpu.vector_store_idx %arg10[%get3A_570], %broadcast_in_dim3A_7 {add = true} : memref<10112xf32, #tpu.memory_space<vmem>>[vector<16xi32>], vector<16xf32>,
      }
      %scan3A_496 = arith.constant 8 : i32
      %dma_wait3A_497 = arith.constant 13 : i32
      %dma_wait3A_498 = arith.constant 0 : i32
      %dma_wait3A_499 = tpu.memref_slice %arg7[%dma_wait3A_497, %dma_wait3A_498] : memref<16x128xi32, #tpu.memory_space<vmem>> -> memref<1x128xi32, #tpu.memory_space<vmem>>
      %dma_wait3A_500 = tpu.memref_squeeze %dma_wait3A_499 : memref<1x128xi32, #tpu.memory_space<vmem>> -> memref<128xi32, #tpu.memory_space<vmem>>
      %dma_wait3A_501 = arith.constant 0 : i32
      %dma_wait3A_502 = arith.constant 0 : i32
      %dma_wait3A_503 = tpu.memref_slice %arg11[%dma_wait3A_501, %dma_wait3A_502] : memref<10112x128xf32, #tpu.memory_space<vmem_shared>> -> memref<10112x128xf32, #tpu.memory_space<vmem_shared>>
      tpu.wait_indirect_dma semaphore(%arg15 : memref<!tpu.dma_semaphore, #tpu.memory_space<semaphore_mem>>) src(%arg9 : memref<128x128xf32, #tpu.memory_space<vmem>>) dst(%dma_wait3A_503 : memref<10112x128xf32, #tpu.memory_space<vmem_shared>>)
      %add3A_504 = arith.constant 14 : i32
      %add3A_505 = arith.addi %mul3A_24, %add3A_504 : i32
      %add3A_506 = arith.constant 1 : i32
      %add3A_507 = arith.addi %add3A_505, %add3A_506 : i32
      %mul3A_508 = arith.constant 128 : i32
      %mul3A_509 = arith.muli %add3A_507, %mul3A_508 : i32
      %add3A_510 = arith.addi %mul3A_9, %mul3A_509 : i32
      %dma_start3A_511 = arith.constant 0 : i32
      %dma_start3A_512 = tpu.memref_slice %arg2[%add3A_510, %dma_start3A_511] : memref<327680x128xf32, #tpu.memory_space<hbm>> -> memref<128x128xf32, #tpu.memory_space<hbm>>
      %dma_start3A_513 = arith.constant 0 : i32
      %dma_start3A_514 = tpu.memref_slice %arg2[%add3A_510, %dma_start3A_513] : memref<327680x128xf32, #tpu.memory_space<hbm>> -> memref<128x128xf32, #tpu.memory_space<hbm>>
      tpu.enqueue_dma source(%dma_start3A_514 : memref<128x128xf32, #tpu.memory_space<hbm>>) target(%arg9 : memref<128x128xf32, #tpu.memory_space<vmem>>) target_semaphore(%arg13 : memref<!tpu.dma_semaphore, #tpu.memory_space<semaphore_mem>>)
      %dma_wait3A_515 = arith.constant 0 : i32
      %dma_wait3A_516 = tpu.memref_slice %arg2[%add3A_476, %dma_wait3A_515] : memref<327680x128xf32, #tpu.memory_space<hbm>> -> memref<128x128xf32, #tpu.memory_space<hbm>>
      %dma_wait3A_517 = arith.constant 0 : i32
      %dma_wait3A_518 = tpu.memref_slice %arg2[%add3A_476, %dma_wait3A_517] : memref<327680x128xf32, #tpu.memory_space<hbm>> -> memref<128x128xf32, #tpu.memory_space<hbm>>
      tpu.wait_dma2 semaphore(%arg12 : memref<!tpu.dma_semaphore, #tpu.memory_space<semaphore_mem>>) src(%dma_wait3A_518 : memref<128x128xf32, #tpu.memory_space<hbm>>) dst(%arg8 : memref<128x128xf32, #tpu.memory_space<vmem>>)
      %dma_start3A_519 = arith.constant 14 : i32
      %dma_start3A_520 = arith.constant 0 : i32
      %dma_start3A_521 = tpu.memref_slice %arg7[%dma_start3A_519, %dma_start3A_520] : memref<16x128xi32, #tpu.memory_space<vmem>> -> memref<1x128xi32, #tpu.memory_space<vmem>>
      %dma_start3A_522 = tpu.memref_squeeze %dma_start3A_521 : memref<1x128xi32, #tpu.memory_space<vmem>> -> memref<128xi32, #tpu.memory_space<vmem>>
      %dma_start3A_523 = arith.constant 0 : i32
      %dma_start3A_524 = arith.constant 0 : i32
      %dma_start3A_525 = tpu.memref_slice %arg11[%dma_start3A_523, %dma_start3A_524] : memref<10112x128xf32, #tpu.memory_space<vmem_shared>> -> memref<10112x128xf32, #tpu.memory_space<vmem_shared>>
      tpu.enqueue_indirect_dma source(%arg8 : memref<128x128xf32, #tpu.memory_space<vmem>>) target(%dma_start3A_525 : memref<10112x128xf32, #tpu.memory_space<vmem_shared>>) offsets(%dma_start3A_522 : memref<128xi32, #tpu.memory_space<vmem>>) semaphore(%arg14 : memref<!tpu.dma_semaphore, #tpu.memory_space<semaphore_mem>>) {add = true}
      %scan3A_526 = arith.constant 0 : i32
      %scan3A_527 = arith.constant 8 : i32
      %scan3A_528 = arith.addi %scan3A_526, %scan3A_527 : i32
      %scan3A_529 = arith.constant 1 : i32
      scf.for %scan3A_561 = %scan3A_526 to %scan3A_528 step %scan3A_529  : i32 {
        %mul3A_562 = arith.constant 1 : i32
        %mul3A_563 = arith.muli %scan3A_561, %mul3A_562 : i32
        %add3A_564 = arith.constant 0 : i32
        %add3A_565 = arith.addi %add3A_564, %mul3A_563 : i32
        %mul3A_566 = arith.constant 16 : i32
        %mul3A_567 = arith.muli %add3A_565, %mul3A_566 : i32
        %get3A = arith.constant 14 : i32
        %get3A_568 = arith.index_cast %get3A : i32 to index
        %get3A_569 = arith.index_cast %mul3A_567 : i32 to index
        %get3A_570 = tpu.vector_load %arg7[%get3A_568, %get3A_569] {strides = array<i32>} : memref<16x128xi32, #tpu.memory_space<vmem>>, vector<16xi32>,
        tpu.vector_store_idx %arg10[%get3A_570], %broadcast_in_dim3A_7 {add = true} : memref<10112xf32, #tpu.memory_space<vmem>>[vector<16xi32>], vector<16xf32>,
      }
      %scan3A_530 = arith.constant 8 : i32
      %dma_wait3A_531 = arith.constant 14 : i32
      %dma_wait3A_532 = arith.constant 0 : i32
      %dma_wait3A_533 = tpu.memref_slice %arg7[%dma_wait3A_531, %dma_wait3A_532] : memref<16x128xi32, #tpu.memory_space<vmem>> -> memref<1x128xi32, #tpu.memory_space<vmem>>
      %dma_wait3A_534 = tpu.memref_squeeze %dma_wait3A_533 : memref<1x128xi32, #tpu.memory_space<vmem>> -> memref<128xi32, #tpu.memory_space<vmem>>
      %dma_wait3A_535 = arith.constant 0 : i32
      %dma_wait3A_536 = arith.constant 0 : i32
      %dma_wait3A_537 = tpu.memref_slice %arg11[%dma_wait3A_535, %dma_wait3A_536] : memref<10112x128xf32, #tpu.memory_space<vmem_shared>> -> memref<10112x128xf32, #tpu.memory_space<vmem_shared>>
      tpu.wait_indirect_dma semaphore(%arg14 : memref<!tpu.dma_semaphore, #tpu.memory_space<semaphore_mem>>) src(%arg8 : memref<128x128xf32, #tpu.memory_space<vmem>>) dst(%dma_wait3A_537 : memref<10112x128xf32, #tpu.memory_space<vmem_shared>>)
      %dma_wait3A_538 = arith.constant 0 : i32
      %dma_wait3A_539 = tpu.memref_slice %arg2[%add3A_510, %dma_wait3A_538] : memref<327680x128xf32, #tpu.memory_space<hbm>> -> memref<128x128xf32, #tpu.memory_space<hbm>>
      %dma_wait3A_540 = arith.constant 0 : i32
      %dma_wait3A_541 = tpu.memref_slice %arg2[%add3A_510, %dma_wait3A_540] : memref<327680x128xf32, #tpu.memory_space<hbm>> -> memref<128x128xf32, #tpu.memory_space<hbm>>
      tpu.wait_dma2 semaphore(%arg13 : memref<!tpu.dma_semaphore, #tpu.memory_space<semaphore_mem>>) src(%dma_wait3A_541 : memref<128x128xf32, #tpu.memory_space<hbm>>) dst(%arg9 : memref<128x128xf32, #tpu.memory_space<vmem>>)
      %dma_start3A_542 = arith.constant 15 : i32
      %dma_start3A_543 = arith.constant 0 : i32
      %dma_start3A_544 = tpu.memref_slice %arg7[%dma_start3A_542, %dma_start3A_543] : memref<16x128xi32, #tpu.memory_space<vmem>> -> memref<1x128xi32, #tpu.memory_space<vmem>>
      %dma_start3A_545 = tpu.memref_squeeze %dma_start3A_544 : memref<1x128xi32, #tpu.memory_space<vmem>> -> memref<128xi32, #tpu.memory_space<vmem>>
      %dma_start3A_546 = arith.constant 0 : i32
      %dma_start3A_547 = arith.constant 0 : i32
      %dma_start3A_548 = tpu.memref_slice %arg11[%dma_start3A_546, %dma_start3A_547] : memref<10112x128xf32, #tpu.memory_space<vmem_shared>> -> memref<10112x128xf32, #tpu.memory_space<vmem_shared>>
      tpu.enqueue_indirect_dma source(%arg9 : memref<128x128xf32, #tpu.memory_space<vmem>>) target(%dma_start3A_548 : memref<10112x128xf32, #tpu.memory_space<vmem_shared>>) offsets(%dma_start3A_545 : memref<128xi32, #tpu.memory_space<vmem>>) semaphore(%arg15 : memref<!tpu.dma_semaphore, #tpu.memory_space<semaphore_mem>>) {add = true}
      %scan3A_549 = arith.constant 0 : i32
      %scan3A_550 = arith.constant 8 : i32
      %scan3A_551 = arith.addi %scan3A_549, %scan3A_550 : i32
      %scan3A_552 = arith.constant 1 : i32
      scf.for %scan3A_561 = %scan3A_549 to %scan3A_551 step %scan3A_552  : i32 {
        %mul3A_562 = arith.constant 1 : i32
        %mul3A_563 = arith.muli %scan3A_561, %mul3A_562 : i32
        %add3A_564 = arith.constant 0 : i32
        %add3A_565 = arith.addi %add3A_564, %mul3A_563 : i32
        %mul3A_566 = arith.constant 16 : i32
        %mul3A_567 = arith.muli %add3A_565, %mul3A_566 : i32
        %get3A = arith.constant 15 : i32
        %get3A_568 = arith.index_cast %get3A : i32 to index
        %get3A_569 = arith.index_cast %mul3A_567 : i32 to index
        %get3A_570 = tpu.vector_load %arg7[%get3A_568, %get3A_569] {strides = array<i32>} : memref<16x128xi32, #tpu.memory_space<vmem>>, vector<16xi32>,
        tpu.vector_store_idx %arg10[%get3A_570], %broadcast_in_dim3A_7 {add = true} : memref<10112xf32, #tpu.memory_space<vmem>>[vector<16xi32>], vector<16xf32>,
      }
      %scan3A_553 = arith.constant 8 : i32
      %dma_wait3A_554 = arith.constant 15 : i32
      %dma_wait3A_555 = arith.constant 0 : i32
      %dma_wait3A_556 = tpu.memref_slice %arg7[%dma_wait3A_554, %dma_wait3A_555] : memref<16x128xi32, #tpu.memory_space<vmem>> -> memref<1x128xi32, #tpu.memory_space<vmem>>
      %dma_wait3A_557 = tpu.memref_squeeze %dma_wait3A_556 : memref<1x128xi32, #tpu.memory_space<vmem>> -> memref<128xi32, #tpu.memory_space<vmem>>
      %dma_wait3A_558 = arith.constant 0 : i32
      %dma_wait3A_559 = arith.constant 0 : i32
      %dma_wait3A_560 = tpu.memref_slice %arg11[%dma_wait3A_558, %dma_wait3A_559] : memref<10112x128xf32, #tpu.memory_space<vmem_shared>> -> memref<10112x128xf32, #tpu.memory_space<vmem_shared>>
      tpu.wait_indirect_dma semaphore(%arg15 : memref<!tpu.dma_semaphore, #tpu.memory_space<semaphore_mem>>) src(%arg9 : memref<128x128xf32, #tpu.memory_space<vmem>>) dst(%dma_wait3A_560 : memref<10112x128xf32, #tpu.memory_space<vmem_shared>>)
    }
    %scan3A_14 = arith.constant 5 : i32
    %barrier3A_15 = arith.constant 0 : index
    tpu.barrier barrier_id(%barrier3A_15)
    "tpu.region"() ({
      %run_scoped3A = tpu.sem_alloc : memref<!tpu.dma_semaphore, #tpu.memory_space<semaphore_mem>>
      %dma_start3A = arith.constant 0 : i32
      %dma_start3A_18 = tpu.memref_slice %arg5[%arg0, %mul3A_2, %dma_start3A] : memref<2x10112x128xf32, #tpu.memory_space<hbm>> -> memref<1x632x128xf32, #tpu.memory_space<hbm>>
      %dma_start3A_19 = tpu.memref_squeeze %dma_start3A_18 : memref<1x632x128xf32, #tpu.memory_space<hbm>> -> memref<632x128xf32, #tpu.memory_space<hbm>>
      %dma_start3A_20 = arith.constant 0 : i32
      %dma_start3A_21 = tpu.memref_slice %arg11[%mul3A_2, %dma_start3A_20] : memref<10112x128xf32, #tpu.memory_space<vmem_shared>> -> memref<632x128xf32, #tpu.memory_space<vmem_shared>>
      tpu.enqueue_dma source(%dma_start3A_21 : memref<632x128xf32, #tpu.memory_space<vmem_shared>>) target(%dma_start3A_19 : memref<632x128xf32, #tpu.memory_space<hbm>>) target_semaphore(%run_scoped3A : memref<!tpu.dma_semaphore, #tpu.memory_space<semaphore_mem>>)
      %dma_wait3A = arith.constant 0 : i32
      %dma_wait3A_22 = tpu.memref_slice %arg5[%arg0, %mul3A_2, %dma_wait3A] : memref<2x10112x128xf32, #tpu.memory_space<hbm>> -> memref<1x632x128xf32, #tpu.memory_space<hbm>>
      %dma_wait3A_23 = tpu.memref_squeeze %dma_wait3A_22 : memref<1x632x128xf32, #tpu.memory_space<hbm>> -> memref<632x128xf32, #tpu.memory_space<hbm>>
      %dma_wait3A_24 = arith.constant 0 : i32
      %dma_wait3A_25 = tpu.memref_slice %arg11[%mul3A_2, %dma_wait3A_24] : memref<10112x128xf32, #tpu.memory_space<vmem_shared>> -> memref<632x128xf32, #tpu.memory_space<vmem_shared>>
      tpu.wait_dma2 semaphore(%run_scoped3A : memref<!tpu.dma_semaphore, #tpu.memory_space<semaphore_mem>>) src(%dma_wait3A_25 : memref<632x128xf32, #tpu.memory_space<vmem_shared>>) dst(%dma_wait3A_23 : memref<632x128xf32, #tpu.memory_space<hbm>>)
      tpu.yield
    }) : () -> ()
    %mul3A_16 = arith.constant 10112 : i32
    %mul3A_17 = arith.muli %add3A, %mul3A_16 : i32
    "tpu.region"() ({
      %run_scoped3A = tpu.sem_alloc : memref<!tpu.dma_semaphore, #tpu.memory_space<semaphore_mem>>
      %dma_start3A = tpu.memref_slice %arg6[%mul3A_17] : memref<323584xf32, #tpu.memory_space<hbm>> -> memref<10112xf32, #tpu.memory_space<hbm>>
      %dma_start3A_18 = tpu.memref_slice %arg6[%mul3A_17] : memref<323584xf32, #tpu.memory_space<hbm>> -> memref<10112xf32, #tpu.memory_space<hbm>>
      tpu.enqueue_dma source(%arg10 : memref<10112xf32, #tpu.memory_space<vmem>>) target(%dma_start3A_18 : memref<10112xf32, #tpu.memory_space<hbm>>) target_semaphore(%run_scoped3A : memref<!tpu.dma_semaphore, #tpu.memory_space<semaphore_mem>>)
      %dma_wait3A = tpu.memref_slice %arg6[%mul3A_17] : memref<323584xf32, #tpu.memory_space<hbm>> -> memref<10112xf32, #tpu.memory_space<hbm>>
      %dma_wait3A_19 = tpu.memref_slice %arg6[%mul3A_17] : memref<323584xf32, #tpu.memory_space<hbm>> -> memref<10112xf32, #tpu.memory_space<hbm>>
      tpu.wait_dma2 semaphore(%run_scoped3A : memref<!tpu.dma_semaphore, #tpu.memory_space<semaphore_mem>>) src(%arg10 : memref<10112xf32, #tpu.memory_space<vmem>>) dst(%dma_wait3A_19 : memref<10112xf32, #tpu.memory_space<hbm>>)
      tpu.yield
    }) : () -> ()
    return
  }
}

#map = affine_map<(d0, d1) -> (0, 0)>
#map1 = affine_map<(d0, d1) -> (0, 0, 0)>
module attributes {stable_mosaic.version = 14 : i64} {
  func.func @body(%arg0: i32, %arg1: i32, %arg2: memref<10112x128xf32, #tpu.memory_space<hbm>>, %arg3: memref<32x80x128xi32, #tpu.memory_space<hbm>>, %arg4: memref<327680x128xf32, #tpu.memory_space<hbm>>, %arg5: memref<16x128xi32, #tpu.memory_space<vmem>>, %arg6: memref<128x128xf32, #tpu.memory_space<vmem>>, %arg7: memref<128x128xf32, #tpu.memory_space<vmem>>, %arg8: memref<10112x128xf32, #tpu.memory_space<vmem_shared>>, %arg9: memref<!tpu.dma_semaphore, #tpu.memory_space<semaphore_mem>>, %arg10: memref<!tpu.dma_semaphore, #tpu.memory_space<semaphore_mem>>, %arg11: memref<!tpu.dma_semaphore, #tpu.memory_space<semaphore_mem>>, %arg12: memref<!tpu.dma_semaphore, #tpu.memory_space<semaphore_mem>>) attributes {dimension_semantics = [#tpu.dimension_semantics<core_parallel>, #tpu.dimension_semantics<subcore_parallel>], iteration_bounds = array<i64: 2, 16>, scalar_prefetch = 0 : i64, scratch_operands = 8 : i64, tpu.core_type = #tpu.core_type<sc_vector_subcore>, window_params = [{transform_indices = #map}, {transform_indices = #map1}, {transform_indices = #map}]} {
    %mul3A = arith.constant 16 : i32
    %mul3A_0 = arith.muli %arg0, %mul3A : i32
    %add3A = arith.addi %mul3A_0, %arg1 : i32
    %mul3A_1 = arith.constant 632 : i32
    %mul3A_2 = arith.muli %arg1, %mul3A_1 : i32
    "tpu.region"() ({
      %run_scoped3A = tpu.sem_alloc : memref<!tpu.dma_semaphore, #tpu.memory_space<semaphore_mem>>
      %dma_start3A = arith.constant 0 : i32
      %dma_start3A_9 = tpu.memref_slice %arg8[%mul3A_2, %dma_start3A] : memref<10112x128xf32, #tpu.memory_space<vmem_shared>> -> memref<632x128xf32, #tpu.memory_space<vmem_shared>>
      %dma_start3A_10 = arith.constant 0 : i32
      %dma_start3A_11 = tpu.memref_slice %arg2[%mul3A_2, %dma_start3A_10] : memref<10112x128xf32, #tpu.memory_space<hbm>> -> memref<632x128xf32, #tpu.memory_space<hbm>>
      tpu.enqueue_dma source(%dma_start3A_11 : memref<632x128xf32, #tpu.memory_space<hbm>>) target(%dma_start3A_9 : memref<632x128xf32, #tpu.memory_space<vmem_shared>>) target_semaphore(%run_scoped3A : memref<!tpu.dma_semaphore, #tpu.memory_space<semaphore_mem>>)
      %dma_wait3A = arith.constant 0 : i32
      %dma_wait3A_12 = tpu.memref_slice %arg8[%mul3A_2, %dma_wait3A] : memref<10112x128xf32, #tpu.memory_space<vmem_shared>> -> memref<632x128xf32, #tpu.memory_space<vmem_shared>>
      %dma_wait3A_13 = arith.constant 0 : i32
      %dma_wait3A_14 = tpu.memref_slice %arg2[%mul3A_2, %dma_wait3A_13] : memref<10112x128xf32, #tpu.memory_space<hbm>> -> memref<632x128xf32, #tpu.memory_space<hbm>>
      tpu.wait_dma2 semaphore(%run_scoped3A : memref<!tpu.dma_semaphore, #tpu.memory_space<semaphore_mem>>) src(%dma_wait3A_14 : memref<632x128xf32, #tpu.memory_space<hbm>>) dst(%dma_wait3A_12 : memref<632x128xf32, #tpu.memory_space<vmem_shared>>)
      tpu.yield
    }) : () -> ()
    %barrier3A = arith.constant 0 : index
    tpu.barrier barrier_id(%barrier3A)
    %mul3A_3 = arith.constant 10240 : i32
    %mul3A_4 = arith.muli %add3A, %mul3A_3 : i32
    %scan3A = arith.constant 0 : i32
    %scan3A_5 = arith.constant 5 : i32
    %scan3A_6 = arith.addi %scan3A, %scan3A_5 : i32
    %scan3A_7 = arith.constant 1 : i32
    scf.for %scan3A_9 = %scan3A to %scan3A_6 step %scan3A_7  : i32 {
      %mul3A_10 = arith.constant 1 : i32
      %mul3A_11 = arith.muli %scan3A_9, %mul3A_10 : i32
      %add3A_12 = arith.constant 0 : i32
      %add3A_13 = arith.addi %add3A_12, %mul3A_11 : i32
      %mul3A_14 = arith.constant 16 : i32
      %mul3A_15 = arith.muli %add3A_13, %mul3A_14 : i32
      "tpu.region"() ({
        %run_scoped3A = tpu.sem_alloc : memref<!tpu.dma_semaphore, #tpu.memory_space<semaphore_mem>>
        %dma_start3A_446 = arith.constant 0 : i32
        %dma_start3A_447 = tpu.memref_slice %arg3[%add3A, %mul3A_15, %dma_start3A_446] : memref<32x80x128xi32, #tpu.memory_space<hbm>> -> memref<1x16x128xi32, #tpu.memory_space<hbm>>
        %dma_start3A_448 = tpu.memref_squeeze %dma_start3A_447 : memref<1x16x128xi32, #tpu.memory_space<hbm>> -> memref<16x128xi32, #tpu.memory_space<hbm>>
        %dma_start3A_449 = arith.constant 0 : i32
        %dma_start3A_450 = tpu.memref_slice %arg3[%add3A, %mul3A_15, %dma_start3A_449] : memref<32x80x128xi32, #tpu.memory_space<hbm>> -> memref<1x16x128xi32, #tpu.memory_space<hbm>>
        %dma_start3A_451 = tpu.memref_squeeze %dma_start3A_450 : memref<1x16x128xi32, #tpu.memory_space<hbm>> -> memref<16x128xi32, #tpu.memory_space<hbm>>
        tpu.enqueue_dma source(%dma_start3A_451 : memref<16x128xi32, #tpu.memory_space<hbm>>) target(%arg5 : memref<16x128xi32, #tpu.memory_space<vmem>>) target_semaphore(%run_scoped3A : memref<!tpu.dma_semaphore, #tpu.memory_space<semaphore_mem>>)
        %dma_wait3A_452 = arith.constant 0 : i32
        %dma_wait3A_453 = tpu.memref_slice %arg3[%add3A, %mul3A_15, %dma_wait3A_452] : memref<32x80x128xi32, #tpu.memory_space<hbm>> -> memref<1x16x128xi32, #tpu.memory_space<hbm>>
        %dma_wait3A_454 = tpu.memref_squeeze %dma_wait3A_453 : memref<1x16x128xi32, #tpu.memory_space<hbm>> -> memref<16x128xi32, #tpu.memory_space<hbm>>
        %dma_wait3A_455 = arith.constant 0 : i32
        %dma_wait3A_456 = tpu.memref_slice %arg3[%add3A, %mul3A_15, %dma_wait3A_455] : memref<32x80x128xi32, #tpu.memory_space<hbm>> -> memref<1x16x128xi32, #tpu.memory_space<hbm>>
        %dma_wait3A_457 = tpu.memref_squeeze %dma_wait3A_456 : memref<1x16x128xi32, #tpu.memory_space<hbm>> -> memref<16x128xi32, #tpu.memory_space<hbm>>
        tpu.wait_dma2 semaphore(%run_scoped3A : memref<!tpu.dma_semaphore, #tpu.memory_space<semaphore_mem>>) src(%dma_wait3A_457 : memref<16x128xi32, #tpu.memory_space<hbm>>) dst(%arg5 : memref<16x128xi32, #tpu.memory_space<vmem>>)
        tpu.yield
      }) : () -> ()
      %dma_start3A = arith.constant 0 : i32
      %dma_start3A_16 = arith.constant 0 : i32
      %dma_start3A_17 = tpu.memref_slice %arg5[%dma_start3A, %dma_start3A_16] : memref<16x128xi32, #tpu.memory_space<vmem>> -> memref<1x128xi32, #tpu.memory_space<vmem>>
      %dma_start3A_18 = tpu.memref_squeeze %dma_start3A_17 : memref<1x128xi32, #tpu.memory_space<vmem>> -> memref<128xi32, #tpu.memory_space<vmem>>
      %dma_start3A_19 = arith.constant 0 : i32
      %dma_start3A_20 = arith.constant 0 : i32
      %dma_start3A_21 = tpu.memref_slice %arg8[%dma_start3A_19, %dma_start3A_20] : memref<10112x128xf32, #tpu.memory_space<vmem_shared>> -> memref<10112x128xf32, #tpu.memory_space<vmem_shared>>
      tpu.enqueue_indirect_dma source(%dma_start3A_21 : memref<10112x128xf32, #tpu.memory_space<vmem_shared>>) target(%arg6 : memref<128x128xf32, #tpu.memory_space<vmem>>) offsets(%dma_start3A_18 : memref<128xi32, #tpu.memory_space<vmem>>) semaphore(%arg9 : memref<!tpu.dma_semaphore, #tpu.memory_space<semaphore_mem>>)
      %dma_start3A_22 = arith.constant 1 : i32
      %dma_start3A_23 = arith.constant 0 : i32
      %dma_start3A_24 = tpu.memref_slice %arg5[%dma_start3A_22, %dma_start3A_23] : memref<16x128xi32, #tpu.memory_space<vmem>> -> memref<1x128xi32, #tpu.memory_space<vmem>>
      %dma_start3A_25 = tpu.memref_squeeze %dma_start3A_24 : memref<1x128xi32, #tpu.memory_space<vmem>> -> memref<128xi32, #tpu.memory_space<vmem>>
      %dma_start3A_26 = arith.constant 0 : i32
      %dma_start3A_27 = arith.constant 0 : i32
      %dma_start3A_28 = tpu.memref_slice %arg8[%dma_start3A_26, %dma_start3A_27] : memref<10112x128xf32, #tpu.memory_space<vmem_shared>> -> memref<10112x128xf32, #tpu.memory_space<vmem_shared>>
      tpu.enqueue_indirect_dma source(%dma_start3A_28 : memref<10112x128xf32, #tpu.memory_space<vmem_shared>>) target(%arg7 : memref<128x128xf32, #tpu.memory_space<vmem>>) offsets(%dma_start3A_25 : memref<128xi32, #tpu.memory_space<vmem>>) semaphore(%arg10 : memref<!tpu.dma_semaphore, #tpu.memory_space<semaphore_mem>>)
      %dma_wait3A = arith.constant 0 : i32
      %dma_wait3A_29 = arith.constant 0 : i32
      %dma_wait3A_30 = tpu.memref_slice %arg5[%dma_wait3A, %dma_wait3A_29] : memref<16x128xi32, #tpu.memory_space<vmem>> -> memref<1x128xi32, #tpu.memory_space<vmem>>
      %dma_wait3A_31 = tpu.memref_squeeze %dma_wait3A_30 : memref<1x128xi32, #tpu.memory_space<vmem>> -> memref<128xi32, #tpu.memory_space<vmem>>
      %dma_wait3A_32 = arith.constant 0 : i32
      %dma_wait3A_33 = arith.constant 0 : i32
      %dma_wait3A_34 = tpu.memref_slice %arg8[%dma_wait3A_32, %dma_wait3A_33] : memref<10112x128xf32, #tpu.memory_space<vmem_shared>> -> memref<10112x128xf32, #tpu.memory_space<vmem_shared>>
      tpu.wait_indirect_dma semaphore(%arg9 : memref<!tpu.dma_semaphore, #tpu.memory_space<semaphore_mem>>) src(%dma_wait3A_34 : memref<10112x128xf32, #tpu.memory_space<vmem_shared>>) dst(%arg6 : memref<128x128xf32, #tpu.memory_space<vmem>>)
      %add3A_35 = arith.constant 0 : i32
      %add3A_36 = arith.addi %mul3A_15, %add3A_35 : i32
      %mul3A_37 = arith.constant 128 : i32
      %mul3A_38 = arith.muli %add3A_36, %mul3A_37 : i32
      %add3A_39 = arith.addi %mul3A_4, %mul3A_38 : i32
      %dma_start3A_40 = arith.constant 0 : i32
      %dma_start3A_41 = tpu.memref_slice %arg4[%add3A_39, %dma_start3A_40] : memref<327680x128xf32, #tpu.memory_space<hbm>> -> memref<128x128xf32, #tpu.memory_space<hbm>>
      %dma_start3A_42 = arith.constant 0 : i32
      %dma_start3A_43 = tpu.memref_slice %arg4[%add3A_39, %dma_start3A_42] : memref<327680x128xf32, #tpu.memory_space<hbm>> -> memref<128x128xf32, #tpu.memory_space<hbm>>
      tpu.enqueue_dma source(%arg6 : memref<128x128xf32, #tpu.memory_space<vmem>>) target(%dma_start3A_43 : memref<128x128xf32, #tpu.memory_space<hbm>>) target_semaphore(%arg11 : memref<!tpu.dma_semaphore, #tpu.memory_space<semaphore_mem>>)
      %dma_wait3A_44 = arith.constant 0 : i32
      %dma_wait3A_45 = tpu.memref_slice %arg4[%add3A_39, %dma_wait3A_44] : memref<327680x128xf32, #tpu.memory_space<hbm>> -> memref<128x128xf32, #tpu.memory_space<hbm>>
      %dma_wait3A_46 = arith.constant 0 : i32
      %dma_wait3A_47 = tpu.memref_slice %arg4[%add3A_39, %dma_wait3A_46] : memref<327680x128xf32, #tpu.memory_space<hbm>> -> memref<128x128xf32, #tpu.memory_space<hbm>>
      tpu.wait_dma2 semaphore(%arg11 : memref<!tpu.dma_semaphore, #tpu.memory_space<semaphore_mem>>) src(%arg6 : memref<128x128xf32, #tpu.memory_space<vmem>>) dst(%dma_wait3A_47 : memref<128x128xf32, #tpu.memory_space<hbm>>)
      %dma_start3A_48 = arith.constant 2 : i32
      %dma_start3A_49 = arith.constant 0 : i32
      %dma_start3A_50 = tpu.memref_slice %arg5[%dma_start3A_48, %dma_start3A_49] : memref<16x128xi32, #tpu.memory_space<vmem>> -> memref<1x128xi32, #tpu.memory_space<vmem>>
      %dma_start3A_51 = tpu.memref_squeeze %dma_start3A_50 : memref<1x128xi32, #tpu.memory_space<vmem>> -> memref<128xi32, #tpu.memory_space<vmem>>
      %dma_start3A_52 = arith.constant 0 : i32
      %dma_start3A_53 = arith.constant 0 : i32
      %dma_start3A_54 = tpu.memref_slice %arg8[%dma_start3A_52, %dma_start3A_53] : memref<10112x128xf32, #tpu.memory_space<vmem_shared>> -> memref<10112x128xf32, #tpu.memory_space<vmem_shared>>
      tpu.enqueue_indirect_dma source(%dma_start3A_54 : memref<10112x128xf32, #tpu.memory_space<vmem_shared>>) target(%arg6 : memref<128x128xf32, #tpu.memory_space<vmem>>) offsets(%dma_start3A_51 : memref<128xi32, #tpu.memory_space<vmem>>) semaphore(%arg9 : memref<!tpu.dma_semaphore, #tpu.memory_space<semaphore_mem>>)
      %dma_wait3A_55 = arith.constant 1 : i32
      %dma_wait3A_56 = arith.constant 0 : i32
      %dma_wait3A_57 = tpu.memref_slice %arg5[%dma_wait3A_55, %dma_wait3A_56] : memref<16x128xi32, #tpu.memory_space<vmem>> -> memref<1x128xi32, #tpu.memory_space<vmem>>
      %dma_wait3A_58 = tpu.memref_squeeze %dma_wait3A_57 : memref<1x128xi32, #tpu.memory_space<vmem>> -> memref<128xi32, #tpu.memory_space<vmem>>
      %dma_wait3A_59 = arith.constant 0 : i32
      %dma_wait3A_60 = arith.constant 0 : i32
      %dma_wait3A_61 = tpu.memref_slice %arg8[%dma_wait3A_59, %dma_wait3A_60] : memref<10112x128xf32, #tpu.memory_space<vmem_shared>> -> memref<10112x128xf32, #tpu.memory_space<vmem_shared>>
      tpu.wait_indirect_dma semaphore(%arg10 : memref<!tpu.dma_semaphore, #tpu.memory_space<semaphore_mem>>) src(%dma_wait3A_61 : memref<10112x128xf32, #tpu.memory_space<vmem_shared>>) dst(%arg7 : memref<128x128xf32, #tpu.memory_space<vmem>>)
      %add3A_62 = arith.constant 1 : i32
      %add3A_63 = arith.addi %mul3A_15, %add3A_62 : i32
      %mul3A_64 = arith.constant 128 : i32
      %mul3A_65 = arith.muli %add3A_63, %mul3A_64 : i32
      %add3A_66 = arith.addi %mul3A_4, %mul3A_65 : i32
      %dma_start3A_67 = arith.constant 0 : i32
      %dma_start3A_68 = tpu.memref_slice %arg4[%add3A_66, %dma_start3A_67] : memref<327680x128xf32, #tpu.memory_space<hbm>> -> memref<128x128xf32, #tpu.memory_space<hbm>>
      %dma_start3A_69 = arith.constant 0 : i32
      %dma_start3A_70 = tpu.memref_slice %arg4[%add3A_66, %dma_start3A_69] : memref<327680x128xf32, #tpu.memory_space<hbm>> -> memref<128x128xf32, #tpu.memory_space<hbm>>
      tpu.enqueue_dma source(%arg7 : memref<128x128xf32, #tpu.memory_space<vmem>>) target(%dma_start3A_70 : memref<128x128xf32, #tpu.memory_space<hbm>>) target_semaphore(%arg12 : memref<!tpu.dma_semaphore, #tpu.memory_space<semaphore_mem>>)
      %dma_wait3A_71 = arith.constant 0 : i32
      %dma_wait3A_72 = tpu.memref_slice %arg4[%add3A_66, %dma_wait3A_71] : memref<327680x128xf32, #tpu.memory_space<hbm>> -> memref<128x128xf32, #tpu.memory_space<hbm>>
      %dma_wait3A_73 = arith.constant 0 : i32
      %dma_wait3A_74 = tpu.memref_slice %arg4[%add3A_66, %dma_wait3A_73] : memref<327680x128xf32, #tpu.memory_space<hbm>> -> memref<128x128xf32, #tpu.memory_space<hbm>>
      tpu.wait_dma2 semaphore(%arg12 : memref<!tpu.dma_semaphore, #tpu.memory_space<semaphore_mem>>) src(%arg7 : memref<128x128xf32, #tpu.memory_space<vmem>>) dst(%dma_wait3A_74 : memref<128x128xf32, #tpu.memory_space<hbm>>)
      %dma_start3A_75 = arith.constant 3 : i32
      %dma_start3A_76 = arith.constant 0 : i32
      %dma_start3A_77 = tpu.memref_slice %arg5[%dma_start3A_75, %dma_start3A_76] : memref<16x128xi32, #tpu.memory_space<vmem>> -> memref<1x128xi32, #tpu.memory_space<vmem>>
      %dma_start3A_78 = tpu.memref_squeeze %dma_start3A_77 : memref<1x128xi32, #tpu.memory_space<vmem>> -> memref<128xi32, #tpu.memory_space<vmem>>
      %dma_start3A_79 = arith.constant 0 : i32
      %dma_start3A_80 = arith.constant 0 : i32
      %dma_start3A_81 = tpu.memref_slice %arg8[%dma_start3A_79, %dma_start3A_80] : memref<10112x128xf32, #tpu.memory_space<vmem_shared>> -> memref<10112x128xf32, #tpu.memory_space<vmem_shared>>
      tpu.enqueue_indirect_dma source(%dma_start3A_81 : memref<10112x128xf32, #tpu.memory_space<vmem_shared>>) target(%arg7 : memref<128x128xf32, #tpu.memory_space<vmem>>) offsets(%dma_start3A_78 : memref<128xi32, #tpu.memory_space<vmem>>) semaphore(%arg10 : memref<!tpu.dma_semaphore, #tpu.memory_space<semaphore_mem>>)
      %dma_wait3A_82 = arith.constant 2 : i32
      %dma_wait3A_83 = arith.constant 0 : i32
      %dma_wait3A_84 = tpu.memref_slice %arg5[%dma_wait3A_82, %dma_wait3A_83] : memref<16x128xi32, #tpu.memory_space<vmem>> -> memref<1x128xi32, #tpu.memory_space<vmem>>
      %dma_wait3A_85 = tpu.memref_squeeze %dma_wait3A_84 : memref<1x128xi32, #tpu.memory_space<vmem>> -> memref<128xi32, #tpu.memory_space<vmem>>
      %dma_wait3A_86 = arith.constant 0 : i32
      %dma_wait3A_87 = arith.constant 0 : i32
      %dma_wait3A_88 = tpu.memref_slice %arg8[%dma_wait3A_86, %dma_wait3A_87] : memref<10112x128xf32, #tpu.memory_space<vmem_shared>> -> memref<10112x128xf32, #tpu.memory_space<vmem_shared>>
      tpu.wait_indirect_dma semaphore(%arg9 : memref<!tpu.dma_semaphore, #tpu.memory_space<semaphore_mem>>) src(%dma_wait3A_88 : memref<10112x128xf32, #tpu.memory_space<vmem_shared>>) dst(%arg6 : memref<128x128xf32, #tpu.memory_space<vmem>>)
      %add3A_89 = arith.constant 2 : i32
      %add3A_90 = arith.addi %mul3A_15, %add3A_89 : i32
      %mul3A_91 = arith.constant 128 : i32
      %mul3A_92 = arith.muli %add3A_90, %mul3A_91 : i32
      %add3A_93 = arith.addi %mul3A_4, %mul3A_92 : i32
      %dma_start3A_94 = arith.constant 0 : i32
      %dma_start3A_95 = tpu.memref_slice %arg4[%add3A_93, %dma_start3A_94] : memref<327680x128xf32, #tpu.memory_space<hbm>> -> memref<128x128xf32, #tpu.memory_space<hbm>>
      %dma_start3A_96 = arith.constant 0 : i32
      %dma_start3A_97 = tpu.memref_slice %arg4[%add3A_93, %dma_start3A_96] : memref<327680x128xf32, #tpu.memory_space<hbm>> -> memref<128x128xf32, #tpu.memory_space<hbm>>
      tpu.enqueue_dma source(%arg6 : memref<128x128xf32, #tpu.memory_space<vmem>>) target(%dma_start3A_97 : memref<128x128xf32, #tpu.memory_space<hbm>>) target_semaphore(%arg11 : memref<!tpu.dma_semaphore, #tpu.memory_space<semaphore_mem>>)
      %dma_wait3A_98 = arith.constant 0 : i32
      %dma_wait3A_99 = tpu.memref_slice %arg4[%add3A_93, %dma_wait3A_98] : memref<327680x128xf32, #tpu.memory_space<hbm>> -> memref<128x128xf32, #tpu.memory_space<hbm>>
      %dma_wait3A_100 = arith.constant 0 : i32
      %dma_wait3A_101 = tpu.memref_slice %arg4[%add3A_93, %dma_wait3A_100] : memref<327680x128xf32, #tpu.memory_space<hbm>> -> memref<128x128xf32, #tpu.memory_space<hbm>>
      tpu.wait_dma2 semaphore(%arg11 : memref<!tpu.dma_semaphore, #tpu.memory_space<semaphore_mem>>) src(%arg6 : memref<128x128xf32, #tpu.memory_space<vmem>>) dst(%dma_wait3A_101 : memref<128x128xf32, #tpu.memory_space<hbm>>)
      %dma_start3A_102 = arith.constant 4 : i32
      %dma_start3A_103 = arith.constant 0 : i32
      %dma_start3A_104 = tpu.memref_slice %arg5[%dma_start3A_102, %dma_start3A_103] : memref<16x128xi32, #tpu.memory_space<vmem>> -> memref<1x128xi32, #tpu.memory_space<vmem>>
      %dma_start3A_105 = tpu.memref_squeeze %dma_start3A_104 : memref<1x128xi32, #tpu.memory_space<vmem>> -> memref<128xi32, #tpu.memory_space<vmem>>
      %dma_start3A_106 = arith.constant 0 : i32
      %dma_start3A_107 = arith.constant 0 : i32
      %dma_start3A_108 = tpu.memref_slice %arg8[%dma_start3A_106, %dma_start3A_107] : memref<10112x128xf32, #tpu.memory_space<vmem_shared>> -> memref<10112x128xf32, #tpu.memory_space<vmem_shared>>
      tpu.enqueue_indirect_dma source(%dma_start3A_108 : memref<10112x128xf32, #tpu.memory_space<vmem_shared>>) target(%arg6 : memref<128x128xf32, #tpu.memory_space<vmem>>) offsets(%dma_start3A_105 : memref<128xi32, #tpu.memory_space<vmem>>) semaphore(%arg9 : memref<!tpu.dma_semaphore, #tpu.memory_space<semaphore_mem>>)
      %dma_wait3A_109 = arith.constant 3 : i32
      %dma_wait3A_110 = arith.constant 0 : i32
      %dma_wait3A_111 = tpu.memref_slice %arg5[%dma_wait3A_109, %dma_wait3A_110] : memref<16x128xi32, #tpu.memory_space<vmem>> -> memref<1x128xi32, #tpu.memory_space<vmem>>
      %dma_wait3A_112 = tpu.memref_squeeze %dma_wait3A_111 : memref<1x128xi32, #tpu.memory_space<vmem>> -> memref<128xi32, #tpu.memory_space<vmem>>
      %dma_wait3A_113 = arith.constant 0 : i32
      %dma_wait3A_114 = arith.constant 0 : i32
      %dma_wait3A_115 = tpu.memref_slice %arg8[%dma_wait3A_113, %dma_wait3A_114] : memref<10112x128xf32, #tpu.memory_space<vmem_shared>> -> memref<10112x128xf32, #tpu.memory_space<vmem_shared>>
      tpu.wait_indirect_dma semaphore(%arg10 : memref<!tpu.dma_semaphore, #tpu.memory_space<semaphore_mem>>) src(%dma_wait3A_115 : memref<10112x128xf32, #tpu.memory_space<vmem_shared>>) dst(%arg7 : memref<128x128xf32, #tpu.memory_space<vmem>>)
      %add3A_116 = arith.constant 3 : i32
      %add3A_117 = arith.addi %mul3A_15, %add3A_116 : i32
      %mul3A_118 = arith.constant 128 : i32
      %mul3A_119 = arith.muli %add3A_117, %mul3A_118 : i32
      %add3A_120 = arith.addi %mul3A_4, %mul3A_119 : i32
      %dma_start3A_121 = arith.constant 0 : i32
      %dma_start3A_122 = tpu.memref_slice %arg4[%add3A_120, %dma_start3A_121] : memref<327680x128xf32, #tpu.memory_space<hbm>> -> memref<128x128xf32, #tpu.memory_space<hbm>>
      %dma_start3A_123 = arith.constant 0 : i32
      %dma_start3A_124 = tpu.memref_slice %arg4[%add3A_120, %dma_start3A_123] : memref<327680x128xf32, #tpu.memory_space<hbm>> -> memref<128x128xf32, #tpu.memory_space<hbm>>
      tpu.enqueue_dma source(%arg7 : memref<128x128xf32, #tpu.memory_space<vmem>>) target(%dma_start3A_124 : memref<128x128xf32, #tpu.memory_space<hbm>>) target_semaphore(%arg12 : memref<!tpu.dma_semaphore, #tpu.memory_space<semaphore_mem>>)
      %dma_wait3A_125 = arith.constant 0 : i32
      %dma_wait3A_126 = tpu.memref_slice %arg4[%add3A_120, %dma_wait3A_125] : memref<327680x128xf32, #tpu.memory_space<hbm>> -> memref<128x128xf32, #tpu.memory_space<hbm>>
      %dma_wait3A_127 = arith.constant 0 : i32
      %dma_wait3A_128 = tpu.memref_slice %arg4[%add3A_120, %dma_wait3A_127] : memref<327680x128xf32, #tpu.memory_space<hbm>> -> memref<128x128xf32, #tpu.memory_space<hbm>>
      tpu.wait_dma2 semaphore(%arg12 : memref<!tpu.dma_semaphore, #tpu.memory_space<semaphore_mem>>) src(%arg7 : memref<128x128xf32, #tpu.memory_space<vmem>>) dst(%dma_wait3A_128 : memref<128x128xf32, #tpu.memory_space<hbm>>)
      %dma_start3A_129 = arith.constant 5 : i32
      %dma_start3A_130 = arith.constant 0 : i32
      %dma_start3A_131 = tpu.memref_slice %arg5[%dma_start3A_129, %dma_start3A_130] : memref<16x128xi32, #tpu.memory_space<vmem>> -> memref<1x128xi32, #tpu.memory_space<vmem>>
      %dma_start3A_132 = tpu.memref_squeeze %dma_start3A_131 : memref<1x128xi32, #tpu.memory_space<vmem>> -> memref<128xi32, #tpu.memory_space<vmem>>
      %dma_start3A_133 = arith.constant 0 : i32
      %dma_start3A_134 = arith.constant 0 : i32
      %dma_start3A_135 = tpu.memref_slice %arg8[%dma_start3A_133, %dma_start3A_134] : memref<10112x128xf32, #tpu.memory_space<vmem_shared>> -> memref<10112x128xf32, #tpu.memory_space<vmem_shared>>
      tpu.enqueue_indirect_dma source(%dma_start3A_135 : memref<10112x128xf32, #tpu.memory_space<vmem_shared>>) target(%arg7 : memref<128x128xf32, #tpu.memory_space<vmem>>) offsets(%dma_start3A_132 : memref<128xi32, #tpu.memory_space<vmem>>) semaphore(%arg10 : memref<!tpu.dma_semaphore, #tpu.memory_space<semaphore_mem>>)
      %dma_wait3A_136 = arith.constant 4 : i32
      %dma_wait3A_137 = arith.constant 0 : i32
      %dma_wait3A_138 = tpu.memref_slice %arg5[%dma_wait3A_136, %dma_wait3A_137] : memref<16x128xi32, #tpu.memory_space<vmem>> -> memref<1x128xi32, #tpu.memory_space<vmem>>
      %dma_wait3A_139 = tpu.memref_squeeze %dma_wait3A_138 : memref<1x128xi32, #tpu.memory_space<vmem>> -> memref<128xi32, #tpu.memory_space<vmem>>
      %dma_wait3A_140 = arith.constant 0 : i32
      %dma_wait3A_141 = arith.constant 0 : i32
      %dma_wait3A_142 = tpu.memref_slice %arg8[%dma_wait3A_140, %dma_wait3A_141] : memref<10112x128xf32, #tpu.memory_space<vmem_shared>> -> memref<10112x128xf32, #tpu.memory_space<vmem_shared>>
      tpu.wait_indirect_dma semaphore(%arg9 : memref<!tpu.dma_semaphore, #tpu.memory_space<semaphore_mem>>) src(%dma_wait3A_142 : memref<10112x128xf32, #tpu.memory_space<vmem_shared>>) dst(%arg6 : memref<128x128xf32, #tpu.memory_space<vmem>>)
      %add3A_143 = arith.constant 4 : i32
      %add3A_144 = arith.addi %mul3A_15, %add3A_143 : i32
      %mul3A_145 = arith.constant 128 : i32
      %mul3A_146 = arith.muli %add3A_144, %mul3A_145 : i32
      %add3A_147 = arith.addi %mul3A_4, %mul3A_146 : i32
      %dma_start3A_148 = arith.constant 0 : i32
      %dma_start3A_149 = tpu.memref_slice %arg4[%add3A_147, %dma_start3A_148] : memref<327680x128xf32, #tpu.memory_space<hbm>> -> memref<128x128xf32, #tpu.memory_space<hbm>>
      %dma_start3A_150 = arith.constant 0 : i32
      %dma_start3A_151 = tpu.memref_slice %arg4[%add3A_147, %dma_start3A_150] : memref<327680x128xf32, #tpu.memory_space<hbm>> -> memref<128x128xf32, #tpu.memory_space<hbm>>
      tpu.enqueue_dma source(%arg6 : memref<128x128xf32, #tpu.memory_space<vmem>>) target(%dma_start3A_151 : memref<128x128xf32, #tpu.memory_space<hbm>>) target_semaphore(%arg11 : memref<!tpu.dma_semaphore, #tpu.memory_space<semaphore_mem>>)
      %dma_wait3A_152 = arith.constant 0 : i32
      %dma_wait3A_153 = tpu.memref_slice %arg4[%add3A_147, %dma_wait3A_152] : memref<327680x128xf32, #tpu.memory_space<hbm>> -> memref<128x128xf32, #tpu.memory_space<hbm>>
      %dma_wait3A_154 = arith.constant 0 : i32
      %dma_wait3A_155 = tpu.memref_slice %arg4[%add3A_147, %dma_wait3A_154] : memref<327680x128xf32, #tpu.memory_space<hbm>> -> memref<128x128xf32, #tpu.memory_space<hbm>>
      tpu.wait_dma2 semaphore(%arg11 : memref<!tpu.dma_semaphore, #tpu.memory_space<semaphore_mem>>) src(%arg6 : memref<128x128xf32, #tpu.memory_space<vmem>>) dst(%dma_wait3A_155 : memref<128x128xf32, #tpu.memory_space<hbm>>)
      %dma_start3A_156 = arith.constant 6 : i32
      %dma_start3A_157 = arith.constant 0 : i32
      %dma_start3A_158 = tpu.memref_slice %arg5[%dma_start3A_156, %dma_start3A_157] : memref<16x128xi32, #tpu.memory_space<vmem>> -> memref<1x128xi32, #tpu.memory_space<vmem>>
      %dma_start3A_159 = tpu.memref_squeeze %dma_start3A_158 : memref<1x128xi32, #tpu.memory_space<vmem>> -> memref<128xi32, #tpu.memory_space<vmem>>
      %dma_start3A_160 = arith.constant 0 : i32
      %dma_start3A_161 = arith.constant 0 : i32
      %dma_start3A_162 = tpu.memref_slice %arg8[%dma_start3A_160, %dma_start3A_161] : memref<10112x128xf32, #tpu.memory_space<vmem_shared>> -> memref<10112x128xf32, #tpu.memory_space<vmem_shared>>
      tpu.enqueue_indirect_dma source(%dma_start3A_162 : memref<10112x128xf32, #tpu.memory_space<vmem_shared>>) target(%arg6 : memref<128x128xf32, #tpu.memory_space<vmem>>) offsets(%dma_start3A_159 : memref<128xi32, #tpu.memory_space<vmem>>) semaphore(%arg9 : memref<!tpu.dma_semaphore, #tpu.memory_space<semaphore_mem>>)
      %dma_wait3A_163 = arith.constant 5 : i32
      %dma_wait3A_164 = arith.constant 0 : i32
      %dma_wait3A_165 = tpu.memref_slice %arg5[%dma_wait3A_163, %dma_wait3A_164] : memref<16x128xi32, #tpu.memory_space<vmem>> -> memref<1x128xi32, #tpu.memory_space<vmem>>
      %dma_wait3A_166 = tpu.memref_squeeze %dma_wait3A_165 : memref<1x128xi32, #tpu.memory_space<vmem>> -> memref<128xi32, #tpu.memory_space<vmem>>
      %dma_wait3A_167 = arith.constant 0 : i32
      %dma_wait3A_168 = arith.constant 0 : i32
      %dma_wait3A_169 = tpu.memref_slice %arg8[%dma_wait3A_167, %dma_wait3A_168] : memref<10112x128xf32, #tpu.memory_space<vmem_shared>> -> memref<10112x128xf32, #tpu.memory_space<vmem_shared>>
      tpu.wait_indirect_dma semaphore(%arg10 : memref<!tpu.dma_semaphore, #tpu.memory_space<semaphore_mem>>) src(%dma_wait3A_169 : memref<10112x128xf32, #tpu.memory_space<vmem_shared>>) dst(%arg7 : memref<128x128xf32, #tpu.memory_space<vmem>>)
      %add3A_170 = arith.constant 5 : i32
      %add3A_171 = arith.addi %mul3A_15, %add3A_170 : i32
      %mul3A_172 = arith.constant 128 : i32
      %mul3A_173 = arith.muli %add3A_171, %mul3A_172 : i32
      %add3A_174 = arith.addi %mul3A_4, %mul3A_173 : i32
      %dma_start3A_175 = arith.constant 0 : i32
      %dma_start3A_176 = tpu.memref_slice %arg4[%add3A_174, %dma_start3A_175] : memref<327680x128xf32, #tpu.memory_space<hbm>> -> memref<128x128xf32, #tpu.memory_space<hbm>>
      %dma_start3A_177 = arith.constant 0 : i32
      %dma_start3A_178 = tpu.memref_slice %arg4[%add3A_174, %dma_start3A_177] : memref<327680x128xf32, #tpu.memory_space<hbm>> -> memref<128x128xf32, #tpu.memory_space<hbm>>
      tpu.enqueue_dma source(%arg7 : memref<128x128xf32, #tpu.memory_space<vmem>>) target(%dma_start3A_178 : memref<128x128xf32, #tpu.memory_space<hbm>>) target_semaphore(%arg12 : memref<!tpu.dma_semaphore, #tpu.memory_space<semaphore_mem>>)
      %dma_wait3A_179 = arith.constant 0 : i32
      %dma_wait3A_180 = tpu.memref_slice %arg4[%add3A_174, %dma_wait3A_179] : memref<327680x128xf32, #tpu.memory_space<hbm>> -> memref<128x128xf32, #tpu.memory_space<hbm>>
      %dma_wait3A_181 = arith.constant 0 : i32
      %dma_wait3A_182 = tpu.memref_slice %arg4[%add3A_174, %dma_wait3A_181] : memref<327680x128xf32, #tpu.memory_space<hbm>> -> memref<128x128xf32, #tpu.memory_space<hbm>>
      tpu.wait_dma2 semaphore(%arg12 : memref<!tpu.dma_semaphore, #tpu.memory_space<semaphore_mem>>) src(%arg7 : memref<128x128xf32, #tpu.memory_space<vmem>>) dst(%dma_wait3A_182 : memref<128x128xf32, #tpu.memory_space<hbm>>)
      %dma_start3A_183 = arith.constant 7 : i32
      %dma_start3A_184 = arith.constant 0 : i32
      %dma_start3A_185 = tpu.memref_slice %arg5[%dma_start3A_183, %dma_start3A_184] : memref<16x128xi32, #tpu.memory_space<vmem>> -> memref<1x128xi32, #tpu.memory_space<vmem>>
      %dma_start3A_186 = tpu.memref_squeeze %dma_start3A_185 : memref<1x128xi32, #tpu.memory_space<vmem>> -> memref<128xi32, #tpu.memory_space<vmem>>
      %dma_start3A_187 = arith.constant 0 : i32
      %dma_start3A_188 = arith.constant 0 : i32
      %dma_start3A_189 = tpu.memref_slice %arg8[%dma_start3A_187, %dma_start3A_188] : memref<10112x128xf32, #tpu.memory_space<vmem_shared>> -> memref<10112x128xf32, #tpu.memory_space<vmem_shared>>
      tpu.enqueue_indirect_dma source(%dma_start3A_189 : memref<10112x128xf32, #tpu.memory_space<vmem_shared>>) target(%arg7 : memref<128x128xf32, #tpu.memory_space<vmem>>) offsets(%dma_start3A_186 : memref<128xi32, #tpu.memory_space<vmem>>) semaphore(%arg10 : memref<!tpu.dma_semaphore, #tpu.memory_space<semaphore_mem>>)
      %dma_wait3A_190 = arith.constant 6 : i32
      %dma_wait3A_191 = arith.constant 0 : i32
      %dma_wait3A_192 = tpu.memref_slice %arg5[%dma_wait3A_190, %dma_wait3A_191] : memref<16x128xi32, #tpu.memory_space<vmem>> -> memref<1x128xi32, #tpu.memory_space<vmem>>
      %dma_wait3A_193 = tpu.memref_squeeze %dma_wait3A_192 : memref<1x128xi32, #tpu.memory_space<vmem>> -> memref<128xi32, #tpu.memory_space<vmem>>
      %dma_wait3A_194 = arith.constant 0 : i32
      %dma_wait3A_195 = arith.constant 0 : i32
      %dma_wait3A_196 = tpu.memref_slice %arg8[%dma_wait3A_194, %dma_wait3A_195] : memref<10112x128xf32, #tpu.memory_space<vmem_shared>> -> memref<10112x128xf32, #tpu.memory_space<vmem_shared>>
      tpu.wait_indirect_dma semaphore(%arg9 : memref<!tpu.dma_semaphore, #tpu.memory_space<semaphore_mem>>) src(%dma_wait3A_196 : memref<10112x128xf32, #tpu.memory_space<vmem_shared>>) dst(%arg6 : memref<128x128xf32, #tpu.memory_space<vmem>>)
      %add3A_197 = arith.constant 6 : i32
      %add3A_198 = arith.addi %mul3A_15, %add3A_197 : i32
      %mul3A_199 = arith.constant 128 : i32
      %mul3A_200 = arith.muli %add3A_198, %mul3A_199 : i32
      %add3A_201 = arith.addi %mul3A_4, %mul3A_200 : i32
      %dma_start3A_202 = arith.constant 0 : i32
      %dma_start3A_203 = tpu.memref_slice %arg4[%add3A_201, %dma_start3A_202] : memref<327680x128xf32, #tpu.memory_space<hbm>> -> memref<128x128xf32, #tpu.memory_space<hbm>>
      %dma_start3A_204 = arith.constant 0 : i32
      %dma_start3A_205 = tpu.memref_slice %arg4[%add3A_201, %dma_start3A_204] : memref<327680x128xf32, #tpu.memory_space<hbm>> -> memref<128x128xf32, #tpu.memory_space<hbm>>
      tpu.enqueue_dma source(%arg6 : memref<128x128xf32, #tpu.memory_space<vmem>>) target(%dma_start3A_205 : memref<128x128xf32, #tpu.memory_space<hbm>>) target_semaphore(%arg11 : memref<!tpu.dma_semaphore, #tpu.memory_space<semaphore_mem>>)
      %dma_wait3A_206 = arith.constant 0 : i32
      %dma_wait3A_207 = tpu.memref_slice %arg4[%add3A_201, %dma_wait3A_206] : memref<327680x128xf32, #tpu.memory_space<hbm>> -> memref<128x128xf32, #tpu.memory_space<hbm>>
      %dma_wait3A_208 = arith.constant 0 : i32
      %dma_wait3A_209 = tpu.memref_slice %arg4[%add3A_201, %dma_wait3A_208] : memref<327680x128xf32, #tpu.memory_space<hbm>> -> memref<128x128xf32, #tpu.memory_space<hbm>>
      tpu.wait_dma2 semaphore(%arg11 : memref<!tpu.dma_semaphore, #tpu.memory_space<semaphore_mem>>) src(%arg6 : memref<128x128xf32, #tpu.memory_space<vmem>>) dst(%dma_wait3A_209 : memref<128x128xf32, #tpu.memory_space<hbm>>)
      %dma_start3A_210 = arith.constant 8 : i32
      %dma_start3A_211 = arith.constant 0 : i32
      %dma_start3A_212 = tpu.memref_slice %arg5[%dma_start3A_210, %dma_start3A_211] : memref<16x128xi32, #tpu.memory_space<vmem>> -> memref<1x128xi32, #tpu.memory_space<vmem>>
      %dma_start3A_213 = tpu.memref_squeeze %dma_start3A_212 : memref<1x128xi32, #tpu.memory_space<vmem>> -> memref<128xi32, #tpu.memory_space<vmem>>
      %dma_start3A_214 = arith.constant 0 : i32
      %dma_start3A_215 = arith.constant 0 : i32
      %dma_start3A_216 = tpu.memref_slice %arg8[%dma_start3A_214, %dma_start3A_215] : memref<10112x128xf32, #tpu.memory_space<vmem_shared>> -> memref<10112x128xf32, #tpu.memory_space<vmem_shared>>
      tpu.enqueue_indirect_dma source(%dma_start3A_216 : memref<10112x128xf32, #tpu.memory_space<vmem_shared>>) target(%arg6 : memref<128x128xf32, #tpu.memory_space<vmem>>) offsets(%dma_start3A_213 : memref<128xi32, #tpu.memory_space<vmem>>) semaphore(%arg9 : memref<!tpu.dma_semaphore, #tpu.memory_space<semaphore_mem>>)
      %dma_wait3A_217 = arith.constant 7 : i32
      %dma_wait3A_218 = arith.constant 0 : i32
      %dma_wait3A_219 = tpu.memref_slice %arg5[%dma_wait3A_217, %dma_wait3A_218] : memref<16x128xi32, #tpu.memory_space<vmem>> -> memref<1x128xi32, #tpu.memory_space<vmem>>
      %dma_wait3A_220 = tpu.memref_squeeze %dma_wait3A_219 : memref<1x128xi32, #tpu.memory_space<vmem>> -> memref<128xi32, #tpu.memory_space<vmem>>
      %dma_wait3A_221 = arith.constant 0 : i32
      %dma_wait3A_222 = arith.constant 0 : i32
      %dma_wait3A_223 = tpu.memref_slice %arg8[%dma_wait3A_221, %dma_wait3A_222] : memref<10112x128xf32, #tpu.memory_space<vmem_shared>> -> memref<10112x128xf32, #tpu.memory_space<vmem_shared>>
      tpu.wait_indirect_dma semaphore(%arg10 : memref<!tpu.dma_semaphore, #tpu.memory_space<semaphore_mem>>) src(%dma_wait3A_223 : memref<10112x128xf32, #tpu.memory_space<vmem_shared>>) dst(%arg7 : memref<128x128xf32, #tpu.memory_space<vmem>>)
      %add3A_224 = arith.constant 7 : i32
      %add3A_225 = arith.addi %mul3A_15, %add3A_224 : i32
      %mul3A_226 = arith.constant 128 : i32
      %mul3A_227 = arith.muli %add3A_225, %mul3A_226 : i32
      %add3A_228 = arith.addi %mul3A_4, %mul3A_227 : i32
      %dma_start3A_229 = arith.constant 0 : i32
      %dma_start3A_230 = tpu.memref_slice %arg4[%add3A_228, %dma_start3A_229] : memref<327680x128xf32, #tpu.memory_space<hbm>> -> memref<128x128xf32, #tpu.memory_space<hbm>>
      %dma_start3A_231 = arith.constant 0 : i32
      %dma_start3A_232 = tpu.memref_slice %arg4[%add3A_228, %dma_start3A_231] : memref<327680x128xf32, #tpu.memory_space<hbm>> -> memref<128x128xf32, #tpu.memory_space<hbm>>
      tpu.enqueue_dma source(%arg7 : memref<128x128xf32, #tpu.memory_space<vmem>>) target(%dma_start3A_232 : memref<128x128xf32, #tpu.memory_space<hbm>>) target_semaphore(%arg12 : memref<!tpu.dma_semaphore, #tpu.memory_space<semaphore_mem>>)
      %dma_wait3A_233 = arith.constant 0 : i32
      %dma_wait3A_234 = tpu.memref_slice %arg4[%add3A_228, %dma_wait3A_233] : memref<327680x128xf32, #tpu.memory_space<hbm>> -> memref<128x128xf32, #tpu.memory_space<hbm>>
      %dma_wait3A_235 = arith.constant 0 : i32
      %dma_wait3A_236 = tpu.memref_slice %arg4[%add3A_228, %dma_wait3A_235] : memref<327680x128xf32, #tpu.memory_space<hbm>> -> memref<128x128xf32, #tpu.memory_space<hbm>>
      tpu.wait_dma2 semaphore(%arg12 : memref<!tpu.dma_semaphore, #tpu.memory_space<semaphore_mem>>) src(%arg7 : memref<128x128xf32, #tpu.memory_space<vmem>>) dst(%dma_wait3A_236 : memref<128x128xf32, #tpu.memory_space<hbm>>)
      %dma_start3A_237 = arith.constant 9 : i32
      %dma_start3A_238 = arith.constant 0 : i32
      %dma_start3A_239 = tpu.memref_slice %arg5[%dma_start3A_237, %dma_start3A_238] : memref<16x128xi32, #tpu.memory_space<vmem>> -> memref<1x128xi32, #tpu.memory_space<vmem>>
      %dma_start3A_240 = tpu.memref_squeeze %dma_start3A_239 : memref<1x128xi32, #tpu.memory_space<vmem>> -> memref<128xi32, #tpu.memory_space<vmem>>
      %dma_start3A_241 = arith.constant 0 : i32
      %dma_start3A_242 = arith.constant 0 : i32
      %dma_start3A_243 = tpu.memref_slice %arg8[%dma_start3A_241, %dma_start3A_242] : memref<10112x128xf32, #tpu.memory_space<vmem_shared>> -> memref<10112x128xf32, #tpu.memory_space<vmem_shared>>
      tpu.enqueue_indirect_dma source(%dma_start3A_243 : memref<10112x128xf32, #tpu.memory_space<vmem_shared>>) target(%arg7 : memref<128x128xf32, #tpu.memory_space<vmem>>) offsets(%dma_start3A_240 : memref<128xi32, #tpu.memory_space<vmem>>) semaphore(%arg10 : memref<!tpu.dma_semaphore, #tpu.memory_space<semaphore_mem>>)
      %dma_wait3A_244 = arith.constant 8 : i32
      %dma_wait3A_245 = arith.constant 0 : i32
      %dma_wait3A_246 = tpu.memref_slice %arg5[%dma_wait3A_244, %dma_wait3A_245] : memref<16x128xi32, #tpu.memory_space<vmem>> -> memref<1x128xi32, #tpu.memory_space<vmem>>
      %dma_wait3A_247 = tpu.memref_squeeze %dma_wait3A_246 : memref<1x128xi32, #tpu.memory_space<vmem>> -> memref<128xi32, #tpu.memory_space<vmem>>
      %dma_wait3A_248 = arith.constant 0 : i32
      %dma_wait3A_249 = arith.constant 0 : i32
      %dma_wait3A_250 = tpu.memref_slice %arg8[%dma_wait3A_248, %dma_wait3A_249] : memref<10112x128xf32, #tpu.memory_space<vmem_shared>> -> memref<10112x128xf32, #tpu.memory_space<vmem_shared>>
      tpu.wait_indirect_dma semaphore(%arg9 : memref<!tpu.dma_semaphore, #tpu.memory_space<semaphore_mem>>) src(%dma_wait3A_250 : memref<10112x128xf32, #tpu.memory_space<vmem_shared>>) dst(%arg6 : memref<128x128xf32, #tpu.memory_space<vmem>>)
      %add3A_251 = arith.constant 8 : i32
      %add3A_252 = arith.addi %mul3A_15, %add3A_251 : i32
      %mul3A_253 = arith.constant 128 : i32
      %mul3A_254 = arith.muli %add3A_252, %mul3A_253 : i32
      %add3A_255 = arith.addi %mul3A_4, %mul3A_254 : i32
      %dma_start3A_256 = arith.constant 0 : i32
      %dma_start3A_257 = tpu.memref_slice %arg4[%add3A_255, %dma_start3A_256] : memref<327680x128xf32, #tpu.memory_space<hbm>> -> memref<128x128xf32, #tpu.memory_space<hbm>>
      %dma_start3A_258 = arith.constant 0 : i32
      %dma_start3A_259 = tpu.memref_slice %arg4[%add3A_255, %dma_start3A_258] : memref<327680x128xf32, #tpu.memory_space<hbm>> -> memref<128x128xf32, #tpu.memory_space<hbm>>
      tpu.enqueue_dma source(%arg6 : memref<128x128xf32, #tpu.memory_space<vmem>>) target(%dma_start3A_259 : memref<128x128xf32, #tpu.memory_space<hbm>>) target_semaphore(%arg11 : memref<!tpu.dma_semaphore, #tpu.memory_space<semaphore_mem>>)
      %dma_wait3A_260 = arith.constant 0 : i32
      %dma_wait3A_261 = tpu.memref_slice %arg4[%add3A_255, %dma_wait3A_260] : memref<327680x128xf32, #tpu.memory_space<hbm>> -> memref<128x128xf32, #tpu.memory_space<hbm>>
      %dma_wait3A_262 = arith.constant 0 : i32
      %dma_wait3A_263 = tpu.memref_slice %arg4[%add3A_255, %dma_wait3A_262] : memref<327680x128xf32, #tpu.memory_space<hbm>> -> memref<128x128xf32, #tpu.memory_space<hbm>>
      tpu.wait_dma2 semaphore(%arg11 : memref<!tpu.dma_semaphore, #tpu.memory_space<semaphore_mem>>) src(%arg6 : memref<128x128xf32, #tpu.memory_space<vmem>>) dst(%dma_wait3A_263 : memref<128x128xf32, #tpu.memory_space<hbm>>)
      %dma_start3A_264 = arith.constant 10 : i32
      %dma_start3A_265 = arith.constant 0 : i32
      %dma_start3A_266 = tpu.memref_slice %arg5[%dma_start3A_264, %dma_start3A_265] : memref<16x128xi32, #tpu.memory_space<vmem>> -> memref<1x128xi32, #tpu.memory_space<vmem>>
      %dma_start3A_267 = tpu.memref_squeeze %dma_start3A_266 : memref<1x128xi32, #tpu.memory_space<vmem>> -> memref<128xi32, #tpu.memory_space<vmem>>
      %dma_start3A_268 = arith.constant 0 : i32
      %dma_start3A_269 = arith.constant 0 : i32
      %dma_start3A_270 = tpu.memref_slice %arg8[%dma_start3A_268, %dma_start3A_269] : memref<10112x128xf32, #tpu.memory_space<vmem_shared>> -> memref<10112x128xf32, #tpu.memory_space<vmem_shared>>
      tpu.enqueue_indirect_dma source(%dma_start3A_270 : memref<10112x128xf32, #tpu.memory_space<vmem_shared>>) target(%arg6 : memref<128x128xf32, #tpu.memory_space<vmem>>) offsets(%dma_start3A_267 : memref<128xi32, #tpu.memory_space<vmem>>) semaphore(%arg9 : memref<!tpu.dma_semaphore, #tpu.memory_space<semaphore_mem>>)
      %dma_wait3A_271 = arith.constant 9 : i32
      %dma_wait3A_272 = arith.constant 0 : i32
      %dma_wait3A_273 = tpu.memref_slice %arg5[%dma_wait3A_271, %dma_wait3A_272] : memref<16x128xi32, #tpu.memory_space<vmem>> -> memref<1x128xi32, #tpu.memory_space<vmem>>
      %dma_wait3A_274 = tpu.memref_squeeze %dma_wait3A_273 : memref<1x128xi32, #tpu.memory_space<vmem>> -> memref<128xi32, #tpu.memory_space<vmem>>
      %dma_wait3A_275 = arith.constant 0 : i32
      %dma_wait3A_276 = arith.constant 0 : i32
      %dma_wait3A_277 = tpu.memref_slice %arg8[%dma_wait3A_275, %dma_wait3A_276] : memref<10112x128xf32, #tpu.memory_space<vmem_shared>> -> memref<10112x128xf32, #tpu.memory_space<vmem_shared>>
      tpu.wait_indirect_dma semaphore(%arg10 : memref<!tpu.dma_semaphore, #tpu.memory_space<semaphore_mem>>) src(%dma_wait3A_277 : memref<10112x128xf32, #tpu.memory_space<vmem_shared>>) dst(%arg7 : memref<128x128xf32, #tpu.memory_space<vmem>>)
      %add3A_278 = arith.constant 9 : i32
      %add3A_279 = arith.addi %mul3A_15, %add3A_278 : i32
      %mul3A_280 = arith.constant 128 : i32
      %mul3A_281 = arith.muli %add3A_279, %mul3A_280 : i32
      %add3A_282 = arith.addi %mul3A_4, %mul3A_281 : i32
      %dma_start3A_283 = arith.constant 0 : i32
      %dma_start3A_284 = tpu.memref_slice %arg4[%add3A_282, %dma_start3A_283] : memref<327680x128xf32, #tpu.memory_space<hbm>> -> memref<128x128xf32, #tpu.memory_space<hbm>>
      %dma_start3A_285 = arith.constant 0 : i32
      %dma_start3A_286 = tpu.memref_slice %arg4[%add3A_282, %dma_start3A_285] : memref<327680x128xf32, #tpu.memory_space<hbm>> -> memref<128x128xf32, #tpu.memory_space<hbm>>
      tpu.enqueue_dma source(%arg7 : memref<128x128xf32, #tpu.memory_space<vmem>>) target(%dma_start3A_286 : memref<128x128xf32, #tpu.memory_space<hbm>>) target_semaphore(%arg12 : memref<!tpu.dma_semaphore, #tpu.memory_space<semaphore_mem>>)
      %dma_wait3A_287 = arith.constant 0 : i32
      %dma_wait3A_288 = tpu.memref_slice %arg4[%add3A_282, %dma_wait3A_287] : memref<327680x128xf32, #tpu.memory_space<hbm>> -> memref<128x128xf32, #tpu.memory_space<hbm>>
      %dma_wait3A_289 = arith.constant 0 : i32
      %dma_wait3A_290 = tpu.memref_slice %arg4[%add3A_282, %dma_wait3A_289] : memref<327680x128xf32, #tpu.memory_space<hbm>> -> memref<128x128xf32, #tpu.memory_space<hbm>>
      tpu.wait_dma2 semaphore(%arg12 : memref<!tpu.dma_semaphore, #tpu.memory_space<semaphore_mem>>) src(%arg7 : memref<128x128xf32, #tpu.memory_space<vmem>>) dst(%dma_wait3A_290 : memref<128x128xf32, #tpu.memory_space<hbm>>)
      %dma_start3A_291 = arith.constant 11 : i32
      %dma_start3A_292 = arith.constant 0 : i32
      %dma_start3A_293 = tpu.memref_slice %arg5[%dma_start3A_291, %dma_start3A_292] : memref<16x128xi32, #tpu.memory_space<vmem>> -> memref<1x128xi32, #tpu.memory_space<vmem>>
      %dma_start3A_294 = tpu.memref_squeeze %dma_start3A_293 : memref<1x128xi32, #tpu.memory_space<vmem>> -> memref<128xi32, #tpu.memory_space<vmem>>
      %dma_start3A_295 = arith.constant 0 : i32
      %dma_start3A_296 = arith.constant 0 : i32
      %dma_start3A_297 = tpu.memref_slice %arg8[%dma_start3A_295, %dma_start3A_296] : memref<10112x128xf32, #tpu.memory_space<vmem_shared>> -> memref<10112x128xf32, #tpu.memory_space<vmem_shared>>
      tpu.enqueue_indirect_dma source(%dma_start3A_297 : memref<10112x128xf32, #tpu.memory_space<vmem_shared>>) target(%arg7 : memref<128x128xf32, #tpu.memory_space<vmem>>) offsets(%dma_start3A_294 : memref<128xi32, #tpu.memory_space<vmem>>) semaphore(%arg10 : memref<!tpu.dma_semaphore, #tpu.memory_space<semaphore_mem>>)
      %dma_wait3A_298 = arith.constant 10 : i32
      %dma_wait3A_299 = arith.constant 0 : i32
      %dma_wait3A_300 = tpu.memref_slice %arg5[%dma_wait3A_298, %dma_wait3A_299] : memref<16x128xi32, #tpu.memory_space<vmem>> -> memref<1x128xi32, #tpu.memory_space<vmem>>
      %dma_wait3A_301 = tpu.memref_squeeze %dma_wait3A_300 : memref<1x128xi32, #tpu.memory_space<vmem>> -> memref<128xi32, #tpu.memory_space<vmem>>
      %dma_wait3A_302 = arith.constant 0 : i32
      %dma_wait3A_303 = arith.constant 0 : i32
      %dma_wait3A_304 = tpu.memref_slice %arg8[%dma_wait3A_302, %dma_wait3A_303] : memref<10112x128xf32, #tpu.memory_space<vmem_shared>> -> memref<10112x128xf32, #tpu.memory_space<vmem_shared>>
      tpu.wait_indirect_dma semaphore(%arg9 : memref<!tpu.dma_semaphore, #tpu.memory_space<semaphore_mem>>) src(%dma_wait3A_304 : memref<10112x128xf32, #tpu.memory_space<vmem_shared>>) dst(%arg6 : memref<128x128xf32, #tpu.memory_space<vmem>>)
      %add3A_305 = arith.constant 10 : i32
      %add3A_306 = arith.addi %mul3A_15, %add3A_305 : i32
      %mul3A_307 = arith.constant 128 : i32
      %mul3A_308 = arith.muli %add3A_306, %mul3A_307 : i32
      %add3A_309 = arith.addi %mul3A_4, %mul3A_308 : i32
      %dma_start3A_310 = arith.constant 0 : i32
      %dma_start3A_311 = tpu.memref_slice %arg4[%add3A_309, %dma_start3A_310] : memref<327680x128xf32, #tpu.memory_space<hbm>> -> memref<128x128xf32, #tpu.memory_space<hbm>>
      %dma_start3A_312 = arith.constant 0 : i32
      %dma_start3A_313 = tpu.memref_slice %arg4[%add3A_309, %dma_start3A_312] : memref<327680x128xf32, #tpu.memory_space<hbm>> -> memref<128x128xf32, #tpu.memory_space<hbm>>
      tpu.enqueue_dma source(%arg6 : memref<128x128xf32, #tpu.memory_space<vmem>>) target(%dma_start3A_313 : memref<128x128xf32, #tpu.memory_space<hbm>>) target_semaphore(%arg11 : memref<!tpu.dma_semaphore, #tpu.memory_space<semaphore_mem>>)
      %dma_wait3A_314 = arith.constant 0 : i32
      %dma_wait3A_315 = tpu.memref_slice %arg4[%add3A_309, %dma_wait3A_314] : memref<327680x128xf32, #tpu.memory_space<hbm>> -> memref<128x128xf32, #tpu.memory_space<hbm>>
      %dma_wait3A_316 = arith.constant 0 : i32
      %dma_wait3A_317 = tpu.memref_slice %arg4[%add3A_309, %dma_wait3A_316] : memref<327680x128xf32, #tpu.memory_space<hbm>> -> memref<128x128xf32, #tpu.memory_space<hbm>>
      tpu.wait_dma2 semaphore(%arg11 : memref<!tpu.dma_semaphore, #tpu.memory_space<semaphore_mem>>) src(%arg6 : memref<128x128xf32, #tpu.memory_space<vmem>>) dst(%dma_wait3A_317 : memref<128x128xf32, #tpu.memory_space<hbm>>)
      %dma_start3A_318 = arith.constant 12 : i32
      %dma_start3A_319 = arith.constant 0 : i32
      %dma_start3A_320 = tpu.memref_slice %arg5[%dma_start3A_318, %dma_start3A_319] : memref<16x128xi32, #tpu.memory_space<vmem>> -> memref<1x128xi32, #tpu.memory_space<vmem>>
      %dma_start3A_321 = tpu.memref_squeeze %dma_start3A_320 : memref<1x128xi32, #tpu.memory_space<vmem>> -> memref<128xi32, #tpu.memory_space<vmem>>
      %dma_start3A_322 = arith.constant 0 : i32
      %dma_start3A_323 = arith.constant 0 : i32
      %dma_start3A_324 = tpu.memref_slice %arg8[%dma_start3A_322, %dma_start3A_323] : memref<10112x128xf32, #tpu.memory_space<vmem_shared>> -> memref<10112x128xf32, #tpu.memory_space<vmem_shared>>
      tpu.enqueue_indirect_dma source(%dma_start3A_324 : memref<10112x128xf32, #tpu.memory_space<vmem_shared>>) target(%arg6 : memref<128x128xf32, #tpu.memory_space<vmem>>) offsets(%dma_start3A_321 : memref<128xi32, #tpu.memory_space<vmem>>) semaphore(%arg9 : memref<!tpu.dma_semaphore, #tpu.memory_space<semaphore_mem>>)
      %dma_wait3A_325 = arith.constant 11 : i32
      %dma_wait3A_326 = arith.constant 0 : i32
      %dma_wait3A_327 = tpu.memref_slice %arg5[%dma_wait3A_325, %dma_wait3A_326] : memref<16x128xi32, #tpu.memory_space<vmem>> -> memref<1x128xi32, #tpu.memory_space<vmem>>
      %dma_wait3A_328 = tpu.memref_squeeze %dma_wait3A_327 : memref<1x128xi32, #tpu.memory_space<vmem>> -> memref<128xi32, #tpu.memory_space<vmem>>
      %dma_wait3A_329 = arith.constant 0 : i32
      %dma_wait3A_330 = arith.constant 0 : i32
      %dma_wait3A_331 = tpu.memref_slice %arg8[%dma_wait3A_329, %dma_wait3A_330] : memref<10112x128xf32, #tpu.memory_space<vmem_shared>> -> memref<10112x128xf32, #tpu.memory_space<vmem_shared>>
      tpu.wait_indirect_dma semaphore(%arg10 : memref<!tpu.dma_semaphore, #tpu.memory_space<semaphore_mem>>) src(%dma_wait3A_331 : memref<10112x128xf32, #tpu.memory_space<vmem_shared>>) dst(%arg7 : memref<128x128xf32, #tpu.memory_space<vmem>>)
      %add3A_332 = arith.constant 11 : i32
      %add3A_333 = arith.addi %mul3A_15, %add3A_332 : i32
      %mul3A_334 = arith.constant 128 : i32
      %mul3A_335 = arith.muli %add3A_333, %mul3A_334 : i32
      %add3A_336 = arith.addi %mul3A_4, %mul3A_335 : i32
      %dma_start3A_337 = arith.constant 0 : i32
      %dma_start3A_338 = tpu.memref_slice %arg4[%add3A_336, %dma_start3A_337] : memref<327680x128xf32, #tpu.memory_space<hbm>> -> memref<128x128xf32, #tpu.memory_space<hbm>>
      %dma_start3A_339 = arith.constant 0 : i32
      %dma_start3A_340 = tpu.memref_slice %arg4[%add3A_336, %dma_start3A_339] : memref<327680x128xf32, #tpu.memory_space<hbm>> -> memref<128x128xf32, #tpu.memory_space<hbm>>
      tpu.enqueue_dma source(%arg7 : memref<128x128xf32, #tpu.memory_space<vmem>>) target(%dma_start3A_340 : memref<128x128xf32, #tpu.memory_space<hbm>>) target_semaphore(%arg12 : memref<!tpu.dma_semaphore, #tpu.memory_space<semaphore_mem>>)
      %dma_wait3A_341 = arith.constant 0 : i32
      %dma_wait3A_342 = tpu.memref_slice %arg4[%add3A_336, %dma_wait3A_341] : memref<327680x128xf32, #tpu.memory_space<hbm>> -> memref<128x128xf32, #tpu.memory_space<hbm>>
      %dma_wait3A_343 = arith.constant 0 : i32
      %dma_wait3A_344 = tpu.memref_slice %arg4[%add3A_336, %dma_wait3A_343] : memref<327680x128xf32, #tpu.memory_space<hbm>> -> memref<128x128xf32, #tpu.memory_space<hbm>>
      tpu.wait_dma2 semaphore(%arg12 : memref<!tpu.dma_semaphore, #tpu.memory_space<semaphore_mem>>) src(%arg7 : memref<128x128xf32, #tpu.memory_space<vmem>>) dst(%dma_wait3A_344 : memref<128x128xf32, #tpu.memory_space<hbm>>)
      %dma_start3A_345 = arith.constant 13 : i32
      %dma_start3A_346 = arith.constant 0 : i32
      %dma_start3A_347 = tpu.memref_slice %arg5[%dma_start3A_345, %dma_start3A_346] : memref<16x128xi32, #tpu.memory_space<vmem>> -> memref<1x128xi32, #tpu.memory_space<vmem>>
      %dma_start3A_348 = tpu.memref_squeeze %dma_start3A_347 : memref<1x128xi32, #tpu.memory_space<vmem>> -> memref<128xi32, #tpu.memory_space<vmem>>
      %dma_start3A_349 = arith.constant 0 : i32
      %dma_start3A_350 = arith.constant 0 : i32
      %dma_start3A_351 = tpu.memref_slice %arg8[%dma_start3A_349, %dma_start3A_350] : memref<10112x128xf32, #tpu.memory_space<vmem_shared>> -> memref<10112x128xf32, #tpu.memory_space<vmem_shared>>
      tpu.enqueue_indirect_dma source(%dma_start3A_351 : memref<10112x128xf32, #tpu.memory_space<vmem_shared>>) target(%arg7 : memref<128x128xf32, #tpu.memory_space<vmem>>) offsets(%dma_start3A_348 : memref<128xi32, #tpu.memory_space<vmem>>) semaphore(%arg10 : memref<!tpu.dma_semaphore, #tpu.memory_space<semaphore_mem>>)
      %dma_wait3A_352 = arith.constant 12 : i32
      %dma_wait3A_353 = arith.constant 0 : i32
      %dma_wait3A_354 = tpu.memref_slice %arg5[%dma_wait3A_352, %dma_wait3A_353] : memref<16x128xi32, #tpu.memory_space<vmem>> -> memref<1x128xi32, #tpu.memory_space<vmem>>
      %dma_wait3A_355 = tpu.memref_squeeze %dma_wait3A_354 : memref<1x128xi32, #tpu.memory_space<vmem>> -> memref<128xi32, #tpu.memory_space<vmem>>
      %dma_wait3A_356 = arith.constant 0 : i32
      %dma_wait3A_357 = arith.constant 0 : i32
      %dma_wait3A_358 = tpu.memref_slice %arg8[%dma_wait3A_356, %dma_wait3A_357] : memref<10112x128xf32, #tpu.memory_space<vmem_shared>> -> memref<10112x128xf32, #tpu.memory_space<vmem_shared>>
      tpu.wait_indirect_dma semaphore(%arg9 : memref<!tpu.dma_semaphore, #tpu.memory_space<semaphore_mem>>) src(%dma_wait3A_358 : memref<10112x128xf32, #tpu.memory_space<vmem_shared>>) dst(%arg6 : memref<128x128xf32, #tpu.memory_space<vmem>>)
      %add3A_359 = arith.constant 12 : i32
      %add3A_360 = arith.addi %mul3A_15, %add3A_359 : i32
      %mul3A_361 = arith.constant 128 : i32
      %mul3A_362 = arith.muli %add3A_360, %mul3A_361 : i32
      %add3A_363 = arith.addi %mul3A_4, %mul3A_362 : i32
      %dma_start3A_364 = arith.constant 0 : i32
      %dma_start3A_365 = tpu.memref_slice %arg4[%add3A_363, %dma_start3A_364] : memref<327680x128xf32, #tpu.memory_space<hbm>> -> memref<128x128xf32, #tpu.memory_space<hbm>>
      %dma_start3A_366 = arith.constant 0 : i32
      %dma_start3A_367 = tpu.memref_slice %arg4[%add3A_363, %dma_start3A_366] : memref<327680x128xf32, #tpu.memory_space<hbm>> -> memref<128x128xf32, #tpu.memory_space<hbm>>
      tpu.enqueue_dma source(%arg6 : memref<128x128xf32, #tpu.memory_space<vmem>>) target(%dma_start3A_367 : memref<128x128xf32, #tpu.memory_space<hbm>>) target_semaphore(%arg11 : memref<!tpu.dma_semaphore, #tpu.memory_space<semaphore_mem>>)
      %dma_wait3A_368 = arith.constant 0 : i32
      %dma_wait3A_369 = tpu.memref_slice %arg4[%add3A_363, %dma_wait3A_368] : memref<327680x128xf32, #tpu.memory_space<hbm>> -> memref<128x128xf32, #tpu.memory_space<hbm>>
      %dma_wait3A_370 = arith.constant 0 : i32
      %dma_wait3A_371 = tpu.memref_slice %arg4[%add3A_363, %dma_wait3A_370] : memref<327680x128xf32, #tpu.memory_space<hbm>> -> memref<128x128xf32, #tpu.memory_space<hbm>>
      tpu.wait_dma2 semaphore(%arg11 : memref<!tpu.dma_semaphore, #tpu.memory_space<semaphore_mem>>) src(%arg6 : memref<128x128xf32, #tpu.memory_space<vmem>>) dst(%dma_wait3A_371 : memref<128x128xf32, #tpu.memory_space<hbm>>)
      %dma_start3A_372 = arith.constant 14 : i32
      %dma_start3A_373 = arith.constant 0 : i32
      %dma_start3A_374 = tpu.memref_slice %arg5[%dma_start3A_372, %dma_start3A_373] : memref<16x128xi32, #tpu.memory_space<vmem>> -> memref<1x128xi32, #tpu.memory_space<vmem>>
      %dma_start3A_375 = tpu.memref_squeeze %dma_start3A_374 : memref<1x128xi32, #tpu.memory_space<vmem>> -> memref<128xi32, #tpu.memory_space<vmem>>
      %dma_start3A_376 = arith.constant 0 : i32
      %dma_start3A_377 = arith.constant 0 : i32
      %dma_start3A_378 = tpu.memref_slice %arg8[%dma_start3A_376, %dma_start3A_377] : memref<10112x128xf32, #tpu.memory_space<vmem_shared>> -> memref<10112x128xf32, #tpu.memory_space<vmem_shared>>
      tpu.enqueue_indirect_dma source(%dma_start3A_378 : memref<10112x128xf32, #tpu.memory_space<vmem_shared>>) target(%arg6 : memref<128x128xf32, #tpu.memory_space<vmem>>) offsets(%dma_start3A_375 : memref<128xi32, #tpu.memory_space<vmem>>) semaphore(%arg9 : memref<!tpu.dma_semaphore, #tpu.memory_space<semaphore_mem>>)
      %dma_wait3A_379 = arith.constant 13 : i32
      %dma_wait3A_380 = arith.constant 0 : i32
      %dma_wait3A_381 = tpu.memref_slice %arg5[%dma_wait3A_379, %dma_wait3A_380] : memref<16x128xi32, #tpu.memory_space<vmem>> -> memref<1x128xi32, #tpu.memory_space<vmem>>
      %dma_wait3A_382 = tpu.memref_squeeze %dma_wait3A_381 : memref<1x128xi32, #tpu.memory_space<vmem>> -> memref<128xi32, #tpu.memory_space<vmem>>
      %dma_wait3A_383 = arith.constant 0 : i32
      %dma_wait3A_384 = arith.constant 0 : i32
      %dma_wait3A_385 = tpu.memref_slice %arg8[%dma_wait3A_383, %dma_wait3A_384] : memref<10112x128xf32, #tpu.memory_space<vmem_shared>> -> memref<10112x128xf32, #tpu.memory_space<vmem_shared>>
      tpu.wait_indirect_dma semaphore(%arg10 : memref<!tpu.dma_semaphore, #tpu.memory_space<semaphore_mem>>) src(%dma_wait3A_385 : memref<10112x128xf32, #tpu.memory_space<vmem_shared>>) dst(%arg7 : memref<128x128xf32, #tpu.memory_space<vmem>>)
      %add3A_386 = arith.constant 13 : i32
      %add3A_387 = arith.addi %mul3A_15, %add3A_386 : i32
      %mul3A_388 = arith.constant 128 : i32
      %mul3A_389 = arith.muli %add3A_387, %mul3A_388 : i32
      %add3A_390 = arith.addi %mul3A_4, %mul3A_389 : i32
      %dma_start3A_391 = arith.constant 0 : i32
      %dma_start3A_392 = tpu.memref_slice %arg4[%add3A_390, %dma_start3A_391] : memref<327680x128xf32, #tpu.memory_space<hbm>> -> memref<128x128xf32, #tpu.memory_space<hbm>>
      %dma_start3A_393 = arith.constant 0 : i32
      %dma_start3A_394 = tpu.memref_slice %arg4[%add3A_390, %dma_start3A_393] : memref<327680x128xf32, #tpu.memory_space<hbm>> -> memref<128x128xf32, #tpu.memory_space<hbm>>
      tpu.enqueue_dma source(%arg7 : memref<128x128xf32, #tpu.memory_space<vmem>>) target(%dma_start3A_394 : memref<128x128xf32, #tpu.memory_space<hbm>>) target_semaphore(%arg12 : memref<!tpu.dma_semaphore, #tpu.memory_space<semaphore_mem>>)
      %dma_wait3A_395 = arith.constant 0 : i32
      %dma_wait3A_396 = tpu.memref_slice %arg4[%add3A_390, %dma_wait3A_395] : memref<327680x128xf32, #tpu.memory_space<hbm>> -> memref<128x128xf32, #tpu.memory_space<hbm>>
      %dma_wait3A_397 = arith.constant 0 : i32
      %dma_wait3A_398 = tpu.memref_slice %arg4[%add3A_390, %dma_wait3A_397] : memref<327680x128xf32, #tpu.memory_space<hbm>> -> memref<128x128xf32, #tpu.memory_space<hbm>>
      tpu.wait_dma2 semaphore(%arg12 : memref<!tpu.dma_semaphore, #tpu.memory_space<semaphore_mem>>) src(%arg7 : memref<128x128xf32, #tpu.memory_space<vmem>>) dst(%dma_wait3A_398 : memref<128x128xf32, #tpu.memory_space<hbm>>)
      %dma_start3A_399 = arith.constant 15 : i32
      %dma_start3A_400 = arith.constant 0 : i32
      %dma_start3A_401 = tpu.memref_slice %arg5[%dma_start3A_399, %dma_start3A_400] : memref<16x128xi32, #tpu.memory_space<vmem>> -> memref<1x128xi32, #tpu.memory_space<vmem>>
      %dma_start3A_402 = tpu.memref_squeeze %dma_start3A_401 : memref<1x128xi32, #tpu.memory_space<vmem>> -> memref<128xi32, #tpu.memory_space<vmem>>
      %dma_start3A_403 = arith.constant 0 : i32
      %dma_start3A_404 = arith.constant 0 : i32
      %dma_start3A_405 = tpu.memref_slice %arg8[%dma_start3A_403, %dma_start3A_404] : memref<10112x128xf32, #tpu.memory_space<vmem_shared>> -> memref<10112x128xf32, #tpu.memory_space<vmem_shared>>
      tpu.enqueue_indirect_dma source(%dma_start3A_405 : memref<10112x128xf32, #tpu.memory_space<vmem_shared>>) target(%arg7 : memref<128x128xf32, #tpu.memory_space<vmem>>) offsets(%dma_start3A_402 : memref<128xi32, #tpu.memory_space<vmem>>) semaphore(%arg10 : memref<!tpu.dma_semaphore, #tpu.memory_space<semaphore_mem>>)
      %dma_wait3A_406 = arith.constant 14 : i32
      %dma_wait3A_407 = arith.constant 0 : i32
      %dma_wait3A_408 = tpu.memref_slice %arg5[%dma_wait3A_406, %dma_wait3A_407] : memref<16x128xi32, #tpu.memory_space<vmem>> -> memref<1x128xi32, #tpu.memory_space<vmem>>
      %dma_wait3A_409 = tpu.memref_squeeze %dma_wait3A_408 : memref<1x128xi32, #tpu.memory_space<vmem>> -> memref<128xi32, #tpu.memory_space<vmem>>
      %dma_wait3A_410 = arith.constant 0 : i32
      %dma_wait3A_411 = arith.constant 0 : i32
      %dma_wait3A_412 = tpu.memref_slice %arg8[%dma_wait3A_410, %dma_wait3A_411] : memref<10112x128xf32, #tpu.memory_space<vmem_shared>> -> memref<10112x128xf32, #tpu.memory_space<vmem_shared>>
      tpu.wait_indirect_dma semaphore(%arg9 : memref<!tpu.dma_semaphore, #tpu.memory_space<semaphore_mem>>) src(%dma_wait3A_412 : memref<10112x128xf32, #tpu.memory_space<vmem_shared>>) dst(%arg6 : memref<128x128xf32, #tpu.memory_space<vmem>>)
      %add3A_413 = arith.constant 14 : i32
      %add3A_414 = arith.addi %mul3A_15, %add3A_413 : i32
      %mul3A_415 = arith.constant 128 : i32
      %mul3A_416 = arith.muli %add3A_414, %mul3A_415 : i32
      %add3A_417 = arith.addi %mul3A_4, %mul3A_416 : i32
      %dma_start3A_418 = arith.constant 0 : i32
      %dma_start3A_419 = tpu.memref_slice %arg4[%add3A_417, %dma_start3A_418] : memref<327680x128xf32, #tpu.memory_space<hbm>> -> memref<128x128xf32, #tpu.memory_space<hbm>>
      %dma_start3A_420 = arith.constant 0 : i32
      %dma_start3A_421 = tpu.memref_slice %arg4[%add3A_417, %dma_start3A_420] : memref<327680x128xf32, #tpu.memory_space<hbm>> -> memref<128x128xf32, #tpu.memory_space<hbm>>
      tpu.enqueue_dma source(%arg6 : memref<128x128xf32, #tpu.memory_space<vmem>>) target(%dma_start3A_421 : memref<128x128xf32, #tpu.memory_space<hbm>>) target_semaphore(%arg11 : memref<!tpu.dma_semaphore, #tpu.memory_space<semaphore_mem>>)
      %dma_wait3A_422 = arith.constant 0 : i32
      %dma_wait3A_423 = tpu.memref_slice %arg4[%add3A_417, %dma_wait3A_422] : memref<327680x128xf32, #tpu.memory_space<hbm>> -> memref<128x128xf32, #tpu.memory_space<hbm>>
      %dma_wait3A_424 = arith.constant 0 : i32
      %dma_wait3A_425 = tpu.memref_slice %arg4[%add3A_417, %dma_wait3A_424] : memref<327680x128xf32, #tpu.memory_space<hbm>> -> memref<128x128xf32, #tpu.memory_space<hbm>>
      tpu.wait_dma2 semaphore(%arg11 : memref<!tpu.dma_semaphore, #tpu.memory_space<semaphore_mem>>) src(%arg6 : memref<128x128xf32, #tpu.memory_space<vmem>>) dst(%dma_wait3A_425 : memref<128x128xf32, #tpu.memory_space<hbm>>)
      %dma_wait3A_426 = arith.constant 15 : i32
      %dma_wait3A_427 = arith.constant 0 : i32
      %dma_wait3A_428 = tpu.memref_slice %arg5[%dma_wait3A_426, %dma_wait3A_427] : memref<16x128xi32, #tpu.memory_space<vmem>> -> memref<1x128xi32, #tpu.memory_space<vmem>>
      %dma_wait3A_429 = tpu.memref_squeeze %dma_wait3A_428 : memref<1x128xi32, #tpu.memory_space<vmem>> -> memref<128xi32, #tpu.memory_space<vmem>>
      %dma_wait3A_430 = arith.constant 0 : i32
      %dma_wait3A_431 = arith.constant 0 : i32
      %dma_wait3A_432 = tpu.memref_slice %arg8[%dma_wait3A_430, %dma_wait3A_431] : memref<10112x128xf32, #tpu.memory_space<vmem_shared>> -> memref<10112x128xf32, #tpu.memory_space<vmem_shared>>
      tpu.wait_indirect_dma semaphore(%arg10 : memref<!tpu.dma_semaphore, #tpu.memory_space<semaphore_mem>>) src(%dma_wait3A_432 : memref<10112x128xf32, #tpu.memory_space<vmem_shared>>) dst(%arg7 : memref<128x128xf32, #tpu.memory_space<vmem>>)
      %add3A_433 = arith.constant 15 : i32
      %add3A_434 = arith.addi %mul3A_15, %add3A_433 : i32
      %mul3A_435 = arith.constant 128 : i32
      %mul3A_436 = arith.muli %add3A_434, %mul3A_435 : i32
      %add3A_437 = arith.addi %mul3A_4, %mul3A_436 : i32
      %dma_start3A_438 = arith.constant 0 : i32
      %dma_start3A_439 = tpu.memref_slice %arg4[%add3A_437, %dma_start3A_438] : memref<327680x128xf32, #tpu.memory_space<hbm>> -> memref<128x128xf32, #tpu.memory_space<hbm>>
      %dma_start3A_440 = arith.constant 0 : i32
      %dma_start3A_441 = tpu.memref_slice %arg4[%add3A_437, %dma_start3A_440] : memref<327680x128xf32, #tpu.memory_space<hbm>> -> memref<128x128xf32, #tpu.memory_space<hbm>>
      tpu.enqueue_dma source(%arg7 : memref<128x128xf32, #tpu.memory_space<vmem>>) target(%dma_start3A_441 : memref<128x128xf32, #tpu.memory_space<hbm>>) target_semaphore(%arg12 : memref<!tpu.dma_semaphore, #tpu.memory_space<semaphore_mem>>)
      %dma_wait3A_442 = arith.constant 0 : i32
      %dma_wait3A_443 = tpu.memref_slice %arg4[%add3A_437, %dma_wait3A_442] : memref<327680x128xf32, #tpu.memory_space<hbm>> -> memref<128x128xf32, #tpu.memory_space<hbm>>
      %dma_wait3A_444 = arith.constant 0 : i32
      %dma_wait3A_445 = tpu.memref_slice %arg4[%add3A_437, %dma_wait3A_444] : memref<327680x128xf32, #tpu.memory_space<hbm>> -> memref<128x128xf32, #tpu.memory_space<hbm>>
      tpu.wait_dma2 semaphore(%arg12 : memref<!tpu.dma_semaphore, #tpu.memory_space<semaphore_mem>>) src(%arg7 : memref<128x128xf32, #tpu.memory_space<vmem>>) dst(%dma_wait3A_445 : memref<128x128xf32, #tpu.memory_space<hbm>>)
    }
    %scan3A_8 = arith.constant 5 : i32
    return
  }
}

module attributes {stable_mosaic.version = 14 : i64} {
  func.func @_mm_body(%arg0: i32, %arg1: memref<1000x128xf32, #tpu.memory_space<vmem>>, %arg2: memref<128x256xf32, #tpu.memory_space<vmem>>, %arg3: memref<1000x128xf32, #tpu.memory_space<vmem>>, %arg4: memref<1000x128xf32, #tpu.memory_space<vmem>>) attributes {dimension_semantics = [#tpu.dimension_semantics<arbitrary>], iteration_bounds = array<i64: 10>, scalar_prefetch = 0 : i64, scratch_operands = 0 : i64, tpu.core_type = #tpu.core_type<tc>, window_params = [{transform_indices = @transform_0, window_bounds = array<i64: 1000, 128>}, {pipeline_mode = #tpu.pipeline_mode<synchronous>, transform_indices = @transform_1, window_bounds = array<i64: 128, 256>}, {transform_indices = @transform_2, window_bounds = array<i64: 1000, 128>}, {transform_indices = @transform_3, window_bounds = array<i64: 1000, 128>}]} {
    %get3A = arith.constant 0 : index
    %get3A_0 = arith.constant 0 : index
    %get3A_1 = vector.load %arg1[%get3A, %get3A_0] : memref<1000x128xf32, #tpu.memory_space<vmem>>, vector<1000x128xf32>
    %get3A_2 = arith.constant 0 : index
    %get3A_3 = arith.constant 0 : index
    %get3A_4 = vector.load %arg2[%get3A_2, %get3A_3] : memref<128x256xf32, #tpu.memory_space<vmem>>, vector<128x256xf32>
    %dot_general3A = arith.constant dense<0.000000e+00> : vector<1000x256xf32>
    %dot_general3A_5 = tpu.matmul %get3A_1, %get3A_4, %dot_general3A {dimension_numbers = #tpu.dot_dimension_numbers<[1], [0], [0], [1], [0, 0, 1, 1], [], []>, precision = #tpu.contract_precision<fp32>, transpose_lhs_hint = false} : vector<1000x128xf32>, vector<128x256xf32>, vector<1000x256xf32> -> vector<1000x256xf32>
    %slice3A = vector.extract_strided_slice %dot_general3A_5 {offsets = [0, 0], sizes = [1000, 128], strides = [1, 1]} : vector<1000x256xf32> to vector<1000x128xf32>
    %swap3A = arith.constant 0 : index
    %swap3A_6 = arith.constant 0 : index
    %swap3A_7 = vector.load %arg3[%swap3A, %swap3A_6] : memref<1000x128xf32, #tpu.memory_space<vmem>>, vector<1000x128xf32>
    tpu.vector_store %arg3[%swap3A, %swap3A_6], %slice3A {strides = array<i32>} : memref<1000x128xf32, #tpu.memory_space<vmem>>, vector<1000x128xf32>,
    %slice3A_8 = vector.extract_strided_slice %dot_general3A_5 {offsets = [0, 128], sizes = [1000, 128], strides = [1, 1]} : vector<1000x256xf32> to vector<1000x128xf32>
    %swap3A_9 = arith.constant 0 : index
    %swap3A_10 = arith.constant 0 : index
    %swap3A_11 = vector.load %arg4[%swap3A_9, %swap3A_10] : memref<1000x128xf32, #tpu.memory_space<vmem>>, vector<1000x128xf32>
    tpu.vector_store %arg4[%swap3A_9, %swap3A_10], %slice3A_8 {strides = array<i32>} : memref<1000x128xf32, #tpu.memory_space<vmem>>, vector<1000x128xf32>,
    return
  }
  func.func @transform_0(%arg0: i32) -> (i32, i32) {
    %c0_i32 = arith.constant 0 : i32
    %c0_i32_0 = arith.constant 0 : i32
    return %arg0, %c0_i32 : i32, i32
  }
  func.func @transform_1(%arg0: i32) -> (i32, i32) {
    %c0_i32 = arith.constant 0 : i32
    %c0_i32_0 = arith.constant 0 : i32
    %c0_i32_1 = arith.constant 0 : i32
    return %c0_i32, %c0_i32_0 : i32, i32
  }
  func.func @transform_2(%arg0: i32) -> (i32, i32) {
    %c0_i32 = arith.constant 0 : i32
    %c0_i32_0 = arith.constant 0 : i32
    return %arg0, %c0_i32 : i32, i32
  }
  func.func @transform_3(%arg0: i32) -> (i32, i32) {
    %c0_i32 = arith.constant 0 : i32
    %c0_i32_0 = arith.constant 0 : i32
    return %arg0, %c0_i32 : i32, i32
  }
}

module attributes {stable_mosaic.version = 14 : i64} {
  func.func @_deg_reduce_body(%arg0: i32, %arg1: memref<32x1024xf32, #tpu.memory_space<vmem>>, %arg2: memref<1024x1xf32, #tpu.memory_space<vmem>>) attributes {dimension_semantics = [#tpu.dimension_semantics<arbitrary>], iteration_bounds = array<i64: 10>, scalar_prefetch = 0 : i64, scratch_operands = 0 : i64, tpu.core_type = #tpu.core_type<tc>, window_params = [{transform_indices = @transform_0, window_bounds = array<i64: 32, 1024>}, {transform_indices = @transform_1, window_bounds = array<i64: 1024, 1>}]} {
    %get3A = arith.constant 0 : index
    %get3A_0 = arith.constant 0 : index
    %get3A_1 = vector.load %arg1[%get3A, %get3A_0] : memref<32x1024xf32, #tpu.memory_space<vmem>>, vector<32x1024xf32>
    %reduce_sum3A = arith.constant dense<0.000000e+00> : vector<1024xf32>
    %reduce_sum3A_2 = vector.multi_reduction <add>, %get3A_1, %reduce_sum3A [0] : vector<32x1024xf32> to vector<1024xf32>
    %broadcast_in_dim3A = vector.shape_cast %reduce_sum3A_2 : vector<1024xf32> to vector<1024x1xf32>
    %swap3A = arith.constant 0 : index
    %swap3A_3 = arith.constant 0 : index
    %swap3A_4 = vector.load %arg2[%swap3A, %swap3A_3] : memref<1024x1xf32, #tpu.memory_space<vmem>>, vector<1024x1xf32>
    tpu.vector_store %arg2[%swap3A, %swap3A_3], %broadcast_in_dim3A {strides = array<i32>} : memref<1024x1xf32, #tpu.memory_space<vmem>>, vector<1024x1xf32>,
    return
  }
  func.func @transform_0(%arg0: i32) -> (i32, i32) {
    %c0_i32 = arith.constant 0 : i32
    %c0_i32_0 = arith.constant 0 : i32
    return %c0_i32, %arg0 : i32, i32
  }
  func.func @transform_1(%arg0: i32) -> (i32, i32) {
    %c0_i32 = arith.constant 0 : i32
    %c0_i32_0 = arith.constant 0 : i32
    return %arg0, %c0_i32 : i32, i32
  }
}

module attributes {stable_mosaic.version = 14 : i64} {
  func.func @_combine_mm_body(%arg0: i32, %arg1: memref<1000x128xf32, #tpu.memory_space<vmem>>, %arg2: memref<1x1000x128xf32, #tpu.memory_space<vmem>>, %arg3: memref<1x1000x128xf32, #tpu.memory_space<vmem>>, %arg4: memref<1000x1xf32, #tpu.memory_space<vmem>>, %arg5: memref<1x128xf32, #tpu.memory_space<vmem>>, %arg6: memref<128x256xf32, #tpu.memory_space<vmem>>, %arg7: memref<1000x128xf32, #tpu.memory_space<vmem>>, %arg8: memref<1000x128xf32, #tpu.memory_space<vmem>>) attributes {dimension_semantics = [#tpu.dimension_semantics<arbitrary>], iteration_bounds = array<i64: 10>, scalar_prefetch = 0 : i64, scratch_operands = 0 : i64, tpu.core_type = #tpu.core_type<tc>, window_params = [{transform_indices = @transform_0, window_bounds = array<i64: 1000, 128>}, {transform_indices = @transform_1, window_bounds = array<i64: 1, 1000, 128>}, {transform_indices = @transform_2, window_bounds = array<i64: 1, 1000, 128>}, {transform_indices = @transform_3, window_bounds = array<i64: 1000, 1>}, {pipeline_mode = #tpu.pipeline_mode<synchronous>, transform_indices = @transform_4, window_bounds = array<i64: 1, 128>}, {pipeline_mode = #tpu.pipeline_mode<synchronous>, transform_indices = @transform_5, window_bounds = array<i64: 128, 256>}, {transform_indices = @transform_6, window_bounds = array<i64: 1000, 128>}, {transform_indices = @transform_7, window_bounds = array<i64: 1000, 128>}]} {
    %get3A = arith.constant 0 : index
    %get3A_0 = arith.constant 0 : index
    %get3A_1 = vector.load %arg1[%get3A, %get3A_0] : memref<1000x128xf32, #tpu.memory_space<vmem>>, vector<1000x128xf32>
    %get3A_2 = arith.constant 0 : index
    %get3A_3 = arith.constant 0 : index
    %get3A_4 = arith.constant 0 : index
    %get3A_5 = vector.load %arg2[%get3A_2, %get3A_3, %get3A_4] : memref<1x1000x128xf32, #tpu.memory_space<vmem>>, vector<1x1000x128xf32>
    %get3A_6 = arith.constant 0 : index
    %get3A_7 = arith.constant 0 : index
    %get3A_8 = arith.constant 0 : index
    %get3A_9 = vector.load %arg3[%get3A_6, %get3A_7, %get3A_8] : memref<1x1000x128xf32, #tpu.memory_space<vmem>>, vector<1x1000x128xf32>
    %get3A_10 = arith.constant 0 : index
    %get3A_11 = arith.constant 0 : index
    %get3A_12 = vector.load %arg4[%get3A_10, %get3A_11] : memref<1000x1xf32, #tpu.memory_space<vmem>>, vector<1000x1xf32>
    %get3A_13 = arith.constant 0 : index
    %get3A_14 = arith.constant 0 : index
    %get3A_15 = vector.load %arg5[%get3A_13, %get3A_14] : memref<1x128xf32, #tpu.memory_space<vmem>>, vector<1x128xf32>
    %max3A = arith.constant 1.000000e+00 : f32
    %max3A_16 = vector.broadcast %max3A : f32 to vector<1000x1xf32>
    %max3A_17 = arith.maximumf %get3A_12, %max3A_16 : vector<1000x1xf32>
    %div3A = arith.constant 1.000000e+00 : f32
    %div3A_18 = vector.broadcast %div3A : f32 to vector<1000x1xf32>
    %div3A_19 = arith.divf %div3A_18, %max3A_17 : vector<1000x1xf32>
    %squeeze3A = vector.shape_cast %get3A_5 : vector<1x1000x128xf32> to vector<1000x128xf32>
    %squeeze3A_20 = vector.shape_cast %get3A_9 : vector<1x1000x128xf32> to vector<1000x128xf32>
    %add3A = arith.addf %squeeze3A, %squeeze3A_20 : vector<1000x128xf32>
    %mul3A = vector.broadcast %div3A_19 : vector<1000x1xf32> to vector<1000x128xf32>
    %mul3A_21 = arith.mulf %add3A, %mul3A : vector<1000x128xf32>
    %add3A_22 = arith.addf %get3A_1, %mul3A_21 : vector<1000x128xf32>
    %add3A_23 = vector.broadcast %get3A_15 : vector<1x128xf32> to vector<1000x128xf32>
    %add3A_24 = arith.addf %add3A_22, %add3A_23 : vector<1000x128xf32>
    %max3A_25 = arith.constant 0.000000e+00 : f32
    %max3A_26 = vector.broadcast %max3A_25 : f32 to vector<1000x128xf32>
    %max3A_27 = arith.maximumf %add3A_24, %max3A_26 : vector<1000x128xf32>
    %get3A_28 = arith.constant 0 : index
    %get3A_29 = arith.constant 0 : index
    %get3A_30 = vector.load %arg6[%get3A_28, %get3A_29] : memref<128x256xf32, #tpu.memory_space<vmem>>, vector<128x256xf32>
    %dot_general3A = arith.constant dense<0.000000e+00> : vector<1000x256xf32>
    %dot_general3A_31 = tpu.matmul %max3A_27, %get3A_30, %dot_general3A {dimension_numbers = #tpu.dot_dimension_numbers<[1], [0], [0], [1], [0, 0, 1, 1], [], []>, precision = #tpu.contract_precision<fp32>, transpose_lhs_hint = false} : vector<1000x128xf32>, vector<128x256xf32>, vector<1000x256xf32> -> vector<1000x256xf32>
    %slice3A = vector.extract_strided_slice %dot_general3A_31 {offsets = [0, 0], sizes = [1000, 128], strides = [1, 1]} : vector<1000x256xf32> to vector<1000x128xf32>
    %swap3A = arith.constant 0 : index
    %swap3A_32 = arith.constant 0 : index
    %swap3A_33 = vector.load %arg7[%swap3A, %swap3A_32] : memref<1000x128xf32, #tpu.memory_space<vmem>>, vector<1000x128xf32>
    tpu.vector_store %arg7[%swap3A, %swap3A_32], %slice3A {strides = array<i32>} : memref<1000x128xf32, #tpu.memory_space<vmem>>, vector<1000x128xf32>,
    %slice3A_34 = vector.extract_strided_slice %dot_general3A_31 {offsets = [0, 128], sizes = [1000, 128], strides = [1, 1]} : vector<1000x256xf32> to vector<1000x128xf32>
    %swap3A_35 = arith.constant 0 : index
    %swap3A_36 = arith.constant 0 : index
    %swap3A_37 = vector.load %arg8[%swap3A_35, %swap3A_36] : memref<1000x128xf32, #tpu.memory_space<vmem>>, vector<1000x128xf32>
    tpu.vector_store %arg8[%swap3A_35, %swap3A_36], %slice3A_34 {strides = array<i32>} : memref<1000x128xf32, #tpu.memory_space<vmem>>, vector<1000x128xf32>,
    return
  }
  func.func @transform_0(%arg0: i32) -> (i32, i32) {
    %c0_i32 = arith.constant 0 : i32
    %c0_i32_0 = arith.constant 0 : i32
    return %arg0, %c0_i32 : i32, i32
  }
  func.func @transform_1(%arg0: i32) -> (i32, i32, i32) {
    %c0_i32 = arith.constant 0 : i32
    %c0_i32_0 = arith.constant 0 : i32
    %c0_i32_1 = arith.constant 0 : i32
    return %c0_i32, %arg0, %c0_i32_0 : i32, i32, i32
  }
  func.func @transform_2(%arg0: i32) -> (i32, i32, i32) {
    %c1_i32 = arith.constant 1 : i32
    %c0_i32 = arith.constant 0 : i32
    %c0_i32_0 = arith.constant 0 : i32
    return %c1_i32, %arg0, %c0_i32 : i32, i32, i32
  }
  func.func @transform_3(%arg0: i32) -> (i32, i32) {
    %c0_i32 = arith.constant 0 : i32
    %c0_i32_0 = arith.constant 0 : i32
    return %arg0, %c0_i32 : i32, i32
  }
  func.func @transform_4(%arg0: i32) -> (i32, i32) {
    %c0_i32 = arith.constant 0 : i32
    %c0_i32_0 = arith.constant 0 : i32
    %c0_i32_1 = arith.constant 0 : i32
    return %c0_i32, %c0_i32_0 : i32, i32
  }
  func.func @transform_5(%arg0: i32) -> (i32, i32) {
    %c0_i32 = arith.constant 0 : i32
    %c0_i32_0 = arith.constant 0 : i32
    %c0_i32_1 = arith.constant 0 : i32
    return %c0_i32, %c0_i32_0 : i32, i32
  }
  func.func @transform_6(%arg0: i32) -> (i32, i32) {
    %c0_i32 = arith.constant 0 : i32
    %c0_i32_0 = arith.constant 0 : i32
    return %arg0, %c0_i32 : i32, i32
  }
  func.func @transform_7(%arg0: i32) -> (i32, i32) {
    %c0_i32 = arith.constant 0 : i32
    %c0_i32_0 = arith.constant 0 : i32
    return %arg0, %c0_i32 : i32, i32
  }
}

module attributes {stable_mosaic.version = 14 : i64} {
  func.func @_final_body(%arg0: i32, %arg1: memref<1000x128xf32, #tpu.memory_space<vmem>>, %arg2: memref<1x1000x128xf32, #tpu.memory_space<vmem>>, %arg3: memref<1x1000x128xf32, #tpu.memory_space<vmem>>, %arg4: memref<1000x1xf32, #tpu.memory_space<vmem>>, %arg5: memref<1x128xf32, #tpu.memory_space<vmem>>, %arg6: memref<1000x128xf32, #tpu.memory_space<vmem>>) attributes {dimension_semantics = [#tpu.dimension_semantics<arbitrary>], iteration_bounds = array<i64: 10>, scalar_prefetch = 0 : i64, scratch_operands = 0 : i64, tpu.core_type = #tpu.core_type<tc>, window_params = [{transform_indices = @transform_0, window_bounds = array<i64: 1000, 128>}, {transform_indices = @transform_1, window_bounds = array<i64: 1, 1000, 128>}, {transform_indices = @transform_2, window_bounds = array<i64: 1, 1000, 128>}, {transform_indices = @transform_3, window_bounds = array<i64: 1000, 1>}, {pipeline_mode = #tpu.pipeline_mode<synchronous>, transform_indices = @transform_4, window_bounds = array<i64: 1, 128>}, {transform_indices = @transform_5, window_bounds = array<i64: 1000, 128>}]} {
    %get3A = arith.constant 0 : index
    %get3A_0 = arith.constant 0 : index
    %get3A_1 = vector.load %arg1[%get3A, %get3A_0] : memref<1000x128xf32, #tpu.memory_space<vmem>>, vector<1000x128xf32>
    %get3A_2 = arith.constant 0 : index
    %get3A_3 = arith.constant 0 : index
    %get3A_4 = arith.constant 0 : index
    %get3A_5 = vector.load %arg2[%get3A_2, %get3A_3, %get3A_4] : memref<1x1000x128xf32, #tpu.memory_space<vmem>>, vector<1x1000x128xf32>
    %get3A_6 = arith.constant 0 : index
    %get3A_7 = arith.constant 0 : index
    %get3A_8 = arith.constant 0 : index
    %get3A_9 = vector.load %arg3[%get3A_6, %get3A_7, %get3A_8] : memref<1x1000x128xf32, #tpu.memory_space<vmem>>, vector<1x1000x128xf32>
    %get3A_10 = arith.constant 0 : index
    %get3A_11 = arith.constant 0 : index
    %get3A_12 = vector.load %arg4[%get3A_10, %get3A_11] : memref<1000x1xf32, #tpu.memory_space<vmem>>, vector<1000x1xf32>
    %get3A_13 = arith.constant 0 : index
    %get3A_14 = arith.constant 0 : index
    %get3A_15 = vector.load %arg5[%get3A_13, %get3A_14] : memref<1x128xf32, #tpu.memory_space<vmem>>, vector<1x128xf32>
    %max3A = arith.constant 1.000000e+00 : f32
    %max3A_16 = vector.broadcast %max3A : f32 to vector<1000x1xf32>
    %max3A_17 = arith.maximumf %get3A_12, %max3A_16 : vector<1000x1xf32>
    %div3A = arith.constant 1.000000e+00 : f32
    %div3A_18 = vector.broadcast %div3A : f32 to vector<1000x1xf32>
    %div3A_19 = arith.divf %div3A_18, %max3A_17 : vector<1000x1xf32>
    %squeeze3A = vector.shape_cast %get3A_5 : vector<1x1000x128xf32> to vector<1000x128xf32>
    %squeeze3A_20 = vector.shape_cast %get3A_9 : vector<1x1000x128xf32> to vector<1000x128xf32>
    %add3A = arith.addf %squeeze3A, %squeeze3A_20 : vector<1000x128xf32>
    %mul3A = vector.broadcast %div3A_19 : vector<1000x1xf32> to vector<1000x128xf32>
    %mul3A_21 = arith.mulf %add3A, %mul3A : vector<1000x128xf32>
    %add3A_22 = arith.addf %get3A_1, %mul3A_21 : vector<1000x128xf32>
    %add3A_23 = vector.broadcast %get3A_15 : vector<1x128xf32> to vector<1000x128xf32>
    %add3A_24 = arith.addf %add3A_22, %add3A_23 : vector<1000x128xf32>
    %max3A_25 = arith.constant 0.000000e+00 : f32
    %max3A_26 = vector.broadcast %max3A_25 : f32 to vector<1000x128xf32>
    %max3A_27 = arith.maximumf %add3A_24, %max3A_26 : vector<1000x128xf32>
    %swap3A = arith.constant 0 : index
    %swap3A_28 = arith.constant 0 : index
    %swap3A_29 = vector.load %arg6[%swap3A, %swap3A_28] : memref<1000x128xf32, #tpu.memory_space<vmem>>, vector<1000x128xf32>
    tpu.vector_store %arg6[%swap3A, %swap3A_28], %max3A_27 {strides = array<i32>} : memref<1000x128xf32, #tpu.memory_space<vmem>>, vector<1000x128xf32>,
    return
  }
  func.func @transform_0(%arg0: i32) -> (i32, i32) {
    %c0_i32 = arith.constant 0 : i32
    %c0_i32_0 = arith.constant 0 : i32
    return %arg0, %c0_i32 : i32, i32
  }
  func.func @transform_1(%arg0: i32) -> (i32, i32, i32) {
    %c0_i32 = arith.constant 0 : i32
    %c0_i32_0 = arith.constant 0 : i32
    %c0_i32_1 = arith.constant 0 : i32
    return %c0_i32, %arg0, %c0_i32_0 : i32, i32, i32
  }
  func.func @transform_2(%arg0: i32) -> (i32, i32, i32) {
    %c1_i32 = arith.constant 1 : i32
    %c0_i32 = arith.constant 0 : i32
    %c0_i32_0 = arith.constant 0 : i32
    return %c1_i32, %arg0, %c0_i32 : i32, i32, i32
  }
  func.func @transform_3(%arg0: i32) -> (i32, i32) {
    %c0_i32 = arith.constant 0 : i32
    %c0_i32_0 = arith.constant 0 : i32
    return %arg0, %c0_i32 : i32, i32
  }
  func.func @transform_4(%arg0: i32) -> (i32, i32) {
    %c0_i32 = arith.constant 0 : i32
    %c0_i32_0 = arith.constant 0 : i32
    %c0_i32_1 = arith.constant 0 : i32
    return %c0_i32, %c0_i32_0 : i32, i32
  }
  func.func @transform_5(%arg0: i32) -> (i32, i32) {
    %c0_i32 = arith.constant 0 : i32
    %c0_i32_0 = arith.constant 0 : i32
    return %arg0, %c0_i32 : i32, i32
  }
}

</mosaic_0001>

<sc_bundles>
// kernel: kernel.10.cloned.1.call-start
scs
__scs_entry_jumppad:
0x0: {  	(pc) =	sbr.rel $0x88, $3  }
0x1: {  	(tag) =	ssettag $0x0;
	lr =	simm.s32 $0x1  }
0x2: {  	[smem:$0x3F99] =	sst lr;
	_ =	strace $0xD0000000  }
0x3: {  	_ = 	snop  }
0x4: {  	_ = 	snop  }
0x5: {  	_ = 	snop  }
0x6: {  	_ = 	snop  }
0x7: {  	_ = 	snop  }
__scs_overlays_trampoline_lowered:
0x8: {  	[smem:$0x3FA8] =	sst s0  }
0x9: {  	[smem:$0x3FA9] =	sst s1  }
0xa: {  	[smem:$0x3FAA] =	sst s2  }
0xb: {  	[smem:$0x3FAB] =	sst s3  }
0xc: {  	[smem:$0x3FAC] =	sst s4  }
0xd: {  	[smem:$0x3FAD] =	sst s5  }
0xe: {  	[smem:$0x3FAE] =	sst s6  }
0xf: {  	[smem:$0x3FAF] =	sst s7  }
0x10: {  	[smem:$0x3FB0] =	sst s8  }
0x11: {  	[smem:$0x3FB1] =	sst s9;
	s0 =	simm.s32 @!p0 $0x0  }
0x12: {  	s1 =	sld [smem:$0x3F97];
	s0 =	simm.s32 @p0 $0x1  }
0x13: {  	[smem:$0x3FB2] =	sst s0;
	s0 =	simm.s32 @!p1 $0x0  }
0x14: {  	s2 =	sld [smem:$0x3F96];
	s0 =	simm.s32 @p1 $0x1  }
0x15: {  	[smem:$0x3FB3] =	sst s0;
	s0 =	simm.s32 @!p2 $0x0  }
0x16: {  	s3 =	sld [smem:$0x3FDB];
	s0 =	simm.s32 @p2 $0x1  }
0x17: {  	s4 =	simm.s32 $0x1BF5;
	[smem:$0x3FB5] =	sst s0  }
0x18: {  	s0 =	sld [smem:$0x3F98];
	_ =	swait.ge [sflag:s4], $0x0  }
0x19: {  	s7 =	sld [smem:$0x3F99]  }
0x1a: {  	s8 =	sadd.s32 $0xFFFFE003, lr  }
0x1b: {  	s9 =	sadd.s32 $0xFFFFFEF7, lr;
	s5 =	simm.s32 $0xFFFFFFFF;
	p2 =	slt.u32 s8, $0xFFFFF086  }
0x1c: {  	p1 =	slt.u32 s9, $0xF7A;
	s5 =	simm.s32 @!p2 $0x0  }
0x1d: {  	s5 =	simm.s32 @p1 $0x1;
	p0 =	seq.s32 s7, s2  }
0x1e: {  	s7 =	smul.u32 @!p0 $0xF7A, s2;
	p2 =	seq.s32 @!p0 s5, $0x0  }
0x1f: {  	s9 =	smul.u32 $0xF7A, s1;
	s8 =	simm.s32 @!p0 $0x1BF5;
	p2 =	por !p2, p0  }
0x20: {  	[sflag:s8] =	ssyncset.s32 @!p0 $0xFFFFF086;
	s6 =	sadd.s32 @!p0 s3, s7;
	s7 =	simm.s32 @!p0 $0x108  }
0x21: {  	s3 =	sadd.s32 s3, s9;
	s6 =	sadd.s32 @!p0 $0x88, s6;
	s7 =	simm.s32 @p2 $0x1082  }
0x22: {  	[simem:s7], [sflag:s8] =	dma.local @!p0 [hbm:s6], $0xF7A  }
0x23: {  	s9 =	sor.u32 $0xD0000000, s2;
	s6 =	simm.s32 $0x108;
	_ =	swait.ge @!p0 [sflag:s8], $0x0  }
0x24: {  	s3 =	sadd.s32 $0x88, s3;
	s6 =	simm.s32 @!p1 $0x1082;
	[sflag:s4] =	ssyncset.s32 $0xFFFFF086  }
0x25: {  	[simem:s6], [sflag:s4] =	dma.local [hbm:s3], $0xF7A  }
0x26: {  	[smem:$0x3F99] =	sst s1;
	(tag) =	ssettag s2;
	_ =	strace s9  }
0x27: {  	s1 =	sld [smem:$0x3FA9]  }
0x28: {  	s2 =	sld [smem:$0x3FAA]  }
0x29: {  	s4 =	sld [smem:$0x3FAC]  }
0x2a: {  	p0 =	seq.s32 s5, $0x0;
	s5 =	sld [smem:$0x3FAD]  }
0x2b: {  	s6 =	sld [smem:$0x3FAE]  }
0x2c: {  	s7 =	sld [smem:$0x3FAF]  }
0x2d: {  	s3 =	simm.s32 $0x108;
	s8 =	sld [smem:$0x3FB0]  }
0x2e: {  	s3 =	simm.s32 @!p0 $0x1082;
	s9 =	sld [smem:$0x3FB1]  }
0x2f: {  	lr =	sadd.s32 s0, s3;
	s0 =	sld [smem:$0x3FA8]  }
0x30: {  	s3 =	sld [smem:$0x3FAB]  }
0x31: {  	[smem:$0x3FB4] =	sst s10  }
0x32: {  	s10 =	sld [smem:$0x3FB2];
	_ =	sdelay $0x3  }
0x33: {  	p0 =	seq.s32 s10, $0x1;
	s10 =	sld [smem:$0x3FB4];
	_ =	sdelay $0x3  }
0x34: {  	[smem:$0x3FB4] =	sst s10  }
0x35: {  	s10 =	sld [smem:$0x3FB3];
	_ =	sdelay $0x3  }
0x36: {  	p1 =	seq.s32 s10, $0x1;
	s10 =	sld [smem:$0x3FB4];
	_ =	sdelay $0x3  }
0x37: {  	[smem:$0x3FB4] =	sst s10  }
0x38: {  	s10 =	sld [smem:$0x3FB5]  }
0x39: {  	_ = 	snop;
	(pc) =	sbr.ind lr, $3  }
0x3a: {  	_ = 	snop  }
0x3b: {  	_ = 	snop  }
0x3c: {  	p2 =	seq.s32 s10, $0x1;
	s10 =	sld [smem:$0x3FB4]  }
0x3d: {  	_ =	shalt  }
0x3e: {  	_ =	shalt  }
0x3f: {  	_ =	shalt  }
0x40: {  	_ =	shalt  }
0x41: {  	_ =	shalt  }
0x42: {  	_ =	shalt  }
0x43: {  	_ =	shalt  }
0x44: {  	_ =	shalt  }
0x45: {  	_ =	shalt  }
0x46: {  	_ =	shalt  }
0x47: {  	_ =	shalt  }
0x48: {  	_ =	shalt  }
0x49: {  	_ =	shalt  }
0x4a: {  	_ =	shalt  }
0x4b: {  	_ =	shalt  }
0x4c: {  	_ =	shalt  }
0x4d: {  	_ =	shalt  }
0x4e: {  	_ =	shalt  }
0x4f: {  	_ =	shalt  }
0x50: {  	_ =	shalt  }
0x51: {  	_ =	shalt  }
0x52: {  	_ =	shalt  }
0x53: {  	_ =	shalt  }
0x54: {  	_ =	shalt  }
0x55: {  	_ =	shalt  }
0x56: {  	_ =	shalt  }
0x57: {  	_ =	shalt  }
0x58: {  	_ =	shalt  }
0x59: {  	_ =	shalt  }
0x5a: {  	_ =	shalt  }
0x5b: {  	_ =	shalt  }
0x5c: {  	_ =	shalt  }
0x5d: {  	_ =	shalt  }
0x5e: {  	_ =	shalt  }
0x5f: {  	_ =	shalt  }
0x60: {  	_ =	shalt  }
0x61: {  	_ =	shalt  }
0x62: {  	_ =	shalt  }
0x63: {  	_ =	shalt  }
0x64: {  	_ =	shalt  }
0x65: {  	_ =	shalt  }
0x66: {  	_ =	shalt  }
0x67: {  	_ =	shalt  }
0x68: {  	_ =	shalt  }
0x69: {  	_ =	shalt  }
0x6a: {  	_ =	shalt  }
0x6b: {  	_ =	shalt  }
0x6c: {  	_ =	shalt  }
0x6d: {  	_ =	shalt  }
0x6e: {  	_ =	shalt  }
0x6f: {  	_ =	shalt  }
0x70: {  	_ =	shalt  }
0x71: {  	_ =	shalt  }
0x72: {  	_ =	shalt  }
0x73: {  	_ =	shalt  }
0x74: {  	_ =	shalt  }
0x75: {  	_ =	shalt  }
0x76: {  	_ =	shalt  }
0x77: {  	_ =	shalt  }
0x78: {  	_ =	shalt  }
0x79: {  	_ =	shalt  }
0x7a: {  	_ =	shalt  }
0x7b: {  	_ =	shalt  }
0x7c: {  	_ =	shalt  }
0x7d: {  	_ =	shalt  }
0x7e: {  	_ =	shalt  }
0x7f: {  	_ =	shalt  }
0x80: {  	_ =	shalt  }
0x81: {  	_ =	shalt  }
0x82: {  	_ =	shalt  }
0x83: {  	_ =	shalt  }
0x84: {  	_ =	shalt  }
0x85: {  	_ =	shalt  }
0x86: {  	_ =	shalt  }
0x87: {  	_ =	shalt  }
.Lfunc_end0:
.L_simem_size_0:
called_computation_lowered:
.L_overlay_start_0:
0x88: {  	s2 =	sld [smem:$0x3FD9]  }
0x89: {  	s3 =	sld [smem:$0x3FFE];
	_ =	sdelay $0x1  }
0x8a: {  	s1 =	srdreg.scid  }
0x8b: {  	s0 =	sand.u32 $0x1, s1  }
0x8c: {  	s16 =	sshll.u32 s0, $0xA;
	s2 =	sadd.s32 s3, s2  }
0x8d: {  	s2 =	sadd.s32 s2, s16  }
0x8e: {  	[smem:$0x3FC0] =	sst s2  }
0x8f: {  	_ = 	snop  }
0x90: {  	(tm) =	ssettm $0x1  }
0x91: {  	s17 =	sld [smem:$0x3FFB];
	_ =	sdelay $0x3  }
0x92: {  	_ =	strace s17  }
0x93: {  	s2 =	sld [smem:$0x3FFC];
	_ =	sdelay $0x3  }
0x94: {  	_ =	strace s2  }
0x95: {  	s2 =	sld [smem:$0x3FFD];
	_ =	sdelay $0x3  }
0x96: {  	_ =	strace s2  }
0x97: {  	_ =	strace $0x8FFFFFFF  }
0x98: {  	s18 =	sld [smem:$0x3FDB];
	_ =	sdelay $0x1  }
0x99: {  	s19 =	simm.s32 $_scs_section_size  }
0x9a: {  	s4 =	simm.s32 $_size__tile_overlayer_lowered;
	s5 =	simm.s32 $_tile_overlayer_lowered  }
0x9b: {  	s22 =	simm.s32 $0x1BFF;
	s21 =	sshll.u32 s5, $0x1;
	s2 =	sadd.s32 s19, s18  }
0x9c: {  	s6 =	simm.s32 $0x0;
	s20 =	sshll.u32 s4, $0x1;
	s4 =	sadd.s32 s21, s2  }
0x9d: {  	[timem:s6], [sflag:s22] =	dma.local [hbm:s4], s20  }
0x9e: {  	_ =	swait.ge [sflag:s22], s20  }
0x9f: {  	s3 =	ssub.s32 $0x0, s20;
	[sflag:s22] =	ssyncset.done $0x0  }
0xa0: {  	[sflag:s22] =	ssyncadd.s32 s3;
	_ =	sdelay $0x1  }
0xa1: {  	s23 =	simm.s32 $0x1B8B  }
0xa2: {  	_ =	swait.ge [sflag:s23], $0x1  }
0xa3: {  	[sflag:s23] =	ssyncset.done $0x0  }
0xa4: {  	s25 =	simm.s32 $0x1B8E;
	s24 =	sld [smem:$0x3FFE];
	[sflag:s23] =	ssyncadd.s32 $0xFFFFFFFF  }
0xa5: {  	s26 =	simm.s32 $execute0_lowered;
	[smem:$0x3FD2] =	sst s25  }
0xa6: {  	s4 =	sshll.u32 s26, $0x1;
	_ =	strace $0x80000046;
	[dreg:$0x1] =	wrdreg $0xFFFFFFFF  }
0xa7: {  	s28 =	simm.s32 $_size_execute0_lowered;
	s2 =	sadd.s32 s2, s4;
	[dreg:$0x0] =	wrdreg $0x0  }
0xa8: {  	s4 =	sshll.u32 s28, $0x1;
	[dreg:$0x2] =	wrdreg s2  }
0xa9: {  	[dreg:$0x3] =	wrdreg s4  }
0xaa: {  	[dreg:$0x4] =	wrdreg $0xC0  }
0xab: {  	_ =	task [dreg:s6], $0x5FFFF  }
0xac: {  	[dreg:$0x1] =	wrdreg $0xFFFFFFFF  }
0xad: {  	[dreg:$0x0] =	wrdreg $0x60  }
0xae: {  	[dreg:$0x2] =	wrdreg s24  }
0xaf: {  	[dreg:$0x3] =	wrdreg $0x88000  }
0xb0: {  	[dreg:$0x4] =	wrdreg $0x9  }
0xb1: {  	_ =	task.clear_ibuf [dreg:s6], $0x5FFFF;
	_ =	strace $0x90000046  }
0xb2: {  	s29 =	simm.s32 $0x9;
	_ =	strace $0x80000048  }
0xb3: {  	_ =	swait.ge [sflag:s29], $0x1  }
0xb4: {  	[sflag:s29] =	ssyncadd.s32 $0xFFFFFFFF  }
0xb5: {  	_ =	strace $0x90000048  }
0xb6: {  	_ =	sfence  }
0xb7: {  	s30 =	sld [smem:$0x0];
	_ =	sdelay $0x2  }
0xb8: {  	s31 =	sshll.u32 s1, $0xD;
	s1 =	sshrl.u32 s1, $0x2  }
0xb9: {  	s3 =	sand.u32 $0x4000, s31;
	s1 =	sadd.s32 s1, s30  }
0xba: {  	s0 =	sor.u32 s3, s0;
	s1 =	sshll.u32 s1, $0x11  }
0xbb: {  	s0 =	sor.u32 s1, s0  }
0xbc: {  	s0 =	sadd.s32 $0x8F2B, s0  }
0xbd: {  	[sflag:s0] =	ssyncadd.remote.s32 $0x1  }
0xbe: {  	_ =	sfence.sel $0xFFFF  }
0xbf: {  	[dreg:$0x0] =	wrdreg $0xFFFFFFFF;
	(pc) =	sbr.abs _section_cstart, $3  }
0xc0: {  	[dreg:$0x1] =	wrdreg $0xFFFFFFFF  }
0xc1: {  	_ =	task.clear_ibuf [dreg:s6], $0x2FFFF;
	_ =	strace $0x9FFFFFFF  }
0xc2: {  	(tm) =	ssettm $0x7FFFFFFF  }
0xc3: {  	_ =	shalt  }
tec
execute0_lowered:
.L_overlay_start_1:
0x0: {  	(tag) =	ssettag $0x1  }
0x1: {  	s4 =	rddreg [dreg:$0x0];
	s0 =	stileid.u32  }
0x2: {  	s1 =	srdreg.scid;
	s2 =	rddreg [dreg:$0x1];
	s3 =	simm.s32 $0x0  }
0x3: {  	s24 =	simm.s32 $0x100;
	s25 =	simm.s32 $0x180;
	s26 =	simm.s32 $0x200  }
0x4: {  	s28 =	simm.s32 $0x280;
	s6 =	sand.u32 $0x1, s1;
	s1 =	rddreg [dreg:$0x2]  }
0x5: {  	s29 =	simm.s32 $0x300;
	s30 =	simm.s32 $0x380;
	[smem:$0x7FF] =	sst s3  }
0x6: {  	s5 =	smul.u32 $0x2780, s0;
	_ =	strace $0x80000047;
	[dreg:$0x5] =	wrdreg s24  }
0x7: {  	s31 =	simm.s32 $0x400;
	s8 =	smul.u32 $0x2800, s0;
	[dreg:$0x6] =	wrdreg s25  }
0x8: {  	s14 =	simm.s32 $0x480;
	s9 =	smul.u32 $0x4F000, s0;
	[dreg:$0x7] =	wrdreg s26  }
0x9: {  	s15 =	simm.s32 $0x500;
	s12 =	smul.u32 $0x140000, s0;
	[dreg:$0x8] =	wrdreg s28  }
0xa: {  	s16 =	simm.s32 $0x580;
	s21 =	smul.u32 $0x28000, s0;
	[dreg:$0x9] =	wrdreg s29  }
0xb: {  	s13 =	sadd.s32 $0x3E800, s4;
	s7 =	smul.u32 $0x28000, s6;
	[dreg:$0xa] =	wrdreg s30  }
0xc: {  	s23 =	sshll.u32 s0, $0x6;
	s10 =	smul.u32 $0x1400000, s6;
	[dreg:$0xb] =	wrdreg s31  }
0xd: {  	s17 =	ssub.s32 $0x2, s6;
	s6 =	smul.u32 $0x280000, s6;
	[dreg:$0xc] =	wrdreg s14  }
0xe: {  	s14 =	simm.s32 $0x3;
	[dreg:$0xd] =	wrdreg s15;
	s15 =	simm.s32 $0x2  }
0xf: {  	[dreg:$0xe] =	wrdreg s16;
	s16 =	simm.s32 $0x4;
	s5 =	sadd.s32 s5, s4  }
0x10: {  	s11 =	sshrl.u32 s17, $0x1;
	s18 =	sshrl.u32 s9, $0x2;
	s7 =	sadd.s32 s8, s7  }
0x11: {  	s8 =	ssub.s32 s17, s11;
	s19 =	sadd.s32 s12, s10;
	s20 =	sadd.s32 s18, s2  }
0x12: {  	s6 =	sadd.s32 s6, s13;
	s10 =	simm.s32 $0x80;
	s11 =	simm.s32 $0x800  }
0x13: {  	s12 =	simm.s32 $0x4800;
	s17 =	simm.s32 $0x600;
	s18 =	simm.s32 $0x700  }
0x14: {  	s7 =	sshrl.u32 s7, $0x3;
	s9 =	sshrl.u32 s19, $0x3;
	s6 =	sadd.s32 s21, s6  }
0x15: {  	[dreg:$0xf] =	wrdreg s17;
	s17 =	simm.s32 $0x680;
	s19 =	simm.s32 $0x780  }
0x16: {  	s7 =	sadd.s32 s7, s4;
	s4 =	sadd.s32 $0x17000, s5;
	s22 =	sadd.s32 s9, s13  }
0x17: {  	s5 =	sor.u32 $0x1C05, s23;
	[dreg:$0x4] =	wrdreg s6;
	s6 =	smax.u32 s8, $0x1  }
0x18: {  	s8 =	sshrl.u32 s20, $0x3;
	s9 =	simm.s32 $0x5;
	s13 =	simm.s32 $0x1  }
0x19: {  	s20 =	simm.s32 $0x0;
	[dreg:$0x3] =	wrdreg s22;
	s7 =	sadd.s32 $0xD000, s7  }
.LBB2_1:
0x1a: {  	[spmem:s8], [sflag:s5] =	dma.local [hbm:s4], $0x2780  }
0x1b: {  	_ =	swait.ge [sflag:s9], $0x2780  }
0x1c: {  	[sflag:s9] =	ssyncset.done $0x0  }
0x1d: {  	[sflag:s9] =	ssyncadd.s32 $0xFFFFD880  }
0x1e: {  	[bflag:$0x0] =	sbarrier.arrive $0xFFFF  }
0x1f: {  	[tilespmem:s3], [sflag:$0x5] =	stream.linear.gather [hbm4b:s7+s3], $0x800, $0x38;
	[tilespmem:$0x1C400] =	vst v63  }
0x20: {  	_ =	swait.ge [sflag:s9], $0x800  }
0x21: {  	[sflag:s9] =	ssyncset.done $0x0  }
0x22: {  	[sflag:s9] =	ssyncadd.s32 $0xFFFFF800  }
0x23: {  	[tilespmem:s11], [sflag:$0x1] =	stream.indirect.gather [spmem:s2], $0x80, s3, s10, $0xb8;
	[tilespmem:$0x1C400] =	vst v63  }
0x24: {  	_ = 	snop  }
0x25: {  	[tilespmem:s12], [sflag:$0x2] =	stream.indirect.gather [spmem:s2], $0x80, s10, s10, $0xb8;
	[tilespmem:$0x1C400] =	vst v63  }
0x26: {  	_ =	swait.ge [sflag:s13], $0x4000  }
0x27: {  	s21 =	rddreg [dreg:$0x3];
	[sflag:s13] =	ssyncset.done $0x0  }
0x28: {  	[sflag:s13] =	ssyncadd.s32 $0xFFFFC000;
	s21 =	sadd.s32 $0x0, s21  }
0x29: {  	[hbm4b:s21+s3] =	stream.linear.scatter [tilespmem:s11], [sflag:$0x3], $0x4000, $0x38;
	[tilespmem:$0x1C400] =	vst v63  }
0x2a: {  	_ =	swait.ge [sflag:s14], $0x4000  }
0x2b: {  	[sflag:s14] =	ssyncset.done $0x0  }
0x2c: {  	s22 =	rddreg [dreg:$0x5];
	[sflag:s14] =	ssyncadd.s32 $0xFFFFC000  }
0x2d: {  	[tilespmem:s11], [sflag:$0x1] =	stream.indirect.gather [spmem:s2], $0x80, s22, s10, $0xb8;
	[tilespmem:$0x1C400] =	vst v63  }
0x2e: {  	_ =	swait.ge [sflag:s15], $0x4000  }
0x2f: {  	s23 =	rddreg [dreg:$0x4]  }
0x30: {  	[sflag:s15] =	ssyncset.done $0x0;
	s21 =	sadd.s32 $0x0, s23  }
0x31: {  	[sflag:s15] =	ssyncadd.s32 $0xFFFFC000;
	s22 =	sadd.s32 $0x800, s21  }
0x32: {  	[hbm4b:s22+s3] =	stream.linear.scatter [tilespmem:s12], [sflag:$0x4], $0x4000, $0x38;
	[tilespmem:$0x1C400] =	vst v63  }
0x33: {  	_ =	swait.ge [sflag:s16], $0x4000  }
0x34: {  	[sflag:s16] =	ssyncset.done $0x0  }
0x35: {  	s24 =	rddreg [dreg:$0x6];
	[sflag:s16] =	ssyncadd.s32 $0xFFFFC000  }
0x36: {  	[tilespmem:s12], [sflag:$0x2] =	stream.indirect.gather [spmem:s2], $0x80, s24, s10, $0xb8;
	[tilespmem:$0x1C400] =	vst v63  }
0x37: {  	_ =	swait.ge [sflag:s13], $0x4000  }
0x38: {  	[sflag:s13] =	ssyncset.done $0x0  }
0x39: {  	s25 =	sadd.s32 $0x1000, s21;
	[sflag:s13] =	ssyncadd.s32 $0xFFFFC000  }
0x3a: {  	[hbm4b:s25+s3] =	stream.linear.scatter [tilespmem:s11], [sflag:$0x3], $0x4000, $0x38;
	[tilespmem:$0x1C400] =	vst v63  }
0x3b: {  	_ =	swait.ge [sflag:s14], $0x4000  }
0x3c: {  	[sflag:s14] =	ssyncset.done $0x0  }
0x3d: {  	s26 =	rddreg [dreg:$0x7];
	[sflag:s14] =	ssyncadd.s32 $0xFFFFC000  }
0x3e: {  	[tilespmem:s11], [sflag:$0x1] =	stream.indirect.gather [spmem:s2], $0x80, s26, s10, $0xb8;
	[tilespmem:$0x1C400] =	vst v63  }
0x3f: {  	_ =	swait.ge [sflag:s15], $0x4000  }
0x40: {  	[sflag:s15] =	ssyncset.done $0x0  }
0x41: {  	s28 =	sadd.s32 $0x1800, s21;
	[sflag:s15] =	ssyncadd.s32 $0xFFFFC000  }
0x42: {  	[hbm4b:s28+s3] =	stream.linear.scatter [tilespmem:s12], [sflag:$0x4], $0x4000, $0x38;
	[tilespmem:$0x1C400] =	vst v63  }
0x43: {  	_ =	swait.ge [sflag:s16], $0x4000  }
0x44: {  	[sflag:s16] =	ssyncset.done $0x0  }
0x45: {  	s29 =	rddreg [dreg:$0x8];
	[sflag:s16] =	ssyncadd.s32 $0xFFFFC000  }
0x46: {  	[tilespmem:s12], [sflag:$0x2] =	stream.indirect.gather [spmem:s2], $0x80, s29, s10, $0xb8;
	[tilespmem:$0x1C400] =	vst v63  }
0x47: {  	_ =	swait.ge [sflag:s13], $0x4000  }
0x48: {  	[sflag:s13] =	ssyncset.done $0x0  }
0x49: {  	s30 =	sadd.s32 $0x2000, s21;
	[sflag:s13] =	ssyncadd.s32 $0xFFFFC000  }
0x4a: {  	[hbm4b:s30+s3] =	stream.linear.scatter [tilespmem:s11], [sflag:$0x3], $0x4000, $0x38;
	[tilespmem:$0x1C400] =	vst v63  }
0x4b: {  	_ =	swait.ge [sflag:s14], $0x4000  }
0x4c: {  	[sflag:s14] =	ssyncset.done $0x0  }
0x4d: {  	s31 =	rddreg [dreg:$0x9];
	[sflag:s14] =	ssyncadd.s32 $0xFFFFC000  }
0x4e: {  	[tilespmem:s11], [sflag:$0x1] =	stream.indirect.gather [spmem:s2], $0x80, s31, s10, $0xb8;
	[tilespmem:$0x1C400] =	vst v63  }
0x4f: {  	_ =	swait.ge [sflag:s15], $0x4000  }
0x50: {  	[sflag:s15] =	ssyncset.done $0x0  }
0x51: {  	s23 =	sadd.s32 $0x2800, s21;
	[sflag:s15] =	ssyncadd.s32 $0xFFFFC000  }
0x52: {  	[hbm4b:s23+s3] =	stream.linear.scatter [tilespmem:s12], [sflag:$0x4], $0x4000, $0x38;
	[tilespmem:$0x1C400] =	vst v63  }
0x53: {  	_ =	swait.ge [sflag:s16], $0x4000  }
0x54: {  	[sflag:s16] =	ssyncset.done $0x0  }
0x55: {  	s24 =	rddreg [dreg:$0xa];
	[sflag:s16] =	ssyncadd.s32 $0xFFFFC000  }
0x56: {  	[tilespmem:s12], [sflag:$0x2] =	stream.indirect.gather [spmem:s2], $0x80, s24, s10, $0xb8;
	[tilespmem:$0x1C400] =	vst v63  }
0x57: {  	_ =	swait.ge [sflag:s13], $0x4000  }
0x58: {  	[sflag:s13] =	ssyncset.done $0x0  }
0x59: {  	s25 =	sadd.s32 $0x3000, s21;
	[sflag:s13] =	ssyncadd.s32 $0xFFFFC000  }
0x5a: {  	[hbm4b:s25+s3] =	stream.linear.scatter [tilespmem:s11], [sflag:$0x3], $0x4000, $0x38;
	[tilespmem:$0x1C400] =	vst v63  }
0x5b: {  	_ =	swait.ge [sflag:s14], $0x4000  }
0x5c: {  	[sflag:s14] =	ssyncset.done $0x0  }
0x5d: {  	s26 =	rddreg [dreg:$0xb];
	[sflag:s14] =	ssyncadd.s32 $0xFFFFC000  }
0x5e: {  	[tilespmem:s11], [sflag:$0x1] =	stream.indirect.gather [spmem:s2], $0x80, s26, s10, $0xb8;
	[tilespmem:$0x1C400] =	vst v63  }
0x5f: {  	_ =	swait.ge [sflag:s15], $0x4000  }
0x60: {  	[sflag:s15] =	ssyncset.done $0x0  }
0x61: {  	s28 =	sadd.s32 $0x3800, s21;
	[sflag:s15] =	ssyncadd.s32 $0xFFFFC000  }
0x62: {  	[hbm4b:s28+s3] =	stream.linear.scatter [tilespmem:s12], [sflag:$0x4], $0x4000, $0x38;
	[tilespmem:$0x1C400] =	vst v63  }
0x63: {  	_ =	swait.ge [sflag:s16], $0x4000  }
0x64: {  	[sflag:s16] =	ssyncset.done $0x0  }
0x65: {  	s29 =	rddreg [dreg:$0xc];
	[sflag:s16] =	ssyncadd.s32 $0xFFFFC000  }
0x66: {  	[tilespmem:s12], [sflag:$0x2] =	stream.indirect.gather [spmem:s2], $0x80, s29, s10, $0xb8;
	[tilespmem:$0x1C400] =	vst v63  }
0x67: {  	_ =	swait.ge [sflag:s13], $0x4000  }
0x68: {  	[sflag:s13] =	ssyncset.done $0x0  }
0x69: {  	s30 =	sadd.s32 $0x4000, s21;
	[sflag:s13] =	ssyncadd.s32 $0xFFFFC000  }
0x6a: {  	[hbm4b:s30+s3] =	stream.linear.scatter [tilespmem:s11], [sflag:$0x3], $0x4000, $0x38;
	[tilespmem:$0x1C400] =	vst v63  }
0x6b: {  	_ =	swait.ge [sflag:s14], $0x4000  }
0x6c: {  	[sflag:s14] =	ssyncset.done $0x0  }
0x6d: {  	s31 =	rddreg [dreg:$0xd];
	[sflag:s14] =	ssyncadd.s32 $0xFFFFC000  }
0x6e: {  	[tilespmem:s11], [sflag:$0x1] =	stream.indirect.gather [spmem:s2], $0x80, s31, s10, $0xb8;
	[tilespmem:$0x1C400] =	vst v63  }
0x6f: {  	_ =	swait.ge [sflag:s15], $0x4000  }
0x70: {  	[sflag:s15] =	ssyncset.done $0x0  }
0x71: {  	s23 =	sadd.s32 $0x4800, s21;
	[sflag:s15] =	ssyncadd.s32 $0xFFFFC000  }
0x72: {  	[hbm4b:s23+s3] =	stream.linear.scatter [tilespmem:s12], [sflag:$0x4], $0x4000, $0x38;
	[tilespmem:$0x1C400] =	vst v63  }
0x73: {  	_ =	swait.ge [sflag:s16], $0x4000  }
0x74: {  	[sflag:s16] =	ssyncset.done $0x0  }
0x75: {  	s24 =	rddreg [dreg:$0xe];
	[sflag:s16] =	ssyncadd.s32 $0xFFFFC000  }
0x76: {  	[tilespmem:s12], [sflag:$0x2] =	stream.indirect.gather [spmem:s2], $0x80, s24, s10, $0xb8;
	[tilespmem:$0x1C400] =	vst v63  }
0x77: {  	_ =	swait.ge [sflag:s13], $0x4000  }
0x78: {  	[sflag:s13] =	ssyncset.done $0x0  }
0x79: {  	s25 =	sadd.s32 $0x5000, s21;
	[sflag:s13] =	ssyncadd.s32 $0xFFFFC000  }
0x7a: {  	[hbm4b:s25+s3] =	stream.linear.scatter [tilespmem:s11], [sflag:$0x3], $0x4000, $0x38;
	[tilespmem:$0x1C400] =	vst v63  }
0x7b: {  	_ =	swait.ge [sflag:s14], $0x4000  }
0x7c: {  	[sflag:s14] =	ssyncset.done $0x0  }
0x7d: {  	s26 =	rddreg [dreg:$0xf];
	[sflag:s14] =	ssyncadd.s32 $0xFFFFC000  }
0x7e: {  	[tilespmem:s11], [sflag:$0x1] =	stream.indirect.gather [spmem:s2], $0x80, s26, s10, $0xb8;
	[tilespmem:$0x1C400] =	vst v63  }
0x7f: {  	_ =	swait.ge [sflag:s15], $0x4000  }
0x80: {  	[sflag:s15] =	ssyncset.done $0x0  }
0x81: {  	s28 =	sadd.s32 $0x5800, s21;
	[sflag:s15] =	ssyncadd.s32 $0xFFFFC000  }
0x82: {  	[hbm4b:s28+s3] =	stream.linear.scatter [tilespmem:s12], [sflag:$0x4], $0x4000, $0x38;
	[tilespmem:$0x1C400] =	vst v63  }
0x83: {  	_ =	swait.ge [sflag:s16], $0x4000  }
0x84: {  	[sflag:s16] =	ssyncset.done $0x0  }
0x85: {  	[sflag:s16] =	ssyncadd.s32 $0xFFFFC000  }
0x86: {  	[tilespmem:s12], [sflag:$0x2] =	stream.indirect.gather [spmem:s2], $0x80, s17, s10, $0xb8;
	[tilespmem:$0x1C400] =	vst v63  }
0x87: {  	_ =	swait.ge [sflag:s13], $0x4000  }
0x88: {  	[sflag:s13] =	ssyncset.done $0x0  }
0x89: {  	s29 =	sadd.s32 $0x6000, s21;
	[sflag:s13] =	ssyncadd.s32 $0xFFFFC000  }
0x8a: {  	[hbm4b:s29+s3] =	stream.linear.scatter [tilespmem:s11], [sflag:$0x3], $0x4000, $0x38;
	[tilespmem:$0x1C400] =	vst v63  }
0x8b: {  	_ =	swait.ge [sflag:s14], $0x4000  }
0x8c: {  	[sflag:s14] =	ssyncset.done $0x0  }
0x8d: {  	[sflag:s14] =	ssyncadd.s32 $0xFFFFC000  }
0x8e: {  	[tilespmem:s11], [sflag:$0x1] =	stream.indirect.gather [spmem:s2], $0x80, s18, s10, $0xb8;
	[tilespmem:$0x1C400] =	vst v63  }
0x8f: {  	_ =	swait.ge [sflag:s15], $0x4000  }
0x90: {  	[sflag:s15] =	ssyncset.done $0x0  }
0x91: {  	s30 =	sadd.s32 $0x6800, s21;
	[sflag:s15] =	ssyncadd.s32 $0xFFFFC000  }
0x92: {  	[hbm4b:s30+s3] =	stream.linear.scatter [tilespmem:s12], [sflag:$0x4], $0x4000, $0x38;
	[tilespmem:$0x1C400] =	vst v63  }
0x93: {  	_ =	swait.ge [sflag:s16], $0x4000  }
0x94: {  	[sflag:s16] =	ssyncset.done $0x0  }
0x95: {  	[sflag:s16] =	ssyncadd.s32 $0xFFFFC000  }
0x96: {  	[tilespmem:s12], [sflag:$0x2] =	stream.indirect.gather [spmem:s2], $0x80, s19, s10, $0xb8;
	[tilespmem:$0x1C400] =	vst v63  }
0x97: {  	_ =	swait.ge [sflag:s13], $0x4000  }
0x98: {  	[sflag:s13] =	ssyncset.done $0x0  }
0x99: {  	s31 =	sadd.s32 $0x7000, s21;
	[sflag:s13] =	ssyncadd.s32 $0xFFFFC000  }
0x9a: {  	[hbm4b:s31+s3] =	stream.linear.scatter [tilespmem:s11], [sflag:$0x3], $0x4000, $0x38;
	[tilespmem:$0x1C400] =	vst v63  }
0x9b: {  	_ =	swait.ge [sflag:s14], $0x4000  }
0x9c: {  	[sflag:s14] =	ssyncset.done $0x0  }
0x9d: {  	[sflag:s14] =	ssyncadd.s32 $0xFFFFC000  }
0x9e: {  	_ =	swait.ge [sflag:s15], $0x4000  }
0x9f: {  	[sflag:s15] =	ssyncset.done $0x0  }
0xa0: {  	s21 =	sadd.s32 $0x7800, s21;
	[sflag:s15] =	ssyncadd.s32 $0xFFFFC000  }
0xa1: {  	[hbm4b:s21+s3] =	stream.linear.scatter [tilespmem:s12], [sflag:$0x4], $0x4000, $0x38;
	[tilespmem:$0x1C400] =	vst v63  }
0xa2: {  	_ =	swait.ge [sflag:s16], $0x4000  }
0xa3: {  	s22 =	smov.u32 s7;
	s21 =	simm.s32 $0x8000;
	[sflag:s16] =	ssyncset.done $0x0  }
.LBB2_2:
0xa4: {  	[sflag:s16] =	ssyncadd.s32 $0xFFFFC000;
	s22 =	sadd.s32 $0x100, s22  }
0xa5: {  	[tilespmem:s3], [sflag:$0x5] =	stream.linear.gather [hbm4b:s22+s3], $0x800, $0x38;
	[tilespmem:$0x1C400] =	vst v63  }
0xa6: {  	_ =	swait.ge [sflag:s9], $0x800  }
0xa7: {  	[sflag:s9] =	ssyncset.done $0x0  }
0xa8: {  	[sflag:s9] =	ssyncadd.s32 $0xFFFFF800  }
0xa9: {  	[tilespmem:s11], [sflag:$0x1] =	stream.indirect.gather [spmem:s2], $0x80, s3, s10, $0xb8;
	[tilespmem:$0x1C400] =	vst v63  }
0xaa: {  	_ = 	snop  }
0xab: {  	[tilespmem:s12], [sflag:$0x2] =	stream.indirect.gather [spmem:s2], $0x80, s10, s10, $0xb8;
	[tilespmem:$0x1C400] =	vst v63  }
0xac: {  	_ =	swait.ge [sflag:s13], $0x4000  }
0xad: {  	s23 =	smov.u32 s21;
	s24 =	rddreg [dreg:$0x3];
	[sflag:s13] =	ssyncset.done $0x0  }
0xae: {  	[sflag:s13] =	ssyncadd.s32 $0xFFFFC000;
	s24 =	sadd.s32 s23, s24  }
0xaf: {  	[hbm4b:s24+s3] =	stream.linear.scatter [tilespmem:s11], [sflag:$0x3], $0x4000, $0x38;
	[tilespmem:$0x1C400] =	vst v63  }
0xb0: {  	_ =	swait.ge [sflag:s14], $0x4000  }
0xb1: {  	[sflag:s14] =	ssyncset.done $0x0  }
0xb2: {  	s31 =	rddreg [dreg:$0x5];
	[sflag:s14] =	ssyncadd.s32 $0xFFFFC000  }
0xb3: {  	[tilespmem:s11], [sflag:$0x1] =	stream.indirect.gather [spmem:s2], $0x80, s31, s10, $0xb8;
	[tilespmem:$0x1C400] =	vst v63  }
0xb4: {  	_ =	swait.ge [sflag:s15], $0x4000  }
0xb5: {  	s25 =	rddreg [dreg:$0x4]  }
0xb6: {  	[sflag:s15] =	ssyncset.done $0x0;
	s23 =	sadd.s32 s23, s25  }
0xb7: {  	[sflag:s15] =	ssyncadd.s32 $0xFFFFC000;
	s24 =	sadd.s32 $0x800, s23  }
0xb8: {  	[hbm4b:s24+s3] =	stream.linear.scatter [tilespmem:s12], [sflag:$0x4], $0x4000, $0x38;
	[tilespmem:$0x1C400] =	vst v63  }
0xb9: {  	_ =	swait.ge [sflag:s16], $0x4000  }
0xba: {  	[sflag:s16] =	ssyncset.done $0x0  }
0xbb: {  	s26 =	rddreg [dreg:$0x6];
	[sflag:s16] =	ssyncadd.s32 $0xFFFFC000  }
0xbc: {  	[tilespmem:s12], [sflag:$0x2] =	stream.indirect.gather [spmem:s2], $0x80, s26, s10, $0xb8;
	[tilespmem:$0x1C400] =	vst v63  }
0xbd: {  	_ =	swait.ge [sflag:s13], $0x4000  }
0xbe: {  	[sflag:s13] =	ssyncset.done $0x0  }
0xbf: {  	s28 =	sadd.s32 $0x1000, s23;
	[sflag:s13] =	ssyncadd.s32 $0xFFFFC000  }
0xc0: {  	[hbm4b:s28+s3] =	stream.linear.scatter [tilespmem:s11], [sflag:$0x3], $0x4000, $0x38;
	[tilespmem:$0x1C400] =	vst v63  }
0xc1: {  	_ =	swait.ge [sflag:s14], $0x4000  }
0xc2: {  	[sflag:s14] =	ssyncset.done $0x0  }
0xc3: {  	s29 =	rddreg [dreg:$0x7];
	[sflag:s14] =	ssyncadd.s32 $0xFFFFC000  }
0xc4: {  	[tilespmem:s11], [sflag:$0x1] =	stream.indirect.gather [spmem:s2], $0x80, s29, s10, $0xb8;
	[tilespmem:$0x1C400] =	vst v63  }
0xc5: {  	_ =	swait.ge [sflag:s15], $0x4000  }
0xc6: {  	[sflag:s15] =	ssyncset.done $0x0  }
0xc7: {  	s30 =	sadd.s32 $0x1800, s23;
	[sflag:s15] =	ssyncadd.s32 $0xFFFFC000  }
0xc8: {  	[hbm4b:s30+s3] =	stream.linear.scatter [tilespmem:s12], [sflag:$0x4], $0x4000, $0x38;
	[tilespmem:$0x1C400] =	vst v63  }
0xc9: {  	_ =	swait.ge [sflag:s16], $0x4000  }
0xca: {  	[sflag:s16] =	ssyncset.done $0x0  }
0xcb: {  	s31 =	rddreg [dreg:$0x8];
	[sflag:s16] =	ssyncadd.s32 $0xFFFFC000  }
0xcc: {  	[tilespmem:s12], [sflag:$0x2] =	stream.indirect.gather [spmem:s2], $0x80, s31, s10, $0xb8;
	[tilespmem:$0x1C400] =	vst v63  }
0xcd: {  	_ =	swait.ge [sflag:s13], $0x4000  }
0xce: {  	[sflag:s13] =	ssyncset.done $0x0  }
0xcf: {  	s25 =	sadd.s32 $0x2000, s23;
	[sflag:s13] =	ssyncadd.s32 $0xFFFFC000  }
0xd0: {  	[hbm4b:s25+s3] =	stream.linear.scatter [tilespmem:s11], [sflag:$0x3], $0x4000, $0x38;
	[tilespmem:$0x1C400] =	vst v63  }
0xd1: {  	_ =	swait.ge [sflag:s14], $0x4000  }
0xd2: {  	[sflag:s14] =	ssyncset.done $0x0  }
0xd3: {  	s26 =	rddreg [dreg:$0x9];
	[sflag:s14] =	ssyncadd.s32 $0xFFFFC000  }
0xd4: {  	[tilespmem:s11], [sflag:$0x1] =	stream.indirect.gather [spmem:s2], $0x80, s26, s10, $0xb8;
	[tilespmem:$0x1C400] =	vst v63  }
0xd5: {  	_ =	swait.ge [sflag:s15], $0x4000  }
0xd6: {  	[sflag:s15] =	ssyncset.done $0x0  }
0xd7: {  	s28 =	sadd.s32 $0x2800, s23;
	[sflag:s15] =	ssyncadd.s32 $0xFFFFC000  }
0xd8: {  	[hbm4b:s28+s3] =	stream.linear.scatter [tilespmem:s12], [sflag:$0x4], $0x4000, $0x38;
	[tilespmem:$0x1C400] =	vst v63  }
0xd9: {  	_ =	swait.ge [sflag:s16], $0x4000  }
0xda: {  	[sflag:s16] =	ssyncset.done $0x0  }
0xdb: {  	s29 =	rddreg [dreg:$0xa];
	[sflag:s16] =	ssyncadd.s32 $0xFFFFC000  }
0xdc: {  	[tilespmem:s12], [sflag:$0x2] =	stream.indirect.gather [spmem:s2], $0x80, s29, s10, $0xb8;
	[tilespmem:$0x1C400] =	vst v63  }
0xdd: {  	_ =	swait.ge [sflag:s13], $0x4000  }
0xde: {  	[sflag:s13] =	ssyncset.done $0x0  }
0xdf: {  	s30 =	sadd.s32 $0x3000, s23;
	[sflag:s13] =	ssyncadd.s32 $0xFFFFC000  }
0xe0: {  	[hbm4b:s30+s3] =	stream.linear.scatter [tilespmem:s11], [sflag:$0x3], $0x4000, $0x38;
	[tilespmem:$0x1C400] =	vst v63  }
0xe1: {  	_ =	swait.ge [sflag:s14], $0x4000  }
0xe2: {  	[sflag:s14] =	ssyncset.done $0x0  }
0xe3: {  	s31 =	rddreg [dreg:$0xb];
	[sflag:s14] =	ssyncadd.s32 $0xFFFFC000  }
0xe4: {  	[tilespmem:s11], [sflag:$0x1] =	stream.indirect.gather [spmem:s2], $0x80, s31, s10, $0xb8;
	[tilespmem:$0x1C400] =	vst v63  }
0xe5: {  	_ =	swait.ge [sflag:s15], $0x4000  }
0xe6: {  	[sflag:s15] =	ssyncset.done $0x0  }
0xe7: {  	s25 =	sadd.s32 $0x3800, s23;
	[sflag:s15] =	ssyncadd.s32 $0xFFFFC000  }
0xe8: {  	[hbm4b:s25+s3] =	stream.linear.scatter [tilespmem:s12], [sflag:$0x4], $0x4000, $0x38;
	[tilespmem:$0x1C400] =	vst v63  }
0xe9: {  	_ =	swait.ge [sflag:s16], $0x4000  }
0xea: {  	[sflag:s16] =	ssyncset.done $0x0  }
0xeb: {  	s26 =	rddreg [dreg:$0xc];
	[sflag:s16] =	ssyncadd.s32 $0xFFFFC000  }
0xec: {  	[tilespmem:s12], [sflag:$0x2] =	stream.indirect.gather [spmem:s2], $0x80, s26, s10, $0xb8;
	[tilespmem:$0x1C400] =	vst v63  }
0xed: {  	_ =	swait.ge [sflag:s13], $0x4000  }
0xee: {  	[sflag:s13] =	ssyncset.done $0x0  }
0xef: {  	s28 =	sadd.s32 $0x4000, s23;
	[sflag:s13] =	ssyncadd.s32 $0xFFFFC000  }
0xf0: {  	[hbm4b:s28+s3] =	stream.linear.scatter [tilespmem:s11], [sflag:$0x3], $0x4000, $0x38;
	[tilespmem:$0x1C400] =	vst v63  }
0xf1: {  	_ =	swait.ge [sflag:s14], $0x4000  }
0xf2: {  	[sflag:s14] =	ssyncset.done $0x0  }
0xf3: {  	s29 =	rddreg [dreg:$0xd];
	[sflag:s14] =	ssyncadd.s32 $0xFFFFC000  }
0xf4: {  	[tilespmem:s11], [sflag:$0x1] =	stream.indirect.gather [spmem:s2], $0x80, s29, s10, $0xb8;
	[tilespmem:$0x1C400] =	vst v63  }
0xf5: {  	_ =	swait.ge [sflag:s15], $0x4000  }
0xf6: {  	[sflag:s15] =	ssyncset.done $0x0  }
0xf7: {  	s30 =	sadd.s32 $0x4800, s23;
	[sflag:s15] =	ssyncadd.s32 $0xFFFFC000  }
0xf8: {  	[hbm4b:s30+s3] =	stream.linear.scatter [tilespmem:s12], [sflag:$0x4], $0x4000, $0x38;
	[tilespmem:$0x1C400] =	vst v63  }
0xf9: {  	_ =	swait.ge [sflag:s16], $0x4000  }
0xfa: {  	[sflag:s16] =	ssyncset.done $0x0  }
0xfb: {  	s31 =	rddreg [dreg:$0xe];
	[sflag:s16] =	ssyncadd.s32 $0xFFFFC000  }
0xfc: {  	[tilespmem:s12], [sflag:$0x2] =	stream.indirect.gather [spmem:s2], $0x80, s31, s10, $0xb8;
	[tilespmem:$0x1C400] =	vst v63  }
0xfd: {  	_ =	swait.ge [sflag:s13], $0x4000  }
0xfe: {  	[sflag:s13] =	ssyncset.done $0x0  }
0xff: {  	s25 =	sadd.s32 $0x5000, s23;
	[sflag:s13] =	ssyncadd.s32 $0xFFFFC000  }
0x100: {  	[hbm4b:s25+s3] =	stream.linear.scatter [tilespmem:s11], [sflag:$0x3], $0x4000, $0x38;
	[tilespmem:$0x1C400] =	vst v63  }
0x101: {  	_ =	swait.ge [sflag:s14], $0x4000  }
0x102: {  	[sflag:s14] =	ssyncset.done $0x0  }
0x103: {  	s26 =	rddreg [dreg:$0xf];
	[sflag:s14] =	ssyncadd.s32 $0xFFFFC000  }
0x104: {  	[tilespmem:s11], [sflag:$0x1] =	stream.indirect.gather [spmem:s2], $0x80, s26, s10, $0xb8;
	[tilespmem:$0x1C400] =	vst v63  }
0x105: {  	_ =	swait.ge [sflag:s15], $0x4000  }
0x106: {  	[sflag:s15] =	ssyncset.done $0x0  }
0x107: {  	s28 =	sadd.s32 $0x5800, s23;
	[sflag:s15] =	ssyncadd.s32 $0xFFFFC000  }
0x108: {  	[hbm4b:s28+s3] =	stream.linear.scatter [tilespmem:s12], [sflag:$0x4], $0x4000, $0x38;
	[tilespmem:$0x1C400] =	vst v63  }
0x109: {  	_ =	swait.ge [sflag:s16], $0x4000  }
0x10a: {  	[sflag:s16] =	ssyncset.done $0x0  }
0x10b: {  	[sflag:s16] =	ssyncadd.s32 $0xFFFFC000  }
0x10c: {  	[tilespmem:s12], [sflag:$0x2] =	stream.indirect.gather [spmem:s2], $0x80, s17, s10, $0xb8;
	[tilespmem:$0x1C400] =	vst v63  }
0x10d: {  	_ =	swait.ge [sflag:s13], $0x4000  }
0x10e: {  	[sflag:s13] =	ssyncset.done $0x0  }
0x10f: {  	s29 =	sadd.s32 $0x6000, s23;
	[sflag:s13] =	ssyncadd.s32 $0xFFFFC000  }
0x110: {  	[hbm4b:s29+s3] =	stream.linear.scatter [tilespmem:s11], [sflag:$0x3], $0x4000, $0x38;
	[tilespmem:$0x1C400] =	vst v63  }
0x111: {  	_ =	swait.ge [sflag:s14], $0x4000  }
0x112: {  	[sflag:s14] =	ssyncset.done $0x0  }
0x113: {  	[sflag:s14] =	ssyncadd.s32 $0xFFFFC000  }
0x114: {  	[tilespmem:s11], [sflag:$0x1] =	stream.indirect.gather [spmem:s2], $0x80, s18, s10, $0xb8;
	[tilespmem:$0x1C400] =	vst v63  }
0x115: {  	_ =	swait.ge [sflag:s15], $0x4000  }
0x116: {  	[sflag:s15] =	ssyncset.done $0x0  }
0x117: {  	s30 =	sadd.s32 $0x6800, s23;
	[sflag:s15] =	ssyncadd.s32 $0xFFFFC000  }
0x118: {  	[hbm4b:s30+s3] =	stream.linear.scatter [tilespmem:s12], [sflag:$0x4], $0x4000, $0x38;
	[tilespmem:$0x1C400] =	vst v63  }
0x119: {  	_ =	swait.ge [sflag:s16], $0x4000  }
0x11a: {  	[sflag:s16] =	ssyncset.done $0x0  }
0x11b: {  	[sflag:s16] =	ssyncadd.s32 $0xFFFFC000  }
0x11c: {  	[tilespmem:s12], [sflag:$0x2] =	stream.indirect.gather [spmem:s2], $0x80, s19, s10, $0xb8;
	[tilespmem:$0x1C400] =	vst v63  }
0x11d: {  	_ =	swait.ge [sflag:s13], $0x4000  }
0x11e: {  	[sflag:s13] =	ssyncset.done $0x0  }
0x11f: {  	s31 =	sadd.s32 $0x7000, s23;
	[sflag:s13] =	ssyncadd.s32 $0xFFFFC000  }
0x120: {  	[hbm4b:s31+s3] =	stream.linear.scatter [tilespmem:s11], [sflag:$0x3], $0x4000, $0x38;
	[tilespmem:$0x1C400] =	vst v63  }
0x121: {  	_ =	swait.ge [sflag:s14], $0x4000  }
0x122: {  	[sflag:s14] =	ssyncset.done $0x0  }
0x123: {  	[sflag:s14] =	ssyncadd.s32 $0xFFFFC000  }
0x124: {  	p0 =	sne.s32 s21, $0x20000;
	_ =	swait.ge [sflag:s15], $0x4000  }
.Ltmp0:
0x125: {  	[sflag:s15] =	ssyncset.done $0x0;
	(pc) =	sbr.rel @p0 .LBB2_2-.Ltmp0, $4  }
0x126: {  	s23 =	sadd.s32 $0x7800, s23;
	[sflag:s15] =	ssyncadd.s32 $0xFFFFC000  }
0x127: {  	[hbm4b:s23+s3] =	stream.linear.scatter [tilespmem:s12], [sflag:$0x4], $0x4000, $0x38;
	[tilespmem:$0x1C400] =	vst v63  }
0x128: {  	_ =	swait.ge [sflag:s16], $0x4000  }
0x129: {  	s21 =	sadd.s32 $0x8000, s21;
	[sflag:s16] =	ssyncset.done $0x0  }
0x12a: {  	s20 =	sadd.s32 $0x1, s20  }
0x12b: {  	p0 =	sne.s32 s20, s6  }
.Ltmp1:
0x12c: {  	_ = 	snop;
	(pc) =	sbr.rel @p0 .LBB2_1-.Ltmp1, $2  }
0x12d: {  	_ =	sdelay $0x2  }
0x12e: {  	[sflag:s16] =	ssyncadd.s32 $0xFFFFC000  }
0x12f: {  	_ =	sfence.sel $0x180000  }
0x130: {  	[bflag:$0x0] =	sbarrier.arrive $0xFFFF  }
0x131: {  	p0 =	sne.s32 s0, $0x0;
	_ =	strace $0x90000047  }
0x132: {  	s0 =	sadd.s32 @!p0 $0x100000, s1;
	[bflag:$0x2] =	sbarrier.arrive $0xFFFF  }
0x133: {  	[sflag:s0] =	ssyncadd.tile.s32 @!p0 $0x1;
	_ =	shalt  }
.Lfunc_end2:
_tile_overlayer_lowered:
.L_overlay_start_2:
0x134: {  	(tag) =	ssettag $0x2  }
0x135: {  	s0 =	rddreg [dreg:$0x0];
	s2 =	stileid.u32  }
0x136: {  	s1 =	rddreg [dreg:$0x1];
	p0 =	sne.s32 s2, $0x0  }
0x137: {  	s3 =	rddreg [dreg:$0x2];
	[bflag:$0x3] =	sbarrier.arrive $0xFFFF;
	s2 =	simm.s32 @!p0 $0x1C05  }
0x138: {  	[timem:s3], [sflag:s2] =	dma.local @!p0 [hbm:s0], s1  }
0x139: {  	s0 =	simm.s32 @!p0 $0x5  }
0x13a: {  	_ =	swait.ge @!p0 [sflag:s0], s1  }
0x13b: {  	s1 =	ssub.s32 @!p0 $0x0, s1;
	[sflag:s0] =	ssyncset.done @!p0 $0x0  }
0x13c: {  	[sflag:s0] =	ssyncadd.s32 @!p0 s1  }
0x13d: {  	[bflag:$0x3] =	sbarrier.arrive $0xFFFF  }
0x13e: {  	_ =	shalt  }

// kernel: kernel.13.cloned.1.call-start
scs
__scs_entry_jumppad:
0x0: {  	(pc) =	sbr.rel $0x88, $3  }
0x1: {  	(tag) =	ssettag $0x0;
	lr =	simm.s32 $0x1  }
0x2: {  	[smem:$0x3F99] =	sst lr;
	_ =	strace $0xD0000000  }
0x3: {  	_ = 	snop  }
0x4: {  	_ = 	snop  }
0x5: {  	_ = 	snop  }
0x6: {  	_ = 	snop  }
0x7: {  	_ = 	snop  }
__scs_overlays_trampoline_lowered:
0x8: {  	[smem:$0x3FA8] =	sst s0  }
0x9: {  	[smem:$0x3FA9] =	sst s1  }
0xa: {  	[smem:$0x3FAA] =	sst s2  }
0xb: {  	[smem:$0x3FAB] =	sst s3  }
0xc: {  	[smem:$0x3FAC] =	sst s4  }
0xd: {  	[smem:$0x3FAD] =	sst s5  }
0xe: {  	[smem:$0x3FAE] =	sst s6  }
0xf: {  	[smem:$0x3FAF] =	sst s7  }
0x10: {  	[smem:$0x3FB0] =	sst s8  }
0x11: {  	[smem:$0x3FB1] =	sst s9;
	s0 =	simm.s32 @!p0 $0x0  }
0x12: {  	s1 =	sld [smem:$0x3F97];
	s0 =	simm.s32 @p0 $0x1  }
0x13: {  	[smem:$0x3FB2] =	sst s0;
	s0 =	simm.s32 @!p1 $0x0  }
0x14: {  	s2 =	sld [smem:$0x3F96];
	s0 =	simm.s32 @p1 $0x1  }
0x15: {  	[smem:$0x3FB3] =	sst s0;
	s0 =	simm.s32 @!p2 $0x0  }
0x16: {  	s3 =	sld [smem:$0x3FDB];
	s0 =	simm.s32 @p2 $0x1  }
0x17: {  	s4 =	simm.s32 $0x1BF5;
	[smem:$0x3FB5] =	sst s0  }
0x18: {  	s0 =	sld [smem:$0x3F98];
	_ =	swait.ge [sflag:s4], $0x0  }
0x19: {  	s7 =	sld [smem:$0x3F99]  }
0x1a: {  	s8 =	sadd.s32 $0xFFFFE003, lr  }
0x1b: {  	s9 =	sadd.s32 $0xFFFFFEF7, lr;
	s5 =	simm.s32 $0xFFFFFFFF;
	p2 =	slt.u32 s8, $0xFFFFF086  }
0x1c: {  	p1 =	slt.u32 s9, $0xF7A;
	s5 =	simm.s32 @!p2 $0x0  }
0x1d: {  	s5 =	simm.s32 @p1 $0x1;
	p0 =	seq.s32 s7, s2  }
0x1e: {  	s7 =	smul.u32 @!p0 $0xF7A, s2;
	p2 =	seq.s32 @!p0 s5, $0x0  }
0x1f: {  	s9 =	smul.u32 $0xF7A, s1;
	s8 =	simm.s32 @!p0 $0x1BF5;
	p2 =	por !p2, p0  }
0x20: {  	[sflag:s8] =	ssyncset.s32 @!p0 $0xFFFFF086;
	s6 =	sadd.s32 @!p0 s3, s7;
	s7 =	simm.s32 @!p0 $0x108  }
0x21: {  	s3 =	sadd.s32 s3, s9;
	s6 =	sadd.s32 @!p0 $0x88, s6;
	s7 =	simm.s32 @p2 $0x1082  }
0x22: {  	[simem:s7], [sflag:s8] =	dma.local @!p0 [hbm:s6], $0xF7A  }
0x23: {  	s9 =	sor.u32 $0xD0000000, s2;
	s6 =	simm.s32 $0x108;
	_ =	swait.ge @!p0 [sflag:s8], $0x0  }
0x24: {  	s3 =	sadd.s32 $0x88, s3;
	s6 =	simm.s32 @!p1 $0x1082;
	[sflag:s4] =	ssyncset.s32 $0xFFFFF086  }
0x25: {  	[simem:s6], [sflag:s4] =	dma.local [hbm:s3], $0xF7A  }
0x26: {  	[smem:$0x3F99] =	sst s1;
	(tag) =	ssettag s2;
	_ =	strace s9  }
0x27: {  	s1 =	sld [smem:$0x3FA9]  }
0x28: {  	s2 =	sld [smem:$0x3FAA]  }
0x29: {  	s4 =	sld [smem:$0x3FAC]  }
0x2a: {  	p0 =	seq.s32 s5, $0x0;
	s5 =	sld [smem:$0x3FAD]  }
0x2b: {  	s6 =	sld [smem:$0x3FAE]  }
0x2c: {  	s7 =	sld [smem:$0x3FAF]  }
0x2d: {  	s3 =	simm.s32 $0x108;
	s8 =	sld [smem:$0x3FB0]  }
0x2e: {  	s3 =	simm.s32 @!p0 $0x1082;
	s9 =	sld [smem:$0x3FB1]  }
0x2f: {  	lr =	sadd.s32 s0, s3;
	s0 =	sld [smem:$0x3FA8]  }
0x30: {  	s3 =	sld [smem:$0x3FAB]  }
0x31: {  	[smem:$0x3FB4] =	sst s10  }
0x32: {  	s10 =	sld [smem:$0x3FB2];
	_ =	sdelay $0x3  }
0x33: {  	p0 =	seq.s32 s10, $0x1;
	s10 =	sld [smem:$0x3FB4];
	_ =	sdelay $0x3  }
0x34: {  	[smem:$0x3FB4] =	sst s10  }
0x35: {  	s10 =	sld [smem:$0x3FB3];
	_ =	sdelay $0x3  }
0x36: {  	p1 =	seq.s32 s10, $0x1;
	s10 =	sld [smem:$0x3FB4];
	_ =	sdelay $0x3  }
0x37: {  	[smem:$0x3FB4] =	sst s10  }
0x38: {  	s10 =	sld [smem:$0x3FB5]  }
0x39: {  	_ = 	snop;
	(pc) =	sbr.ind lr, $3  }
0x3a: {  	_ = 	snop  }
0x3b: {  	_ = 	snop  }
0x3c: {  	p2 =	seq.s32 s10, $0x1;
	s10 =	sld [smem:$0x3FB4]  }
0x3d: {  	_ =	shalt  }
0x3e: {  	_ =	shalt  }
0x3f: {  	_ =	shalt  }
0x40: {  	_ =	shalt  }
0x41: {  	_ =	shalt  }
0x42: {  	_ =	shalt  }
0x43: {  	_ =	shalt  }
0x44: {  	_ =	shalt  }
0x45: {  	_ =	shalt  }
0x46: {  	_ =	shalt  }
0x47: {  	_ =	shalt  }
0x48: {  	_ =	shalt  }
0x49: {  	_ =	shalt  }
0x4a: {  	_ =	shalt  }
0x4b: {  	_ =	shalt  }
0x4c: {  	_ =	shalt  }
0x4d: {  	_ =	shalt  }
0x4e: {  	_ =	shalt  }
0x4f: {  	_ =	shalt  }
0x50: {  	_ =	shalt  }
0x51: {  	_ =	shalt  }
0x52: {  	_ =	shalt  }
0x53: {  	_ =	shalt  }
0x54: {  	_ =	shalt  }
0x55: {  	_ =	shalt  }
0x56: {  	_ =	shalt  }
0x57: {  	_ =	shalt  }
0x58: {  	_ =	shalt  }
0x59: {  	_ =	shalt  }
0x5a: {  	_ =	shalt  }
0x5b: {  	_ =	shalt  }
0x5c: {  	_ =	shalt  }
0x5d: {  	_ =	shalt  }
0x5e: {  	_ =	shalt  }
0x5f: {  	_ =	shalt  }
0x60: {  	_ =	shalt  }
0x61: {  	_ =	shalt  }
0x62: {  	_ =	shalt  }
0x63: {  	_ =	shalt  }
0x64: {  	_ =	shalt  }
0x65: {  	_ =	shalt  }
0x66: {  	_ =	shalt  }
0x67: {  	_ =	shalt  }
0x68: {  	_ =	shalt  }
0x69: {  	_ =	shalt  }
0x6a: {  	_ =	shalt  }
0x6b: {  	_ =	shalt  }
0x6c: {  	_ =	shalt  }
0x6d: {  	_ =	shalt  }
0x6e: {  	_ =	shalt  }
0x6f: {  	_ =	shalt  }
0x70: {  	_ =	shalt  }
0x71: {  	_ =	shalt  }
0x72: {  	_ =	shalt  }
0x73: {  	_ =	shalt  }
0x74: {  	_ =	shalt  }
0x75: {  	_ =	shalt  }
0x76: {  	_ =	shalt  }
0x77: {  	_ =	shalt  }
0x78: {  	_ =	shalt  }
0x79: {  	_ =	shalt  }
0x7a: {  	_ =	shalt  }
0x7b: {  	_ =	shalt  }
0x7c: {  	_ =	shalt  }
0x7d: {  	_ =	shalt  }
0x7e: {  	_ =	shalt  }
0x7f: {  	_ =	shalt  }
0x80: {  	_ =	shalt  }
0x81: {  	_ =	shalt  }
0x82: {  	_ =	shalt  }
0x83: {  	_ =	shalt  }
0x84: {  	_ =	shalt  }
0x85: {  	_ =	shalt  }
0x86: {  	_ =	shalt  }
0x87: {  	_ =	shalt  }
.Lfunc_end0:
.L_simem_size_0:
called_computation.1_lowered:
.L_overlay_start_0:
0x88: {  	s2 =	sld [smem:$0x3FD9]  }
0x89: {  	s3 =	sld [smem:$0x3FFE];
	_ =	sdelay $0x1  }
0x8a: {  	s1 =	srdreg.scid  }
0x8b: {  	s0 =	sand.u32 $0x1, s1  }
0x8c: {  	s16 =	sshll.u32 s0, $0xA;
	s2 =	sadd.s32 s3, s2  }
0x8d: {  	s2 =	sadd.s32 s2, s16  }
0x8e: {  	[smem:$0x3FC0] =	sst s2  }
0x8f: {  	_ = 	snop  }
0x90: {  	(tm) =	ssettm $0x1  }
0x91: {  	s17 =	sld [smem:$0x3FFB];
	_ =	sdelay $0x3  }
0x92: {  	_ =	strace s17  }
0x93: {  	s2 =	sld [smem:$0x3FFC];
	_ =	sdelay $0x3  }
0x94: {  	_ =	strace s2  }
0x95: {  	s2 =	sld [smem:$0x3FFD];
	_ =	sdelay $0x3  }
0x96: {  	_ =	strace s2  }
0x97: {  	_ =	strace $0x8FFFFFFF  }
0x98: {  	s18 =	sld [smem:$0x3FDB];
	_ =	sdelay $0x1  }
0x99: {  	s19 =	simm.s32 $_scs_section_size  }
0x9a: {  	s4 =	simm.s32 $_size__tile_overlayer_lowered;
	s5 =	simm.s32 $_tile_overlayer_lowered  }
0x9b: {  	s22 =	simm.s32 $0x1BFF;
	s21 =	sshll.u32 s5, $0x1;
	s2 =	sadd.s32 s19, s18  }
0x9c: {  	s6 =	simm.s32 $0x0;
	s20 =	sshll.u32 s4, $0x1;
	s4 =	sadd.s32 s21, s2  }
0x9d: {  	[timem:s6], [sflag:s22] =	dma.local [hbm:s4], s20  }
0x9e: {  	_ =	swait.ge [sflag:s22], s20  }
0x9f: {  	s3 =	ssub.s32 $0x0, s20;
	[sflag:s22] =	ssyncset.done $0x0  }
0xa0: {  	[sflag:s22] =	ssyncadd.s32 s3;
	_ =	sdelay $0x1  }
0xa1: {  	s23 =	simm.s32 $0x1B8B  }
0xa2: {  	_ =	swait.ge [sflag:s23], $0x1  }
0xa3: {  	[sflag:s23] =	ssyncset.done $0x0  }
0xa4: {  	s25 =	simm.s32 $0x1B8E;
	s24 =	sld [smem:$0x3FFE];
	[sflag:s23] =	ssyncadd.s32 $0xFFFFFFFF  }
0xa5: {  	s26 =	simm.s32 $execute0_lowered;
	[smem:$0x3FD2] =	sst s25  }
0xa6: {  	s4 =	sshll.u32 s26, $0x1;
	_ =	strace $0x80000049;
	[dreg:$0x1] =	wrdreg $0xFFFFFFFF  }
0xa7: {  	s28 =	simm.s32 $_size_execute0_lowered;
	s2 =	sadd.s32 s2, s4;
	[dreg:$0x0] =	wrdreg $0x0  }
0xa8: {  	s4 =	sshll.u32 s28, $0x1;
	[dreg:$0x2] =	wrdreg s2  }
0xa9: {  	[dreg:$0x3] =	wrdreg s4  }
0xaa: {  	[dreg:$0x4] =	wrdreg $0xC0  }
0xab: {  	_ =	task [dreg:s6], $0x5FFFF  }
0xac: {  	[dreg:$0x1] =	wrdreg $0xFFFFFFFF  }
0xad: {  	[dreg:$0x0] =	wrdreg $0x60  }
0xae: {  	[dreg:$0x2] =	wrdreg s24  }
0xaf: {  	[dreg:$0x3] =	wrdreg $0xAF800  }
0xb0: {  	[dreg:$0x4] =	wrdreg $0x9  }
0xb1: {  	_ =	task.clear_ibuf [dreg:s6], $0x5FFFF;
	_ =	strace $0x90000049  }
0xb2: {  	s29 =	simm.s32 $0x9;
	_ =	strace $0x8000004B  }
0xb3: {  	_ =	swait.ge [sflag:s29], $0x1  }
0xb4: {  	[sflag:s29] =	ssyncadd.s32 $0xFFFFFFFF  }
0xb5: {  	_ =	strace $0x9000004B  }
0xb6: {  	_ =	sfence  }
0xb7: {  	s30 =	sld [smem:$0x0];
	_ =	sdelay $0x2  }
0xb8: {  	s31 =	sshll.u32 s1, $0xD;
	s1 =	sshrl.u32 s1, $0x2  }
0xb9: {  	s3 =	sand.u32 $0x4000, s31;
	s1 =	sadd.s32 s1, s30  }
0xba: {  	s0 =	sor.u32 s3, s0;
	s1 =	sshll.u32 s1, $0x11  }
0xbb: {  	s0 =	sor.u32 s1, s0  }
0xbc: {  	s0 =	sadd.s32 $0x8F2B, s0  }
0xbd: {  	[sflag:s0] =	ssyncadd.remote.s32 $0x1  }
0xbe: {  	_ =	sfence.sel $0xFFFF  }
0xbf: {  	[dreg:$0x0] =	wrdreg $0xFFFFFFFF;
	(pc) =	sbr.abs _section_cstart, $3  }
0xc0: {  	[dreg:$0x1] =	wrdreg $0xFFFFFFFF  }
0xc1: {  	_ =	task.clear_ibuf [dreg:s6], $0x2FFFF;
	_ =	strace $0x9FFFFFFF  }
0xc2: {  	(tm) =	ssettm $0x7FFFFFFF  }
0xc3: {  	_ =	shalt  }
tec
execute0_lowered:
.L_overlay_start_1:
0x0: {  	(tag) =	ssettag $0x1  }
0x1: {  	s4 =	rddreg [dreg:$0x0]  }
0x2: {  	s1 =	rddreg [dreg:$0x1];
	s2 =	srdreg.scid  }
0x3: {  	s0 =	rddreg [dreg:$0x2];
	s3 =	simm.s32 $0x0;
	s23 =	simm.s32 $0x100  }
0x4: {  	s24 =	simm.s32 $0x180;
	s25 =	simm.s32 $0x200;
	s5 =	sand.u32 $0x1, s2  }
0x5: {  	s26 =	simm.s32 $0x280;
	s2 =	stileid.u32;
	s6 =	smul.u32 $0x28000, s5  }
0x6: {  	s28 =	simm.s32 $0x300;
	[smem:$0x7FF] =	sst s3;
	s7 =	smul.u32 $0x2800, s2  }
0x7: {  	_ =	strace $0x8000004A;
	s16 =	smul.u32 $0x13C00, s2;
	[dreg:$0x5] =	wrdreg s23  }
0x8: {  	s29 =	simm.s32 $0x380;
	s10 =	smul.u32 $0x13C000, s5;
	[dreg:$0x6] =	wrdreg s24  }
0x9: {  	s30 =	simm.s32 $0x400;
	s18 =	smul.u32 $0x4F000, s2;
	[dreg:$0x7] =	wrdreg s25  }
0xa: {  	s31 =	simm.s32 $0x480;
	s13 =	smul.u32 $0x1400000, s5;
	[dreg:$0x8] =	wrdreg s26  }
0xb: {  	s9 =	sshll.u32 s5, $0x4;
	s15 =	smul.u32 $0x140000, s2;
	[dreg:$0x9] =	wrdreg s28  }
0xc: {  	s12 =	ssub.s32 $0x2, s5;
	s5 =	smul.u32 $0x280000, s5;
	[dreg:$0xa] =	wrdreg s29  }
0xd: {  	s8 =	sadd.s32 $0x3E800, s4;
	s21 =	smul.u32 $0x28000, s2;
	[dreg:$0xb] =	wrdreg s30  }
0xe: {  	s22 =	sshll.u32 s2, $0x6;
	[dreg:$0xc] =	wrdreg s31;
	s9 =	sor.u32 s2, s9  }
0xf: {  	s14 =	sshrl.u32 s12, $0x1;
	s6 =	sadd.s32 s7, s6;
	s17 =	sshrl.u32 s16, $0x3  }
0x10: {  	s9 =	smul.u32 $0x4F0, s9;
	s7 =	sadd.s32 s16, s10;
	s12 =	ssub.s32 s12, s14  }
0x11: {  	s19 =	sshrl.u32 s18, $0x2;
	s13 =	sadd.s32 s15, s13;
	s14 =	simm.s32 $0x1  }
0x12: {  	s16 =	simm.s32 $0x500;
	s15 =	simm.s32 $0x80;
	s18 =	simm.s32 $0x600  }
0x13: {  	s6 =	sshrl.u32 s6, $0x3;
	s7 =	sshrl.u32 s7, $0x3;
	s10 =	sadd.s32 s19, s1  }
0x14: {  	s20 =	sshrl.u32 s13, $0x3;
	s13 =	simm.s32 $0x4800;
	[dreg:$0xd] =	wrdreg s16  }
0x15: {  	s16 =	simm.s32 $0x8800;
	[dreg:$0xf] =	wrdreg s18;
	s18 =	simm.s32 $0x2  }
0x16: {  	s19 =	simm.s32 $0x4;
	s11 =	sadd.s32 s6, s4;
	s6 =	sadd.s32 s17, s4  }
0x17: {  	s7 =	sadd.s32 s7, s4;
	s9 =	sadd.s32 s9, s4;
	s10 =	sshrl.u32 s10, $0x3  }
0x18: {  	s17 =	simm.s32 $0x580;
	s4 =	sadd.s32 $0x17000, s6;
	s6 =	sadd.s32 s20, s8  }
0x19: {  	s8 =	sadd.s32 s5, s8;
	s5 =	sor.u32 $0x1C05, s22;
	[dreg:$0xe] =	wrdreg s17  }
0x1a: {  	s17 =	simm.s32 $0x3;
	s20 =	simm.s32 $0x680;
	s22 =	simm.s32 $0x0  }
0x1b: {  	[dreg:$0x3] =	wrdreg s6;
	s8 =	sadd.s32 s21, s8;
	s6 =	sadd.s32 $0x552600, s7  }
0x1c: {  	s7 =	sadd.s32 $0x548800, s9;
	s9 =	sadd.s32 $0x53E800, s11;
	s11 =	simm.s32 $0x5  }
0x1d: {  	[dreg:$0x10] =	wrdreg s20;
	s20 =	simm.s32 $0x700;
	s21 =	simm.s32 $0x780  }
0x1e: {  	v0 =	vimm.f32 $0.0e+00;
	v1 =	vimm.f32 $1.000000000e+00;
	[dreg:$0x4] =	wrdreg s8;
	s8 =	smax.u32 s12, $0x1;
	s12 =	simm.s32 $0x800  }
.LBB2_1:
0x1f: {  	[spmem:s10], [sflag:s5] =	dma.local [hbm:s4], $0x2780  }
0x20: {  	_ =	swait.ge [sflag:s11], $0x2780  }
0x21: {  	[sflag:s11] =	ssyncset.done $0x0  }
0x22: {  	s23 =	simm.s32 $0x40;
	s24 =	simm.s32 $0x0;
	[sflag:s11] =	ssyncadd.s32 $0xFFFFD880  }
.LBB2_2:
0x23: {  	p0 =	sne.s32 s23, $0x9DC0;
	[tilespmem:s24+$0x8800] =	vst v0;
	s24 =	smov.u32 s23;
	s23 =	sadd.s32 $0x40, s23  }
.Ltmp0:
0x24: {  	(pc) =	sbr.rel @p0 .LBB2_2-.Ltmp0, $2  }
0x25: {  	_ =	sdelay $0x2  }
0x26: {  	s24 =	sshra.s32 s24, $0x2  }
0x27: {  	[tilespmem:s24+$0x8800] =	vst v0  }
0x28: {  	s23 =	simm.s32 $0x0;
	s24 =	smov.u32 s9;
	[bflag:$0x0] =	sbarrier.arrive $0xFFFF  }
.LBB2_4:
0x29: {  	[tilespmem:s3], [sflag:$0x5] =	stream.linear.gather [hbm4b:s24+s3], $0x800, $0x38;
	[tilespmem:$0x1EB80] =	vst v63  }
0x2a: {  	_ =	swait.ge [sflag:s11], $0x800  }
0x2b: {  	s25 =	rddreg [dreg:$0x3];
	[sflag:s11] =	ssyncset.done $0x0  }
0x2c: {  	s26 =	rddreg [dreg:$0x4];
	[sflag:s11] =	ssyncadd.s32 $0xFFFFF800;
	s25 =	sadd.s32 s23, s25  }
0x2d: {  	[tilespmem:s12], [sflag:$0x1] =	stream.linear.gather [hbm4b:s25+s3], $0x4000, $0x38;
	[tilespmem:$0x1EB80] =	vst v63  }
0x2e: {  	s25 =	sadd.s32 s23, s26  }
0x2f: {  	s26 =	sadd.s32 $0x800, s25  }
0x30: {  	[tilespmem:s13], [sflag:$0x2] =	stream.linear.gather [hbm4b:s26+s3], $0x4000, $0x38;
	[tilespmem:$0x1EB80] =	vst v63  }
0x31: {  	_ =	swait.ge [sflag:s14], $0x4000  }
0x32: {  	[sflag:s14] =	ssyncset.done $0x0  }
0x33: {  	[sflag:s14] =	ssyncadd.s32 $0xFFFFC000  }
0x34: {  	[spmem:s1] =	stream.indirect.scatter.add.f32 [tilespmem:s12], [sflag:$0x3], $0x80, s3, s15, $0xb8;
	[tilespmem:$0x1EB80] =	vst v63  }
0x35: {  	v2 =	vld [tilespmem:$0x0];
	_ =	sdelay $0x7  }
0x36: {  	[tilespmem:v2+s16+$0x0] =	vst.idx.add.f32.msk $0xffff, v1  }
0x37: {  	v2 =	vld [tilespmem:$0x10];
	_ =	sdelay $0x7  }
0x38: {  	[tilespmem:v2+s16+$0x0] =	vst.idx.add.f32.msk $0xffff, v1  }
0x39: {  	v2 =	vld [tilespmem:$0x20];
	_ =	sdelay $0x7  }
0x3a: {  	[tilespmem:v2+s16+$0x0] =	vst.idx.add.f32.msk $0xffff, v1  }
0x3b: {  	v2 =	vld [tilespmem:$0x30];
	_ =	sdelay $0x7  }
0x3c: {  	[tilespmem:v2+s16+$0x0] =	vst.idx.add.f32.msk $0xffff, v1  }
0x3d: {  	v2 =	vld [tilespmem:$0x40];
	_ =	sdelay $0x7  }
0x3e: {  	[tilespmem:v2+s16+$0x0] =	vst.idx.add.f32.msk $0xffff, v1  }
0x3f: {  	v2 =	vld [tilespmem:$0x50];
	_ =	sdelay $0x7  }
0x40: {  	[tilespmem:v2+s16+$0x0] =	vst.idx.add.f32.msk $0xffff, v1  }
0x41: {  	v2 =	vld [tilespmem:$0x60];
	_ =	sdelay $0x7  }
0x42: {  	[tilespmem:v2+s16+$0x0] =	vst.idx.add.f32.msk $0xffff, v1  }
0x43: {  	v2 =	vld [tilespmem:$0x70];
	_ =	sdelay $0x7  }
0x44: {  	[tilespmem:v2+s16+$0x0] =	vst.idx.add.f32.msk $0xffff, v1  }
0x45: {  	_ =	swait.ge [sflag:s17], $0x4000  }
0x46: {  	[sflag:s17] =	ssyncset.done $0x0  }
0x47: {  	s31 =	sadd.s32 $0x1000, s25;
	[sflag:s17] =	ssyncadd.s32 $0xFFFFC000  }
0x48: {  	[tilespmem:s12], [sflag:$0x1] =	stream.linear.gather [hbm4b:s31+s3], $0x4000, $0x38;
	[tilespmem:$0x1EB80] =	vst v63  }
0x49: {  	_ =	swait.ge [sflag:s18], $0x4000  }
0x4a: {  	[sflag:s18] =	ssyncset.done $0x0  }
0x4b: {  	[sflag:s18] =	ssyncadd.s32 $0xFFFFC000  }
0x4c: {  	[spmem:s1] =	stream.indirect.scatter.add.f32 [tilespmem:s13], [sflag:$0x4], $0x80, s15, s15, $0xb8;
	[tilespmem:$0x1EB80] =	vst v63  }
0x4d: {  	v2 =	vld [tilespmem:$0x80];
	_ =	sdelay $0x7  }
0x4e: {  	[tilespmem:v2+s16+$0x0] =	vst.idx.add.f32.msk $0xffff, v1  }
0x4f: {  	v2 =	vld [tilespmem:$0x90];
	_ =	sdelay $0x7  }
0x50: {  	[tilespmem:v2+s16+$0x0] =	vst.idx.add.f32.msk $0xffff, v1  }
0x51: {  	v2 =	vld [tilespmem:$0xA0];
	_ =	sdelay $0x7  }
0x52: {  	[tilespmem:v2+s16+$0x0] =	vst.idx.add.f32.msk $0xffff, v1  }
0x53: {  	v2 =	vld [tilespmem:$0xB0];
	_ =	sdelay $0x7  }
0x54: {  	[tilespmem:v2+s16+$0x0] =	vst.idx.add.f32.msk $0xffff, v1  }
0x55: {  	v2 =	vld [tilespmem:$0xC0];
	_ =	sdelay $0x7  }
0x56: {  	[tilespmem:v2+s16+$0x0] =	vst.idx.add.f32.msk $0xffff, v1  }
0x57: {  	v2 =	vld [tilespmem:$0xD0];
	_ =	sdelay $0x7  }
0x58: {  	[tilespmem:v2+s16+$0x0] =	vst.idx.add.f32.msk $0xffff, v1  }
0x59: {  	v2 =	vld [tilespmem:$0xE0];
	_ =	sdelay $0x7  }
0x5a: {  	[tilespmem:v2+s16+$0x0] =	vst.idx.add.f32.msk $0xffff, v1  }
0x5b: {  	v2 =	vld [tilespmem:$0xF0];
	_ =	sdelay $0x7  }
0x5c: {  	[tilespmem:v2+s16+$0x0] =	vst.idx.add.f32.msk $0xffff, v1  }
0x5d: {  	_ =	swait.ge [sflag:s19], $0x4000  }
0x5e: {  	[sflag:s19] =	ssyncset.done $0x0  }
0x5f: {  	s28 =	sadd.s32 $0x1800, s25;
	[sflag:s19] =	ssyncadd.s32 $0xFFFFC000  }
0x60: {  	[tilespmem:s13], [sflag:$0x2] =	stream.linear.gather [hbm4b:s28+s3], $0x4000, $0x38;
	[tilespmem:$0x1EB80] =	vst v63  }
0x61: {  	_ =	swait.ge [sflag:s14], $0x4000  }
0x62: {  	[sflag:s14] =	ssyncset.done $0x0  }
0x63: {  	s29 =	rddreg [dreg:$0x5];
	[sflag:s14] =	ssyncadd.s32 $0xFFFFC000  }
0x64: {  	[spmem:s1] =	stream.indirect.scatter.add.f32 [tilespmem:s12], [sflag:$0x3], $0x80, s29, s15, $0xb8;
	[tilespmem:$0x1EB80] =	vst v63  }
0x65: {  	v2 =	vld [tilespmem:$0x100];
	_ =	sdelay $0x7  }
0x66: {  	[tilespmem:v2+s16+$0x0] =	vst.idx.add.f32.msk $0xffff, v1  }
0x67: {  	v2 =	vld [tilespmem:$0x110];
	_ =	sdelay $0x7  }
0x68: {  	[tilespmem:v2+s16+$0x0] =	vst.idx.add.f32.msk $0xffff, v1  }
0x69: {  	v2 =	vld [tilespmem:$0x120];
	_ =	sdelay $0x7  }
0x6a: {  	[tilespmem:v2+s16+$0x0] =	vst.idx.add.f32.msk $0xffff, v1  }
0x6b: {  	v2 =	vld [tilespmem:$0x130];
	_ =	sdelay $0x7  }
0x6c: {  	[tilespmem:v2+s16+$0x0] =	vst.idx.add.f32.msk $0xffff, v1  }
0x6d: {  	v2 =	vld [tilespmem:$0x140];
	_ =	sdelay $0x7  }
0x6e: {  	[tilespmem:v2+s16+$0x0] =	vst.idx.add.f32.msk $0xffff, v1  }
0x6f: {  	v2 =	vld [tilespmem:$0x150];
	_ =	sdelay $0x7  }
0x70: {  	[tilespmem:v2+s16+$0x0] =	vst.idx.add.f32.msk $0xffff, v1  }
0x71: {  	v2 =	vld [tilespmem:$0x160];
	_ =	sdelay $0x7  }
0x72: {  	[tilespmem:v2+s16+$0x0] =	vst.idx.add.f32.msk $0xffff, v1  }
0x73: {  	v2 =	vld [tilespmem:$0x170];
	_ =	sdelay $0x7  }
0x74: {  	[tilespmem:v2+s16+$0x0] =	vst.idx.add.f32.msk $0xffff, v1  }
0x75: {  	_ =	swait.ge [sflag:s17], $0x4000  }
0x76: {  	[sflag:s17] =	ssyncset.done $0x0  }
0x77: {  	s30 =	sadd.s32 $0x2000, s25;
	[sflag:s17] =	ssyncadd.s32 $0xFFFFC000  }
0x78: {  	[tilespmem:s12], [sflag:$0x1] =	stream.linear.gather [hbm4b:s30+s3], $0x4000, $0x38;
	[tilespmem:$0x1EB80] =	vst v63  }
0x79: {  	_ =	swait.ge [sflag:s18], $0x4000  }
0x7a: {  	[sflag:s18] =	ssyncset.done $0x0  }
0x7b: {  	s31 =	rddreg [dreg:$0x6];
	[sflag:s18] =	ssyncadd.s32 $0xFFFFC000  }
0x7c: {  	[spmem:s1] =	stream.indirect.scatter.add.f32 [tilespmem:s13], [sflag:$0x4], $0x80, s31, s15, $0xb8;
	[tilespmem:$0x1EB80] =	vst v63  }
0x7d: {  	v2 =	vld [tilespmem:$0x180];
	_ =	sdelay $0x7  }
0x7e: {  	[tilespmem:v2+s16+$0x0] =	vst.idx.add.f32.msk $0xffff, v1  }
0x7f: {  	v2 =	vld [tilespmem:$0x190];
	_ =	sdelay $0x7  }
0x80: {  	[tilespmem:v2+s16+$0x0] =	vst.idx.add.f32.msk $0xffff, v1  }
0x81: {  	v2 =	vld [tilespmem:$0x1A0];
	_ =	sdelay $0x7  }
0x82: {  	[tilespmem:v2+s16+$0x0] =	vst.idx.add.f32.msk $0xffff, v1  }
0x83: {  	v2 =	vld [tilespmem:$0x1B0];
	_ =	sdelay $0x7  }
0x84: {  	[tilespmem:v2+s16+$0x0] =	vst.idx.add.f32.msk $0xffff, v1  }
0x85: {  	v2 =	vld [tilespmem:$0x1C0];
	_ =	sdelay $0x7  }
0x86: {  	[tilespmem:v2+s16+$0x0] =	vst.idx.add.f32.msk $0xffff, v1  }
0x87: {  	v2 =	vld [tilespmem:$0x1D0];
	_ =	sdelay $0x7  }
0x88: {  	[tilespmem:v2+s16+$0x0] =	vst.idx.add.f32.msk $0xffff, v1  }
0x89: {  	v2 =	vld [tilespmem:$0x1E0];
	_ =	sdelay $0x7  }
0x8a: {  	[tilespmem:v2+s16+$0x0] =	vst.idx.add.f32.msk $0xffff, v1  }
0x8b: {  	v2 =	vld [tilespmem:$0x1F0];
	_ =	sdelay $0x7  }
0x8c: {  	[tilespmem:v2+s16+$0x0] =	vst.idx.add.f32.msk $0xffff, v1  }
0x8d: {  	_ =	swait.ge [sflag:s19], $0x4000  }
0x8e: {  	[sflag:s19] =	ssyncset.done $0x0  }
0x8f: {  	s28 =	sadd.s32 $0x2800, s25;
	[sflag:s19] =	ssyncadd.s32 $0xFFFFC000  }
0x90: {  	[tilespmem:s13], [sflag:$0x2] =	stream.linear.gather [hbm4b:s28+s3], $0x4000, $0x38;
	[tilespmem:$0x1EB80] =	vst v63  }
0x91: {  	_ =	swait.ge [sflag:s14], $0x4000  }
0x92: {  	[sflag:s14] =	ssyncset.done $0x0  }
0x93: {  	s29 =	rddreg [dreg:$0x7];
	[sflag:s14] =	ssyncadd.s32 $0xFFFFC000  }
0x94: {  	[spmem:s1] =	stream.indirect.scatter.add.f32 [tilespmem:s12], [sflag:$0x3], $0x80, s29, s15, $0xb8;
	[tilespmem:$0x1EB80] =	vst v63  }
0x95: {  	v2 =	vld [tilespmem:$0x200];
	_ =	sdelay $0x7  }
0x96: {  	[tilespmem:v2+s16+$0x0] =	vst.idx.add.f32.msk $0xffff, v1  }
0x97: {  	v2 =	vld [tilespmem:$0x210];
	_ =	sdelay $0x7  }
0x98: {  	[tilespmem:v2+s16+$0x0] =	vst.idx.add.f32.msk $0xffff, v1  }
0x99: {  	v2 =	vld [tilespmem:$0x220];
	_ =	sdelay $0x7  }
0x9a: {  	[tilespmem:v2+s16+$0x0] =	vst.idx.add.f32.msk $0xffff, v1  }
0x9b: {  	v2 =	vld [tilespmem:$0x230];
	_ =	sdelay $0x7  }
0x9c: {  	[tilespmem:v2+s16+$0x0] =	vst.idx.add.f32.msk $0xffff, v1  }
0x9d: {  	v2 =	vld [tilespmem:$0x240];
	_ =	sdelay $0x7  }
0x9e: {  	[tilespmem:v2+s16+$0x0] =	vst.idx.add.f32.msk $0xffff, v1  }
0x9f: {  	v2 =	vld [tilespmem:$0x250];
	_ =	sdelay $0x7  }
0xa0: {  	[tilespmem:v2+s16+$0x0] =	vst.idx.add.f32.msk $0xffff, v1  }
0xa1: {  	v2 =	vld [tilespmem:$0x260];
	_ =	sdelay $0x7  }
0xa2: {  	[tilespmem:v2+s16+$0x0] =	vst.idx.add.f32.msk $0xffff, v1  }
0xa3: {  	v2 =	vld [tilespmem:$0x270];
	_ =	sdelay $0x7  }
0xa4: {  	[tilespmem:v2+s16+$0x0] =	vst.idx.add.f32.msk $0xffff, v1  }
0xa5: {  	_ =	swait.ge [sflag:s17], $0x4000  }
0xa6: {  	[sflag:s17] =	ssyncset.done $0x0  }
0xa7: {  	s30 =	sadd.s32 $0x3000, s25;
	[sflag:s17] =	ssyncadd.s32 $0xFFFFC000  }
0xa8: {  	[tilespmem:s12], [sflag:$0x1] =	stream.linear.gather [hbm4b:s30+s3], $0x4000, $0x38;
	[tilespmem:$0x1EB80] =	vst v63  }
0xa9: {  	_ =	swait.ge [sflag:s18], $0x4000  }
0xaa: {  	[sflag:s18] =	ssyncset.done $0x0  }
0xab: {  	s31 =	rddreg [dreg:$0x8];
	[sflag:s18] =	ssyncadd.s32 $0xFFFFC000  }
0xac: {  	[spmem:s1] =	stream.indirect.scatter.add.f32 [tilespmem:s13], [sflag:$0x4], $0x80, s31, s15, $0xb8;
	[tilespmem:$0x1EB80] =	vst v63  }
0xad: {  	v2 =	vld [tilespmem:$0x280];
	_ =	sdelay $0x7  }
0xae: {  	[tilespmem:v2+s16+$0x0] =	vst.idx.add.f32.msk $0xffff, v1  }
0xaf: {  	v2 =	vld [tilespmem:$0x290];
	_ =	sdelay $0x7  }
0xb0: {  	[tilespmem:v2+s16+$0x0] =	vst.idx.add.f32.msk $0xffff, v1  }
0xb1: {  	v2 =	vld [tilespmem:$0x2A0];
	_ =	sdelay $0x7  }
0xb2: {  	[tilespmem:v2+s16+$0x0] =	vst.idx.add.f32.msk $0xffff, v1  }
0xb3: {  	v2 =	vld [tilespmem:$0x2B0];
	_ =	sdelay $0x7  }
0xb4: {  	[tilespmem:v2+s16+$0x0] =	vst.idx.add.f32.msk $0xffff, v1  }
0xb5: {  	v2 =	vld [tilespmem:$0x2C0];
	_ =	sdelay $0x7  }
0xb6: {  	[tilespmem:v2+s16+$0x0] =	vst.idx.add.f32.msk $0xffff, v1  }
0xb7: {  	v2 =	vld [tilespmem:$0x2D0];
	_ =	sdelay $0x7  }
0xb8: {  	[tilespmem:v2+s16+$0x0] =	vst.idx.add.f32.msk $0xffff, v1  }
0xb9: {  	v2 =	vld [tilespmem:$0x2E0];
	_ =	sdelay $0x7  }
0xba: {  	[tilespmem:v2+s16+$0x0] =	vst.idx.add.f32.msk $0xffff, v1  }
0xbb: {  	v2 =	vld [tilespmem:$0x2F0];
	_ =	sdelay $0x7  }
0xbc: {  	[tilespmem:v2+s16+$0x0] =	vst.idx.add.f32.msk $0xffff, v1  }
0xbd: {  	_ =	swait.ge [sflag:s19], $0x4000  }
0xbe: {  	[sflag:s19] =	ssyncset.done $0x0  }
0xbf: {  	s28 =	sadd.s32 $0x3800, s25;
	[sflag:s19] =	ssyncadd.s32 $0xFFFFC000  }
0xc0: {  	[tilespmem:s13], [sflag:$0x2] =	stream.linear.gather [hbm4b:s28+s3], $0x4000, $0x38;
	[tilespmem:$0x1EB80] =	vst v63  }
0xc1: {  	_ =	swait.ge [sflag:s14], $0x4000  }
0xc2: {  	[sflag:s14] =	ssyncset.done $0x0  }
0xc3: {  	s29 =	rddreg [dreg:$0x9];
	[sflag:s14] =	ssyncadd.s32 $0xFFFFC000  }
0xc4: {  	[spmem:s1] =	stream.indirect.scatter.add.f32 [tilespmem:s12], [sflag:$0x3], $0x80, s29, s15, $0xb8;
	[tilespmem:$0x1EB80] =	vst v63  }
0xc5: {  	v2 =	vld [tilespmem:$0x300];
	_ =	sdelay $0x7  }
0xc6: {  	[tilespmem:v2+s16+$0x0] =	vst.idx.add.f32.msk $0xffff, v1  }
0xc7: {  	v2 =	vld [tilespmem:$0x310];
	_ =	sdelay $0x7  }
0xc8: {  	[tilespmem:v2+s16+$0x0] =	vst.idx.add.f32.msk $0xffff, v1  }
0xc9: {  	v2 =	vld [tilespmem:$0x320];
	_ =	sdelay $0x7  }
0xca: {  	[tilespmem:v2+s16+$0x0] =	vst.idx.add.f32.msk $0xffff, v1  }
0xcb: {  	v2 =	vld [tilespmem:$0x330];
	_ =	sdelay $0x7  }
0xcc: {  	[tilespmem:v2+s16+$0x0] =	vst.idx.add.f32.msk $0xffff, v1  }
0xcd: {  	v2 =	vld [tilespmem:$0x340];
	_ =	sdelay $0x7  }
0xce: {  	[tilespmem:v2+s16+$0x0] =	vst.idx.add.f32.msk $0xffff, v1  }
0xcf: {  	v2 =	vld [tilespmem:$0x350];
	_ =	sdelay $0x7  }
0xd0: {  	[tilespmem:v2+s16+$0x0] =	vst.idx.add.f32.msk $0xffff, v1  }
0xd1: {  	v2 =	vld [tilespmem:$0x360];
	_ =	sdelay $0x7  }
0xd2: {  	[tilespmem:v2+s16+$0x0] =	vst.idx.add.f32.msk $0xffff, v1  }
0xd3: {  	v2 =	vld [tilespmem:$0x370];
	_ =	sdelay $0x7  }
0xd4: {  	[tilespmem:v2+s16+$0x0] =	vst.idx.add.f32.msk $0xffff, v1  }
0xd5: {  	_ =	swait.ge [sflag:s17], $0x4000  }
0xd6: {  	[sflag:s17] =	ssyncset.done $0x0  }
0xd7: {  	s30 =	sadd.s32 $0x4000, s25;
	[sflag:s17] =	ssyncadd.s32 $0xFFFFC000  }
0xd8: {  	[tilespmem:s12], [sflag:$0x1] =	stream.linear.gather [hbm4b:s30+s3], $0x4000, $0x38;
	[tilespmem:$0x1EB80] =	vst v63  }
0xd9: {  	_ =	swait.ge [sflag:s18], $0x4000  }
0xda: {  	[sflag:s18] =	ssyncset.done $0x0  }
0xdb: {  	s31 =	rddreg [dreg:$0xa];
	[sflag:s18] =	ssyncadd.s32 $0xFFFFC000  }
0xdc: {  	[spmem:s1] =	stream.indirect.scatter.add.f32 [tilespmem:s13], [sflag:$0x4], $0x80, s31, s15, $0xb8;
	[tilespmem:$0x1EB80] =	vst v63  }
0xdd: {  	v2 =	vld [tilespmem:$0x380];
	_ =	sdelay $0x7  }
0xde: {  	[tilespmem:v2+s16+$0x0] =	vst.idx.add.f32.msk $0xffff, v1  }
0xdf: {  	v2 =	vld [tilespmem:$0x390];
	_ =	sdelay $0x7  }
0xe0: {  	[tilespmem:v2+s16+$0x0] =	vst.idx.add.f32.msk $0xffff, v1  }
0xe1: {  	v2 =	vld [tilespmem:$0x3A0];
	_ =	sdelay $0x7  }
0xe2: {  	[tilespmem:v2+s16+$0x0] =	vst.idx.add.f32.msk $0xffff, v1  }
0xe3: {  	v2 =	vld [tilespmem:$0x3B0];
	_ =	sdelay $0x7  }
0xe4: {  	[tilespmem:v2+s16+$0x0] =	vst.idx.add.f32.msk $0xffff, v1  }
0xe5: {  	v2 =	vld [tilespmem:$0x3C0];
	_ =	sdelay $0x7  }
0xe6: {  	[tilespmem:v2+s16+$0x0] =	vst.idx.add.f32.msk $0xffff, v1  }
0xe7: {  	v2 =	vld [tilespmem:$0x3D0];
	_ =	sdelay $0x7  }
0xe8: {  	[tilespmem:v2+s16+$0x0] =	vst.idx.add.f32.msk $0xffff, v1  }
0xe9: {  	v2 =	vld [tilespmem:$0x3E0];
	_ =	sdelay $0x7  }
0xea: {  	[tilespmem:v2+s16+$0x0] =	vst.idx.add.f32.msk $0xffff, v1  }
0xeb: {  	v2 =	vld [tilespmem:$0x3F0];
	_ =	sdelay $0x7  }
0xec: {  	[tilespmem:v2+s16+$0x0] =	vst.idx.add.f32.msk $0xffff, v1  }
0xed: {  	_ =	swait.ge [sflag:s19], $0x4000  }
0xee: {  	[sflag:s19] =	ssyncset.done $0x0  }
0xef: {  	s28 =	sadd.s32 $0x4800, s25;
	[sflag:s19] =	ssyncadd.s32 $0xFFFFC000  }
0xf0: {  	[tilespmem:s13], [sflag:$0x2] =	stream.linear.gather [hbm4b:s28+s3], $0x4000, $0x38;
	[tilespmem:$0x1EB80] =	vst v63  }
0xf1: {  	_ =	swait.ge [sflag:s14], $0x4000  }
0xf2: {  	[sflag:s14] =	ssyncset.done $0x0  }
0xf3: {  	s29 =	rddreg [dreg:$0xb];
	[sflag:s14] =	ssyncadd.s32 $0xFFFFC000  }
0xf4: {  	[spmem:s1] =	stream.indirect.scatter.add.f32 [tilespmem:s12], [sflag:$0x3], $0x80, s29, s15, $0xb8;
	[tilespmem:$0x1EB80] =	vst v63  }
0xf5: {  	v2 =	vld [tilespmem:$0x400];
	_ =	sdelay $0x7  }
0xf6: {  	[tilespmem:v2+s16+$0x0] =	vst.idx.add.f32.msk $0xffff, v1  }
0xf7: {  	v2 =	vld [tilespmem:$0x410];
	_ =	sdelay $0x7  }
0xf8: {  	[tilespmem:v2+s16+$0x0] =	vst.idx.add.f32.msk $0xffff, v1  }
0xf9: {  	v2 =	vld [tilespmem:$0x420];
	_ =	sdelay $0x7  }
0xfa: {  	[tilespmem:v2+s16+$0x0] =	vst.idx.add.f32.msk $0xffff, v1  }
0xfb: {  	v2 =	vld [tilespmem:$0x430];
	_ =	sdelay $0x7  }
0xfc: {  	[tilespmem:v2+s16+$0x0] =	vst.idx.add.f32.msk $0xffff, v1  }
0xfd: {  	v2 =	vld [tilespmem:$0x440];
	_ =	sdelay $0x7  }
0xfe: {  	[tilespmem:v2+s16+$0x0] =	vst.idx.add.f32.msk $0xffff, v1  }
0xff: {  	v2 =	vld [tilespmem:$0x450];
	_ =	sdelay $0x7  }
0x100: {  	[tilespmem:v2+s16+$0x0] =	vst.idx.add.f32.msk $0xffff, v1  }
0x101: {  	v2 =	vld [tilespmem:$0x460];
	_ =	sdelay $0x7  }
0x102: {  	[tilespmem:v2+s16+$0x0] =	vst.idx.add.f32.msk $0xffff, v1  }
0x103: {  	v2 =	vld [tilespmem:$0x470];
	_ =	sdelay $0x7  }
0x104: {  	[tilespmem:v2+s16+$0x0] =	vst.idx.add.f32.msk $0xffff, v1  }
0x105: {  	_ =	swait.ge [sflag:s17], $0x4000  }
0x106: {  	[sflag:s17] =	ssyncset.done $0x0  }
0x107: {  	s30 =	sadd.s32 $0x5000, s25;
	[sflag:s17] =	ssyncadd.s32 $0xFFFFC000  }
0x108: {  	[tilespmem:s12], [sflag:$0x1] =	stream.linear.gather [hbm4b:s30+s3], $0x4000, $0x38;
	[tilespmem:$0x1EB80] =	vst v63  }
0x109: {  	_ =	swait.ge [sflag:s18], $0x4000  }
0x10a: {  	[sflag:s18] =	ssyncset.done $0x0  }
0x10b: {  	s31 =	rddreg [dreg:$0xc];
	[sflag:s18] =	ssyncadd.s32 $0xFFFFC000  }
0x10c: {  	[spmem:s1] =	stream.indirect.scatter.add.f32 [tilespmem:s13], [sflag:$0x4], $0x80, s31, s15, $0xb8;
	[tilespmem:$0x1EB80] =	vst v63  }
0x10d: {  	v2 =	vld [tilespmem:$0x480];
	_ =	sdelay $0x7  }
0x10e: {  	[tilespmem:v2+s16+$0x0] =	vst.idx.add.f32.msk $0xffff, v1  }
0x10f: {  	v2 =	vld [tilespmem:$0x490];
	_ =	sdelay $0x7  }
0x110: {  	[tilespmem:v2+s16+$0x0] =	vst.idx.add.f32.msk $0xffff, v1  }
0x111: {  	v2 =	vld [tilespmem:$0x4A0];
	_ =	sdelay $0x7  }
0x112: {  	[tilespmem:v2+s16+$0x0] =	vst.idx.add.f32.msk $0xffff, v1  }
0x113: {  	v2 =	vld [tilespmem:$0x4B0];
	_ =	sdelay $0x7  }
0x114: {  	[tilespmem:v2+s16+$0x0] =	vst.idx.add.f32.msk $0xffff, v1  }
0x115: {  	v2 =	vld [tilespmem:$0x4C0];
	_ =	sdelay $0x7  }
0x116: {  	[tilespmem:v2+s16+$0x0] =	vst.idx.add.f32.msk $0xffff, v1  }
0x117: {  	v2 =	vld [tilespmem:$0x4D0];
	_ =	sdelay $0x7  }
0x118: {  	[tilespmem:v2+s16+$0x0] =	vst.idx.add.f32.msk $0xffff, v1  }
0x119: {  	v2 =	vld [tilespmem:$0x4E0];
	_ =	sdelay $0x7  }
0x11a: {  	[tilespmem:v2+s16+$0x0] =	vst.idx.add.f32.msk $0xffff, v1  }
0x11b: {  	v2 =	vld [tilespmem:$0x4F0];
	_ =	sdelay $0x7  }
0x11c: {  	[tilespmem:v2+s16+$0x0] =	vst.idx.add.f32.msk $0xffff, v1  }
0x11d: {  	_ =	swait.ge [sflag:s19], $0x4000  }
0x11e: {  	[sflag:s19] =	ssyncset.done $0x0  }
0x11f: {  	s28 =	sadd.s32 $0x5800, s25;
	[sflag:s19] =	ssyncadd.s32 $0xFFFFC000  }
0x120: {  	[tilespmem:s13], [sflag:$0x2] =	stream.linear.gather [hbm4b:s28+s3], $0x4000, $0x38;
	[tilespmem:$0x1EB80] =	vst v63  }
0x121: {  	_ =	swait.ge [sflag:s14], $0x4000  }
0x122: {  	[sflag:s14] =	ssyncset.done $0x0  }
0x123: {  	s29 =	rddreg [dreg:$0xd];
	[sflag:s14] =	ssyncadd.s32 $0xFFFFC000  }
0x124: {  	[spmem:s1] =	stream.indirect.scatter.add.f32 [tilespmem:s12], [sflag:$0x3], $0x80, s29, s15, $0xb8;
	[tilespmem:$0x1EB80] =	vst v63  }
0x125: {  	v2 =	vld [tilespmem:$0x500];
	_ =	sdelay $0x7  }
0x126: {  	[tilespmem:v2+s16+$0x0] =	vst.idx.add.f32.msk $0xffff, v1  }
0x127: {  	v2 =	vld [tilespmem:$0x510];
	_ =	sdelay $0x7  }
0x128: {  	[tilespmem:v2+s16+$0x0] =	vst.idx.add.f32.msk $0xffff, v1  }
0x129: {  	v2 =	vld [tilespmem:$0x520];
	_ =	sdelay $0x7  }
0x12a: {  	[tilespmem:v2+s16+$0x0] =	vst.idx.add.f32.msk $0xffff, v1  }
0x12b: {  	v2 =	vld [tilespmem:$0x530];
	_ =	sdelay $0x7  }
0x12c: {  	[tilespmem:v2+s16+$0x0] =	vst.idx.add.f32.msk $0xffff, v1  }
0x12d: {  	v2 =	vld [tilespmem:$0x540];
	_ =	sdelay $0x7  }
0x12e: {  	[tilespmem:v2+s16+$0x0] =	vst.idx.add.f32.msk $0xffff, v1  }
0x12f: {  	v2 =	vld [tilespmem:$0x550];
	_ =	sdelay $0x7  }
0x130: {  	[tilespmem:v2+s16+$0x0] =	vst.idx.add.f32.msk $0xffff, v1  }
0x131: {  	v2 =	vld [tilespmem:$0x560];
	_ =	sdelay $0x7  }
0x132: {  	[tilespmem:v2+s16+$0x0] =	vst.idx.add.f32.msk $0xffff, v1  }
0x133: {  	v2 =	vld [tilespmem:$0x570];
	_ =	sdelay $0x7  }
0x134: {  	[tilespmem:v2+s16+$0x0] =	vst.idx.add.f32.msk $0xffff, v1  }
0x135: {  	_ =	swait.ge [sflag:s17], $0x4000  }
0x136: {  	[sflag:s17] =	ssyncset.done $0x0  }
0x137: {  	s30 =	sadd.s32 $0x6000, s25;
	[sflag:s17] =	ssyncadd.s32 $0xFFFFC000  }
0x138: {  	[tilespmem:s12], [sflag:$0x1] =	stream.linear.gather [hbm4b:s30+s3], $0x4000, $0x38;
	[tilespmem:$0x1EB80] =	vst v63  }
0x139: {  	_ =	swait.ge [sflag:s18], $0x4000  }
0x13a: {  	[sflag:s18] =	ssyncset.done $0x0  }
0x13b: {  	s31 =	rddreg [dreg:$0xe];
	[sflag:s18] =	ssyncadd.s32 $0xFFFFC000  }
0x13c: {  	[spmem:s1] =	stream.indirect.scatter.add.f32 [tilespmem:s13], [sflag:$0x4], $0x80, s31, s15, $0xb8;
	[tilespmem:$0x1EB80] =	vst v63  }
0x13d: {  	v2 =	vld [tilespmem:$0x580];
	_ =	sdelay $0x7  }
0x13e: {  	[tilespmem:v2+s16+$0x0] =	vst.idx.add.f32.msk $0xffff, v1  }
0x13f: {  	v2 =	vld [tilespmem:$0x590];
	_ =	sdelay $0x7  }
0x140: {  	[tilespmem:v2+s16+$0x0] =	vst.idx.add.f32.msk $0xffff, v1  }
0x141: {  	v2 =	vld [tilespmem:$0x5A0];
	_ =	sdelay $0x7  }
0x142: {  	[tilespmem:v2+s16+$0x0] =	vst.idx.add.f32.msk $0xffff, v1  }
0x143: {  	v2 =	vld [tilespmem:$0x5B0];
	_ =	sdelay $0x7  }
0x144: {  	[tilespmem:v2+s16+$0x0] =	vst.idx.add.f32.msk $0xffff, v1  }
0x145: {  	v2 =	vld [tilespmem:$0x5C0];
	_ =	sdelay $0x7  }
0x146: {  	[tilespmem:v2+s16+$0x0] =	vst.idx.add.f32.msk $0xffff, v1  }
0x147: {  	v2 =	vld [tilespmem:$0x5D0];
	_ =	sdelay $0x7  }
0x148: {  	[tilespmem:v2+s16+$0x0] =	vst.idx.add.f32.msk $0xffff, v1  }
0x149: {  	v2 =	vld [tilespmem:$0x5E0];
	_ =	sdelay $0x7  }
0x14a: {  	[tilespmem:v2+s16+$0x0] =	vst.idx.add.f32.msk $0xffff, v1  }
0x14b: {  	v2 =	vld [tilespmem:$0x5F0];
	_ =	sdelay $0x7  }
0x14c: {  	[tilespmem:v2+s16+$0x0] =	vst.idx.add.f32.msk $0xffff, v1  }
0x14d: {  	_ =	swait.ge [sflag:s19], $0x4000  }
0x14e: {  	[sflag:s19] =	ssyncset.done $0x0  }
0x14f: {  	s28 =	sadd.s32 $0x6800, s25;
	[sflag:s19] =	ssyncadd.s32 $0xFFFFC000  }
0x150: {  	[tilespmem:s13], [sflag:$0x2] =	stream.linear.gather [hbm4b:s28+s3], $0x4000, $0x38;
	[tilespmem:$0x1EB80] =	vst v63  }
0x151: {  	_ =	swait.ge [sflag:s14], $0x4000  }
0x152: {  	[sflag:s14] =	ssyncset.done $0x0  }
0x153: {  	s29 =	rddreg [dreg:$0xf];
	[sflag:s14] =	ssyncadd.s32 $0xFFFFC000  }
0x154: {  	[spmem:s1] =	stream.indirect.scatter.add.f32 [tilespmem:s12], [sflag:$0x3], $0x80, s29, s15, $0xb8;
	[tilespmem:$0x1EB80] =	vst v63  }
0x155: {  	v2 =	vld [tilespmem:$0x600];
	_ =	sdelay $0x7  }
0x156: {  	[tilespmem:v2+s16+$0x0] =	vst.idx.add.f32.msk $0xffff, v1  }
0x157: {  	v2 =	vld [tilespmem:$0x610];
	_ =	sdelay $0x7  }
0x158: {  	[tilespmem:v2+s16+$0x0] =	vst.idx.add.f32.msk $0xffff, v1  }
0x159: {  	v2 =	vld [tilespmem:$0x620];
	_ =	sdelay $0x7  }
0x15a: {  	[tilespmem:v2+s16+$0x0] =	vst.idx.add.f32.msk $0xffff, v1  }
0x15b: {  	v2 =	vld [tilespmem:$0x630];
	_ =	sdelay $0x7  }
0x15c: {  	[tilespmem:v2+s16+$0x0] =	vst.idx.add.f32.msk $0xffff, v1  }
0x15d: {  	v2 =	vld [tilespmem:$0x640];
	_ =	sdelay $0x7  }
0x15e: {  	[tilespmem:v2+s16+$0x0] =	vst.idx.add.f32.msk $0xffff, v1  }
0x15f: {  	v2 =	vld [tilespmem:$0x650];
	_ =	sdelay $0x7  }
0x160: {  	[tilespmem:v2+s16+$0x0] =	vst.idx.add.f32.msk $0xffff, v1  }
0x161: {  	v2 =	vld [tilespmem:$0x660];
	_ =	sdelay $0x7  }
0x162: {  	[tilespmem:v2+s16+$0x0] =	vst.idx.add.f32.msk $0xffff, v1  }
0x163: {  	v2 =	vld [tilespmem:$0x670];
	_ =	sdelay $0x7  }
0x164: {  	[tilespmem:v2+s16+$0x0] =	vst.idx.add.f32.msk $0xffff, v1  }
0x165: {  	_ =	swait.ge [sflag:s17], $0x4000  }
0x166: {  	[sflag:s17] =	ssyncset.done $0x0  }
0x167: {  	s30 =	sadd.s32 $0x7000, s25;
	[sflag:s17] =	ssyncadd.s32 $0xFFFFC000  }
0x168: {  	[tilespmem:s12], [sflag:$0x1] =	stream.linear.gather [hbm4b:s30+s3], $0x4000, $0x38;
	[tilespmem:$0x1EB80] =	vst v63  }
0x169: {  	_ =	swait.ge [sflag:s18], $0x4000  }
0x16a: {  	[sflag:s18] =	ssyncset.done $0x0  }
0x16b: {  	s31 =	rddreg [dreg:$0x10];
	[sflag:s18] =	ssyncadd.s32 $0xFFFFC000  }
0x16c: {  	[spmem:s1] =	stream.indirect.scatter.add.f32 [tilespmem:s13], [sflag:$0x4], $0x80, s31, s15, $0xb8;
	[tilespmem:$0x1EB80] =	vst v63  }
0x16d: {  	v2 =	vld [tilespmem:$0x680];
	_ =	sdelay $0x7  }
0x16e: {  	[tilespmem:v2+s16+$0x0] =	vst.idx.add.f32.msk $0xffff, v1  }
0x16f: {  	v2 =	vld [tilespmem:$0x690];
	_ =	sdelay $0x7  }
0x170: {  	[tilespmem:v2+s16+$0x0] =	vst.idx.add.f32.msk $0xffff, v1  }
0x171: {  	v2 =	vld [tilespmem:$0x6A0];
	_ =	sdelay $0x7  }
0x172: {  	[tilespmem:v2+s16+$0x0] =	vst.idx.add.f32.msk $0xffff, v1  }
0x173: {  	v2 =	vld [tilespmem:$0x6B0];
	_ =	sdelay $0x7  }
0x174: {  	[tilespmem:v2+s16+$0x0] =	vst.idx.add.f32.msk $0xffff, v1  }
0x175: {  	v2 =	vld [tilespmem:$0x6C0];
	_ =	sdelay $0x7  }
0x176: {  	[tilespmem:v2+s16+$0x0] =	vst.idx.add.f32.msk $0xffff, v1  }
0x177: {  	v2 =	vld [tilespmem:$0x6D0];
	_ =	sdelay $0x7  }
0x178: {  	[tilespmem:v2+s16+$0x0] =	vst.idx.add.f32.msk $0xffff, v1  }
0x179: {  	v2 =	vld [tilespmem:$0x6E0];
	_ =	sdelay $0x7  }
0x17a: {  	[tilespmem:v2+s16+$0x0] =	vst.idx.add.f32.msk $0xffff, v1  }
0x17b: {  	v2 =	vld [tilespmem:$0x6F0];
	_ =	sdelay $0x7  }
0x17c: {  	[tilespmem:v2+s16+$0x0] =	vst.idx.add.f32.msk $0xffff, v1  }
0x17d: {  	_ =	swait.ge [sflag:s19], $0x4000  }
0x17e: {  	[sflag:s19] =	ssyncset.done $0x0  }
0x17f: {  	s25 =	sadd.s32 $0x7800, s25;
	[sflag:s19] =	ssyncadd.s32 $0xFFFFC000  }
0x180: {  	[tilespmem:s13], [sflag:$0x2] =	stream.linear.gather [hbm4b:s25+s3], $0x4000, $0x38;
	[tilespmem:$0x1EB80] =	vst v63  }
0x181: {  	_ =	swait.ge [sflag:s14], $0x4000  }
0x182: {  	[sflag:s14] =	ssyncset.done $0x0  }
0x183: {  	[sflag:s14] =	ssyncadd.s32 $0xFFFFC000  }
0x184: {  	[spmem:s1] =	stream.indirect.scatter.add.f32 [tilespmem:s12], [sflag:$0x3], $0x80, s20, s15, $0xb8;
	[tilespmem:$0x1EB80] =	vst v63  }
0x185: {  	v2 =	vld [tilespmem:$0x700];
	_ =	sdelay $0x7  }
0x186: {  	[tilespmem:v2+s16+$0x0] =	vst.idx.add.f32.msk $0xffff, v1  }
0x187: {  	v2 =	vld [tilespmem:$0x710];
	_ =	sdelay $0x7  }
0x188: {  	[tilespmem:v2+s16+$0x0] =	vst.idx.add.f32.msk $0xffff, v1  }
0x189: {  	v2 =	vld [tilespmem:$0x720];
	_ =	sdelay $0x7  }
0x18a: {  	[tilespmem:v2+s16+$0x0] =	vst.idx.add.f32.msk $0xffff, v1  }
0x18b: {  	v2 =	vld [tilespmem:$0x730];
	_ =	sdelay $0x7  }
0x18c: {  	[tilespmem:v2+s16+$0x0] =	vst.idx.add.f32.msk $0xffff, v1  }
0x18d: {  	v2 =	vld [tilespmem:$0x740];
	_ =	sdelay $0x7  }
0x18e: {  	[tilespmem:v2+s16+$0x0] =	vst.idx.add.f32.msk $0xffff, v1  }
0x18f: {  	v2 =	vld [tilespmem:$0x750];
	_ =	sdelay $0x7  }
0x190: {  	[tilespmem:v2+s16+$0x0] =	vst.idx.add.f32.msk $0xffff, v1  }
0x191: {  	v2 =	vld [tilespmem:$0x760];
	_ =	sdelay $0x7  }
0x192: {  	[tilespmem:v2+s16+$0x0] =	vst.idx.add.f32.msk $0xffff, v1  }
0x193: {  	v2 =	vld [tilespmem:$0x770];
	_ =	sdelay $0x7  }
0x194: {  	[tilespmem:v2+s16+$0x0] =	vst.idx.add.f32.msk $0xffff, v1  }
0x195: {  	_ =	swait.ge [sflag:s17], $0x4000  }
0x196: {  	[sflag:s17] =	ssyncset.done $0x0  }
0x197: {  	[sflag:s17] =	ssyncadd.s32 $0xFFFFC000  }
0x198: {  	_ =	swait.ge [sflag:s18], $0x4000  }
0x199: {  	[sflag:s18] =	ssyncset.done $0x0  }
0x19a: {  	[sflag:s18] =	ssyncadd.s32 $0xFFFFC000  }
0x19b: {  	[spmem:s1] =	stream.indirect.scatter.add.f32 [tilespmem:s13], [sflag:$0x4], $0x80, s21, s15, $0xb8;
	[tilespmem:$0x1EB80] =	vst v63  }
0x19c: {  	v2 =	vld [tilespmem:$0x780];
	_ =	sdelay $0x7  }
0x19d: {  	[tilespmem:v2+s16+$0x0] =	vst.idx.add.f32.msk $0xffff, v1  }
0x19e: {  	v2 =	vld [tilespmem:$0x790];
	_ =	sdelay $0x7  }
0x19f: {  	[tilespmem:v2+s16+$0x0] =	vst.idx.add.f32.msk $0xffff, v1  }
0x1a0: {  	v2 =	vld [tilespmem:$0x7A0];
	_ =	sdelay $0x7  }
0x1a1: {  	[tilespmem:v2+s16+$0x0] =	vst.idx.add.f32.msk $0xffff, v1  }
0x1a2: {  	v2 =	vld [tilespmem:$0x7B0];
	_ =	sdelay $0x7  }
0x1a3: {  	[tilespmem:v2+s16+$0x0] =	vst.idx.add.f32.msk $0xffff, v1  }
0x1a4: {  	v2 =	vld [tilespmem:$0x7C0];
	_ =	sdelay $0x7  }
0x1a5: {  	[tilespmem:v2+s16+$0x0] =	vst.idx.add.f32.msk $0xffff, v1  }
0x1a6: {  	v2 =	vld [tilespmem:$0x7D0];
	_ =	sdelay $0x7  }
0x1a7: {  	[tilespmem:v2+s16+$0x0] =	vst.idx.add.f32.msk $0xffff, v1  }
0x1a8: {  	v2 =	vld [tilespmem:$0x7E0];
	_ =	sdelay $0x7  }
0x1a9: {  	[tilespmem:v2+s16+$0x0] =	vst.idx.add.f32.msk $0xffff, v1  }
0x1aa: {  	v2 =	vld [tilespmem:$0x7F0];
	_ =	sdelay $0x5  }
0x1ab: {  	p0 =	sne.s32 s23, $0x20000  }
.Ltmp1:
0x1ac: {  	_ = 	snop;
	(pc) =	sbr.rel @p0 .LBB2_4-.Ltmp1, $4  }
0x1ad: {  	[tilespmem:v2+s16+$0x0] =	vst.idx.add.f32.msk $0xffff, v1  }
0x1ae: {  	_ =	swait.ge [sflag:s19], $0x4000  }
0x1af: {  	[sflag:s19] =	ssyncset.done $0x0  }
0x1b0: {  	s24 =	sadd.s32 $0x100, s24;
	s23 =	sadd.s32 $0x8000, s23;
	[sflag:s19] =	ssyncadd.s32 $0xFFFFC000  }
0x1b1: {  	[bflag:$0x0] =	sbarrier.arrive $0xFFFF  }
0x1b2: {  	[hbm:s6], [sflag:s5] =	dma.local [spmem:s10], $0x2780  }
0x1b3: {  	s22 =	sadd.s32 $0x1, s22;
	_ =	swait.ge [sflag:s11], $0x2780  }
0x1b4: {  	p0 =	sne.s32 s22, s8;
	[sflag:s11] =	ssyncset.done $0x0  }
.Ltmp2:
0x1b5: {  	[sflag:s11] =	ssyncadd.s32 $0xFFFFD880;
	(pc) =	sbr.rel @p0 .LBB2_1-.Ltmp2, $4  }
0x1b6: {  	[hbm4b:s7+s3] =	stream.linear.scatter [tilespmem:s16], [sflag:$0x5], $0x2780, $0x38;
	[tilespmem:$0x1EB80] =	vst v63  }
0x1b7: {  	_ =	swait.ge [sflag:s11], $0x2780  }
0x1b8: {  	[sflag:s11] =	ssyncset.done $0x0  }
0x1b9: {  	[sflag:s11] =	ssyncadd.s32 $0xFFFFD880  }
0x1ba: {  	_ =	sfence.sel $0x180000  }
0x1bb: {  	[bflag:$0x0] =	sbarrier.arrive $0xFFFF  }
0x1bc: {  	p0 =	sne.s32 s2, $0x0;
	_ =	strace $0x9000004A  }
0x1bd: {  	s0 =	sadd.s32 @!p0 $0x100000, s0;
	[bflag:$0x2] =	sbarrier.arrive $0xFFFF  }
0x1be: {  	[sflag:s0] =	ssyncadd.tile.s32 @!p0 $0x1;
	_ =	shalt  }
.Lfunc_end2:
_tile_overlayer_lowered:
.L_overlay_start_2:
0x1bf: {  	(tag) =	ssettag $0x2  }
0x1c0: {  	s0 =	rddreg [dreg:$0x0];
	s2 =	stileid.u32  }
0x1c1: {  	s1 =	rddreg [dreg:$0x1];
	p0 =	sne.s32 s2, $0x0  }
0x1c2: {  	s3 =	rddreg [dreg:$0x2];
	[bflag:$0x3] =	sbarrier.arrive $0xFFFF;
	s2 =	simm.s32 @!p0 $0x1C05  }
0x1c3: {  	[timem:s3], [sflag:s2] =	dma.local @!p0 [hbm:s0], s1  }
0x1c4: {  	s0 =	simm.s32 @!p0 $0x5  }
0x1c5: {  	_ =	swait.ge @!p0 [sflag:s0], s1  }
0x1c6: {  	s1 =	ssub.s32 @!p0 $0x0, s1;
	[sflag:s0] =	ssyncset.done @!p0 $0x0  }
0x1c7: {  	[sflag:s0] =	ssyncadd.s32 @!p0 s1  }
0x1c8: {  	[bflag:$0x3] =	sbarrier.arrive $0xFFFF  }
0x1c9: {  	_ =	shalt  }

// kernel: kernel.16.cloned.1.call-start
scs
__scs_entry_jumppad:
0x0: {  	(pc) =	sbr.rel $0x88, $3  }
0x1: {  	(tag) =	ssettag $0x0;
	lr =	simm.s32 $0x1  }
0x2: {  	[smem:$0x3F99] =	sst lr;
	_ =	strace $0xD0000000  }
0x3: {  	_ = 	snop  }
0x4: {  	_ = 	snop  }
0x5: {  	_ = 	snop  }
0x6: {  	_ = 	snop  }
0x7: {  	_ = 	snop  }
__scs_overlays_trampoline_lowered:
0x8: {  	[smem:$0x3FA8] =	sst s0  }
0x9: {  	[smem:$0x3FA9] =	sst s1  }
0xa: {  	[smem:$0x3FAA] =	sst s2  }
0xb: {  	[smem:$0x3FAB] =	sst s3  }
0xc: {  	[smem:$0x3FAC] =	sst s4  }
0xd: {  	[smem:$0x3FAD] =	sst s5  }
0xe: {  	[smem:$0x3FAE] =	sst s6  }
0xf: {  	[smem:$0x3FAF] =	sst s7  }
0x10: {  	[smem:$0x3FB0] =	sst s8  }
0x11: {  	[smem:$0x3FB1] =	sst s9;
	s0 =	simm.s32 @!p0 $0x0  }
0x12: {  	s1 =	sld [smem:$0x3F97];
	s0 =	simm.s32 @p0 $0x1  }
0x13: {  	[smem:$0x3FB2] =	sst s0;
	s0 =	simm.s32 @!p1 $0x0  }
0x14: {  	s2 =	sld [smem:$0x3F96];
	s0 =	simm.s32 @p1 $0x1  }
0x15: {  	[smem:$0x3FB3] =	sst s0;
	s0 =	simm.s32 @!p2 $0x0  }
0x16: {  	s3 =	sld [smem:$0x3FDB];
	s0 =	simm.s32 @p2 $0x1  }
0x17: {  	s4 =	simm.s32 $0x1BF5;
	[smem:$0x3FB5] =	sst s0  }
0x18: {  	s0 =	sld [smem:$0x3F98];
	_ =	swait.ge [sflag:s4], $0x0  }
0x19: {  	s7 =	sld [smem:$0x3F99]  }
0x1a: {  	s8 =	sadd.s32 $0xFFFFE003, lr  }
0x1b: {  	s9 =	sadd.s32 $0xFFFFFEF7, lr;
	s5 =	simm.s32 $0xFFFFFFFF;
	p2 =	slt.u32 s8, $0xFFFFF086  }
0x1c: {  	p1 =	slt.u32 s9, $0xF7A;
	s5 =	simm.s32 @!p2 $0x0  }
0x1d: {  	s5 =	simm.s32 @p1 $0x1;
	p0 =	seq.s32 s7, s2  }
0x1e: {  	s7 =	smul.u32 @!p0 $0xF7A, s2;
	p2 =	seq.s32 @!p0 s5, $0x0  }
0x1f: {  	s9 =	smul.u32 $0xF7A, s1;
	s8 =	simm.s32 @!p0 $0x1BF5;
	p2 =	por !p2, p0  }
0x20: {  	[sflag:s8] =	ssyncset.s32 @!p0 $0xFFFFF086;
	s6 =	sadd.s32 @!p0 s3, s7;
	s7 =	simm.s32 @!p0 $0x108  }
0x21: {  	s3 =	sadd.s32 s3, s9;
	s6 =	sadd.s32 @!p0 $0x88, s6;
	s7 =	simm.s32 @p2 $0x1082  }
0x22: {  	[simem:s7], [sflag:s8] =	dma.local @!p0 [hbm:s6], $0xF7A  }
0x23: {  	s9 =	sor.u32 $0xD0000000, s2;
	s6 =	simm.s32 $0x108;
	_ =	swait.ge @!p0 [sflag:s8], $0x0  }
0x24: {  	s3 =	sadd.s32 $0x88, s3;
	s6 =	simm.s32 @!p1 $0x1082;
	[sflag:s4] =	ssyncset.s32 $0xFFFFF086  }
0x25: {  	[simem:s6], [sflag:s4] =	dma.local [hbm:s3], $0xF7A  }
0x26: {  	[smem:$0x3F99] =	sst s1;
	(tag) =	ssettag s2;
	_ =	strace s9  }
0x27: {  	s1 =	sld [smem:$0x3FA9]  }
0x28: {  	s2 =	sld [smem:$0x3FAA]  }
0x29: {  	s4 =	sld [smem:$0x3FAC]  }
0x2a: {  	p0 =	seq.s32 s5, $0x0;
	s5 =	sld [smem:$0x3FAD]  }
0x2b: {  	s6 =	sld [smem:$0x3FAE]  }
0x2c: {  	s7 =	sld [smem:$0x3FAF]  }
0x2d: {  	s3 =	simm.s32 $0x108;
	s8 =	sld [smem:$0x3FB0]  }
0x2e: {  	s3 =	simm.s32 @!p0 $0x1082;
	s9 =	sld [smem:$0x3FB1]  }
0x2f: {  	lr =	sadd.s32 s0, s3;
	s0 =	sld [smem:$0x3FA8]  }
0x30: {  	s3 =	sld [smem:$0x3FAB]  }
0x31: {  	[smem:$0x3FB4] =	sst s10  }
0x32: {  	s10 =	sld [smem:$0x3FB2];
	_ =	sdelay $0x3  }
0x33: {  	p0 =	seq.s32 s10, $0x1;
	s10 =	sld [smem:$0x3FB4];
	_ =	sdelay $0x3  }
0x34: {  	[smem:$0x3FB4] =	sst s10  }
0x35: {  	s10 =	sld [smem:$0x3FB3];
	_ =	sdelay $0x3  }
0x36: {  	p1 =	seq.s32 s10, $0x1;
	s10 =	sld [smem:$0x3FB4];
	_ =	sdelay $0x3  }
0x37: {  	[smem:$0x3FB4] =	sst s10  }
0x38: {  	s10 =	sld [smem:$0x3FB5]  }
0x39: {  	_ = 	snop;
	(pc) =	sbr.ind lr, $3  }
0x3a: {  	_ = 	snop  }
0x3b: {  	_ = 	snop  }
0x3c: {  	p2 =	seq.s32 s10, $0x1;
	s10 =	sld [smem:$0x3FB4]  }
0x3d: {  	_ =	shalt  }
0x3e: {  	_ =	shalt  }
0x3f: {  	_ =	shalt  }
0x40: {  	_ =	shalt  }
0x41: {  	_ =	shalt  }
0x42: {  	_ =	shalt  }
0x43: {  	_ =	shalt  }
0x44: {  	_ =	shalt  }
0x45: {  	_ =	shalt  }
0x46: {  	_ =	shalt  }
0x47: {  	_ =	shalt  }
0x48: {  	_ =	shalt  }
0x49: {  	_ =	shalt  }
0x4a: {  	_ =	shalt  }
0x4b: {  	_ =	shalt  }
0x4c: {  	_ =	shalt  }
0x4d: {  	_ =	shalt  }
0x4e: {  	_ =	shalt  }
0x4f: {  	_ =	shalt  }
0x50: {  	_ =	shalt  }
0x51: {  	_ =	shalt  }
0x52: {  	_ =	shalt  }
0x53: {  	_ =	shalt  }
0x54: {  	_ =	shalt  }
0x55: {  	_ =	shalt  }
0x56: {  	_ =	shalt  }
0x57: {  	_ =	shalt  }
0x58: {  	_ =	shalt  }
0x59: {  	_ =	shalt  }
0x5a: {  	_ =	shalt  }
0x5b: {  	_ =	shalt  }
0x5c: {  	_ =	shalt  }
0x5d: {  	_ =	shalt  }
0x5e: {  	_ =	shalt  }
0x5f: {  	_ =	shalt  }
0x60: {  	_ =	shalt  }
0x61: {  	_ =	shalt  }
0x62: {  	_ =	shalt  }
0x63: {  	_ =	shalt  }
0x64: {  	_ =	shalt  }
0x65: {  	_ =	shalt  }
0x66: {  	_ =	shalt  }
0x67: {  	_ =	shalt  }
0x68: {  	_ =	shalt  }
0x69: {  	_ =	shalt  }
0x6a: {  	_ =	shalt  }
0x6b: {  	_ =	shalt  }
0x6c: {  	_ =	shalt  }
0x6d: {  	_ =	shalt  }
0x6e: {  	_ =	shalt  }
0x6f: {  	_ =	shalt  }
0x70: {  	_ =	shalt  }
0x71: {  	_ =	shalt  }
0x72: {  	_ =	shalt  }
0x73: {  	_ =	shalt  }
0x74: {  	_ =	shalt  }
0x75: {  	_ =	shalt  }
0x76: {  	_ =	shalt  }
0x77: {  	_ =	shalt  }
0x78: {  	_ =	shalt  }
0x79: {  	_ =	shalt  }
0x7a: {  	_ =	shalt  }
0x7b: {  	_ =	shalt  }
0x7c: {  	_ =	shalt  }
0x7d: {  	_ =	shalt  }
0x7e: {  	_ =	shalt  }
0x7f: {  	_ =	shalt  }
0x80: {  	_ =	shalt  }
0x81: {  	_ =	shalt  }
0x82: {  	_ =	shalt  }
0x83: {  	_ =	shalt  }
0x84: {  	_ =	shalt  }
0x85: {  	_ =	shalt  }
0x86: {  	_ =	shalt  }
0x87: {  	_ =	shalt  }
.Lfunc_end0:
.L_simem_size_0:
called_computation.2_lowered:
.L_overlay_start_0:
0x88: {  	s2 =	sld [smem:$0x3FD9]  }
0x89: {  	s3 =	sld [smem:$0x3FFE];
	_ =	sdelay $0x1  }
0x8a: {  	s1 =	srdreg.scid  }
0x8b: {  	s0 =	sand.u32 $0x1, s1  }
0x8c: {  	s16 =	sshll.u32 s0, $0xA;
	s2 =	sadd.s32 s3, s2  }
0x8d: {  	s2 =	sadd.s32 s2, s16  }
0x8e: {  	[smem:$0x3FC0] =	sst s2  }
0x8f: {  	_ = 	snop  }
0x90: {  	(tm) =	ssettm $0x1  }
0x91: {  	s17 =	sld [smem:$0x3FFB];
	_ =	sdelay $0x3  }
0x92: {  	_ =	strace s17  }
0x93: {  	s2 =	sld [smem:$0x3FFC];
	_ =	sdelay $0x3  }
0x94: {  	_ =	strace s2  }
0x95: {  	s2 =	sld [smem:$0x3FFD];
	_ =	sdelay $0x3  }
0x96: {  	_ =	strace s2  }
0x97: {  	_ =	strace $0x8FFFFFFF  }
0x98: {  	s18 =	sld [smem:$0x3FDB];
	_ =	sdelay $0x1  }
0x99: {  	s19 =	simm.s32 $_scs_section_size  }
0x9a: {  	s4 =	simm.s32 $_size__tile_overlayer_lowered;
	s5 =	simm.s32 $_tile_overlayer_lowered  }
0x9b: {  	s22 =	simm.s32 $0x1BFF;
	s21 =	sshll.u32 s5, $0x1;
	s2 =	sadd.s32 s19, s18  }
0x9c: {  	s6 =	simm.s32 $0x0;
	s20 =	sshll.u32 s4, $0x1;
	s4 =	sadd.s32 s21, s2  }
0x9d: {  	[timem:s6], [sflag:s22] =	dma.local [hbm:s4], s20  }
0x9e: {  	_ =	swait.ge [sflag:s22], s20  }
0x9f: {  	s3 =	ssub.s32 $0x0, s20;
	[sflag:s22] =	ssyncset.done $0x0  }
0xa0: {  	[sflag:s22] =	ssyncadd.s32 s3;
	_ =	sdelay $0x1  }
0xa1: {  	s23 =	simm.s32 $0x1B8B  }
0xa2: {  	_ =	swait.ge [sflag:s23], $0x1  }
0xa3: {  	[sflag:s23] =	ssyncset.done $0x0  }
0xa4: {  	s25 =	simm.s32 $0x1B8E;
	s24 =	sld [smem:$0x3FFE];
	[sflag:s23] =	ssyncadd.s32 $0xFFFFFFFF  }
0xa5: {  	s26 =	simm.s32 $execute0_lowered;
	[smem:$0x3FD2] =	sst s25  }
0xa6: {  	s4 =	sshll.u32 s26, $0x1;
	_ =	strace $0x8000004C;
	[dreg:$0x1] =	wrdreg $0xFFFFFFFF  }
0xa7: {  	s28 =	simm.s32 $_size_execute0_lowered;
	s2 =	sadd.s32 s2, s4;
	[dreg:$0x0] =	wrdreg $0x0  }
0xa8: {  	s4 =	sshll.u32 s28, $0x1;
	[dreg:$0x2] =	wrdreg s2  }
0xa9: {  	[dreg:$0x3] =	wrdreg s4  }
0xaa: {  	[dreg:$0x4] =	wrdreg $0xC0  }
0xab: {  	_ =	task [dreg:s6], $0x5FFFF  }
0xac: {  	[dreg:$0x1] =	wrdreg $0xFFFFFFFF  }
0xad: {  	[dreg:$0x0] =	wrdreg $0x60  }
0xae: {  	[dreg:$0x2] =	wrdreg s24  }
0xaf: {  	[dreg:$0x3] =	wrdreg $0x88000  }
0xb0: {  	[dreg:$0x4] =	wrdreg $0x9  }
0xb1: {  	_ =	task.clear_ibuf [dreg:s6], $0x5FFFF;
	_ =	strace $0x9000004C  }
0xb2: {  	s29 =	simm.s32 $0x9;
	_ =	strace $0x8000004E  }
0xb3: {  	_ =	swait.ge [sflag:s29], $0x1  }
0xb4: {  	[sflag:s29] =	ssyncadd.s32 $0xFFFFFFFF  }
0xb5: {  	_ =	strace $0x9000004E  }
0xb6: {  	_ =	sfence  }
0xb7: {  	s30 =	sld [smem:$0x0];
	_ =	sdelay $0x2  }
0xb8: {  	s31 =	sshll.u32 s1, $0xD;
	s1 =	sshrl.u32 s1, $0x2  }
0xb9: {  	s3 =	sand.u32 $0x4000, s31;
	s1 =	sadd.s32 s1, s30  }
0xba: {  	s0 =	sor.u32 s3, s0;
	s1 =	sshll.u32 s1, $0x11  }
0xbb: {  	s0 =	sor.u32 s1, s0  }
0xbc: {  	s0 =	sadd.s32 $0x8F2B, s0  }
0xbd: {  	[sflag:s0] =	ssyncadd.remote.s32 $0x1  }
0xbe: {  	_ =	sfence.sel $0xFFFF  }
0xbf: {  	[dreg:$0x0] =	wrdreg $0xFFFFFFFF;
	(pc) =	sbr.abs _section_cstart, $3  }
0xc0: {  	[dreg:$0x1] =	wrdreg $0xFFFFFFFF  }
0xc1: {  	_ =	task.clear_ibuf [dreg:s6], $0x2FFFF;
	_ =	strace $0x9FFFFFFF  }
0xc2: {  	(tm) =	ssettm $0x7FFFFFFF  }
0xc3: {  	_ =	shalt  }
tec
execute0_lowered:
.L_overlay_start_1:
0x0: {  	(tag) =	ssettag $0x1  }
0x1: {  	s4 =	rddreg [dreg:$0x0];
	s0 =	stileid.u32  }
0x2: {  	s1 =	srdreg.scid;
	s2 =	rddreg [dreg:$0x1];
	s3 =	simm.s32 $0x0  }
0x3: {  	s24 =	simm.s32 $0x100;
	s25 =	simm.s32 $0x180;
	s26 =	simm.s32 $0x200  }
0x4: {  	s28 =	simm.s32 $0x280;
	s6 =	sand.u32 $0x1, s1;
	s1 =	rddreg [dreg:$0x2]  }
0x5: {  	s29 =	simm.s32 $0x300;
	s30 =	simm.s32 $0x380;
	[smem:$0x7FF] =	sst s3  }
0x6: {  	s5 =	smul.u32 $0x2780, s0;
	_ =	strace $0x8000004D;
	[dreg:$0x5] =	wrdreg s24  }
0x7: {  	s31 =	simm.s32 $0x400;
	s8 =	smul.u32 $0x2800, s0;
	[dreg:$0x6] =	wrdreg s25  }
0x8: {  	s14 =	simm.s32 $0x480;
	s9 =	smul.u32 $0x4F000, s0;
	[dreg:$0x7] =	wrdreg s26  }
0x9: {  	s15 =	simm.s32 $0x500;
	s12 =	smul.u32 $0x140000, s0;
	[dreg:$0x8] =	wrdreg s28  }
0xa: {  	s16 =	simm.s32 $0x580;
	s21 =	smul.u32 $0x28000, s0;
	[dreg:$0x9] =	wrdreg s29  }
0xb: {  	s13 =	sadd.s32 $0x548800, s4;
	s7 =	smul.u32 $0x28000, s6;
	[dreg:$0xa] =	wrdreg s30  }
0xc: {  	s23 =	sshll.u32 s0, $0x6;
	s10 =	smul.u32 $0x1400000, s6;
	[dreg:$0xb] =	wrdreg s31  }
0xd: {  	s17 =	ssub.s32 $0x2, s6;
	s6 =	smul.u32 $0x280000, s6;
	[dreg:$0xc] =	wrdreg s14  }
0xe: {  	s14 =	simm.s32 $0x3;
	[dreg:$0xd] =	wrdreg s15;
	s15 =	simm.s32 $0x2  }
0xf: {  	[dreg:$0xe] =	wrdreg s16;
	s16 =	simm.s32 $0x4;
	s5 =	sadd.s32 s5, s4  }
0x10: {  	s11 =	sshrl.u32 s17, $0x1;
	s18 =	sshrl.u32 s9, $0x2;
	s7 =	sadd.s32 s8, s7  }
0x11: {  	s8 =	ssub.s32 s17, s11;
	s19 =	sadd.s32 s12, s10;
	s20 =	sadd.s32 s18, s2  }
0x12: {  	s6 =	sadd.s32 s6, s13;
	s10 =	simm.s32 $0x80;
	s11 =	simm.s32 $0x800  }
0x13: {  	s12 =	simm.s32 $0x4800;
	s17 =	simm.s32 $0x600;
	s18 =	simm.s32 $0x700  }
0x14: {  	s7 =	sshrl.u32 s7, $0x3;
	s9 =	sshrl.u32 s19, $0x3;
	s6 =	sadd.s32 s21, s6  }
0x15: {  	[dreg:$0xf] =	wrdreg s17;
	s17 =	simm.s32 $0x680;
	s19 =	simm.s32 $0x780  }
0x16: {  	s7 =	sadd.s32 s7, s4;
	s4 =	sadd.s32 $0x66800, s5;
	s22 =	sadd.s32 s9, s13  }
0x17: {  	s5 =	sor.u32 $0x1C05, s23;
	[dreg:$0x4] =	wrdreg s6;
	s6 =	smax.u32 s8, $0x1  }
0x18: {  	s8 =	sshrl.u32 s20, $0x3;
	s9 =	simm.s32 $0x5;
	s13 =	simm.s32 $0x1  }
0x19: {  	s20 =	simm.s32 $0x0;
	[dreg:$0x3] =	wrdreg s22;
	s7 =	sadd.s32 $0xD000, s7  }
.LBB2_1:
0x1a: {  	[spmem:s8], [sflag:s5] =	dma.local [hbm:s4], $0x2780  }
0x1b: {  	_ =	swait.ge [sflag:s9], $0x2780  }
0x1c: {  	[sflag:s9] =	ssyncset.done $0x0  }
0x1d: {  	[sflag:s9] =	ssyncadd.s32 $0xFFFFD880  }
0x1e: {  	[bflag:$0x0] =	sbarrier.arrive $0xFFFF  }
0x1f: {  	[tilespmem:s3], [sflag:$0x5] =	stream.linear.gather [hbm4b:s7+s3], $0x800, $0x38;
	[tilespmem:$0x1C400] =	vst v63  }
0x20: {  	_ =	swait.ge [sflag:s9], $0x800  }
0x21: {  	[sflag:s9] =	ssyncset.done $0x0  }
0x22: {  	[sflag:s9] =	ssyncadd.s32 $0xFFFFF800  }
0x23: {  	[tilespmem:s11], [sflag:$0x1] =	stream.indirect.gather [spmem:s2], $0x80, s3, s10, $0xb8;
	[tilespmem:$0x1C400] =	vst v63  }
0x24: {  	_ = 	snop  }
0x25: {  	[tilespmem:s12], [sflag:$0x2] =	stream.indirect.gather [spmem:s2], $0x80, s10, s10, $0xb8;
	[tilespmem:$0x1C400] =	vst v63  }
0x26: {  	_ =	swait.ge [sflag:s13], $0x4000  }
0x27: {  	s21 =	rddreg [dreg:$0x3];
	[sflag:s13] =	ssyncset.done $0x0  }
0x28: {  	[sflag:s13] =	ssyncadd.s32 $0xFFFFC000;
	s21 =	sadd.s32 $0x0, s21  }
0x29: {  	[hbm4b:s21+s3] =	stream.linear.scatter [tilespmem:s11], [sflag:$0x3], $0x4000, $0x38;
	[tilespmem:$0x1C400] =	vst v63  }
0x2a: {  	_ =	swait.ge [sflag:s14], $0x4000  }
0x2b: {  	[sflag:s14] =	ssyncset.done $0x0  }
0x2c: {  	s22 =	rddreg [dreg:$0x5];
	[sflag:s14] =	ssyncadd.s32 $0xFFFFC000  }
0x2d: {  	[tilespmem:s11], [sflag:$0x1] =	stream.indirect.gather [spmem:s2], $0x80, s22, s10, $0xb8;
	[tilespmem:$0x1C400] =	vst v63  }
0x2e: {  	_ =	swait.ge [sflag:s15], $0x4000  }
0x2f: {  	s23 =	rddreg [dreg:$0x4]  }
0x30: {  	[sflag:s15] =	ssyncset.done $0x0;
	s21 =	sadd.s32 $0x0, s23  }
0x31: {  	[sflag:s15] =	ssyncadd.s32 $0xFFFFC000;
	s22 =	sadd.s32 $0x800, s21  }
0x32: {  	[hbm4b:s22+s3] =	stream.linear.scatter [tilespmem:s12], [sflag:$0x4], $0x4000, $0x38;
	[tilespmem:$0x1C400] =	vst v63  }
0x33: {  	_ =	swait.ge [sflag:s16], $0x4000  }
0x34: {  	[sflag:s16] =	ssyncset.done $0x0  }
0x35: {  	s24 =	rddreg [dreg:$0x6];
	[sflag:s16] =	ssyncadd.s32 $0xFFFFC000  }
0x36: {  	[tilespmem:s12], [sflag:$0x2] =	stream.indirect.gather [spmem:s2], $0x80, s24, s10, $0xb8;
	[tilespmem:$0x1C400] =	vst v63  }
0x37: {  	_ =	swait.ge [sflag:s13], $0x4000  }
0x38: {  	[sflag:s13] =	ssyncset.done $0x0  }
0x39: {  	s25 =	sadd.s32 $0x1000, s21;
	[sflag:s13] =	ssyncadd.s32 $0xFFFFC000  }
0x3a: {  	[hbm4b:s25+s3] =	stream.linear.scatter [tilespmem:s11], [sflag:$0x3], $0x4000, $0x38;
	[tilespmem:$0x1C400] =	vst v63  }
0x3b: {  	_ =	swait.ge [sflag:s14], $0x4000  }
0x3c: {  	[sflag:s14] =	ssyncset.done $0x0  }
0x3d: {  	s26 =	rddreg [dreg:$0x7];
	[sflag:s14] =	ssyncadd.s32 $0xFFFFC000  }
0x3e: {  	[tilespmem:s11], [sflag:$0x1] =	stream.indirect.gather [spmem:s2], $0x80, s26, s10, $0xb8;
	[tilespmem:$0x1C400] =	vst v63  }
0x3f: {  	_ =	swait.ge [sflag:s15], $0x4000  }
0x40: {  	[sflag:s15] =	ssyncset.done $0x0  }
0x41: {  	s28 =	sadd.s32 $0x1800, s21;
	[sflag:s15] =	ssyncadd.s32 $0xFFFFC000  }
0x42: {  	[hbm4b:s28+s3] =	stream.linear.scatter [tilespmem:s12], [sflag:$0x4], $0x4000, $0x38;
	[tilespmem:$0x1C400] =	vst v63  }
0x43: {  	_ =	swait.ge [sflag:s16], $0x4000  }
0x44: {  	[sflag:s16] =	ssyncset.done $0x0  }
0x45: {  	s29 =	rddreg [dreg:$0x8];
	[sflag:s16] =	ssyncadd.s32 $0xFFFFC000  }
0x46: {  	[tilespmem:s12], [sflag:$0x2] =	stream.indirect.gather [spmem:s2], $0x80, s29, s10, $0xb8;
	[tilespmem:$0x1C400] =	vst v63  }
0x47: {  	_ =	swait.ge [sflag:s13], $0x4000  }
0x48: {  	[sflag:s13] =	ssyncset.done $0x0  }
0x49: {  	s30 =	sadd.s32 $0x2000, s21;
	[sflag:s13] =	ssyncadd.s32 $0xFFFFC000  }
0x4a: {  	[hbm4b:s30+s3] =	stream.linear.scatter [tilespmem:s11], [sflag:$0x3], $0x4000, $0x38;
	[tilespmem:$0x1C400] =	vst v63  }
0x4b: {  	_ =	swait.ge [sflag:s14], $0x4000  }
0x4c: {  	[sflag:s14] =	ssyncset.done $0x0  }
0x4d: {  	s31 =	rddreg [dreg:$0x9];
	[sflag:s14] =	ssyncadd.s32 $0xFFFFC000  }
0x4e: {  	[tilespmem:s11], [sflag:$0x1] =	stream.indirect.gather [spmem:s2], $0x80, s31, s10, $0xb8;
	[tilespmem:$0x1C400] =	vst v63  }
0x4f: {  	_ =	swait.ge [sflag:s15], $0x4000  }
0x50: {  	[sflag:s15] =	ssyncset.done $0x0  }
0x51: {  	s23 =	sadd.s32 $0x2800, s21;
	[sflag:s15] =	ssyncadd.s32 $0xFFFFC000  }
0x52: {  	[hbm4b:s23+s3] =	stream.linear.scatter [tilespmem:s12], [sflag:$0x4], $0x4000, $0x38;
	[tilespmem:$0x1C400] =	vst v63  }
0x53: {  	_ =	swait.ge [sflag:s16], $0x4000  }
0x54: {  	[sflag:s16] =	ssyncset.done $0x0  }
0x55: {  	s24 =	rddreg [dreg:$0xa];
	[sflag:s16] =	ssyncadd.s32 $0xFFFFC000  }
0x56: {  	[tilespmem:s12], [sflag:$0x2] =	stream.indirect.gather [spmem:s2], $0x80, s24, s10, $0xb8;
	[tilespmem:$0x1C400] =	vst v63  }
0x57: {  	_ =	swait.ge [sflag:s13], $0x4000  }
0x58: {  	[sflag:s13] =	ssyncset.done $0x0  }
0x59: {  	s25 =	sadd.s32 $0x3000, s21;
	[sflag:s13] =	ssyncadd.s32 $0xFFFFC000  }
0x5a: {  	[hbm4b:s25+s3] =	stream.linear.scatter [tilespmem:s11], [sflag:$0x3], $0x4000, $0x38;
	[tilespmem:$0x1C400] =	vst v63  }
0x5b: {  	_ =	swait.ge [sflag:s14], $0x4000  }
0x5c: {  	[sflag:s14] =	ssyncset.done $0x0  }
0x5d: {  	s26 =	rddreg [dreg:$0xb];
	[sflag:s14] =	ssyncadd.s32 $0xFFFFC000  }
0x5e: {  	[tilespmem:s11], [sflag:$0x1] =	stream.indirect.gather [spmem:s2], $0x80, s26, s10, $0xb8;
	[tilespmem:$0x1C400] =	vst v63  }
0x5f: {  	_ =	swait.ge [sflag:s15], $0x4000  }
0x60: {  	[sflag:s15] =	ssyncset.done $0x0  }
0x61: {  	s28 =	sadd.s32 $0x3800, s21;
	[sflag:s15] =	ssyncadd.s32 $0xFFFFC000  }
0x62: {  	[hbm4b:s28+s3] =	stream.linear.scatter [tilespmem:s12], [sflag:$0x4], $0x4000, $0x38;
	[tilespmem:$0x1C400] =	vst v63  }
0x63: {  	_ =	swait.ge [sflag:s16], $0x4000  }
0x64: {  	[sflag:s16] =	ssyncset.done $0x0  }
0x65: {  	s29 =	rddreg [dreg:$0xc];
	[sflag:s16] =	ssyncadd.s32 $0xFFFFC000  }
0x66: {  	[tilespmem:s12], [sflag:$0x2] =	stream.indirect.gather [spmem:s2], $0x80, s29, s10, $0xb8;
	[tilespmem:$0x1C400] =	vst v63  }
0x67: {  	_ =	swait.ge [sflag:s13], $0x4000  }
0x68: {  	[sflag:s13] =	ssyncset.done $0x0  }
0x69: {  	s30 =	sadd.s32 $0x4000, s21;
	[sflag:s13] =	ssyncadd.s32 $0xFFFFC000  }
0x6a: {  	[hbm4b:s30+s3] =	stream.linear.scatter [tilespmem:s11], [sflag:$0x3], $0x4000, $0x38;
	[tilespmem:$0x1C400] =	vst v63  }
0x6b: {  	_ =	swait.ge [sflag:s14], $0x4000  }
0x6c: {  	[sflag:s14] =	ssyncset.done $0x0  }
0x6d: {  	s31 =	rddreg [dreg:$0xd];
	[sflag:s14] =	ssyncadd.s32 $0xFFFFC000  }
0x6e: {  	[tilespmem:s11], [sflag:$0x1] =	stream.indirect.gather [spmem:s2], $0x80, s31, s10, $0xb8;
	[tilespmem:$0x1C400] =	vst v63  }
0x6f: {  	_ =	swait.ge [sflag:s15], $0x4000  }
0x70: {  	[sflag:s15] =	ssyncset.done $0x0  }
0x71: {  	s23 =	sadd.s32 $0x4800, s21;
	[sflag:s15] =	ssyncadd.s32 $0xFFFFC000  }
0x72: {  	[hbm4b:s23+s3] =	stream.linear.scatter [tilespmem:s12], [sflag:$0x4], $0x4000, $0x38;
	[tilespmem:$0x1C400] =	vst v63  }
0x73: {  	_ =	swait.ge [sflag:s16], $0x4000  }
0x74: {  	[sflag:s16] =	ssyncset.done $0x0  }
0x75: {  	s24 =	rddreg [dreg:$0xe];
	[sflag:s16] =	ssyncadd.s32 $0xFFFFC000  }
0x76: {  	[tilespmem:s12], [sflag:$0x2] =	stream.indirect.gather [spmem:s2], $0x80, s24, s10, $0xb8;
	[tilespmem:$0x1C400] =	vst v63  }
0x77: {  	_ =	swait.ge [sflag:s13], $0x4000  }
0x78: {  	[sflag:s13] =	ssyncset.done $0x0  }
0x79: {  	s25 =	sadd.s32 $0x5000, s21;
	[sflag:s13] =	ssyncadd.s32 $0xFFFFC000  }
0x7a: {  	[hbm4b:s25+s3] =	stream.linear.scatter [tilespmem:s11], [sflag:$0x3], $0x4000, $0x38;
	[tilespmem:$0x1C400] =	vst v63  }
0x7b: {  	_ =	swait.ge [sflag:s14], $0x4000  }
0x7c: {  	[sflag:s14] =	ssyncset.done $0x0  }
0x7d: {  	s26 =	rddreg [dreg:$0xf];
	[sflag:s14] =	ssyncadd.s32 $0xFFFFC000  }
0x7e: {  	[tilespmem:s11], [sflag:$0x1] =	stream.indirect.gather [spmem:s2], $0x80, s26, s10, $0xb8;
	[tilespmem:$0x1C400] =	vst v63  }
0x7f: {  	_ =	swait.ge [sflag:s15], $0x4000  }
0x80: {  	[sflag:s15] =	ssyncset.done $0x0  }
0x81: {  	s28 =	sadd.s32 $0x5800, s21;
	[sflag:s15] =	ssyncadd.s32 $0xFFFFC000  }
0x82: {  	[hbm4b:s28+s3] =	stream.linear.scatter [tilespmem:s12], [sflag:$0x4], $0x4000, $0x38;
	[tilespmem:$0x1C400] =	vst v63  }
0x83: {  	_ =	swait.ge [sflag:s16], $0x4000  }
0x84: {  	[sflag:s16] =	ssyncset.done $0x0  }
0x85: {  	[sflag:s16] =	ssyncadd.s32 $0xFFFFC000  }
0x86: {  	[tilespmem:s12], [sflag:$0x2] =	stream.indirect.gather [spmem:s2], $0x80, s17, s10, $0xb8;
	[tilespmem:$0x1C400] =	vst v63  }
0x87: {  	_ =	swait.ge [sflag:s13], $0x4000  }
0x88: {  	[sflag:s13] =	ssyncset.done $0x0  }
0x89: {  	s29 =	sadd.s32 $0x6000, s21;
	[sflag:s13] =	ssyncadd.s32 $0xFFFFC000  }
0x8a: {  	[hbm4b:s29+s3] =	stream.linear.scatter [tilespmem:s11], [sflag:$0x3], $0x4000, $0x38;
	[tilespmem:$0x1C400] =	vst v63  }
0x8b: {  	_ =	swait.ge [sflag:s14], $0x4000  }
0x8c: {  	[sflag:s14] =	ssyncset.done $0x0  }
0x8d: {  	[sflag:s14] =	ssyncadd.s32 $0xFFFFC000  }
0x8e: {  	[tilespmem:s11], [sflag:$0x1] =	stream.indirect.gather [spmem:s2], $0x80, s18, s10, $0xb8;
	[tilespmem:$0x1C400] =	vst v63  }
0x8f: {  	_ =	swait.ge [sflag:s15], $0x4000  }
0x90: {  	[sflag:s15] =	ssyncset.done $0x0  }
0x91: {  	s30 =	sadd.s32 $0x6800, s21;
	[sflag:s15] =	ssyncadd.s32 $0xFFFFC000  }
0x92: {  	[hbm4b:s30+s3] =	stream.linear.scatter [tilespmem:s12], [sflag:$0x4], $0x4000, $0x38;
	[tilespmem:$0x1C400] =	vst v63  }
0x93: {  	_ =	swait.ge [sflag:s16], $0x4000  }
0x94: {  	[sflag:s16] =	ssyncset.done $0x0  }
0x95: {  	[sflag:s16] =	ssyncadd.s32 $0xFFFFC000  }
0x96: {  	[tilespmem:s12], [sflag:$0x2] =	stream.indirect.gather [spmem:s2], $0x80, s19, s10, $0xb8;
	[tilespmem:$0x1C400] =	vst v63  }
0x97: {  	_ =	swait.ge [sflag:s13], $0x4000  }
0x98: {  	[sflag:s13] =	ssyncset.done $0x0  }
0x99: {  	s31 =	sadd.s32 $0x7000, s21;
	[sflag:s13] =	ssyncadd.s32 $0xFFFFC000  }
0x9a: {  	[hbm4b:s31+s3] =	stream.linear.scatter [tilespmem:s11], [sflag:$0x3], $0x4000, $0x38;
	[tilespmem:$0x1C400] =	vst v63  }
0x9b: {  	_ =	swait.ge [sflag:s14], $0x4000  }
0x9c: {  	[sflag:s14] =	ssyncset.done $0x0  }
0x9d: {  	[sflag:s14] =	ssyncadd.s32 $0xFFFFC000  }
0x9e: {  	_ =	swait.ge [sflag:s15], $0x4000  }
0x9f: {  	[sflag:s15] =	ssyncset.done $0x0  }
0xa0: {  	s21 =	sadd.s32 $0x7800, s21;
	[sflag:s15] =	ssyncadd.s32 $0xFFFFC000  }
0xa1: {  	[hbm4b:s21+s3] =	stream.linear.scatter [tilespmem:s12], [sflag:$0x4], $0x4000, $0x38;
	[tilespmem:$0x1C400] =	vst v63  }
0xa2: {  	_ =	swait.ge [sflag:s16], $0x4000  }
0xa3: {  	s22 =	smov.u32 s7;
	s21 =	simm.s32 $0x8000;
	[sflag:s16] =	ssyncset.done $0x0  }
.LBB2_2:
0xa4: {  	[sflag:s16] =	ssyncadd.s32 $0xFFFFC000;
	s22 =	sadd.s32 $0x100, s22  }
0xa5: {  	[tilespmem:s3], [sflag:$0x5] =	stream.linear.gather [hbm4b:s22+s3], $0x800, $0x38;
	[tilespmem:$0x1C400] =	vst v63  }
0xa6: {  	_ =	swait.ge [sflag:s9], $0x800  }
0xa7: {  	[sflag:s9] =	ssyncset.done $0x0  }
0xa8: {  	[sflag:s9] =	ssyncadd.s32 $0xFFFFF800  }
0xa9: {  	[tilespmem:s11], [sflag:$0x1] =	stream.indirect.gather [spmem:s2], $0x80, s3, s10, $0xb8;
	[tilespmem:$0x1C400] =	vst v63  }
0xaa: {  	_ = 	snop  }
0xab: {  	[tilespmem:s12], [sflag:$0x2] =	stream.indirect.gather [spmem:s2], $0x80, s10, s10, $0xb8;
	[tilespmem:$0x1C400] =	vst v63  }
0xac: {  	_ =	swait.ge [sflag:s13], $0x4000  }
0xad: {  	s23 =	smov.u32 s21;
	s24 =	rddreg [dreg:$0x3];
	[sflag:s13] =	ssyncset.done $0x0  }
0xae: {  	[sflag:s13] =	ssyncadd.s32 $0xFFFFC000;
	s24 =	sadd.s32 s23, s24  }
0xaf: {  	[hbm4b:s24+s3] =	stream.linear.scatter [tilespmem:s11], [sflag:$0x3], $0x4000, $0x38;
	[tilespmem:$0x1C400] =	vst v63  }
0xb0: {  	_ =	swait.ge [sflag:s14], $0x4000  }
0xb1: {  	[sflag:s14] =	ssyncset.done $0x0  }
0xb2: {  	s31 =	rddreg [dreg:$0x5];
	[sflag:s14] =	ssyncadd.s32 $0xFFFFC000  }
0xb3: {  	[tilespmem:s11], [sflag:$0x1] =	stream.indirect.gather [spmem:s2], $0x80, s31, s10, $0xb8;
	[tilespmem:$0x1C400] =	vst v63  }
0xb4: {  	_ =	swait.ge [sflag:s15], $0x4000  }
0xb5: {  	s25 =	rddreg [dreg:$0x4]  }
0xb6: {  	[sflag:s15] =	ssyncset.done $0x0;
	s23 =	sadd.s32 s23, s25  }
0xb7: {  	[sflag:s15] =	ssyncadd.s32 $0xFFFFC000;
	s24 =	sadd.s32 $0x800, s23  }
0xb8: {  	[hbm4b:s24+s3] =	stream.linear.scatter [tilespmem:s12], [sflag:$0x4], $0x4000, $0x38;
	[tilespmem:$0x1C400] =	vst v63  }
0xb9: {  	_ =	swait.ge [sflag:s16], $0x4000  }
0xba: {  	[sflag:s16] =	ssyncset.done $0x0  }
0xbb: {  	s26 =	rddreg [dreg:$0x6];
	[sflag:s16] =	ssyncadd.s32 $0xFFFFC000  }
0xbc: {  	[tilespmem:s12], [sflag:$0x2] =	stream.indirect.gather [spmem:s2], $0x80, s26, s10, $0xb8;
	[tilespmem:$0x1C400] =	vst v63  }
0xbd: {  	_ =	swait.ge [sflag:s13], $0x4000  }
0xbe: {  	[sflag:s13] =	ssyncset.done $0x0  }
0xbf: {  	s28 =	sadd.s32 $0x1000, s23;
	[sflag:s13] =	ssyncadd.s32 $0xFFFFC000  }
0xc0: {  	[hbm4b:s28+s3] =	stream.linear.scatter [tilespmem:s11], [sflag:$0x3], $0x4000, $0x38;
	[tilespmem:$0x1C400] =	vst v63  }
0xc1: {  	_ =	swait.ge [sflag:s14], $0x4000  }
0xc2: {  	[sflag:s14] =	ssyncset.done $0x0  }
0xc3: {  	s29 =	rddreg [dreg:$0x7];
	[sflag:s14] =	ssyncadd.s32 $0xFFFFC000  }
0xc4: {  	[tilespmem:s11], [sflag:$0x1] =	stream.indirect.gather [spmem:s2], $0x80, s29, s10, $0xb8;
	[tilespmem:$0x1C400] =	vst v63  }
0xc5: {  	_ =	swait.ge [sflag:s15], $0x4000  }
0xc6: {  	[sflag:s15] =	ssyncset.done $0x0  }
0xc7: {  	s30 =	sadd.s32 $0x1800, s23;
	[sflag:s15] =	ssyncadd.s32 $0xFFFFC000  }
0xc8: {  	[hbm4b:s30+s3] =	stream.linear.scatter [tilespmem:s12], [sflag:$0x4], $0x4000, $0x38;
	[tilespmem:$0x1C400] =	vst v63  }
0xc9: {  	_ =	swait.ge [sflag:s16], $0x4000  }
0xca: {  	[sflag:s16] =	ssyncset.done $0x0  }
0xcb: {  	s31 =	rddreg [dreg:$0x8];
	[sflag:s16] =	ssyncadd.s32 $0xFFFFC000  }
0xcc: {  	[tilespmem:s12], [sflag:$0x2] =	stream.indirect.gather [spmem:s2], $0x80, s31, s10, $0xb8;
	[tilespmem:$0x1C400] =	vst v63  }
0xcd: {  	_ =	swait.ge [sflag:s13], $0x4000  }
0xce: {  	[sflag:s13] =	ssyncset.done $0x0  }
0xcf: {  	s25 =	sadd.s32 $0x2000, s23;
	[sflag:s13] =	ssyncadd.s32 $0xFFFFC000  }
0xd0: {  	[hbm4b:s25+s3] =	stream.linear.scatter [tilespmem:s11], [sflag:$0x3], $0x4000, $0x38;
	[tilespmem:$0x1C400] =	vst v63  }
0xd1: {  	_ =	swait.ge [sflag:s14], $0x4000  }
0xd2: {  	[sflag:s14] =	ssyncset.done $0x0  }
0xd3: {  	s26 =	rddreg [dreg:$0x9];
	[sflag:s14] =	ssyncadd.s32 $0xFFFFC000  }
0xd4: {  	[tilespmem:s11], [sflag:$0x1] =	stream.indirect.gather [spmem:s2], $0x80, s26, s10, $0xb8;
	[tilespmem:$0x1C400] =	vst v63  }
0xd5: {  	_ =	swait.ge [sflag:s15], $0x4000  }
0xd6: {  	[sflag:s15] =	ssyncset.done $0x0  }
0xd7: {  	s28 =	sadd.s32 $0x2800, s23;
	[sflag:s15] =	ssyncadd.s32 $0xFFFFC000  }
0xd8: {  	[hbm4b:s28+s3] =	stream.linear.scatter [tilespmem:s12], [sflag:$0x4], $0x4000, $0x38;
	[tilespmem:$0x1C400] =	vst v63  }
0xd9: {  	_ =	swait.ge [sflag:s16], $0x4000  }
0xda: {  	[sflag:s16] =	ssyncset.done $0x0  }
0xdb: {  	s29 =	rddreg [dreg:$0xa];
	[sflag:s16] =	ssyncadd.s32 $0xFFFFC000  }
0xdc: {  	[tilespmem:s12], [sflag:$0x2] =	stream.indirect.gather [spmem:s2], $0x80, s29, s10, $0xb8;
	[tilespmem:$0x1C400] =	vst v63  }
0xdd: {  	_ =	swait.ge [sflag:s13], $0x4000  }
0xde: {  	[sflag:s13] =	ssyncset.done $0x0  }
0xdf: {  	s30 =	sadd.s32 $0x3000, s23;
	[sflag:s13] =	ssyncadd.s32 $0xFFFFC000  }
0xe0: {  	[hbm4b:s30+s3] =	stream.linear.scatter [tilespmem:s11], [sflag:$0x3], $0x4000, $0x38;
	[tilespmem:$0x1C400] =	vst v63  }
0xe1: {  	_ =	swait.ge [sflag:s14], $0x4000  }
0xe2: {  	[sflag:s14] =	ssyncset.done $0x0  }
0xe3: {  	s31 =	rddreg [dreg:$0xb];
	[sflag:s14] =	ssyncadd.s32 $0xFFFFC000  }
0xe4: {  	[tilespmem:s11], [sflag:$0x1] =	stream.indirect.gather [spmem:s2], $0x80, s31, s10, $0xb8;
	[tilespmem:$0x1C400] =	vst v63  }
0xe5: {  	_ =	swait.ge [sflag:s15], $0x4000  }
0xe6: {  	[sflag:s15] =	ssyncset.done $0x0  }
0xe7: {  	s25 =	sadd.s32 $0x3800, s23;
	[sflag:s15] =	ssyncadd.s32 $0xFFFFC000  }
0xe8: {  	[hbm4b:s25+s3] =	stream.linear.scatter [tilespmem:s12], [sflag:$0x4], $0x4000, $0x38;
	[tilespmem:$0x1C400] =	vst v63  }
0xe9: {  	_ =	swait.ge [sflag:s16], $0x4000  }
0xea: {  	[sflag:s16] =	ssyncset.done $0x0  }
0xeb: {  	s26 =	rddreg [dreg:$0xc];
	[sflag:s16] =	ssyncadd.s32 $0xFFFFC000  }
0xec: {  	[tilespmem:s12], [sflag:$0x2] =	stream.indirect.gather [spmem:s2], $0x80, s26, s10, $0xb8;
	[tilespmem:$0x1C400] =	vst v63  }
0xed: {  	_ =	swait.ge [sflag:s13], $0x4000  }
0xee: {  	[sflag:s13] =	ssyncset.done $0x0  }
0xef: {  	s28 =	sadd.s32 $0x4000, s23;
	[sflag:s13] =	ssyncadd.s32 $0xFFFFC000  }
0xf0: {  	[hbm4b:s28+s3] =	stream.linear.scatter [tilespmem:s11], [sflag:$0x3], $0x4000, $0x38;
	[tilespmem:$0x1C400] =	vst v63  }
0xf1: {  	_ =	swait.ge [sflag:s14], $0x4000  }
0xf2: {  	[sflag:s14] =	ssyncset.done $0x0  }
0xf3: {  	s29 =	rddreg [dreg:$0xd];
	[sflag:s14] =	ssyncadd.s32 $0xFFFFC000  }
0xf4: {  	[tilespmem:s11], [sflag:$0x1] =	stream.indirect.gather [spmem:s2], $0x80, s29, s10, $0xb8;
	[tilespmem:$0x1C400] =	vst v63  }
0xf5: {  	_ =	swait.ge [sflag:s15], $0x4000  }
0xf6: {  	[sflag:s15] =	ssyncset.done $0x0  }
0xf7: {  	s30 =	sadd.s32 $0x4800, s23;
	[sflag:s15] =	ssyncadd.s32 $0xFFFFC000  }
0xf8: {  	[hbm4b:s30+s3] =	stream.linear.scatter [tilespmem:s12], [sflag:$0x4], $0x4000, $0x38;
	[tilespmem:$0x1C400] =	vst v63  }
0xf9: {  	_ =	swait.ge [sflag:s16], $0x4000  }
0xfa: {  	[sflag:s16] =	ssyncset.done $0x0  }
0xfb: {  	s31 =	rddreg [dreg:$0xe];
	[sflag:s16] =	ssyncadd.s32 $0xFFFFC000  }
0xfc: {  	[tilespmem:s12], [sflag:$0x2] =	stream.indirect.gather [spmem:s2], $0x80, s31, s10, $0xb8;
	[tilespmem:$0x1C400] =	vst v63  }
0xfd: {  	_ =	swait.ge [sflag:s13], $0x4000  }
0xfe: {  	[sflag:s13] =	ssyncset.done $0x0  }
0xff: {  	s25 =	sadd.s32 $0x5000, s23;
	[sflag:s13] =	ssyncadd.s32 $0xFFFFC000  }
0x100: {  	[hbm4b:s25+s3] =	stream.linear.scatter [tilespmem:s11], [sflag:$0x3], $0x4000, $0x38;
	[tilespmem:$0x1C400] =	vst v63  }
0x101: {  	_ =	swait.ge [sflag:s14], $0x4000  }
0x102: {  	[sflag:s14] =	ssyncset.done $0x0  }
0x103: {  	s26 =	rddreg [dreg:$0xf];
	[sflag:s14] =	ssyncadd.s32 $0xFFFFC000  }
0x104: {  	[tilespmem:s11], [sflag:$0x1] =	stream.indirect.gather [spmem:s2], $0x80, s26, s10, $0xb8;
	[tilespmem:$0x1C400] =	vst v63  }
0x105: {  	_ =	swait.ge [sflag:s15], $0x4000  }
0x106: {  	[sflag:s15] =	ssyncset.done $0x0  }
0x107: {  	s28 =	sadd.s32 $0x5800, s23;
	[sflag:s15] =	ssyncadd.s32 $0xFFFFC000  }
0x108: {  	[hbm4b:s28+s3] =	stream.linear.scatter [tilespmem:s12], [sflag:$0x4], $0x4000, $0x38;
	[tilespmem:$0x1C400] =	vst v63  }
0x109: {  	_ =	swait.ge [sflag:s16], $0x4000  }
0x10a: {  	[sflag:s16] =	ssyncset.done $0x0  }
0x10b: {  	[sflag:s16] =	ssyncadd.s32 $0xFFFFC000  }
0x10c: {  	[tilespmem:s12], [sflag:$0x2] =	stream.indirect.gather [spmem:s2], $0x80, s17, s10, $0xb8;
	[tilespmem:$0x1C400] =	vst v63  }
0x10d: {  	_ =	swait.ge [sflag:s13], $0x4000  }
0x10e: {  	[sflag:s13] =	ssyncset.done $0x0  }
0x10f: {  	s29 =	sadd.s32 $0x6000, s23;
	[sflag:s13] =	ssyncadd.s32 $0xFFFFC000  }
0x110: {  	[hbm4b:s29+s3] =	stream.linear.scatter [tilespmem:s11], [sflag:$0x3], $0x4000, $0x38;
	[tilespmem:$0x1C400] =	vst v63  }
0x111: {  	_ =	swait.ge [sflag:s14], $0x4000  }
0x112: {  	[sflag:s14] =	ssyncset.done $0x0  }
0x113: {  	[sflag:s14] =	ssyncadd.s32 $0xFFFFC000  }
0x114: {  	[tilespmem:s11], [sflag:$0x1] =	stream.indirect.gather [spmem:s2], $0x80, s18, s10, $0xb8;
	[tilespmem:$0x1C400] =	vst v63  }
0x115: {  	_ =	swait.ge [sflag:s15], $0x4000  }
0x116: {  	[sflag:s15] =	ssyncset.done $0x0  }
0x117: {  	s30 =	sadd.s32 $0x6800, s23;
	[sflag:s15] =	ssyncadd.s32 $0xFFFFC000  }
0x118: {  	[hbm4b:s30+s3] =	stream.linear.scatter [tilespmem:s12], [sflag:$0x4], $0x4000, $0x38;
	[tilespmem:$0x1C400] =	vst v63  }
0x119: {  	_ =	swait.ge [sflag:s16], $0x4000  }
0x11a: {  	[sflag:s16] =	ssyncset.done $0x0  }
0x11b: {  	[sflag:s16] =	ssyncadd.s32 $0xFFFFC000  }
0x11c: {  	[tilespmem:s12], [sflag:$0x2] =	stream.indirect.gather [spmem:s2], $0x80, s19, s10, $0xb8;
	[tilespmem:$0x1C400] =	vst v63  }
0x11d: {  	_ =	swait.ge [sflag:s13], $0x4000  }
0x11e: {  	[sflag:s13] =	ssyncset.done $0x0  }
0x11f: {  	s31 =	sadd.s32 $0x7000, s23;
	[sflag:s13] =	ssyncadd.s32 $0xFFFFC000  }
0x120: {  	[hbm4b:s31+s3] =	stream.linear.scatter [tilespmem:s11], [sflag:$0x3], $0x4000, $0x38;
	[tilespmem:$0x1C400] =	vst v63  }
0x121: {  	_ =	swait.ge [sflag:s14], $0x4000  }
0x122: {  	[sflag:s14] =	ssyncset.done $0x0  }
0x123: {  	[sflag:s14] =	ssyncadd.s32 $0xFFFFC000  }
0x124: {  	p0 =	sne.s32 s21, $0x20000;
	_ =	swait.ge [sflag:s15], $0x4000  }
.Ltmp0:
0x125: {  	[sflag:s15] =	ssyncset.done $0x0;
	(pc) =	sbr.rel @p0 .LBB2_2-.Ltmp0, $4  }
0x126: {  	s23 =	sadd.s32 $0x7800, s23;
	[sflag:s15] =	ssyncadd.s32 $0xFFFFC000  }
0x127: {  	[hbm4b:s23+s3] =	stream.linear.scatter [tilespmem:s12], [sflag:$0x4], $0x4000, $0x38;
	[tilespmem:$0x1C400] =	vst v63  }
0x128: {  	_ =	swait.ge [sflag:s16], $0x4000  }
0x129: {  	s21 =	sadd.s32 $0x8000, s21;
	[sflag:s16] =	ssyncset.done $0x0  }
0x12a: {  	s20 =	sadd.s32 $0x1, s20  }
0x12b: {  	p0 =	sne.s32 s20, s6  }
.Ltmp1:
0x12c: {  	_ = 	snop;
	(pc) =	sbr.rel @p0 .LBB2_1-.Ltmp1, $2  }
0x12d: {  	_ =	sdelay $0x2  }
0x12e: {  	[sflag:s16] =	ssyncadd.s32 $0xFFFFC000  }
0x12f: {  	_ =	sfence.sel $0x180000  }
0x130: {  	[bflag:$0x0] =	sbarrier.arrive $0xFFFF  }
0x131: {  	p0 =	sne.s32 s0, $0x0;
	_ =	strace $0x9000004D  }
0x132: {  	s0 =	sadd.s32 @!p0 $0x100000, s1;
	[bflag:$0x2] =	sbarrier.arrive $0xFFFF  }
0x133: {  	[sflag:s0] =	ssyncadd.tile.s32 @!p0 $0x1;
	_ =	shalt  }
.Lfunc_end2:
_tile_overlayer_lowered:
.L_overlay_start_2:
0x134: {  	(tag) =	ssettag $0x2  }
0x135: {  	s0 =	rddreg [dreg:$0x0];
	s2 =	stileid.u32  }
0x136: {  	s1 =	rddreg [dreg:$0x1];
	p0 =	sne.s32 s2, $0x0  }
0x137: {  	s3 =	rddreg [dreg:$0x2];
	[bflag:$0x3] =	sbarrier.arrive $0xFFFF;
	s2 =	simm.s32 @!p0 $0x1C05  }
0x138: {  	[timem:s3], [sflag:s2] =	dma.local @!p0 [hbm:s0], s1  }
0x139: {  	s0 =	simm.s32 @!p0 $0x5  }
0x13a: {  	_ =	swait.ge @!p0 [sflag:s0], s1  }
0x13b: {  	s1 =	ssub.s32 @!p0 $0x0, s1;
	[sflag:s0] =	ssyncset.done @!p0 $0x0  }
0x13c: {  	[sflag:s0] =	ssyncadd.s32 @!p0 s1  }
0x13d: {  	[bflag:$0x3] =	sbarrier.arrive $0xFFFF  }
0x13e: {  	_ =	shalt  }

// kernel: kernel.19.cloned.1.call-start
scs
__scs_entry_jumppad:
0x0: {  	(pc) =	sbr.rel $0x88, $3  }
0x1: {  	(tag) =	ssettag $0x0;
	lr =	simm.s32 $0x1  }
0x2: {  	[smem:$0x3F99] =	sst lr;
	_ =	strace $0xD0000000  }
0x3: {  	_ = 	snop  }
0x4: {  	_ = 	snop  }
0x5: {  	_ = 	snop  }
0x6: {  	_ = 	snop  }
0x7: {  	_ = 	snop  }
__scs_overlays_trampoline_lowered:
0x8: {  	[smem:$0x3FA8] =	sst s0  }
0x9: {  	[smem:$0x3FA9] =	sst s1  }
0xa: {  	[smem:$0x3FAA] =	sst s2  }
0xb: {  	[smem:$0x3FAB] =	sst s3  }
0xc: {  	[smem:$0x3FAC] =	sst s4  }
0xd: {  	[smem:$0x3FAD] =	sst s5  }
0xe: {  	[smem:$0x3FAE] =	sst s6  }
0xf: {  	[smem:$0x3FAF] =	sst s7  }
0x10: {  	[smem:$0x3FB0] =	sst s8  }
0x11: {  	[smem:$0x3FB1] =	sst s9;
	s0 =	simm.s32 @!p0 $0x0  }
0x12: {  	s1 =	sld [smem:$0x3F97];
	s0 =	simm.s32 @p0 $0x1  }
0x13: {  	[smem:$0x3FB2] =	sst s0;
	s0 =	simm.s32 @!p1 $0x0  }
0x14: {  	s2 =	sld [smem:$0x3F96];
	s0 =	simm.s32 @p1 $0x1  }
0x15: {  	[smem:$0x3FB3] =	sst s0;
	s0 =	simm.s32 @!p2 $0x0  }
0x16: {  	s3 =	sld [smem:$0x3FDB];
	s0 =	simm.s32 @p2 $0x1  }
0x17: {  	s4 =	simm.s32 $0x1BF5;
	[smem:$0x3FB5] =	sst s0  }
0x18: {  	s0 =	sld [smem:$0x3F98];
	_ =	swait.ge [sflag:s4], $0x0  }
0x19: {  	s7 =	sld [smem:$0x3F99]  }
0x1a: {  	s8 =	sadd.s32 $0xFFFFE003, lr  }
0x1b: {  	s9 =	sadd.s32 $0xFFFFFEF7, lr;
	s5 =	simm.s32 $0xFFFFFFFF;
	p2 =	slt.u32 s8, $0xFFFFF086  }
0x1c: {  	p1 =	slt.u32 s9, $0xF7A;
	s5 =	simm.s32 @!p2 $0x0  }
0x1d: {  	s5 =	simm.s32 @p1 $0x1;
	p0 =	seq.s32 s7, s2  }
0x1e: {  	s7 =	smul.u32 @!p0 $0xF7A, s2;
	p2 =	seq.s32 @!p0 s5, $0x0  }
0x1f: {  	s9 =	smul.u32 $0xF7A, s1;
	s8 =	simm.s32 @!p0 $0x1BF5;
	p2 =	por !p2, p0  }
0x20: {  	[sflag:s8] =	ssyncset.s32 @!p0 $0xFFFFF086;
	s6 =	sadd.s32 @!p0 s3, s7;
	s7 =	simm.s32 @!p0 $0x108  }
0x21: {  	s3 =	sadd.s32 s3, s9;
	s6 =	sadd.s32 @!p0 $0x88, s6;
	s7 =	simm.s32 @p2 $0x1082  }
0x22: {  	[simem:s7], [sflag:s8] =	dma.local @!p0 [hbm:s6], $0xF7A  }
0x23: {  	s9 =	sor.u32 $0xD0000000, s2;
	s6 =	simm.s32 $0x108;
	_ =	swait.ge @!p0 [sflag:s8], $0x0  }
0x24: {  	s3 =	sadd.s32 $0x88, s3;
	s6 =	simm.s32 @!p1 $0x1082;
	[sflag:s4] =	ssyncset.s32 $0xFFFFF086  }
0x25: {  	[simem:s6], [sflag:s4] =	dma.local [hbm:s3], $0xF7A  }
0x26: {  	[smem:$0x3F99] =	sst s1;
	(tag) =	ssettag s2;
	_ =	strace s9  }
0x27: {  	s1 =	sld [smem:$0x3FA9]  }
0x28: {  	s2 =	sld [smem:$0x3FAA]  }
0x29: {  	s4 =	sld [smem:$0x3FAC]  }
0x2a: {  	p0 =	seq.s32 s5, $0x0;
	s5 =	sld [smem:$0x3FAD]  }
0x2b: {  	s6 =	sld [smem:$0x3FAE]  }
0x2c: {  	s7 =	sld [smem:$0x3FAF]  }
0x2d: {  	s3 =	simm.s32 $0x108;
	s8 =	sld [smem:$0x3FB0]  }
0x2e: {  	s3 =	simm.s32 @!p0 $0x1082;
	s9 =	sld [smem:$0x3FB1]  }
0x2f: {  	lr =	sadd.s32 s0, s3;
	s0 =	sld [smem:$0x3FA8]  }
0x30: {  	s3 =	sld [smem:$0x3FAB]  }
0x31: {  	[smem:$0x3FB4] =	sst s10  }
0x32: {  	s10 =	sld [smem:$0x3FB2];
	_ =	sdelay $0x3  }
0x33: {  	p0 =	seq.s32 s10, $0x1;
	s10 =	sld [smem:$0x3FB4];
	_ =	sdelay $0x3  }
0x34: {  	[smem:$0x3FB4] =	sst s10  }
0x35: {  	s10 =	sld [smem:$0x3FB3];
	_ =	sdelay $0x3  }
0x36: {  	p1 =	seq.s32 s10, $0x1;
	s10 =	sld [smem:$0x3FB4];
	_ =	sdelay $0x3  }
0x37: {  	[smem:$0x3FB4] =	sst s10  }
0x38: {  	s10 =	sld [smem:$0x3FB5]  }
0x39: {  	_ = 	snop;
	(pc) =	sbr.ind lr, $3  }
0x3a: {  	_ = 	snop  }
0x3b: {  	_ = 	snop  }
0x3c: {  	p2 =	seq.s32 s10, $0x1;
	s10 =	sld [smem:$0x3FB4]  }
0x3d: {  	_ =	shalt  }
0x3e: {  	_ =	shalt  }
0x3f: {  	_ =	shalt  }
0x40: {  	_ =	shalt  }
0x41: {  	_ =	shalt  }
0x42: {  	_ =	shalt  }
0x43: {  	_ =	shalt  }
0x44: {  	_ =	shalt  }
0x45: {  	_ =	shalt  }
0x46: {  	_ =	shalt  }
0x47: {  	_ =	shalt  }
0x48: {  	_ =	shalt  }
0x49: {  	_ =	shalt  }
0x4a: {  	_ =	shalt  }
0x4b: {  	_ =	shalt  }
0x4c: {  	_ =	shalt  }
0x4d: {  	_ =	shalt  }
0x4e: {  	_ =	shalt  }
0x4f: {  	_ =	shalt  }
0x50: {  	_ =	shalt  }
0x51: {  	_ =	shalt  }
0x52: {  	_ =	shalt  }
0x53: {  	_ =	shalt  }
0x54: {  	_ =	shalt  }
0x55: {  	_ =	shalt  }
0x56: {  	_ =	shalt  }
0x57: {  	_ =	shalt  }
0x58: {  	_ =	shalt  }
0x59: {  	_ =	shalt  }
0x5a: {  	_ =	shalt  }
0x5b: {  	_ =	shalt  }
0x5c: {  	_ =	shalt  }
0x5d: {  	_ =	shalt  }
0x5e: {  	_ =	shalt  }
0x5f: {  	_ =	shalt  }
0x60: {  	_ =	shalt  }
0x61: {  	_ =	shalt  }
0x62: {  	_ =	shalt  }
0x63: {  	_ =	shalt  }
0x64: {  	_ =	shalt  }
0x65: {  	_ =	shalt  }
0x66: {  	_ =	shalt  }
0x67: {  	_ =	shalt  }
0x68: {  	_ =	shalt  }
0x69: {  	_ =	shalt  }
0x6a: {  	_ =	shalt  }
0x6b: {  	_ =	shalt  }
0x6c: {  	_ =	shalt  }
0x6d: {  	_ =	shalt  }
0x6e: {  	_ =	shalt  }
0x6f: {  	_ =	shalt  }
0x70: {  	_ =	shalt  }
0x71: {  	_ =	shalt  }
0x72: {  	_ =	shalt  }
0x73: {  	_ =	shalt  }
0x74: {  	_ =	shalt  }
0x75: {  	_ =	shalt  }
0x76: {  	_ =	shalt  }
0x77: {  	_ =	shalt  }
0x78: {  	_ =	shalt  }
0x79: {  	_ =	shalt  }
0x7a: {  	_ =	shalt  }
0x7b: {  	_ =	shalt  }
0x7c: {  	_ =	shalt  }
0x7d: {  	_ =	shalt  }
0x7e: {  	_ =	shalt  }
0x7f: {  	_ =	shalt  }
0x80: {  	_ =	shalt  }
0x81: {  	_ =	shalt  }
0x82: {  	_ =	shalt  }
0x83: {  	_ =	shalt  }
0x84: {  	_ =	shalt  }
0x85: {  	_ =	shalt  }
0x86: {  	_ =	shalt  }
0x87: {  	_ =	shalt  }
.Lfunc_end0:
.L_simem_size_0:
called_computation.3_lowered:
.L_overlay_start_0:
0x88: {  	s2 =	sld [smem:$0x3FD9]  }
0x89: {  	s3 =	sld [smem:$0x3FFE];
	_ =	sdelay $0x1  }
0x8a: {  	s1 =	srdreg.scid  }
0x8b: {  	s0 =	sand.u32 $0x1, s1  }
0x8c: {  	s16 =	sshll.u32 s0, $0xA;
	s2 =	sadd.s32 s3, s2  }
0x8d: {  	s2 =	sadd.s32 s2, s16  }
0x8e: {  	[smem:$0x3FC0] =	sst s2  }
0x8f: {  	_ = 	snop  }
0x90: {  	(tm) =	ssettm $0x1  }
0x91: {  	s17 =	sld [smem:$0x3FFB];
	_ =	sdelay $0x3  }
0x92: {  	_ =	strace s17  }
0x93: {  	s2 =	sld [smem:$0x3FFC];
	_ =	sdelay $0x3  }
0x94: {  	_ =	strace s2  }
0x95: {  	s2 =	sld [smem:$0x3FFD];
	_ =	sdelay $0x3  }
0x96: {  	_ =	strace s2  }
0x97: {  	_ =	strace $0x8FFFFFFF  }
0x98: {  	s18 =	sld [smem:$0x3FDB];
	_ =	sdelay $0x1  }
0x99: {  	s19 =	simm.s32 $_scs_section_size  }
0x9a: {  	s4 =	simm.s32 $_size__tile_overlayer_lowered;
	s5 =	simm.s32 $_tile_overlayer_lowered  }
0x9b: {  	s22 =	simm.s32 $0x1BFF;
	s21 =	sshll.u32 s5, $0x1;
	s2 =	sadd.s32 s19, s18  }
0x9c: {  	s6 =	simm.s32 $0x0;
	s20 =	sshll.u32 s4, $0x1;
	s4 =	sadd.s32 s21, s2  }
0x9d: {  	[timem:s6], [sflag:s22] =	dma.local [hbm:s4], s20  }
0x9e: {  	_ =	swait.ge [sflag:s22], s20  }
0x9f: {  	s3 =	ssub.s32 $0x0, s20;
	[sflag:s22] =	ssyncset.done $0x0  }
0xa0: {  	[sflag:s22] =	ssyncadd.s32 s3;
	_ =	sdelay $0x1  }
0xa1: {  	s23 =	simm.s32 $0x1B8B  }
0xa2: {  	_ =	swait.ge [sflag:s23], $0x1  }
0xa3: {  	[sflag:s23] =	ssyncset.done $0x0  }
0xa4: {  	s25 =	simm.s32 $0x1B8E;
	s24 =	sld [smem:$0x3FFE];
	[sflag:s23] =	ssyncadd.s32 $0xFFFFFFFF  }
0xa5: {  	s26 =	simm.s32 $execute0_lowered;
	[smem:$0x3FD2] =	sst s25  }
0xa6: {  	s4 =	sshll.u32 s26, $0x1;
	_ =	strace $0x8000004F;
	[dreg:$0x1] =	wrdreg $0xFFFFFFFF  }
0xa7: {  	s28 =	simm.s32 $_size_execute0_lowered;
	s2 =	sadd.s32 s2, s4;
	[dreg:$0x0] =	wrdreg $0x0  }
0xa8: {  	s4 =	sshll.u32 s28, $0x1;
	[dreg:$0x2] =	wrdreg s2  }
0xa9: {  	[dreg:$0x3] =	wrdreg s4  }
0xaa: {  	[dreg:$0x4] =	wrdreg $0xC0  }
0xab: {  	_ =	task [dreg:s6], $0x5FFFF  }
0xac: {  	[dreg:$0x1] =	wrdreg $0xFFFFFFFF  }
0xad: {  	[dreg:$0x0] =	wrdreg $0x60  }
0xae: {  	[dreg:$0x2] =	wrdreg s24  }
0xaf: {  	[dreg:$0x3] =	wrdreg $0xAF800  }
0xb0: {  	[dreg:$0x4] =	wrdreg $0x9  }
0xb1: {  	_ =	task.clear_ibuf [dreg:s6], $0x5FFFF;
	_ =	strace $0x9000004F  }
0xb2: {  	s29 =	simm.s32 $0x9;
	_ =	strace $0x80000051  }
0xb3: {  	_ =	swait.ge [sflag:s29], $0x1  }
0xb4: {  	[sflag:s29] =	ssyncadd.s32 $0xFFFFFFFF  }
0xb5: {  	_ =	strace $0x90000051  }
0xb6: {  	_ =	sfence  }
0xb7: {  	s30 =	sld [smem:$0x0];
	_ =	sdelay $0x2  }
0xb8: {  	s31 =	sshll.u32 s1, $0xD;
	s1 =	sshrl.u32 s1, $0x2  }
0xb9: {  	s3 =	sand.u32 $0x4000, s31;
	s1 =	sadd.s32 s1, s30  }
0xba: {  	s0 =	sor.u32 s3, s0;
	s1 =	sshll.u32 s1, $0x11  }
0xbb: {  	s0 =	sor.u32 s1, s0  }
0xbc: {  	s0 =	sadd.s32 $0x8F2B, s0  }
0xbd: {  	[sflag:s0] =	ssyncadd.remote.s32 $0x1  }
0xbe: {  	_ =	sfence.sel $0xFFFF  }
0xbf: {  	[dreg:$0x0] =	wrdreg $0xFFFFFFFF;
	(pc) =	sbr.abs _section_cstart, $3  }
0xc0: {  	[dreg:$0x1] =	wrdreg $0xFFFFFFFF  }
0xc1: {  	_ =	task.clear_ibuf [dreg:s6], $0x2FFFF;
	_ =	strace $0x9FFFFFFF  }
0xc2: {  	(tm) =	ssettm $0x7FFFFFFF  }
0xc3: {  	_ =	shalt  }
tec
execute0_lowered:
.L_overlay_start_1:
0x0: {  	(tag) =	ssettag $0x1  }
0x1: {  	s4 =	rddreg [dreg:$0x0]  }
0x2: {  	s1 =	rddreg [dreg:$0x1];
	s2 =	srdreg.scid  }
0x3: {  	s0 =	rddreg [dreg:$0x2];
	s3 =	simm.s32 $0x0;
	s23 =	simm.s32 $0x100  }
0x4: {  	s24 =	simm.s32 $0x180;
	s25 =	simm.s32 $0x200;
	s5 =	sand.u32 $0x1, s2  }
0x5: {  	s26 =	simm.s32 $0x280;
	s2 =	stileid.u32;
	s6 =	smul.u32 $0x28000, s5  }
0x6: {  	s28 =	simm.s32 $0x300;
	[smem:$0x7FF] =	sst s3;
	s7 =	smul.u32 $0x2800, s2  }
0x7: {  	_ =	strace $0x80000050;
	s16 =	smul.u32 $0x13C00, s2;
	[dreg:$0x5] =	wrdreg s23  }
0x8: {  	s29 =	simm.s32 $0x380;
	s10 =	smul.u32 $0x13C000, s5;
	[dreg:$0x6] =	wrdreg s24  }
0x9: {  	s30 =	simm.s32 $0x400;
	s18 =	smul.u32 $0x4F000, s2;
	[dreg:$0x7] =	wrdreg s25  }
0xa: {  	s31 =	simm.s32 $0x480;
	s13 =	smul.u32 $0x1400000, s5;
	[dreg:$0x8] =	wrdreg s26  }
0xb: {  	s9 =	sshll.u32 s5, $0x4;
	s15 =	smul.u32 $0x140000, s2;
	[dreg:$0x9] =	wrdreg s28  }
0xc: {  	s12 =	ssub.s32 $0x2, s5;
	s5 =	smul.u32 $0x280000, s5;
	[dreg:$0xa] =	wrdreg s29  }
0xd: {  	s8 =	sadd.s32 $0x548800, s4;
	s21 =	smul.u32 $0x28000, s2;
	[dreg:$0xb] =	wrdreg s30  }
0xe: {  	s22 =	sshll.u32 s2, $0x6;
	[dreg:$0xc] =	wrdreg s31;
	s9 =	sor.u32 s2, s9  }
0xf: {  	s14 =	sshrl.u32 s12, $0x1;
	s6 =	sadd.s32 s7, s6;
	s17 =	sshrl.u32 s16, $0x3  }
0x10: {  	s9 =	smul.u32 $0x4F0, s9;
	s7 =	sadd.s32 s16, s10;
	s12 =	ssub.s32 s12, s14  }
0x11: {  	s19 =	sshrl.u32 s18, $0x2;
	s13 =	sadd.s32 s15, s13;
	s14 =	simm.s32 $0x1  }
0x12: {  	s16 =	simm.s32 $0x500;
	s15 =	simm.s32 $0x80;
	s18 =	simm.s32 $0x600  }
0x13: {  	s6 =	sshrl.u32 s6, $0x3;
	s7 =	sshrl.u32 s7, $0x3;
	s10 =	sadd.s32 s19, s1  }
0x14: {  	s20 =	sshrl.u32 s13, $0x3;
	s13 =	simm.s32 $0x4800;
	[dreg:$0xd] =	wrdreg s16  }
0x15: {  	s16 =	simm.s32 $0x8800;
	[dreg:$0xf] =	wrdreg s18;
	s18 =	simm.s32 $0x2  }
0x16: {  	s19 =	simm.s32 $0x4;
	s11 =	sadd.s32 s6, s4;
	s6 =	sadd.s32 s17, s4  }
0x17: {  	s7 =	sadd.s32 s7, s4;
	s9 =	sadd.s32 s9, s4;
	s10 =	sshrl.u32 s10, $0x3  }
0x18: {  	s17 =	simm.s32 $0x580;
	s4 =	sadd.s32 $0x17000, s6;
	s6 =	sadd.s32 s20, s8  }
0x19: {  	s8 =	sadd.s32 s5, s8;
	s5 =	sor.u32 $0x1C05, s22;
	[dreg:$0xe] =	wrdreg s17  }
0x1a: {  	s17 =	simm.s32 $0x3;
	s20 =	simm.s32 $0x680;
	s22 =	simm.s32 $0x0  }
0x1b: {  	[dreg:$0x3] =	wrdreg s6;
	s8 =	sadd.s32 s21, s8;
	s6 =	sadd.s32 $0x66800, s7  }
0x1c: {  	s7 =	sadd.s32 $0x3200, s9;
	s9 =	sadd.s32 $0x53E800, s11;
	s11 =	simm.s32 $0x5  }
0x1d: {  	[dreg:$0x10] =	wrdreg s20;
	s20 =	simm.s32 $0x700;
	s21 =	simm.s32 $0x780  }
0x1e: {  	v0 =	vimm.f32 $0.0e+00;
	v1 =	vimm.f32 $1.000000000e+00;
	[dreg:$0x4] =	wrdreg s8;
	s8 =	smax.u32 s12, $0x1;
	s12 =	simm.s32 $0x800  }
.LBB2_1:
0x1f: {  	[spmem:s10], [sflag:s5] =	dma.local [hbm:s4], $0x2780  }
0x20: {  	_ =	swait.ge [sflag:s11], $0x2780  }
0x21: {  	[sflag:s11] =	ssyncset.done $0x0  }
0x22: {  	s23 =	simm.s32 $0x40;
	s24 =	simm.s32 $0x0;
	[sflag:s11] =	ssyncadd.s32 $0xFFFFD880  }
.LBB2_2:
0x23: {  	p0 =	sne.s32 s23, $0x9DC0;
	[tilespmem:s24+$0x8800] =	vst v0;
	s24 =	smov.u32 s23;
	s23 =	sadd.s32 $0x40, s23  }
.Ltmp0:
0x24: {  	(pc) =	sbr.rel @p0 .LBB2_2-.Ltmp0, $2  }
0x25: {  	_ =	sdelay $0x2  }
0x26: {  	s24 =	sshra.s32 s24, $0x2  }
0x27: {  	[tilespmem:s24+$0x8800] =	vst v0  }
0x28: {  	s23 =	simm.s32 $0x0;
	s24 =	smov.u32 s9;
	[bflag:$0x0] =	sbarrier.arrive $0xFFFF  }
.LBB2_4:
0x29: {  	[tilespmem:s3], [sflag:$0x5] =	stream.linear.gather [hbm4b:s24+s3], $0x800, $0x38;
	[tilespmem:$0x1EB80] =	vst v63  }
0x2a: {  	_ =	swait.ge [sflag:s11], $0x800  }
0x2b: {  	s25 =	rddreg [dreg:$0x3];
	[sflag:s11] =	ssyncset.done $0x0  }
0x2c: {  	s26 =	rddreg [dreg:$0x4];
	[sflag:s11] =	ssyncadd.s32 $0xFFFFF800;
	s25 =	sadd.s32 s23, s25  }
0x2d: {  	[tilespmem:s12], [sflag:$0x1] =	stream.linear.gather [hbm4b:s25+s3], $0x4000, $0x38;
	[tilespmem:$0x1EB80] =	vst v63  }
0x2e: {  	s25 =	sadd.s32 s23, s26  }
0x2f: {  	s26 =	sadd.s32 $0x800, s25  }
0x30: {  	[tilespmem:s13], [sflag:$0x2] =	stream.linear.gather [hbm4b:s26+s3], $0x4000, $0x38;
	[tilespmem:$0x1EB80] =	vst v63  }
0x31: {  	_ =	swait.ge [sflag:s14], $0x4000  }
0x32: {  	[sflag:s14] =	ssyncset.done $0x0  }
0x33: {  	[sflag:s14] =	ssyncadd.s32 $0xFFFFC000  }
0x34: {  	[spmem:s1] =	stream.indirect.scatter.add.f32 [tilespmem:s12], [sflag:$0x3], $0x80, s3, s15, $0xb8;
	[tilespmem:$0x1EB80] =	vst v63  }
0x35: {  	v2 =	vld [tilespmem:$0x0];
	_ =	sdelay $0x7  }
0x36: {  	[tilespmem:v2+s16+$0x0] =	vst.idx.add.f32.msk $0xffff, v1  }
0x37: {  	v2 =	vld [tilespmem:$0x10];
	_ =	sdelay $0x7  }
0x38: {  	[tilespmem:v2+s16+$0x0] =	vst.idx.add.f32.msk $0xffff, v1  }
0x39: {  	v2 =	vld [tilespmem:$0x20];
	_ =	sdelay $0x7  }
0x3a: {  	[tilespmem:v2+s16+$0x0] =	vst.idx.add.f32.msk $0xffff, v1  }
0x3b: {  	v2 =	vld [tilespmem:$0x30];
	_ =	sdelay $0x7  }
0x3c: {  	[tilespmem:v2+s16+$0x0] =	vst.idx.add.f32.msk $0xffff, v1  }
0x3d: {  	v2 =	vld [tilespmem:$0x40];
	_ =	sdelay $0x7  }
0x3e: {  	[tilespmem:v2+s16+$0x0] =	vst.idx.add.f32.msk $0xffff, v1  }
0x3f: {  	v2 =	vld [tilespmem:$0x50];
	_ =	sdelay $0x7  }
0x40: {  	[tilespmem:v2+s16+$0x0] =	vst.idx.add.f32.msk $0xffff, v1  }
0x41: {  	v2 =	vld [tilespmem:$0x60];
	_ =	sdelay $0x7  }
0x42: {  	[tilespmem:v2+s16+$0x0] =	vst.idx.add.f32.msk $0xffff, v1  }
0x43: {  	v2 =	vld [tilespmem:$0x70];
	_ =	sdelay $0x7  }
0x44: {  	[tilespmem:v2+s16+$0x0] =	vst.idx.add.f32.msk $0xffff, v1  }
0x45: {  	_ =	swait.ge [sflag:s17], $0x4000  }
0x46: {  	[sflag:s17] =	ssyncset.done $0x0  }
0x47: {  	s31 =	sadd.s32 $0x1000, s25;
	[sflag:s17] =	ssyncadd.s32 $0xFFFFC000  }
0x48: {  	[tilespmem:s12], [sflag:$0x1] =	stream.linear.gather [hbm4b:s31+s3], $0x4000, $0x38;
	[tilespmem:$0x1EB80] =	vst v63  }
0x49: {  	_ =	swait.ge [sflag:s18], $0x4000  }
0x4a: {  	[sflag:s18] =	ssyncset.done $0x0  }
0x4b: {  	[sflag:s18] =	ssyncadd.s32 $0xFFFFC000  }
0x4c: {  	[spmem:s1] =	stream.indirect.scatter.add.f32 [tilespmem:s13], [sflag:$0x4], $0x80, s15, s15, $0xb8;
	[tilespmem:$0x1EB80] =	vst v63  }
0x4d: {  	v2 =	vld [tilespmem:$0x80];
	_ =	sdelay $0x7  }
0x4e: {  	[tilespmem:v2+s16+$0x0] =	vst.idx.add.f32.msk $0xffff, v1  }
0x4f: {  	v2 =	vld [tilespmem:$0x90];
	_ =	sdelay $0x7  }
0x50: {  	[tilespmem:v2+s16+$0x0] =	vst.idx.add.f32.msk $0xffff, v1  }
0x51: {  	v2 =	vld [tilespmem:$0xA0];
	_ =	sdelay $0x7  }
0x52: {  	[tilespmem:v2+s16+$0x0] =	vst.idx.add.f32.msk $0xffff, v1  }
0x53: {  	v2 =	vld [tilespmem:$0xB0];
	_ =	sdelay $0x7  }
0x54: {  	[tilespmem:v2+s16+$0x0] =	vst.idx.add.f32.msk $0xffff, v1  }
0x55: {  	v2 =	vld [tilespmem:$0xC0];
	_ =	sdelay $0x7  }
0x56: {  	[tilespmem:v2+s16+$0x0] =	vst.idx.add.f32.msk $0xffff, v1  }
0x57: {  	v2 =	vld [tilespmem:$0xD0];
	_ =	sdelay $0x7  }
0x58: {  	[tilespmem:v2+s16+$0x0] =	vst.idx.add.f32.msk $0xffff, v1  }
0x59: {  	v2 =	vld [tilespmem:$0xE0];
	_ =	sdelay $0x7  }
0x5a: {  	[tilespmem:v2+s16+$0x0] =	vst.idx.add.f32.msk $0xffff, v1  }
0x5b: {  	v2 =	vld [tilespmem:$0xF0];
	_ =	sdelay $0x7  }
0x5c: {  	[tilespmem:v2+s16+$0x0] =	vst.idx.add.f32.msk $0xffff, v1  }
0x5d: {  	_ =	swait.ge [sflag:s19], $0x4000  }
0x5e: {  	[sflag:s19] =	ssyncset.done $0x0  }
0x5f: {  	s28 =	sadd.s32 $0x1800, s25;
	[sflag:s19] =	ssyncadd.s32 $0xFFFFC000  }
0x60: {  	[tilespmem:s13], [sflag:$0x2] =	stream.linear.gather [hbm4b:s28+s3], $0x4000, $0x38;
	[tilespmem:$0x1EB80] =	vst v63  }
0x61: {  	_ =	swait.ge [sflag:s14], $0x4000  }
0x62: {  	[sflag:s14] =	ssyncset.done $0x0  }
0x63: {  	s29 =	rddreg [dreg:$0x5];
	[sflag:s14] =	ssyncadd.s32 $0xFFFFC000  }
0x64: {  	[spmem:s1] =	stream.indirect.scatter.add.f32 [tilespmem:s12], [sflag:$0x3], $0x80, s29, s15, $0xb8;
	[tilespmem:$0x1EB80] =	vst v63  }
0x65: {  	v2 =	vld [tilespmem:$0x100];
	_ =	sdelay $0x7  }
0x66: {  	[tilespmem:v2+s16+$0x0] =	vst.idx.add.f32.msk $0xffff, v1  }
0x67: {  	v2 =	vld [tilespmem:$0x110];
	_ =	sdelay $0x7  }
0x68: {  	[tilespmem:v2+s16+$0x0] =	vst.idx.add.f32.msk $0xffff, v1  }
0x69: {  	v2 =	vld [tilespmem:$0x120];
	_ =	sdelay $0x7  }
0x6a: {  	[tilespmem:v2+s16+$0x0] =	vst.idx.add.f32.msk $0xffff, v1  }
0x6b: {  	v2 =	vld [tilespmem:$0x130];
	_ =	sdelay $0x7  }
0x6c: {  	[tilespmem:v2+s16+$0x0] =	vst.idx.add.f32.msk $0xffff, v1  }
0x6d: {  	v2 =	vld [tilespmem:$0x140];
	_ =	sdelay $0x7  }
0x6e: {  	[tilespmem:v2+s16+$0x0] =	vst.idx.add.f32.msk $0xffff, v1  }
0x6f: {  	v2 =	vld [tilespmem:$0x150];
	_ =	sdelay $0x7  }
0x70: {  	[tilespmem:v2+s16+$0x0] =	vst.idx.add.f32.msk $0xffff, v1  }
0x71: {  	v2 =	vld [tilespmem:$0x160];
	_ =	sdelay $0x7  }
0x72: {  	[tilespmem:v2+s16+$0x0] =	vst.idx.add.f32.msk $0xffff, v1  }
0x73: {  	v2 =	vld [tilespmem:$0x170];
	_ =	sdelay $0x7  }
0x74: {  	[tilespmem:v2+s16+$0x0] =	vst.idx.add.f32.msk $0xffff, v1  }
0x75: {  	_ =	swait.ge [sflag:s17], $0x4000  }
0x76: {  	[sflag:s17] =	ssyncset.done $0x0  }
0x77: {  	s30 =	sadd.s32 $0x2000, s25;
	[sflag:s17] =	ssyncadd.s32 $0xFFFFC000  }
0x78: {  	[tilespmem:s12], [sflag:$0x1] =	stream.linear.gather [hbm4b:s30+s3], $0x4000, $0x38;
	[tilespmem:$0x1EB80] =	vst v63  }
0x79: {  	_ =	swait.ge [sflag:s18], $0x4000  }
0x7a: {  	[sflag:s18] =	ssyncset.done $0x0  }
0x7b: {  	s31 =	rddreg [dreg:$0x6];
	[sflag:s18] =	ssyncadd.s32 $0xFFFFC000  }
0x7c: {  	[spmem:s1] =	stream.indirect.scatter.add.f32 [tilespmem:s13], [sflag:$0x4], $0x80, s31, s15, $0xb8;
	[tilespmem:$0x1EB80] =	vst v63  }
0x7d: {  	v2 =	vld [tilespmem:$0x180];
	_ =	sdelay $0x7  }
0x7e: {  	[tilespmem:v2+s16+$0x0] =	vst.idx.add.f32.msk $0xffff, v1  }
0x7f: {  	v2 =	vld [tilespmem:$0x190];
	_ =	sdelay $0x7  }
0x80: {  	[tilespmem:v2+s16+$0x0] =	vst.idx.add.f32.msk $0xffff, v1  }
0x81: {  	v2 =	vld [tilespmem:$0x1A0];
	_ =	sdelay $0x7  }
0x82: {  	[tilespmem:v2+s16+$0x0] =	vst.idx.add.f32.msk $0xffff, v1  }
0x83: {  	v2 =	vld [tilespmem:$0x1B0];
	_ =	sdelay $0x7  }
0x84: {  	[tilespmem:v2+s16+$0x0] =	vst.idx.add.f32.msk $0xffff, v1  }
0x85: {  	v2 =	vld [tilespmem:$0x1C0];
	_ =	sdelay $0x7  }
0x86: {  	[tilespmem:v2+s16+$0x0] =	vst.idx.add.f32.msk $0xffff, v1  }
0x87: {  	v2 =	vld [tilespmem:$0x1D0];
	_ =	sdelay $0x7  }
0x88: {  	[tilespmem:v2+s16+$0x0] =	vst.idx.add.f32.msk $0xffff, v1  }
0x89: {  	v2 =	vld [tilespmem:$0x1E0];
	_ =	sdelay $0x7  }
0x8a: {  	[tilespmem:v2+s16+$0x0] =	vst.idx.add.f32.msk $0xffff, v1  }
0x8b: {  	v2 =	vld [tilespmem:$0x1F0];
	_ =	sdelay $0x7  }
0x8c: {  	[tilespmem:v2+s16+$0x0] =	vst.idx.add.f32.msk $0xffff, v1  }
0x8d: {  	_ =	swait.ge [sflag:s19], $0x4000  }
0x8e: {  	[sflag:s19] =	ssyncset.done $0x0  }
0x8f: {  	s28 =	sadd.s32 $0x2800, s25;
	[sflag:s19] =	ssyncadd.s32 $0xFFFFC000  }
0x90: {  	[tilespmem:s13], [sflag:$0x2] =	stream.linear.gather [hbm4b:s28+s3], $0x4000, $0x38;
	[tilespmem:$0x1EB80] =	vst v63  }
0x91: {  	_ =	swait.ge [sflag:s14], $0x4000  }
0x92: {  	[sflag:s14] =	ssyncset.done $0x0  }
0x93: {  	s29 =	rddreg [dreg:$0x7];
	[sflag:s14] =	ssyncadd.s32 $0xFFFFC000  }
0x94: {  	[spmem:s1] =	stream.indirect.scatter.add.f32 [tilespmem:s12], [sflag:$0x3], $0x80, s29, s15, $0xb8;
	[tilespmem:$0x1EB80] =	vst v63  }
0x95: {  	v2 =	vld [tilespmem:$0x200];
	_ =	sdelay $0x7  }
0x96: {  	[tilespmem:v2+s16+$0x0] =	vst.idx.add.f32.msk $0xffff, v1  }
0x97: {  	v2 =	vld [tilespmem:$0x210];
	_ =	sdelay $0x7  }
0x98: {  	[tilespmem:v2+s16+$0x0] =	vst.idx.add.f32.msk $0xffff, v1  }
0x99: {  	v2 =	vld [tilespmem:$0x220];
	_ =	sdelay $0x7  }
0x9a: {  	[tilespmem:v2+s16+$0x0] =	vst.idx.add.f32.msk $0xffff, v1  }
0x9b: {  	v2 =	vld [tilespmem:$0x230];
	_ =	sdelay $0x7  }
0x9c: {  	[tilespmem:v2+s16+$0x0] =	vst.idx.add.f32.msk $0xffff, v1  }
0x9d: {  	v2 =	vld [tilespmem:$0x240];
	_ =	sdelay $0x7  }
0x9e: {  	[tilespmem:v2+s16+$0x0] =	vst.idx.add.f32.msk $0xffff, v1  }
0x9f: {  	v2 =	vld [tilespmem:$0x250];
	_ =	sdelay $0x7  }
0xa0: {  	[tilespmem:v2+s16+$0x0] =	vst.idx.add.f32.msk $0xffff, v1  }
0xa1: {  	v2 =	vld [tilespmem:$0x260];
	_ =	sdelay $0x7  }
0xa2: {  	[tilespmem:v2+s16+$0x0] =	vst.idx.add.f32.msk $0xffff, v1  }
0xa3: {  	v2 =	vld [tilespmem:$0x270];
	_ =	sdelay $0x7  }
0xa4: {  	[tilespmem:v2+s16+$0x0] =	vst.idx.add.f32.msk $0xffff, v1  }
0xa5: {  	_ =	swait.ge [sflag:s17], $0x4000  }
0xa6: {  	[sflag:s17] =	ssyncset.done $0x0  }
0xa7: {  	s30 =	sadd.s32 $0x3000, s25;
	[sflag:s17] =	ssyncadd.s32 $0xFFFFC000  }
0xa8: {  	[tilespmem:s12], [sflag:$0x1] =	stream.linear.gather [hbm4b:s30+s3], $0x4000, $0x38;
	[tilespmem:$0x1EB80] =	vst v63  }
0xa9: {  	_ =	swait.ge [sflag:s18], $0x4000  }
0xaa: {  	[sflag:s18] =	ssyncset.done $0x0  }
0xab: {  	s31 =	rddreg [dreg:$0x8];
	[sflag:s18] =	ssyncadd.s32 $0xFFFFC000  }
0xac: {  	[spmem:s1] =	stream.indirect.scatter.add.f32 [tilespmem:s13], [sflag:$0x4], $0x80, s31, s15, $0xb8;
	[tilespmem:$0x1EB80] =	vst v63  }
0xad: {  	v2 =	vld [tilespmem:$0x280];
	_ =	sdelay $0x7  }
0xae: {  	[tilespmem:v2+s16+$0x0] =	vst.idx.add.f32.msk $0xffff, v1  }
0xaf: {  	v2 =	vld [tilespmem:$0x290];
	_ =	sdelay $0x7  }
0xb0: {  	[tilespmem:v2+s16+$0x0] =	vst.idx.add.f32.msk $0xffff, v1  }
0xb1: {  	v2 =	vld [tilespmem:$0x2A0];
	_ =	sdelay $0x7  }
0xb2: {  	[tilespmem:v2+s16+$0x0] =	vst.idx.add.f32.msk $0xffff, v1  }
0xb3: {  	v2 =	vld [tilespmem:$0x2B0];
	_ =	sdelay $0x7  }
0xb4: {  	[tilespmem:v2+s16+$0x0] =	vst.idx.add.f32.msk $0xffff, v1  }
0xb5: {  	v2 =	vld [tilespmem:$0x2C0];
	_ =	sdelay $0x7  }
0xb6: {  	[tilespmem:v2+s16+$0x0] =	vst.idx.add.f32.msk $0xffff, v1  }
0xb7: {  	v2 =	vld [tilespmem:$0x2D0];
	_ =	sdelay $0x7  }
0xb8: {  	[tilespmem:v2+s16+$0x0] =	vst.idx.add.f32.msk $0xffff, v1  }
0xb9: {  	v2 =	vld [tilespmem:$0x2E0];
	_ =	sdelay $0x7  }
0xba: {  	[tilespmem:v2+s16+$0x0] =	vst.idx.add.f32.msk $0xffff, v1  }
0xbb: {  	v2 =	vld [tilespmem:$0x2F0];
	_ =	sdelay $0x7  }
0xbc: {  	[tilespmem:v2+s16+$0x0] =	vst.idx.add.f32.msk $0xffff, v1  }
0xbd: {  	_ =	swait.ge [sflag:s19], $0x4000  }
0xbe: {  	[sflag:s19] =	ssyncset.done $0x0  }
0xbf: {  	s28 =	sadd.s32 $0x3800, s25;
	[sflag:s19] =	ssyncadd.s32 $0xFFFFC000  }
0xc0: {  	[tilespmem:s13], [sflag:$0x2] =	stream.linear.gather [hbm4b:s28+s3], $0x4000, $0x38;
	[tilespmem:$0x1EB80] =	vst v63  }
0xc1: {  	_ =	swait.ge [sflag:s14], $0x4000  }
0xc2: {  	[sflag:s14] =	ssyncset.done $0x0  }
0xc3: {  	s29 =	rddreg [dreg:$0x9];
	[sflag:s14] =	ssyncadd.s32 $0xFFFFC000  }
0xc4: {  	[spmem:s1] =	stream.indirect.scatter.add.f32 [tilespmem:s12], [sflag:$0x3], $0x80, s29, s15, $0xb8;
	[tilespmem:$0x1EB80] =	vst v63  }
0xc5: {  	v2 =	vld [tilespmem:$0x300];
	_ =	sdelay $0x7  }
0xc6: {  	[tilespmem:v2+s16+$0x0] =	vst.idx.add.f32.msk $0xffff, v1  }
0xc7: {  	v2 =	vld [tilespmem:$0x310];
	_ =	sdelay $0x7  }
0xc8: {  	[tilespmem:v2+s16+$0x0] =	vst.idx.add.f32.msk $0xffff, v1  }
0xc9: {  	v2 =	vld [tilespmem:$0x320];
	_ =	sdelay $0x7  }
0xca: {  	[tilespmem:v2+s16+$0x0] =	vst.idx.add.f32.msk $0xffff, v1  }
0xcb: {  	v2 =	vld [tilespmem:$0x330];
	_ =	sdelay $0x7  }
0xcc: {  	[tilespmem:v2+s16+$0x0] =	vst.idx.add.f32.msk $0xffff, v1  }
0xcd: {  	v2 =	vld [tilespmem:$0x340];
	_ =	sdelay $0x7  }
0xce: {  	[tilespmem:v2+s16+$0x0] =	vst.idx.add.f32.msk $0xffff, v1  }
0xcf: {  	v2 =	vld [tilespmem:$0x350];
	_ =	sdelay $0x7  }
0xd0: {  	[tilespmem:v2+s16+$0x0] =	vst.idx.add.f32.msk $0xffff, v1  }
0xd1: {  	v2 =	vld [tilespmem:$0x360];
	_ =	sdelay $0x7  }
0xd2: {  	[tilespmem:v2+s16+$0x0] =	vst.idx.add.f32.msk $0xffff, v1  }
0xd3: {  	v2 =	vld [tilespmem:$0x370];
	_ =	sdelay $0x7  }
0xd4: {  	[tilespmem:v2+s16+$0x0] =	vst.idx.add.f32.msk $0xffff, v1  }
0xd5: {  	_ =	swait.ge [sflag:s17], $0x4000  }
0xd6: {  	[sflag:s17] =	ssyncset.done $0x0  }
0xd7: {  	s30 =	sadd.s32 $0x4000, s25;
	[sflag:s17] =	ssyncadd.s32 $0xFFFFC000  }
0xd8: {  	[tilespmem:s12], [sflag:$0x1] =	stream.linear.gather [hbm4b:s30+s3], $0x4000, $0x38;
	[tilespmem:$0x1EB80] =	vst v63  }
0xd9: {  	_ =	swait.ge [sflag:s18], $0x4000  }
0xda: {  	[sflag:s18] =	ssyncset.done $0x0  }
0xdb: {  	s31 =	rddreg [dreg:$0xa];
	[sflag:s18] =	ssyncadd.s32 $0xFFFFC000  }
0xdc: {  	[spmem:s1] =	stream.indirect.scatter.add.f32 [tilespmem:s13], [sflag:$0x4], $0x80, s31, s15, $0xb8;
	[tilespmem:$0x1EB80] =	vst v63  }
0xdd: {  	v2 =	vld [tilespmem:$0x380];
	_ =	sdelay $0x7  }
0xde: {  	[tilespmem:v2+s16+$0x0] =	vst.idx.add.f32.msk $0xffff, v1  }
0xdf: {  	v2 =	vld [tilespmem:$0x390];
	_ =	sdelay $0x7  }
0xe0: {  	[tilespmem:v2+s16+$0x0] =	vst.idx.add.f32.msk $0xffff, v1  }
0xe1: {  	v2 =	vld [tilespmem:$0x3A0];
	_ =	sdelay $0x7  }
0xe2: {  	[tilespmem:v2+s16+$0x0] =	vst.idx.add.f32.msk $0xffff, v1  }
0xe3: {  	v2 =	vld [tilespmem:$0x3B0];
	_ =	sdelay $0x7  }
0xe4: {  	[tilespmem:v2+s16+$0x0] =	vst.idx.add.f32.msk $0xffff, v1  }
0xe5: {  	v2 =	vld [tilespmem:$0x3C0];
	_ =	sdelay $0x7  }
0xe6: {  	[tilespmem:v2+s16+$0x0] =	vst.idx.add.f32.msk $0xffff, v1  }
0xe7: {  	v2 =	vld [tilespmem:$0x3D0];
	_ =	sdelay $0x7  }
0xe8: {  	[tilespmem:v2+s16+$0x0] =	vst.idx.add.f32.msk $0xffff, v1  }
0xe9: {  	v2 =	vld [tilespmem:$0x3E0];
	_ =	sdelay $0x7  }
0xea: {  	[tilespmem:v2+s16+$0x0] =	vst.idx.add.f32.msk $0xffff, v1  }
0xeb: {  	v2 =	vld [tilespmem:$0x3F0];
	_ =	sdelay $0x7  }
0xec: {  	[tilespmem:v2+s16+$0x0] =	vst.idx.add.f32.msk $0xffff, v1  }
0xed: {  	_ =	swait.ge [sflag:s19], $0x4000  }
0xee: {  	[sflag:s19] =	ssyncset.done $0x0  }
0xef: {  	s28 =	sadd.s32 $0x4800, s25;
	[sflag:s19] =	ssyncadd.s32 $0xFFFFC000  }
0xf0: {  	[tilespmem:s13], [sflag:$0x2] =	stream.linear.gather [hbm4b:s28+s3], $0x4000, $0x38;
	[tilespmem:$0x1EB80] =	vst v63  }
0xf1: {  	_ =	swait.ge [sflag:s14], $0x4000  }
0xf2: {  	[sflag:s14] =	ssyncset.done $0x0  }
0xf3: {  	s29 =	rddreg [dreg:$0xb];
	[sflag:s14] =	ssyncadd.s32 $0xFFFFC000  }
0xf4: {  	[spmem:s1] =	stream.indirect.scatter.add.f32 [tilespmem:s12], [sflag:$0x3], $0x80, s29, s15, $0xb8;
	[tilespmem:$0x1EB80] =	vst v63  }
0xf5: {  	v2 =	vld [tilespmem:$0x400];
	_ =	sdelay $0x7  }
0xf6: {  	[tilespmem:v2+s16+$0x0] =	vst.idx.add.f32.msk $0xffff, v1  }
0xf7: {  	v2 =	vld [tilespmem:$0x410];
	_ =	sdelay $0x7  }
0xf8: {  	[tilespmem:v2+s16+$0x0] =	vst.idx.add.f32.msk $0xffff, v1  }
0xf9: {  	v2 =	vld [tilespmem:$0x420];
	_ =	sdelay $0x7  }
0xfa: {  	[tilespmem:v2+s16+$0x0] =	vst.idx.add.f32.msk $0xffff, v1  }
0xfb: {  	v2 =	vld [tilespmem:$0x430];
	_ =	sdelay $0x7  }
0xfc: {  	[tilespmem:v2+s16+$0x0] =	vst.idx.add.f32.msk $0xffff, v1  }
0xfd: {  	v2 =	vld [tilespmem:$0x440];
	_ =	sdelay $0x7  }
0xfe: {  	[tilespmem:v2+s16+$0x0] =	vst.idx.add.f32.msk $0xffff, v1  }
0xff: {  	v2 =	vld [tilespmem:$0x450];
	_ =	sdelay $0x7  }
0x100: {  	[tilespmem:v2+s16+$0x0] =	vst.idx.add.f32.msk $0xffff, v1  }
0x101: {  	v2 =	vld [tilespmem:$0x460];
	_ =	sdelay $0x7  }
0x102: {  	[tilespmem:v2+s16+$0x0] =	vst.idx.add.f32.msk $0xffff, v1  }
0x103: {  	v2 =	vld [tilespmem:$0x470];
	_ =	sdelay $0x7  }
0x104: {  	[tilespmem:v2+s16+$0x0] =	vst.idx.add.f32.msk $0xffff, v1  }
0x105: {  	_ =	swait.ge [sflag:s17], $0x4000  }
0x106: {  	[sflag:s17] =	ssyncset.done $0x0  }
0x107: {  	s30 =	sadd.s32 $0x5000, s25;
	[sflag:s17] =	ssyncadd.s32 $0xFFFFC000  }
0x108: {  	[tilespmem:s12], [sflag:$0x1] =	stream.linear.gather [hbm4b:s30+s3], $0x4000, $0x38;
	[tilespmem:$0x1EB80] =	vst v63  }
0x109: {  	_ =	swait.ge [sflag:s18], $0x4000  }
0x10a: {  	[sflag:s18] =	ssyncset.done $0x0  }
0x10b: {  	s31 =	rddreg [dreg:$0xc];
	[sflag:s18] =	ssyncadd.s32 $0xFFFFC000  }
0x10c: {  	[spmem:s1] =	stream.indirect.scatter.add.f32 [tilespmem:s13], [sflag:$0x4], $0x80, s31, s15, $0xb8;
	[tilespmem:$0x1EB80] =	vst v63  }
0x10d: {  	v2 =	vld [tilespmem:$0x480];
	_ =	sdelay $0x7  }
0x10e: {  	[tilespmem:v2+s16+$0x0] =	vst.idx.add.f32.msk $0xffff, v1  }
0x10f: {  	v2 =	vld [tilespmem:$0x490];
	_ =	sdelay $0x7  }
0x110: {  	[tilespmem:v2+s16+$0x0] =	vst.idx.add.f32.msk $0xffff, v1  }
0x111: {  	v2 =	vld [tilespmem:$0x4A0];
	_ =	sdelay $0x7  }
0x112: {  	[tilespmem:v2+s16+$0x0] =	vst.idx.add.f32.msk $0xffff, v1  }
0x113: {  	v2 =	vld [tilespmem:$0x4B0];
	_ =	sdelay $0x7  }
0x114: {  	[tilespmem:v2+s16+$0x0] =	vst.idx.add.f32.msk $0xffff, v1  }
0x115: {  	v2 =	vld [tilespmem:$0x4C0];
	_ =	sdelay $0x7  }
0x116: {  	[tilespmem:v2+s16+$0x0] =	vst.idx.add.f32.msk $0xffff, v1  }
0x117: {  	v2 =	vld [tilespmem:$0x4D0];
	_ =	sdelay $0x7  }
0x118: {  	[tilespmem:v2+s16+$0x0] =	vst.idx.add.f32.msk $0xffff, v1  }
0x119: {  	v2 =	vld [tilespmem:$0x4E0];
	_ =	sdelay $0x7  }
0x11a: {  	[tilespmem:v2+s16+$0x0] =	vst.idx.add.f32.msk $0xffff, v1  }
0x11b: {  	v2 =	vld [tilespmem:$0x4F0];
	_ =	sdelay $0x7  }
0x11c: {  	[tilespmem:v2+s16+$0x0] =	vst.idx.add.f32.msk $0xffff, v1  }
0x11d: {  	_ =	swait.ge [sflag:s19], $0x4000  }
0x11e: {  	[sflag:s19] =	ssyncset.done $0x0  }
0x11f: {  	s28 =	sadd.s32 $0x5800, s25;
	[sflag:s19] =	ssyncadd.s32 $0xFFFFC000  }
0x120: {  	[tilespmem:s13], [sflag:$0x2] =	stream.linear.gather [hbm4b:s28+s3], $0x4000, $0x38;
	[tilespmem:$0x1EB80] =	vst v63  }
0x121: {  	_ =	swait.ge [sflag:s14], $0x4000  }
0x122: {  	[sflag:s14] =	ssyncset.done $0x0  }
0x123: {  	s29 =	rddreg [dreg:$0xd];
	[sflag:s14] =	ssyncadd.s32 $0xFFFFC000  }
0x124: {  	[spmem:s1] =	stream.indirect.scatter.add.f32 [tilespmem:s12], [sflag:$0x3], $0x80, s29, s15, $0xb8;
	[tilespmem:$0x1EB80] =	vst v63  }
0x125: {  	v2 =	vld [tilespmem:$0x500];
	_ =	sdelay $0x7  }
0x126: {  	[tilespmem:v2+s16+$0x0] =	vst.idx.add.f32.msk $0xffff, v1  }
0x127: {  	v2 =	vld [tilespmem:$0x510];
	_ =	sdelay $0x7  }
0x128: {  	[tilespmem:v2+s16+$0x0] =	vst.idx.add.f32.msk $0xffff, v1  }
0x129: {  	v2 =	vld [tilespmem:$0x520];
	_ =	sdelay $0x7  }
0x12a: {  	[tilespmem:v2+s16+$0x0] =	vst.idx.add.f32.msk $0xffff, v1  }
0x12b: {  	v2 =	vld [tilespmem:$0x530];
	_ =	sdelay $0x7  }
0x12c: {  	[tilespmem:v2+s16+$0x0] =	vst.idx.add.f32.msk $0xffff, v1  }
0x12d: {  	v2 =	vld [tilespmem:$0x540];
	_ =	sdelay $0x7  }
0x12e: {  	[tilespmem:v2+s16+$0x0] =	vst.idx.add.f32.msk $0xffff, v1  }
0x12f: {  	v2 =	vld [tilespmem:$0x550];
	_ =	sdelay $0x7  }
0x130: {  	[tilespmem:v2+s16+$0x0] =	vst.idx.add.f32.msk $0xffff, v1  }
0x131: {  	v2 =	vld [tilespmem:$0x560];
	_ =	sdelay $0x7  }
0x132: {  	[tilespmem:v2+s16+$0x0] =	vst.idx.add.f32.msk $0xffff, v1  }
0x133: {  	v2 =	vld [tilespmem:$0x570];
	_ =	sdelay $0x7  }
0x134: {  	[tilespmem:v2+s16+$0x0] =	vst.idx.add.f32.msk $0xffff, v1  }
0x135: {  	_ =	swait.ge [sflag:s17], $0x4000  }
0x136: {  	[sflag:s17] =	ssyncset.done $0x0  }
0x137: {  	s30 =	sadd.s32 $0x6000, s25;
	[sflag:s17] =	ssyncadd.s32 $0xFFFFC000  }
0x138: {  	[tilespmem:s12], [sflag:$0x1] =	stream.linear.gather [hbm4b:s30+s3], $0x4000, $0x38;
	[tilespmem:$0x1EB80] =	vst v63  }
0x139: {  	_ =	swait.ge [sflag:s18], $0x4000  }
0x13a: {  	[sflag:s18] =	ssyncset.done $0x0  }
0x13b: {  	s31 =	rddreg [dreg:$0xe];
	[sflag:s18] =	ssyncadd.s32 $0xFFFFC000  }
0x13c: {  	[spmem:s1] =	stream.indirect.scatter.add.f32 [tilespmem:s13], [sflag:$0x4], $0x80, s31, s15, $0xb8;
	[tilespmem:$0x1EB80] =	vst v63  }
0x13d: {  	v2 =	vld [tilespmem:$0x580];
	_ =	sdelay $0x7  }
0x13e: {  	[tilespmem:v2+s16+$0x0] =	vst.idx.add.f32.msk $0xffff, v1  }
0x13f: {  	v2 =	vld [tilespmem:$0x590];
	_ =	sdelay $0x7  }
0x140: {  	[tilespmem:v2+s16+$0x0] =	vst.idx.add.f32.msk $0xffff, v1  }
0x141: {  	v2 =	vld [tilespmem:$0x5A0];
	_ =	sdelay $0x7  }
0x142: {  	[tilespmem:v2+s16+$0x0] =	vst.idx.add.f32.msk $0xffff, v1  }
0x143: {  	v2 =	vld [tilespmem:$0x5B0];
	_ =	sdelay $0x7  }
0x144: {  	[tilespmem:v2+s16+$0x0] =	vst.idx.add.f32.msk $0xffff, v1  }
0x145: {  	v2 =	vld [tilespmem:$0x5C0];
	_ =	sdelay $0x7  }
0x146: {  	[tilespmem:v2+s16+$0x0] =	vst.idx.add.f32.msk $0xffff, v1  }
0x147: {  	v2 =	vld [tilespmem:$0x5D0];
	_ =	sdelay $0x7  }
0x148: {  	[tilespmem:v2+s16+$0x0] =	vst.idx.add.f32.msk $0xffff, v1  }
0x149: {  	v2 =	vld [tilespmem:$0x5E0];
	_ =	sdelay $0x7  }
0x14a: {  	[tilespmem:v2+s16+$0x0] =	vst.idx.add.f32.msk $0xffff, v1  }
0x14b: {  	v2 =	vld [tilespmem:$0x5F0];
	_ =	sdelay $0x7  }
0x14c: {  	[tilespmem:v2+s16+$0x0] =	vst.idx.add.f32.msk $0xffff, v1  }
0x14d: {  	_ =	swait.ge [sflag:s19], $0x4000  }
0x14e: {  	[sflag:s19] =	ssyncset.done $0x0  }
0x14f: {  	s28 =	sadd.s32 $0x6800, s25;
	[sflag:s19] =	ssyncadd.s32 $0xFFFFC000  }
0x150: {  	[tilespmem:s13], [sflag:$0x2] =	stream.linear.gather [hbm4b:s28+s3], $0x4000, $0x38;
	[tilespmem:$0x1EB80] =	vst v63  }
0x151: {  	_ =	swait.ge [sflag:s14], $0x4000  }
0x152: {  	[sflag:s14] =	ssyncset.done $0x0  }
0x153: {  	s29 =	rddreg [dreg:$0xf];
	[sflag:s14] =	ssyncadd.s32 $0xFFFFC000  }
0x154: {  	[spmem:s1] =	stream.indirect.scatter.add.f32 [tilespmem:s12], [sflag:$0x3], $0x80, s29, s15, $0xb8;
	[tilespmem:$0x1EB80] =	vst v63  }
0x155: {  	v2 =	vld [tilespmem:$0x600];
	_ =	sdelay $0x7  }
0x156: {  	[tilespmem:v2+s16+$0x0] =	vst.idx.add.f32.msk $0xffff, v1  }
0x157: {  	v2 =	vld [tilespmem:$0x610];
	_ =	sdelay $0x7  }
0x158: {  	[tilespmem:v2+s16+$0x0] =	vst.idx.add.f32.msk $0xffff, v1  }
0x159: {  	v2 =	vld [tilespmem:$0x620];
	_ =	sdelay $0x7  }
0x15a: {  	[tilespmem:v2+s16+$0x0] =	vst.idx.add.f32.msk $0xffff, v1  }
0x15b: {  	v2 =	vld [tilespmem:$0x630];
	_ =	sdelay $0x7  }
0x15c: {  	[tilespmem:v2+s16+$0x0] =	vst.idx.add.f32.msk $0xffff, v1  }
0x15d: {  	v2 =	vld [tilespmem:$0x640];
	_ =	sdelay $0x7  }
0x15e: {  	[tilespmem:v2+s16+$0x0] =	vst.idx.add.f32.msk $0xffff, v1  }
0x15f: {  	v2 =	vld [tilespmem:$0x650];
	_ =	sdelay $0x7  }
0x160: {  	[tilespmem:v2+s16+$0x0] =	vst.idx.add.f32.msk $0xffff, v1  }
0x161: {  	v2 =	vld [tilespmem:$0x660];
	_ =	sdelay $0x7  }
0x162: {  	[tilespmem:v2+s16+$0x0] =	vst.idx.add.f32.msk $0xffff, v1  }
0x163: {  	v2 =	vld [tilespmem:$0x670];
	_ =	sdelay $0x7  }
0x164: {  	[tilespmem:v2+s16+$0x0] =	vst.idx.add.f32.msk $0xffff, v1  }
0x165: {  	_ =	swait.ge [sflag:s17], $0x4000  }
0x166: {  	[sflag:s17] =	ssyncset.done $0x0  }
0x167: {  	s30 =	sadd.s32 $0x7000, s25;
	[sflag:s17] =	ssyncadd.s32 $0xFFFFC000  }
0x168: {  	[tilespmem:s12], [sflag:$0x1] =	stream.linear.gather [hbm4b:s30+s3], $0x4000, $0x38;
	[tilespmem:$0x1EB80] =	vst v63  }
0x169: {  	_ =	swait.ge [sflag:s18], $0x4000  }
0x16a: {  	[sflag:s18] =	ssyncset.done $0x0  }
0x16b: {  	s31 =	rddreg [dreg:$0x10];
	[sflag:s18] =	ssyncadd.s32 $0xFFFFC000  }
0x16c: {  	[spmem:s1] =	stream.indirect.scatter.add.f32 [tilespmem:s13], [sflag:$0x4], $0x80, s31, s15, $0xb8;
	[tilespmem:$0x1EB80] =	vst v63  }
0x16d: {  	v2 =	vld [tilespmem:$0x680];
	_ =	sdelay $0x7  }
0x16e: {  	[tilespmem:v2+s16+$0x0] =	vst.idx.add.f32.msk $0xffff, v1  }
0x16f: {  	v2 =	vld [tilespmem:$0x690];
	_ =	sdelay $0x7  }
0x170: {  	[tilespmem:v2+s16+$0x0] =	vst.idx.add.f32.msk $0xffff, v1  }
0x171: {  	v2 =	vld [tilespmem:$0x6A0];
	_ =	sdelay $0x7  }
0x172: {  	[tilespmem:v2+s16+$0x0] =	vst.idx.add.f32.msk $0xffff, v1  }
0x173: {  	v2 =	vld [tilespmem:$0x6B0];
	_ =	sdelay $0x7  }
0x174: {  	[tilespmem:v2+s16+$0x0] =	vst.idx.add.f32.msk $0xffff, v1  }
0x175: {  	v2 =	vld [tilespmem:$0x6C0];
	_ =	sdelay $0x7  }
0x176: {  	[tilespmem:v2+s16+$0x0] =	vst.idx.add.f32.msk $0xffff, v1  }
0x177: {  	v2 =	vld [tilespmem:$0x6D0];
	_ =	sdelay $0x7  }
0x178: {  	[tilespmem:v2+s16+$0x0] =	vst.idx.add.f32.msk $0xffff, v1  }
0x179: {  	v2 =	vld [tilespmem:$0x6E0];
	_ =	sdelay $0x7  }
0x17a: {  	[tilespmem:v2+s16+$0x0] =	vst.idx.add.f32.msk $0xffff, v1  }
0x17b: {  	v2 =	vld [tilespmem:$0x6F0];
	_ =	sdelay $0x7  }
0x17c: {  	[tilespmem:v2+s16+$0x0] =	vst.idx.add.f32.msk $0xffff, v1  }
0x17d: {  	_ =	swait.ge [sflag:s19], $0x4000  }
0x17e: {  	[sflag:s19] =	ssyncset.done $0x0  }
0x17f: {  	s25 =	sadd.s32 $0x7800, s25;
	[sflag:s19] =	ssyncadd.s32 $0xFFFFC000  }
0x180: {  	[tilespmem:s13], [sflag:$0x2] =	stream.linear.gather [hbm4b:s25+s3], $0x4000, $0x38;
	[tilespmem:$0x1EB80] =	vst v63  }
0x181: {  	_ =	swait.ge [sflag:s14], $0x4000  }
0x182: {  	[sflag:s14] =	ssyncset.done $0x0  }
0x183: {  	[sflag:s14] =	ssyncadd.s32 $0xFFFFC000  }
0x184: {  	[spmem:s1] =	stream.indirect.scatter.add.f32 [tilespmem:s12], [sflag:$0x3], $0x80, s20, s15, $0xb8;
	[tilespmem:$0x1EB80] =	vst v63  }
0x185: {  	v2 =	vld [tilespmem:$0x700];
	_ =	sdelay $0x7  }
0x186: {  	[tilespmem:v2+s16+$0x0] =	vst.idx.add.f32.msk $0xffff, v1  }
0x187: {  	v2 =	vld [tilespmem:$0x710];
	_ =	sdelay $0x7  }
0x188: {  	[tilespmem:v2+s16+$0x0] =	vst.idx.add.f32.msk $0xffff, v1  }
0x189: {  	v2 =	vld [tilespmem:$0x720];
	_ =	sdelay $0x7  }
0x18a: {  	[tilespmem:v2+s16+$0x0] =	vst.idx.add.f32.msk $0xffff, v1  }
0x18b: {  	v2 =	vld [tilespmem:$0x730];
	_ =	sdelay $0x7  }
0x18c: {  	[tilespmem:v2+s16+$0x0] =	vst.idx.add.f32.msk $0xffff, v1  }
0x18d: {  	v2 =	vld [tilespmem:$0x740];
	_ =	sdelay $0x7  }
0x18e: {  	[tilespmem:v2+s16+$0x0] =	vst.idx.add.f32.msk $0xffff, v1  }
0x18f: {  	v2 =	vld [tilespmem:$0x750];
	_ =	sdelay $0x7  }
0x190: {  	[tilespmem:v2+s16+$0x0] =	vst.idx.add.f32.msk $0xffff, v1  }
0x191: {  	v2 =	vld [tilespmem:$0x760];
	_ =	sdelay $0x7  }
0x192: {  	[tilespmem:v2+s16+$0x0] =	vst.idx.add.f32.msk $0xffff, v1  }
0x193: {  	v2 =	vld [tilespmem:$0x770];
	_ =	sdelay $0x7  }
0x194: {  	[tilespmem:v2+s16+$0x0] =	vst.idx.add.f32.msk $0xffff, v1  }
0x195: {  	_ =	swait.ge [sflag:s17], $0x4000  }
0x196: {  	[sflag:s17] =	ssyncset.done $0x0  }
0x197: {  	[sflag:s17] =	ssyncadd.s32 $0xFFFFC000  }
0x198: {  	_ =	swait.ge [sflag:s18], $0x4000  }
0x199: {  	[sflag:s18] =	ssyncset.done $0x0  }
0x19a: {  	[sflag:s18] =	ssyncadd.s32 $0xFFFFC000  }
0x19b: {  	[spmem:s1] =	stream.indirect.scatter.add.f32 [tilespmem:s13], [sflag:$0x4], $0x80, s21, s15, $0xb8;
	[tilespmem:$0x1EB80] =	vst v63  }
0x19c: {  	v2 =	vld [tilespmem:$0x780];
	_ =	sdelay $0x7  }
0x19d: {  	[tilespmem:v2+s16+$0x0] =	vst.idx.add.f32.msk $0xffff, v1  }
0x19e: {  	v2 =	vld [tilespmem:$0x790];
	_ =	sdelay $0x7  }
0x19f: {  	[tilespmem:v2+s16+$0x0] =	vst.idx.add.f32.msk $0xffff, v1  }
0x1a0: {  	v2 =	vld [tilespmem:$0x7A0];
	_ =	sdelay $0x7  }
0x1a1: {  	[tilespmem:v2+s16+$0x0] =	vst.idx.add.f32.msk $0xffff, v1  }
0x1a2: {  	v2 =	vld [tilespmem:$0x7B0];
	_ =	sdelay $0x7  }
0x1a3: {  	[tilespmem:v2+s16+$0x0] =	vst.idx.add.f32.msk $0xffff, v1  }
0x1a4: {  	v2 =	vld [tilespmem:$0x7C0];
	_ =	sdelay $0x7  }
0x1a5: {  	[tilespmem:v2+s16+$0x0] =	vst.idx.add.f32.msk $0xffff, v1  }
0x1a6: {  	v2 =	vld [tilespmem:$0x7D0];
	_ =	sdelay $0x7  }
0x1a7: {  	[tilespmem:v2+s16+$0x0] =	vst.idx.add.f32.msk $0xffff, v1  }
0x1a8: {  	v2 =	vld [tilespmem:$0x7E0];
	_ =	sdelay $0x7  }
0x1a9: {  	[tilespmem:v2+s16+$0x0] =	vst.idx.add.f32.msk $0xffff, v1  }
0x1aa: {  	v2 =	vld [tilespmem:$0x7F0];
	_ =	sdelay $0x5  }
0x1ab: {  	p0 =	sne.s32 s23, $0x20000  }
.Ltmp1:
0x1ac: {  	_ = 	snop;
	(pc) =	sbr.rel @p0 .LBB2_4-.Ltmp1, $4  }
0x1ad: {  	[tilespmem:v2+s16+$0x0] =	vst.idx.add.f32.msk $0xffff, v1  }
0x1ae: {  	_ =	swait.ge [sflag:s19], $0x4000  }
0x1af: {  	[sflag:s19] =	ssyncset.done $0x0  }
0x1b0: {  	s24 =	sadd.s32 $0x100, s24;
	s23 =	sadd.s32 $0x8000, s23;
	[sflag:s19] =	ssyncadd.s32 $0xFFFFC000  }
0x1b1: {  	[bflag:$0x0] =	sbarrier.arrive $0xFFFF  }
0x1b2: {  	[hbm:s6], [sflag:s5] =	dma.local [spmem:s10], $0x2780  }
0x1b3: {  	s22 =	sadd.s32 $0x1, s22;
	_ =	swait.ge [sflag:s11], $0x2780  }
0x1b4: {  	p0 =	sne.s32 s22, s8;
	[sflag:s11] =	ssyncset.done $0x0  }
.Ltmp2:
0x1b5: {  	[sflag:s11] =	ssyncadd.s32 $0xFFFFD880;
	(pc) =	sbr.rel @p0 .LBB2_1-.Ltmp2, $4  }
0x1b6: {  	[hbm4b:s7+s3] =	stream.linear.scatter [tilespmem:s16], [sflag:$0x5], $0x2780, $0x38;
	[tilespmem:$0x1EB80] =	vst v63  }
0x1b7: {  	_ =	swait.ge [sflag:s11], $0x2780  }
0x1b8: {  	[sflag:s11] =	ssyncset.done $0x0  }
0x1b9: {  	[sflag:s11] =	ssyncadd.s32 $0xFFFFD880  }
0x1ba: {  	_ =	sfence.sel $0x180000  }
0x1bb: {  	[bflag:$0x0] =	sbarrier.arrive $0xFFFF  }
0x1bc: {  	p0 =	sne.s32 s2, $0x0;
	_ =	strace $0x90000050  }
0x1bd: {  	s0 =	sadd.s32 @!p0 $0x100000, s0;
	[bflag:$0x2] =	sbarrier.arrive $0xFFFF  }
0x1be: {  	[sflag:s0] =	ssyncadd.tile.s32 @!p0 $0x1;
	_ =	shalt  }
.Lfunc_end2:
_tile_overlayer_lowered:
.L_overlay_start_2:
0x1bf: {  	(tag) =	ssettag $0x2  }
0x1c0: {  	s0 =	rddreg [dreg:$0x0];
	s2 =	stileid.u32  }
0x1c1: {  	s1 =	rddreg [dreg:$0x1];
	p0 =	sne.s32 s2, $0x0  }
0x1c2: {  	s3 =	rddreg [dreg:$0x2];
	[bflag:$0x3] =	sbarrier.arrive $0xFFFF;
	s2 =	simm.s32 @!p0 $0x1C05  }
0x1c3: {  	[timem:s3], [sflag:s2] =	dma.local @!p0 [hbm:s0], s1  }
0x1c4: {  	s0 =	simm.s32 @!p0 $0x5  }
0x1c5: {  	_ =	swait.ge @!p0 [sflag:s0], s1  }
0x1c6: {  	s1 =	ssub.s32 @!p0 $0x0, s1;
	[sflag:s0] =	ssyncset.done @!p0 $0x0  }
0x1c7: {  	[sflag:s0] =	ssyncadd.s32 @!p0 s1  }
0x1c8: {  	[bflag:$0x3] =	sbarrier.arrive $0xFFFF  }
0x1c9: {  	_ =	shalt  }

</sc_bundles>
